<compile_context>
chip_gen: v7x
topology: tpu7x:2x2x1
jax: 0.10.2.dev20260603
libtpu: 0.0.44.dev20260713+nightly
codegen_flags: <defaults>
</compile_context>

<pallas_src>
import functools
import jax
import jax.numpy as jnp
from jax import lax
from jax.experimental import pallas as pl
from jax.experimental.pallas import tpu as pltpu
from jax.experimental.pallas import tpu_sc as plsc

NC = 2
NS = 16
L = 16


def _tc1_body(x_ref, w1p_ref, asm_ref, adm_ref, s1_ref, d1_ref):
    h = jnp.dot(x_ref[...], w1p_ref[...], preferred_element_type=jnp.float32)
    a_s = jnp.dot(h, asm_ref[...], preferred_element_type=jnp.float32)
    a_d = jnp.dot(h, adm_ref[...], preferred_element_type=jnp.float32)
    s1_ref[...] = jnp.concatenate([h, a_s, a_d], axis=1)
    d1_ref[...] = jnp.concatenate([a_d, jnp.zeros_like(a_d)], axis=1)


def _tc1(x, w1p, asm, adm, blk, grid):
    n = x.shape[0]
    f_in = x.shape[1]
    return pl.pallas_call(
        _tc1_body,
        grid=(grid,),
        in_specs=[
            pl.BlockSpec((blk, f_in), lambda i: (i, 0)),
            pl.BlockSpec((f_in, 64), lambda i: (0, 0)),
            pl.BlockSpec((64, 8), lambda i: (0, 0)),
            pl.BlockSpec((64, 8), lambda i: (0, 0)),
        ],
        out_specs=[
            pl.BlockSpec((blk, 80), lambda i: (i, 0)),
            pl.BlockSpec((blk, 16), lambda i: (i, 0)),
        ],
        out_shape=[
            jax.ShapeDtypeStruct((n, 80), jnp.float32),
            jax.ShapeDtypeStruct((n, 16), jnp.float32),
        ],
    )(x, w1p, asm, adm)



def _tc2_body(acc_ref, w2p_ref, b1p_ref, tile_ref, as2_ref, ad2_ref, s2_ref):
    a = acc_ref[0] + acc_ref[1]
    denom = a[:, 0:8]
    num = a[:, 16:80]
    dt = jnp.dot(denom, tile_ref[...], preferred_element_type=jnp.float32)
    out1 = jnp.maximum(num / (dt + 1e-16) + b1p_ref[...], 0.0)
    h2 = jnp.dot(out1, w2p_ref[...], preferred_element_type=jnp.float32)
    s2_ref[...] = jnp.concatenate(
        [h2, h2 * as2_ref[...], h2 * ad2_ref[...]], axis=1)


def _tc2(acc1, w2p, b1p, tile8, a_src2, a_dst2, blk, grid):
    n = acc1.shape[1]
    return pl.pallas_call(
        _tc2_body,
        grid=(grid,),
        in_specs=[
            pl.BlockSpec((2, blk, 128), lambda i: (0, i, 0)),
            pl.BlockSpec((64, 1), lambda i: (0, 0)),
            pl.BlockSpec((1, 64), lambda i: (0, 0)),
            pl.BlockSpec((8, 64), lambda i: (0, 0)),
            pl.BlockSpec((1, 1), lambda i: (0, 0)),
            pl.BlockSpec((1, 1), lambda i: (0, 0)),
        ],
        out_specs=pl.BlockSpec((blk, 3), lambda i: (i, 0)),
        out_shape=jax.ShapeDtypeStruct((n, 3), jnp.float32),
    )(acc1, w2p, b1p, tile8, a_src2, a_dst2)



def _tc3_body(acc_ref, b2_ref, out_ref):
    a = acc_ref[0] + acc_ref[1]
    out_ref[...] = a[0:1, :] / (a[1:2, :] + 1e-16) + b2_ref[...]


def _tc3(acc2, b2):
    n = acc2.shape[2]
    return pl.pallas_call(
        _tc3_body,
        grid=(1,),
        in_specs=[
            pl.BlockSpec((2, 2, n), lambda i: (0, 0, 0)),
            pl.BlockSpec((1, 1), lambda i: (0, 0)),
        ],
        out_specs=pl.BlockSpec((1, n), lambda i: (0, 0)),
        out_shape=jax.ShapeDtypeStruct((1, n), jnp.float32),
    )(acc2, b2)



K1 = 128


def _make_sc1(n, e):
    n_chunks = e // K1
    rows_per_tile = n // NS
    npt = (n_chunks + NC * NS - 1) // (NC * NS)
    mesh = plsc.VectorSubcoreMesh(core_axis_name="c", subcore_axis_name="s")

    @functools.partial(
        pl.kernel,
        out_type=jax.ShapeDtypeStruct((NC, n, 128), jnp.float32),
        mesh=mesh,
        compiler_params=pltpu.CompilerParams(use_tc_tiling_on_sc=False),
        scratch_types=[
            pltpu.VMEM((npt, 128), jnp.int32),
            pltpu.VMEM((npt, 128), jnp.int32),
            pltpu.VMEM((2, K1, 80), jnp.float32),
            pltpu.VMEM((2, K1, 16), jnp.float32),
            pltpu.VMEM((2, K1, 80), jnp.float32),
            pltpu.VMEM((25, 80), jnp.float32),
            pltpu.VMEM_SHARED((n, 80), jnp.float32),
            pltpu.SemaphoreType.DMA((2,)),
            pltpu.SemaphoreType.DMA((2,)),
        ],
    )
    def sc1(s1_hbm, d1_hbm, src_hbm, dst_hbm, acc_hbm,
            src_i, dst_i, srow, drow, orow, zbuf, acc_sh, gsem, ssem):
        c = lax.axis_index("c")
        s = lax.axis_index("s")
        tile = c * NS + s
        base = tile * npt

        iota = lax.iota(jnp.int32, L)
        low8 = jnp.bitwise_and(iota, 7)
        zeros = jnp.zeros((L,), jnp.float32)

        def zz(i, _):
            for q in range(5):
                zbuf[i, pl.ds(q * 16, 16)] = zeros
            return 0
        lax.fori_loop(0, 25, zz, 0)

        idx_cps = [pltpu.async_copy(src_hbm.at[pl.ds(base, npt)], src_i,
                                    gsem.at[0]),
                   pltpu.async_copy(dst_hbm.at[pl.ds(base, npt)], dst_i,
                                    gsem.at[0])]
        zero_cps = [
            pltpu.async_copy(
                zbuf, acc_sh.at[pl.ds(s * rows_per_tile + q * 25, 25)],
                gsem.at[1])
            for q in range(rows_per_tile // 25)]
        for cp in idx_cps + zero_cps:
            cp.wait()
        plsc.subcore_barrier()

        def fire(j, b):
            @pl.when((j < npt) & (base + j < n_chunks))
            def _():
                pltpu.async_copy(s1_hbm.at[src_i.at[j]], srow.at[b],
                                 gsem.at[b])
                pltpu.async_copy(d1_hbm.at[dst_i.at[j]], drow.at[b],
                                 gsem.at[b])

        fire(0, 0)

        def chunk_loop(j, _):
            b = jnp.bitwise_and(j, 1)
            ok = base + j < n_chunks
            fire(j + 1, 1 - b)

            @pl.when((j >= 2) & (base + j - 2 < n_chunks))
            def _():
                pltpu.make_async_copy(orow.at[b],
                                      acc_sh.at[dst_i.at[j - 2]],
                                      ssem.at[b]).wait()

            @pl.when(ok)
            def _():
                pltpu.make_async_copy(s1_hbm.at[src_i.at[j]],
                                      srow.at[b], gsem.at[b]).wait()
                pltpu.make_async_copy(d1_hbm.at[dst_i.at[j]],
                                      drow.at[b], gsem.at[b]).wait()

                @plsc.parallel_loop(0, K1, 1, unroll=4)
                def edge(i):
                    v1 = srow[b, i, pl.ds(64, 16)]
                    v2 = drow[b, i, pl.ds(0, 16)]
                    al = v1 + v2
                    w = jnp.exp(jnp.maximum(al, 0.2 * al))
                    orow[b, i, pl.ds(0, 16)] = w
                    wd = w.at[low8].get(mode="promise_in_bounds")
                    for q in range(4):
                        orow[b, i, pl.ds(16 + q * 16, 16)] = (
                            srow[b, i, pl.ds(q * 16, 16)] * wd)

                pltpu.async_copy(orow.at[b], acc_sh.at[dst_i.at[j]],
                                 ssem.at[b], add=True)
            return 0
        lax.fori_loop(0, npt, chunk_loop, 0)

        for d in (2, 1):
            j = npt - d

            @pl.when(base + j < n_chunks)
            def _():
                pltpu.make_async_copy(orow.at[j % 2],
                                      acc_sh.at[dst_i.at[j]],
                                      ssem.at[j % 2]).wait()

        plsc.subcore_barrier()
        start = s * 624

        @pl.when(s < NS - 1)
        def _():
            pltpu.sync_copy(acc_sh.at[pl.ds(start, 624)],
                            acc_hbm.at[c, pl.ds(start, 624), pl.ds(0, 80)])

        @pl.when(s == NS - 1)
        def _():
            last = 624 * (NS - 1)
            pltpu.sync_copy(acc_sh.at[pl.ds(last, n - 624 * (NS - 1))],
                            acc_hbm.at[c, pl.ds(last, n - 624 * (NS - 1)),
                                       pl.ds(0, 80)])

    return sc1



K2 = 128


def _make_sc2(n, e):
    n_chunks = e // K2
    npt = (n_chunks + NC * NS - 1) // (NC * NS)
    np128 = ((n + 127) // 128) * 128
    mesh = plsc.VectorSubcoreMesh(core_axis_name="c", subcore_axis_name="s")

    @functools.partial(
        pl.kernel,
        out_type=jax.ShapeDtypeStruct((NC, 2, n), jnp.float32),
        mesh=mesh,
        compiler_params=pltpu.CompilerParams(use_tc_tiling_on_sc=False,
                                             needs_layout_passes=False),
        scratch_types=[
            pltpu.VMEM((npt, 128), jnp.int32),
            pltpu.VMEM((npt, 128), jnp.int32),
            pltpu.VMEM((np128,), jnp.float32),
            pltpu.VMEM((np128,), jnp.float32),
            pltpu.VMEM((np128,), jnp.float32),
            pltpu.VMEM((np128,), jnp.float32),
            pltpu.VMEM((np128,), jnp.float32),
            pltpu.VMEM((NS, 2, 640), jnp.float32),
            pltpu.VMEM_SHARED((NS, 2, n), jnp.float32),
            pltpu.SemaphoreType.DMA((2,)),
        ],
    )
    def sc2(s2t_hbm, src_hbm, dst_hbm, acc_hbm,
            src_i, dst_i, h2v, asv, adv, nacc, dacc, rbuf, pacc_sh, gsem):
        c = lax.axis_index("c")
        s = lax.axis_index("s")
        tile = c * NS + s
        base = tile * npt

        zeros = jnp.zeros((L,), jnp.float32)

        cps = [pltpu.async_copy(src_hbm.at[pl.ds(base, npt)], src_i,
                                gsem.at[0]),
               pltpu.async_copy(dst_hbm.at[pl.ds(base, npt)], dst_i,
                                gsem.at[0]),
               pltpu.async_copy(s2t_hbm.at[0], h2v.at[pl.ds(0, n)],
                                gsem.at[1]),
               pltpu.async_copy(s2t_hbm.at[1], asv.at[pl.ds(0, n)],
                                gsem.at[1]),
               pltpu.async_copy(s2t_hbm.at[2], adv.at[pl.ds(0, n)],
                                gsem.at[1])]

        def zz(i, _):
            nacc[pl.ds(i * 16, 16)] = zeros
            dacc[pl.ds(i * 16, 16)] = zeros
            return 0
        lax.fori_loop(0, np128 // 16, zz, 0)
        for cp in cps:
            cp.wait()

        def chunk_loop(j, _):
            @pl.when(base + j < n_chunks)
            def _():
                for g in range(8):
                    src16 = src_i[j, pl.ds(g * 16, 16)]
                    dst16 = dst_i[j, pl.ds(g * 16, 16)]
                    a_s = plsc.load_gather(asv, [src16])
                    a_d = plsc.load_gather(adv, [dst16])
                    h16 = plsc.load_gather(h2v, [src16])
                    al = a_s + a_d
                    w = jnp.exp(jnp.maximum(al, 0.2 * al))
                    plsc.addupdate_scatter(nacc, [dst16], w * h16)
                    plsc.addupdate_scatter(dacc, [dst16], w)
            return 0
        lax.fori_loop(0, npt, chunk_loop, 0)

        pltpu.sync_copy(nacc.at[pl.ds(0, n)], pacc_sh.at[s, 0])
        pltpu.sync_copy(dacc.at[pl.ds(0, n)], pacc_sh.at[s, 1])
        plsc.subcore_barrier()

        start = s * 624
        cps = [pltpu.async_copy(pacc_sh.at[t2, c2, pl.ds(start, 640)],
                                rbuf.at[t2, c2], gsem.at[0])
               for t2 in range(NS) for c2 in range(2)]
        for cp in cps:
            cp.wait()

        for c2, buf in ((0, nacc), (1, dacc)):
            def red(v, _):
                acc16 = rbuf[0, c2, pl.ds(v * 16, 16)]
                for t2 in range(1, NS):
                    acc16 = acc16 + rbuf[t2, c2, pl.ds(v * 16, 16)]
                buf[pl.ds(v * 16, 16)] = acc16
                return 0
            lax.fori_loop(0, 40, red, 0)

        @pl.when(s < NS - 1)
        def _():
            pltpu.sync_copy(nacc.at[pl.ds(0, 624)],
                            acc_hbm.at[c, 0, pl.ds(start, 624)])
            pltpu.sync_copy(dacc.at[pl.ds(0, 624)],
                            acc_hbm.at[c, 1, pl.ds(start, 624)])

        @pl.when(s == NS - 1)
        def _():
            last = 624 * (NS - 1)
            pltpu.sync_copy(nacc.at[pl.ds(0, n - last)],
                            acc_hbm.at[c, 0, pl.ds(last, n - last)])
            pltpu.sync_copy(dacc.at[pl.ds(0, n - last)],
                            acc_hbm.at[c, 1, pl.ds(last, n - last)])

    return sc2



def kernel(x, edge_index, W1, a_src1, a_dst1, b1, W2, a_src2, a_dst2, b2):
    n = x.shape[0]
    e = edge_index.shape[1]

    j = jnp.arange(64)
    perm = (j % 8) * 8 + j // 8
    w1p = W1[:, perm]
    w2p = W2[perm, :]
    b1p = b1[perm][None, :]
    eye8 = jnp.eye(8, dtype=jnp.float32)
    asm = (a_src1.T[:, :, None] * eye8[None, :, :]).reshape(64, 8)
    adm = (a_dst1.T[:, :, None] * eye8[None, :, :]).reshape(64, 8)
    tile8 = jnp.tile(eye8, (1, 8))

    n_chunks = e // 128
    npt = (n_chunks + NC * NS - 1) // (NC * NS)
    pad_rows = npt * NC * NS - n_chunks
    ei_p = lax.pad(edge_index, jnp.int32(0),
                   ((0, 0, 0), (0, pad_rows * 128, 0)))
    ei_p = ei_p.reshape(2, n_chunks + pad_rows, 128)
    src_r = ei_p[0]
    dst_r = ei_p[1]

    blk, grid = 1000, n // 1000

    s1, d1 = _tc1(x, w1p, asm, adm, blk, grid)
    acc1 = _make_sc1(n, e)(s1, d1, src_r, dst_r)
    s2 = _tc2(acc1, w2p, b1p, tile8, a_src2, a_dst2, blk, grid)
    acc2 = _make_sc2(n, e)(s2.T, src_r, dst_r)
    out = _tc3(acc2, b2.reshape(1, 1))
    return out.reshape(n)

# --- scband reference (transcript-rebuilt; emitter-appended) ---
"""Pipeline reference for scband-gatcritic-66486093742484 (READ-ONLY COPY).

The authoritative reference and input builder live on the scoring server;
editing this copy changes nothing except your own understanding.
"""

import jax, jax.numpy as jnp
import numpy as np

N = 10000
E = 320000
F_IN = 128
H = 8
C = 8


def setup_inputs(seed: int = 0) -> dict:
    key = jax.random.key(seed)
    ks = jax.random.split(key, 10)
    x = jax.random.normal(ks[0], (N, F_IN), dtype=jnp.float32)
    edge_index = jax.random.randint(ks[1], (2, E), 0, N, dtype=jnp.int32)
    W1 = jax.random.normal(ks[2], (F_IN, H * C), dtype=jnp.float32) * 0.1
    a_src1 = jax.random.normal(ks[3], (H, C), dtype=jnp.float32) * 0.1
    a_dst1 = jax.random.normal(ks[4], (H, C), dtype=jnp.float32) * 0.1
    b1 = jnp.zeros((H * C,), dtype=jnp.float32)
    W2 = jax.random.normal(ks[5], (H * C, 1), dtype=jnp.float32) * 0.1
    a_src2 = jax.random.normal(ks[6], (1, 1), dtype=jnp.float32) * 0.1
    a_dst2 = jax.random.normal(ks[7], (1, 1), dtype=jnp.float32) * 0.1
    b2 = jnp.zeros((1,), dtype=jnp.float32)
    return {"x": x, "edge_index": edge_index, "W1": W1, "a_src1": a_src1,
            "a_dst1": a_dst1, "b1": b1, "W2": W2, "a_src2": a_src2,
            "a_dst2": a_dst2, "b2": b2}


def gat_layer(x, edge_index, W, a_src, a_dst, b, heads, out_ch, concat):
    n = x.shape[0]
    src = edge_index[0]
    dst = edge_index[1]
    h = (x @ W).reshape(n, heads, out_ch)
    alpha_src = (h * a_src[None, :, :]).sum(-1)  # [N, H]
    alpha_dst = (h * a_dst[None, :, :]).sum(-1)  # [N, H]
    alpha = alpha_src[src] + alpha_dst[dst]      # [E, H]
    alpha = jax.nn.leaky_relu(alpha, negative_slope=0.2)
    alpha_max = jax.ops.segment_max(alpha, dst, num_segments=n)  # [N, H]
    alpha = jnp.exp(alpha - alpha_max[dst])
    denom = jax.ops.segment_sum(alpha, dst, num_segments=n)      # [N, H]
    alpha = alpha / (denom[dst] + 1e-16)
    msg = h[src] * alpha[:, :, None]             # [E, H, C]
    out = jax.ops.segment_sum(msg, dst, num_segments=n)          # [N, H, C]
    if concat:
        out = out.reshape(n, heads * out_ch)
    else:
        out = out.mean(axis=1)
    return out + b


def reference(x, edge_index, W1, a_src1, a_dst1, b1, W2, a_src2, a_dst2, b2):
    h = gat_layer(x, edge_index, W1, a_src1, a_dst1, b1, H, C, True)
    h = jax.nn.relu(h)
    out = gat_layer(h, edge_index, W2, a_src2, a_dst2, b2, 1, 1, False)
    return out.squeeze(-1)

if __name__ == "__main__":
    import jax
    _d = setup_inputs()
    print(jax.jit(kernel)(*tuple(_d.values())))

</pallas_src>

<mosaic_0001>
#map = affine_map<(d0, d1) -> (0, 0)>
#map1 = affine_map<(d0, d1) -> (0, 0, 0)>
module attributes {stable_mosaic.version = 14 : i64} {
  func.func @sc2(%arg0: i32, %arg1: i32, %arg2: memref<3x10000xf32, #tpu.memory_space<hbm>>, %arg3: memref<2528x128xi32, #tpu.memory_space<hbm>>, %arg4: memref<2528x128xi32, #tpu.memory_space<hbm>>, %arg5: memref<2x2x10000xf32, #tpu.memory_space<hbm>>, %arg6: memref<79x128xi32, #tpu.memory_space<vmem>>, %arg7: memref<79x128xi32, #tpu.memory_space<vmem>>, %arg8: memref<10112xf32, #tpu.memory_space<vmem>>, %arg9: memref<10112xf32, #tpu.memory_space<vmem>>, %arg10: memref<10112xf32, #tpu.memory_space<vmem>>, %arg11: memref<10112xf32, #tpu.memory_space<vmem>>, %arg12: memref<10112xf32, #tpu.memory_space<vmem>>, %arg13: memref<16x2x640xf32, #tpu.memory_space<vmem>>, %arg14: memref<16x2x10000xf32, #tpu.memory_space<vmem_shared>>, %arg15: memref<2x!tpu.dma_semaphore, #tpu.memory_space<semaphore_mem>>) attributes {dimension_semantics = [#tpu.dimension_semantics<core_parallel>, #tpu.dimension_semantics<subcore_parallel>], iteration_bounds = array<i64: 2, 16>, scalar_prefetch = 0 : i64, scratch_operands = 10 : i64, tpu.core_type = #tpu.core_type<sc_vector_subcore>, window_params = [{transform_indices = #map}, {transform_indices = #map}, {transform_indices = #map}, {transform_indices = #map1}]} {
    %mul3A = arith.constant 16 : i32
    %mul3A_0 = arith.muli %arg0, %mul3A : i32
    %add3A = arith.addi %mul3A_0, %arg1 : i32
    %mul3A_1 = arith.constant 79 : i32
    %mul3A_2 = arith.muli %add3A, %mul3A_1 : i32
    %broadcast_in_dim3A = arith.constant 0.000000e+00 : f32
    %broadcast_in_dim3A_3 = vector.broadcast %broadcast_in_dim3A : f32 to vector<16xf32>
    %dma_start3A = arith.constant 0 : i32
    %dma_start3A_4 = arith.constant 0 : i32
    %dma_start3A_5 = tpu.memref_slice %arg3[%mul3A_2, %dma_start3A_4] : memref<2528x128xi32, #tpu.memory_space<hbm>> -> memref<79x128xi32, #tpu.memory_space<hbm>>
    %dma_start3A_6 = tpu.memref_slice %arg15[%dma_start3A] : memref<2x!tpu.dma_semaphore, #tpu.memory_space<semaphore_mem>> -> memref<1x!tpu.dma_semaphore, #tpu.memory_space<semaphore_mem>>
    %dma_start3A_7 = tpu.memref_squeeze %dma_start3A_6 : memref<1x!tpu.dma_semaphore, #tpu.memory_space<semaphore_mem>> -> memref<!tpu.dma_semaphore, #tpu.memory_space<semaphore_mem>>
    %dma_start3A_8 = arith.constant 0 : i32
    %dma_start3A_9 = tpu.memref_slice %arg3[%mul3A_2, %dma_start3A_8] : memref<2528x128xi32, #tpu.memory_space<hbm>> -> memref<79x128xi32, #tpu.memory_space<hbm>>
    tpu.enqueue_dma source(%dma_start3A_9 : memref<79x128xi32, #tpu.memory_space<hbm>>) target(%arg6 : memref<79x128xi32, #tpu.memory_space<vmem>>) target_semaphore(%dma_start3A_7 : memref<!tpu.dma_semaphore, #tpu.memory_space<semaphore_mem>>)
    %dma_start3A_10 = arith.constant 0 : i32
    %dma_start3A_11 = arith.constant 0 : i32
    %dma_start3A_12 = tpu.memref_slice %arg4[%mul3A_2, %dma_start3A_11] : memref<2528x128xi32, #tpu.memory_space<hbm>> -> memref<79x128xi32, #tpu.memory_space<hbm>>
    %dma_start3A_13 = tpu.memref_slice %arg15[%dma_start3A_10] : memref<2x!tpu.dma_semaphore, #tpu.memory_space<semaphore_mem>> -> memref<1x!tpu.dma_semaphore, #tpu.memory_space<semaphore_mem>>
    %dma_start3A_14 = tpu.memref_squeeze %dma_start3A_13 : memref<1x!tpu.dma_semaphore, #tpu.memory_space<semaphore_mem>> -> memref<!tpu.dma_semaphore, #tpu.memory_space<semaphore_mem>>
    %dma_start3A_15 = arith.constant 0 : i32
    %dma_start3A_16 = tpu.memref_slice %arg4[%mul3A_2, %dma_start3A_15] : memref<2528x128xi32, #tpu.memory_space<hbm>> -> memref<79x128xi32, #tpu.memory_space<hbm>>
    tpu.enqueue_dma source(%dma_start3A_16 : memref<79x128xi32, #tpu.memory_space<hbm>>) target(%arg7 : memref<79x128xi32, #tpu.memory_space<vmem>>) target_semaphore(%dma_start3A_14 : memref<!tpu.dma_semaphore, #tpu.memory_space<semaphore_mem>>)
    %dma_start3A_17 = arith.constant 0 : i32
    %dma_start3A_18 = arith.constant 1 : i32
    %dma_start3A_19 = arith.constant 0 : i32
    %dma_start3A_20 = tpu.memref_slice %arg8[%dma_start3A_19] : memref<10112xf32, #tpu.memory_space<vmem>> -> memref<10000xf32, #tpu.memory_space<vmem>>
    %dma_start3A_21 = arith.constant 0 : i32
    %dma_start3A_22 = tpu.memref_slice %arg2[%dma_start3A_17, %dma_start3A_21] : memref<3x10000xf32, #tpu.memory_space<hbm>> -> memref<1x10000xf32, #tpu.memory_space<hbm>>
    %dma_start3A_23 = tpu.memref_squeeze %dma_start3A_22 : memref<1x10000xf32, #tpu.memory_space<hbm>> -> memref<10000xf32, #tpu.memory_space<hbm>>
    %dma_start3A_24 = tpu.memref_slice %arg15[%dma_start3A_18] : memref<2x!tpu.dma_semaphore, #tpu.memory_space<semaphore_mem>> -> memref<1x!tpu.dma_semaphore, #tpu.memory_space<semaphore_mem>>
    %dma_start3A_25 = tpu.memref_squeeze %dma_start3A_24 : memref<1x!tpu.dma_semaphore, #tpu.memory_space<semaphore_mem>> -> memref<!tpu.dma_semaphore, #tpu.memory_space<semaphore_mem>>
    %dma_start3A_26 = arith.constant 0 : i32
    %dma_start3A_27 = tpu.memref_slice %arg8[%dma_start3A_26] : memref<10112xf32, #tpu.memory_space<vmem>> -> memref<10000xf32, #tpu.memory_space<vmem>>
    %dma_start3A_28 = arith.constant 0 : i32
    %dma_start3A_29 = tpu.memref_slice %arg2[%dma_start3A_17, %dma_start3A_28] : memref<3x10000xf32, #tpu.memory_space<hbm>> -> memref<1x10000xf32, #tpu.memory_space<hbm>>
    %dma_start3A_30 = tpu.memref_squeeze %dma_start3A_29 : memref<1x10000xf32, #tpu.memory_space<hbm>> -> memref<10000xf32, #tpu.memory_space<hbm>>
    tpu.enqueue_dma source(%dma_start3A_30 : memref<10000xf32, #tpu.memory_space<hbm>>) target(%dma_start3A_27 : memref<10000xf32, #tpu.memory_space<vmem>>) target_semaphore(%dma_start3A_25 : memref<!tpu.dma_semaphore, #tpu.memory_space<semaphore_mem>>)
    %dma_start3A_31 = arith.constant 1 : i32
    %dma_start3A_32 = arith.constant 1 : i32
    %dma_start3A_33 = arith.constant 0 : i32
    %dma_start3A_34 = tpu.memref_slice %arg9[%dma_start3A_33] : memref<10112xf32, #tpu.memory_space<vmem>> -> memref<10000xf32, #tpu.memory_space<vmem>>
    %dma_start3A_35 = arith.constant 0 : i32
    %dma_start3A_36 = tpu.memref_slice %arg2[%dma_start3A_31, %dma_start3A_35] : memref<3x10000xf32, #tpu.memory_space<hbm>> -> memref<1x10000xf32, #tpu.memory_space<hbm>>
    %dma_start3A_37 = tpu.memref_squeeze %dma_start3A_36 : memref<1x10000xf32, #tpu.memory_space<hbm>> -> memref<10000xf32, #tpu.memory_space<hbm>>
    %dma_start3A_38 = tpu.memref_slice %arg15[%dma_start3A_32] : memref<2x!tpu.dma_semaphore, #tpu.memory_space<semaphore_mem>> -> memref<1x!tpu.dma_semaphore, #tpu.memory_space<semaphore_mem>>
    %dma_start3A_39 = tpu.memref_squeeze %dma_start3A_38 : memref<1x!tpu.dma_semaphore, #tpu.memory_space<semaphore_mem>> -> memref<!tpu.dma_semaphore, #tpu.memory_space<semaphore_mem>>
    %dma_start3A_40 = arith.constant 0 : i32
    %dma_start3A_41 = tpu.memref_slice %arg9[%dma_start3A_40] : memref<10112xf32, #tpu.memory_space<vmem>> -> memref<10000xf32, #tpu.memory_space<vmem>>
    %dma_start3A_42 = arith.constant 0 : i32
    %dma_start3A_43 = tpu.memref_slice %arg2[%dma_start3A_31, %dma_start3A_42] : memref<3x10000xf32, #tpu.memory_space<hbm>> -> memref<1x10000xf32, #tpu.memory_space<hbm>>
    %dma_start3A_44 = tpu.memref_squeeze %dma_start3A_43 : memref<1x10000xf32, #tpu.memory_space<hbm>> -> memref<10000xf32, #tpu.memory_space<hbm>>
    tpu.enqueue_dma source(%dma_start3A_44 : memref<10000xf32, #tpu.memory_space<hbm>>) target(%dma_start3A_41 : memref<10000xf32, #tpu.memory_space<vmem>>) target_semaphore(%dma_start3A_39 : memref<!tpu.dma_semaphore, #tpu.memory_space<semaphore_mem>>)
    %dma_start3A_45 = arith.constant 2 : i32
    %dma_start3A_46 = arith.constant 1 : i32
    %dma_start3A_47 = arith.constant 0 : i32
    %dma_start3A_48 = tpu.memref_slice %arg10[%dma_start3A_47] : memref<10112xf32, #tpu.memory_space<vmem>> -> memref<10000xf32, #tpu.memory_space<vmem>>
    %dma_start3A_49 = arith.constant 0 : i32
    %dma_start3A_50 = tpu.memref_slice %arg2[%dma_start3A_45, %dma_start3A_49] : memref<3x10000xf32, #tpu.memory_space<hbm>> -> memref<1x10000xf32, #tpu.memory_space<hbm>>
    %dma_start3A_51 = tpu.memref_squeeze %dma_start3A_50 : memref<1x10000xf32, #tpu.memory_space<hbm>> -> memref<10000xf32, #tpu.memory_space<hbm>>
    %dma_start3A_52 = tpu.memref_slice %arg15[%dma_start3A_46] : memref<2x!tpu.dma_semaphore, #tpu.memory_space<semaphore_mem>> -> memref<1x!tpu.dma_semaphore, #tpu.memory_space<semaphore_mem>>
    %dma_start3A_53 = tpu.memref_squeeze %dma_start3A_52 : memref<1x!tpu.dma_semaphore, #tpu.memory_space<semaphore_mem>> -> memref<!tpu.dma_semaphore, #tpu.memory_space<semaphore_mem>>
    %dma_start3A_54 = arith.constant 0 : i32
    %dma_start3A_55 = tpu.memref_slice %arg10[%dma_start3A_54] : memref<10112xf32, #tpu.memory_space<vmem>> -> memref<10000xf32, #tpu.memory_space<vmem>>
    %dma_start3A_56 = arith.constant 0 : i32
    %dma_start3A_57 = tpu.memref_slice %arg2[%dma_start3A_45, %dma_start3A_56] : memref<3x10000xf32, #tpu.memory_space<hbm>> -> memref<1x10000xf32, #tpu.memory_space<hbm>>
    %dma_start3A_58 = tpu.memref_squeeze %dma_start3A_57 : memref<1x10000xf32, #tpu.memory_space<hbm>> -> memref<10000xf32, #tpu.memory_space<hbm>>
    tpu.enqueue_dma source(%dma_start3A_58 : memref<10000xf32, #tpu.memory_space<hbm>>) target(%dma_start3A_55 : memref<10000xf32, #tpu.memory_space<vmem>>) target_semaphore(%dma_start3A_53 : memref<!tpu.dma_semaphore, #tpu.memory_space<semaphore_mem>>)
    %scan3A = arith.constant 0 : i32
    %scan3A_59 = arith.constant 0 : i32
    %scan3A_60 = arith.constant 632 : i32
    %scan3A_61 = arith.addi %scan3A_59, %scan3A_60 : i32
    %scan3A_62 = arith.constant 1 : i32
    %scan3A_63 = scf.for %scan3A_1238 = %scan3A_59 to %scan3A_61 step %scan3A_62 iter_args(%scan3A_1239 = %scan3A) -> (i32)  : i32 {
      %mul3A_1240 = arith.constant 16 : i32
      %mul3A_1241 = arith.muli %scan3A_1238, %mul3A_1240 : i32
      %swap3A = arith.index_cast %mul3A_1241 : i32 to index
      %swap3A_1242 = tpu.vector_load %arg11[%swap3A] {strides = array<i32>} : memref<10112xf32, #tpu.memory_space<vmem>>, vector<16xf32>,
      tpu.vector_store %arg11[%swap3A], %broadcast_in_dim3A_3 {strides = array<i32>} : memref<10112xf32, #tpu.memory_space<vmem>>, vector<16xf32>,
      %mul3A_1243 = arith.constant 16 : i32
      %mul3A_1244 = arith.muli %scan3A_1238, %mul3A_1243 : i32
      %swap3A_1245 = arith.index_cast %mul3A_1244 : i32 to index
      %swap3A_1246 = tpu.vector_load %arg12[%swap3A_1245] {strides = array<i32>} : memref<10112xf32, #tpu.memory_space<vmem>>, vector<16xf32>,
      tpu.vector_store %arg12[%swap3A_1245], %broadcast_in_dim3A_3 {strides = array<i32>} : memref<10112xf32, #tpu.memory_space<vmem>>, vector<16xf32>,
      %scan3A_1247 = arith.constant 0 : i32
      scf.yield %scan3A_1247 : i32
    }
    %scan3A_64 = arith.constant 632 : i32
    %dma_wait3A = arith.constant 0 : i32
    %dma_wait3A_65 = arith.constant 0 : i32
    %dma_wait3A_66 = tpu.memref_slice %arg3[%mul3A_2, %dma_wait3A_65] : memref<2528x128xi32, #tpu.memory_space<hbm>> -> memref<79x128xi32, #tpu.memory_space<hbm>>
    %dma_wait3A_67 = tpu.memref_slice %arg15[%dma_wait3A] : memref<2x!tpu.dma_semaphore, #tpu.memory_space<semaphore_mem>> -> memref<1x!tpu.dma_semaphore, #tpu.memory_space<semaphore_mem>>
    %dma_wait3A_68 = tpu.memref_squeeze %dma_wait3A_67 : memref<1x!tpu.dma_semaphore, #tpu.memory_space<semaphore_mem>> -> memref<!tpu.dma_semaphore, #tpu.memory_space<semaphore_mem>>
    %dma_wait3A_69 = arith.constant 0 : i32
    %dma_wait3A_70 = tpu.memref_slice %arg3[%mul3A_2, %dma_wait3A_69] : memref<2528x128xi32, #tpu.memory_space<hbm>> -> memref<79x128xi32, #tpu.memory_space<hbm>>
    tpu.wait_dma2 semaphore(%dma_wait3A_68 : memref<!tpu.dma_semaphore, #tpu.memory_space<semaphore_mem>>) src(%dma_wait3A_70 : memref<79x128xi32, #tpu.memory_space<hbm>>) dst(%arg6 : memref<79x128xi32, #tpu.memory_space<vmem>>)
    %dma_wait3A_71 = arith.constant 0 : i32
    %dma_wait3A_72 = arith.constant 0 : i32
    %dma_wait3A_73 = tpu.memref_slice %arg4[%mul3A_2, %dma_wait3A_72] : memref<2528x128xi32, #tpu.memory_space<hbm>> -> memref<79x128xi32, #tpu.memory_space<hbm>>
    %dma_wait3A_74 = tpu.memref_slice %arg15[%dma_wait3A_71] : memref<2x!tpu.dma_semaphore, #tpu.memory_space<semaphore_mem>> -> memref<1x!tpu.dma_semaphore, #tpu.memory_space<semaphore_mem>>
    %dma_wait3A_75 = tpu.memref_squeeze %dma_wait3A_74 : memref<1x!tpu.dma_semaphore, #tpu.memory_space<semaphore_mem>> -> memref<!tpu.dma_semaphore, #tpu.memory_space<semaphore_mem>>
    %dma_wait3A_76 = arith.constant 0 : i32
    %dma_wait3A_77 = tpu.memref_slice %arg4[%mul3A_2, %dma_wait3A_76] : memref<2528x128xi32, #tpu.memory_space<hbm>> -> memref<79x128xi32, #tpu.memory_space<hbm>>
    tpu.wait_dma2 semaphore(%dma_wait3A_75 : memref<!tpu.dma_semaphore, #tpu.memory_space<semaphore_mem>>) src(%dma_wait3A_77 : memref<79x128xi32, #tpu.memory_space<hbm>>) dst(%arg7 : memref<79x128xi32, #tpu.memory_space<vmem>>)
    %dma_wait3A_78 = arith.constant 0 : i32
    %dma_wait3A_79 = arith.constant 1 : i32
    %dma_wait3A_80 = arith.constant 0 : i32
    %dma_wait3A_81 = tpu.memref_slice %arg8[%dma_wait3A_80] : memref<10112xf32, #tpu.memory_space<vmem>> -> memref<10000xf32, #tpu.memory_space<vmem>>
    %dma_wait3A_82 = arith.constant 0 : i32
    %dma_wait3A_83 = tpu.memref_slice %arg2[%dma_wait3A_78, %dma_wait3A_82] : memref<3x10000xf32, #tpu.memory_space<hbm>> -> memref<1x10000xf32, #tpu.memory_space<hbm>>
    %dma_wait3A_84 = tpu.memref_squeeze %dma_wait3A_83 : memref<1x10000xf32, #tpu.memory_space<hbm>> -> memref<10000xf32, #tpu.memory_space<hbm>>
    %dma_wait3A_85 = tpu.memref_slice %arg15[%dma_wait3A_79] : memref<2x!tpu.dma_semaphore, #tpu.memory_space<semaphore_mem>> -> memref<1x!tpu.dma_semaphore, #tpu.memory_space<semaphore_mem>>
    %dma_wait3A_86 = tpu.memref_squeeze %dma_wait3A_85 : memref<1x!tpu.dma_semaphore, #tpu.memory_space<semaphore_mem>> -> memref<!tpu.dma_semaphore, #tpu.memory_space<semaphore_mem>>
    %dma_wait3A_87 = arith.constant 0 : i32
    %dma_wait3A_88 = tpu.memref_slice %arg8[%dma_wait3A_87] : memref<10112xf32, #tpu.memory_space<vmem>> -> memref<10000xf32, #tpu.memory_space<vmem>>
    %dma_wait3A_89 = arith.constant 0 : i32
    %dma_wait3A_90 = tpu.memref_slice %arg2[%dma_wait3A_78, %dma_wait3A_89] : memref<3x10000xf32, #tpu.memory_space<hbm>> -> memref<1x10000xf32, #tpu.memory_space<hbm>>
    %dma_wait3A_91 = tpu.memref_squeeze %dma_wait3A_90 : memref<1x10000xf32, #tpu.memory_space<hbm>> -> memref<10000xf32, #tpu.memory_space<hbm>>
    tpu.wait_dma2 semaphore(%dma_wait3A_86 : memref<!tpu.dma_semaphore, #tpu.memory_space<semaphore_mem>>) src(%dma_wait3A_91 : memref<10000xf32, #tpu.memory_space<hbm>>) dst(%dma_wait3A_88 : memref<10000xf32, #tpu.memory_space<vmem>>)
    %dma_wait3A_92 = arith.constant 1 : i32
    %dma_wait3A_93 = arith.constant 1 : i32
    %dma_wait3A_94 = arith.constant 0 : i32
    %dma_wait3A_95 = tpu.memref_slice %arg9[%dma_wait3A_94] : memref<10112xf32, #tpu.memory_space<vmem>> -> memref<10000xf32, #tpu.memory_space<vmem>>
    %dma_wait3A_96 = arith.constant 0 : i32
    %dma_wait3A_97 = tpu.memref_slice %arg2[%dma_wait3A_92, %dma_wait3A_96] : memref<3x10000xf32, #tpu.memory_space<hbm>> -> memref<1x10000xf32, #tpu.memory_space<hbm>>
    %dma_wait3A_98 = tpu.memref_squeeze %dma_wait3A_97 : memref<1x10000xf32, #tpu.memory_space<hbm>> -> memref<10000xf32, #tpu.memory_space<hbm>>
    %dma_wait3A_99 = tpu.memref_slice %arg15[%dma_wait3A_93] : memref<2x!tpu.dma_semaphore, #tpu.memory_space<semaphore_mem>> -> memref<1x!tpu.dma_semaphore, #tpu.memory_space<semaphore_mem>>
    %dma_wait3A_100 = tpu.memref_squeeze %dma_wait3A_99 : memref<1x!tpu.dma_semaphore, #tpu.memory_space<semaphore_mem>> -> memref<!tpu.dma_semaphore, #tpu.memory_space<semaphore_mem>>
    %dma_wait3A_101 = arith.constant 0 : i32
    %dma_wait3A_102 = tpu.memref_slice %arg9[%dma_wait3A_101] : memref<10112xf32, #tpu.memory_space<vmem>> -> memref<10000xf32, #tpu.memory_space<vmem>>
    %dma_wait3A_103 = arith.constant 0 : i32
    %dma_wait3A_104 = tpu.memref_slice %arg2[%dma_wait3A_92, %dma_wait3A_103] : memref<3x10000xf32, #tpu.memory_space<hbm>> -> memref<1x10000xf32, #tpu.memory_space<hbm>>
    %dma_wait3A_105 = tpu.memref_squeeze %dma_wait3A_104 : memref<1x10000xf32, #tpu.memory_space<hbm>> -> memref<10000xf32, #tpu.memory_space<hbm>>
    tpu.wait_dma2 semaphore(%dma_wait3A_100 : memref<!tpu.dma_semaphore, #tpu.memory_space<semaphore_mem>>) src(%dma_wait3A_105 : memref<10000xf32, #tpu.memory_space<hbm>>) dst(%dma_wait3A_102 : memref<10000xf32, #tpu.memory_space<vmem>>)
    %dma_wait3A_106 = arith.constant 2 : i32
    %dma_wait3A_107 = arith.constant 1 : i32
    %dma_wait3A_108 = arith.constant 0 : i32
    %dma_wait3A_109 = tpu.memref_slice %arg10[%dma_wait3A_108] : memref<10112xf32, #tpu.memory_space<vmem>> -> memref<10000xf32, #tpu.memory_space<vmem>>
    %dma_wait3A_110 = arith.constant 0 : i32
    %dma_wait3A_111 = tpu.memref_slice %arg2[%dma_wait3A_106, %dma_wait3A_110] : memref<3x10000xf32, #tpu.memory_space<hbm>> -> memref<1x10000xf32, #tpu.memory_space<hbm>>
    %dma_wait3A_112 = tpu.memref_squeeze %dma_wait3A_111 : memref<1x10000xf32, #tpu.memory_space<hbm>> -> memref<10000xf32, #tpu.memory_space<hbm>>
    %dma_wait3A_113 = tpu.memref_slice %arg15[%dma_wait3A_107] : memref<2x!tpu.dma_semaphore, #tpu.memory_space<semaphore_mem>> -> memref<1x!tpu.dma_semaphore, #tpu.memory_space<semaphore_mem>>
    %dma_wait3A_114 = tpu.memref_squeeze %dma_wait3A_113 : memref<1x!tpu.dma_semaphore, #tpu.memory_space<semaphore_mem>> -> memref<!tpu.dma_semaphore, #tpu.memory_space<semaphore_mem>>
    %dma_wait3A_115 = arith.constant 0 : i32
    %dma_wait3A_116 = tpu.memref_slice %arg10[%dma_wait3A_115] : memref<10112xf32, #tpu.memory_space<vmem>> -> memref<10000xf32, #tpu.memory_space<vmem>>
    %dma_wait3A_117 = arith.constant 0 : i32
    %dma_wait3A_118 = tpu.memref_slice %arg2[%dma_wait3A_106, %dma_wait3A_117] : memref<3x10000xf32, #tpu.memory_space<hbm>> -> memref<1x10000xf32, #tpu.memory_space<hbm>>
    %dma_wait3A_119 = tpu.memref_squeeze %dma_wait3A_118 : memref<1x10000xf32, #tpu.memory_space<hbm>> -> memref<10000xf32, #tpu.memory_space<hbm>>
    tpu.wait_dma2 semaphore(%dma_wait3A_114 : memref<!tpu.dma_semaphore, #tpu.memory_space<semaphore_mem>>) src(%dma_wait3A_119 : memref<10000xf32, #tpu.memory_space<hbm>>) dst(%dma_wait3A_116 : memref<10000xf32, #tpu.memory_space<vmem>>)
    %scan3A_120 = arith.constant 0 : i32
    %scan3A_121 = arith.constant 0 : i32
    %scan3A_122 = arith.constant 79 : i32
    %scan3A_123 = arith.addi %scan3A_121, %scan3A_122 : i32
    %scan3A_124 = arith.constant 1 : i32
    %scan3A_125 = scf.for %scan3A_1238 = %scan3A_121 to %scan3A_123 step %scan3A_124 iter_args(%scan3A_1239 = %scan3A_120) -> (i32)  : i32 {
      %add3A_1240 = arith.addi %mul3A_2, %scan3A_1238 : i32
      %lt3A_1241 = arith.constant 2500 : i32
      %lt3A_1242 = arith.cmpi slt, %add3A_1240, %lt3A_1241 : i32
      %convert_element_type3A_1243 = arith.extui %lt3A_1242 : i1 to i32
      %cond3A_1244 = arith.constant 0 : i32
      %cond3A_1245 = arith.cmpi ne, %convert_element_type3A_1243, %cond3A_1244 : i32
      scf.if %cond3A_1245 {
        %get3A = arith.index_cast %scan3A_1238 : i32 to index
        %get3A_1247 = arith.constant 0 : index
        %get3A_1248 = tpu.vector_load %arg6[%get3A, %get3A_1247] {strides = array<i32>} : memref<79x128xi32, #tpu.memory_space<vmem>>, vector<16xi32>,
        %get3A_1249 = arith.index_cast %scan3A_1238 : i32 to index
        %get3A_1250 = arith.constant 0 : index
        %get3A_1251 = tpu.vector_load %arg7[%get3A_1249, %get3A_1250] {strides = array<i32>} : memref<79x128xi32, #tpu.memory_space<vmem>>, vector<16xi32>,
        %gather3A = tpu.vector_load_idx %arg9[%get3A_1248] : memref<10112xf32, #tpu.memory_space<vmem>>[vector<16xi32>], vector<16xf32>,
        %gather3A_1252 = tpu.vector_load_idx %arg10[%get3A_1251] : memref<10112xf32, #tpu.memory_space<vmem>>[vector<16xi32>], vector<16xf32>,
        %gather3A_1253 = tpu.vector_load_idx %arg8[%get3A_1248] : memref<10112xf32, #tpu.memory_space<vmem>>[vector<16xi32>], vector<16xf32>,
        %add3A_1254 = arith.addf %gather3A, %gather3A_1252 : vector<16xf32>
        %mul3A_1255 = arith.constant 2.000000e-01 : f32
        %mul3A_1256 = vector.broadcast %mul3A_1255 : f32 to vector<16xf32>
        %mul3A_1257 = arith.mulf %mul3A_1256, %add3A_1254 : vector<16xf32>
        %max3A = arith.maximumf %add3A_1254, %mul3A_1257 : vector<16xf32>
        %exp3A = math.exp %max3A : vector<16xf32>
        %mul3A_1258 = arith.mulf %exp3A, %gather3A_1253 : vector<16xf32>
        tpu.vector_store_idx %arg11[%get3A_1251], %mul3A_1258 {add = true} : memref<10112xf32, #tpu.memory_space<vmem>>[vector<16xi32>], vector<16xf32>,
        tpu.vector_store_idx %arg12[%get3A_1251], %exp3A {add = true} : memref<10112xf32, #tpu.memory_space<vmem>>[vector<16xi32>], vector<16xf32>,
        %get3A_1259 = arith.index_cast %scan3A_1238 : i32 to index
        %get3A_1260 = arith.constant 16 : index
        %get3A_1261 = tpu.vector_load %arg6[%get3A_1259, %get3A_1260] {strides = array<i32>} : memref<79x128xi32, #tpu.memory_space<vmem>>, vector<16xi32>,
        %get3A_1262 = arith.index_cast %scan3A_1238 : i32 to index
        %get3A_1263 = arith.constant 16 : index
        %get3A_1264 = tpu.vector_load %arg7[%get3A_1262, %get3A_1263] {strides = array<i32>} : memref<79x128xi32, #tpu.memory_space<vmem>>, vector<16xi32>,
        %gather3A_1265 = tpu.vector_load_idx %arg9[%get3A_1261] : memref<10112xf32, #tpu.memory_space<vmem>>[vector<16xi32>], vector<16xf32>,
        %gather3A_1266 = tpu.vector_load_idx %arg10[%get3A_1264] : memref<10112xf32, #tpu.memory_space<vmem>>[vector<16xi32>], vector<16xf32>,
        %gather3A_1267 = tpu.vector_load_idx %arg8[%get3A_1261] : memref<10112xf32, #tpu.memory_space<vmem>>[vector<16xi32>], vector<16xf32>,
        %add3A_1268 = arith.addf %gather3A_1265, %gather3A_1266 : vector<16xf32>
        %mul3A_1269 = arith.constant 2.000000e-01 : f32
        %mul3A_1270 = vector.broadcast %mul3A_1269 : f32 to vector<16xf32>
        %mul3A_1271 = arith.mulf %mul3A_1270, %add3A_1268 : vector<16xf32>
        %max3A_1272 = arith.maximumf %add3A_1268, %mul3A_1271 : vector<16xf32>
        %exp3A_1273 = math.exp %max3A_1272 : vector<16xf32>
        %mul3A_1274 = arith.mulf %exp3A_1273, %gather3A_1267 : vector<16xf32>
        tpu.vector_store_idx %arg11[%get3A_1264], %mul3A_1274 {add = true} : memref<10112xf32, #tpu.memory_space<vmem>>[vector<16xi32>], vector<16xf32>,
        tpu.vector_store_idx %arg12[%get3A_1264], %exp3A_1273 {add = true} : memref<10112xf32, #tpu.memory_space<vmem>>[vector<16xi32>], vector<16xf32>,
        %get3A_1275 = arith.index_cast %scan3A_1238 : i32 to index
        %get3A_1276 = arith.constant 32 : index
        %get3A_1277 = tpu.vector_load %arg6[%get3A_1275, %get3A_1276] {strides = array<i32>} : memref<79x128xi32, #tpu.memory_space<vmem>>, vector<16xi32>,
        %get3A_1278 = arith.index_cast %scan3A_1238 : i32 to index
        %get3A_1279 = arith.constant 32 : index
        %get3A_1280 = tpu.vector_load %arg7[%get3A_1278, %get3A_1279] {strides = array<i32>} : memref<79x128xi32, #tpu.memory_space<vmem>>, vector<16xi32>,
        %gather3A_1281 = tpu.vector_load_idx %arg9[%get3A_1277] : memref<10112xf32, #tpu.memory_space<vmem>>[vector<16xi32>], vector<16xf32>,
        %gather3A_1282 = tpu.vector_load_idx %arg10[%get3A_1280] : memref<10112xf32, #tpu.memory_space<vmem>>[vector<16xi32>], vector<16xf32>,
        %gather3A_1283 = tpu.vector_load_idx %arg8[%get3A_1277] : memref<10112xf32, #tpu.memory_space<vmem>>[vector<16xi32>], vector<16xf32>,
        %add3A_1284 = arith.addf %gather3A_1281, %gather3A_1282 : vector<16xf32>
        %mul3A_1285 = arith.constant 2.000000e-01 : f32
        %mul3A_1286 = vector.broadcast %mul3A_1285 : f32 to vector<16xf32>
        %mul3A_1287 = arith.mulf %mul3A_1286, %add3A_1284 : vector<16xf32>
        %max3A_1288 = arith.maximumf %add3A_1284, %mul3A_1287 : vector<16xf32>
        %exp3A_1289 = math.exp %max3A_1288 : vector<16xf32>
        %mul3A_1290 = arith.mulf %exp3A_1289, %gather3A_1283 : vector<16xf32>
        tpu.vector_store_idx %arg11[%get3A_1280], %mul3A_1290 {add = true} : memref<10112xf32, #tpu.memory_space<vmem>>[vector<16xi32>], vector<16xf32>,
        tpu.vector_store_idx %arg12[%get3A_1280], %exp3A_1289 {add = true} : memref<10112xf32, #tpu.memory_space<vmem>>[vector<16xi32>], vector<16xf32>,
        %get3A_1291 = arith.index_cast %scan3A_1238 : i32 to index
        %get3A_1292 = arith.constant 48 : index
        %get3A_1293 = tpu.vector_load %arg6[%get3A_1291, %get3A_1292] {strides = array<i32>} : memref<79x128xi32, #tpu.memory_space<vmem>>, vector<16xi32>,
        %get3A_1294 = arith.index_cast %scan3A_1238 : i32 to index
        %get3A_1295 = arith.constant 48 : index
        %get3A_1296 = tpu.vector_load %arg7[%get3A_1294, %get3A_1295] {strides = array<i32>} : memref<79x128xi32, #tpu.memory_space<vmem>>, vector<16xi32>,
        %gather3A_1297 = tpu.vector_load_idx %arg9[%get3A_1293] : memref<10112xf32, #tpu.memory_space<vmem>>[vector<16xi32>], vector<16xf32>,
        %gather3A_1298 = tpu.vector_load_idx %arg10[%get3A_1296] : memref<10112xf32, #tpu.memory_space<vmem>>[vector<16xi32>], vector<16xf32>,
        %gather3A_1299 = tpu.vector_load_idx %arg8[%get3A_1293] : memref<10112xf32, #tpu.memory_space<vmem>>[vector<16xi32>], vector<16xf32>,
        %add3A_1300 = arith.addf %gather3A_1297, %gather3A_1298 : vector<16xf32>
        %mul3A_1301 = arith.constant 2.000000e-01 : f32
        %mul3A_1302 = vector.broadcast %mul3A_1301 : f32 to vector<16xf32>
        %mul3A_1303 = arith.mulf %mul3A_1302, %add3A_1300 : vector<16xf32>
        %max3A_1304 = arith.maximumf %add3A_1300, %mul3A_1303 : vector<16xf32>
        %exp3A_1305 = math.exp %max3A_1304 : vector<16xf32>
        %mul3A_1306 = arith.mulf %exp3A_1305, %gather3A_1299 : vector<16xf32>
        tpu.vector_store_idx %arg11[%get3A_1296], %mul3A_1306 {add = true} : memref<10112xf32, #tpu.memory_space<vmem>>[vector<16xi32>], vector<16xf32>,
        tpu.vector_store_idx %arg12[%get3A_1296], %exp3A_1305 {add = true} : memref<10112xf32, #tpu.memory_space<vmem>>[vector<16xi32>], vector<16xf32>,
        %get3A_1307 = arith.index_cast %scan3A_1238 : i32 to index
        %get3A_1308 = arith.constant 64 : index
        %get3A_1309 = tpu.vector_load %arg6[%get3A_1307, %get3A_1308] {strides = array<i32>} : memref<79x128xi32, #tpu.memory_space<vmem>>, vector<16xi32>,
        %get3A_1310 = arith.index_cast %scan3A_1238 : i32 to index
        %get3A_1311 = arith.constant 64 : index
        %get3A_1312 = tpu.vector_load %arg7[%get3A_1310, %get3A_1311] {strides = array<i32>} : memref<79x128xi32, #tpu.memory_space<vmem>>, vector<16xi32>,
        %gather3A_1313 = tpu.vector_load_idx %arg9[%get3A_1309] : memref<10112xf32, #tpu.memory_space<vmem>>[vector<16xi32>], vector<16xf32>,
        %gather3A_1314 = tpu.vector_load_idx %arg10[%get3A_1312] : memref<10112xf32, #tpu.memory_space<vmem>>[vector<16xi32>], vector<16xf32>,
        %gather3A_1315 = tpu.vector_load_idx %arg8[%get3A_1309] : memref<10112xf32, #tpu.memory_space<vmem>>[vector<16xi32>], vector<16xf32>,
        %add3A_1316 = arith.addf %gather3A_1313, %gather3A_1314 : vector<16xf32>
        %mul3A_1317 = arith.constant 2.000000e-01 : f32
        %mul3A_1318 = vector.broadcast %mul3A_1317 : f32 to vector<16xf32>
        %mul3A_1319 = arith.mulf %mul3A_1318, %add3A_1316 : vector<16xf32>
        %max3A_1320 = arith.maximumf %add3A_1316, %mul3A_1319 : vector<16xf32>
        %exp3A_1321 = math.exp %max3A_1320 : vector<16xf32>
        %mul3A_1322 = arith.mulf %exp3A_1321, %gather3A_1315 : vector<16xf32>
        tpu.vector_store_idx %arg11[%get3A_1312], %mul3A_1322 {add = true} : memref<10112xf32, #tpu.memory_space<vmem>>[vector<16xi32>], vector<16xf32>,
        tpu.vector_store_idx %arg12[%get3A_1312], %exp3A_1321 {add = true} : memref<10112xf32, #tpu.memory_space<vmem>>[vector<16xi32>], vector<16xf32>,
        %get3A_1323 = arith.index_cast %scan3A_1238 : i32 to index
        %get3A_1324 = arith.constant 80 : index
        %get3A_1325 = tpu.vector_load %arg6[%get3A_1323, %get3A_1324] {strides = array<i32>} : memref<79x128xi32, #tpu.memory_space<vmem>>, vector<16xi32>,
        %get3A_1326 = arith.index_cast %scan3A_1238 : i32 to index
        %get3A_1327 = arith.constant 80 : index
        %get3A_1328 = tpu.vector_load %arg7[%get3A_1326, %get3A_1327] {strides = array<i32>} : memref<79x128xi32, #tpu.memory_space<vmem>>, vector<16xi32>,
        %gather3A_1329 = tpu.vector_load_idx %arg9[%get3A_1325] : memref<10112xf32, #tpu.memory_space<vmem>>[vector<16xi32>], vector<16xf32>,
        %gather3A_1330 = tpu.vector_load_idx %arg10[%get3A_1328] : memref<10112xf32, #tpu.memory_space<vmem>>[vector<16xi32>], vector<16xf32>,
        %gather3A_1331 = tpu.vector_load_idx %arg8[%get3A_1325] : memref<10112xf32, #tpu.memory_space<vmem>>[vector<16xi32>], vector<16xf32>,
        %add3A_1332 = arith.addf %gather3A_1329, %gather3A_1330 : vector<16xf32>
        %mul3A_1333 = arith.constant 2.000000e-01 : f32
        %mul3A_1334 = vector.broadcast %mul3A_1333 : f32 to vector<16xf32>
        %mul3A_1335 = arith.mulf %mul3A_1334, %add3A_1332 : vector<16xf32>
        %max3A_1336 = arith.maximumf %add3A_1332, %mul3A_1335 : vector<16xf32>
        %exp3A_1337 = math.exp %max3A_1336 : vector<16xf32>
        %mul3A_1338 = arith.mulf %exp3A_1337, %gather3A_1331 : vector<16xf32>
        tpu.vector_store_idx %arg11[%get3A_1328], %mul3A_1338 {add = true} : memref<10112xf32, #tpu.memory_space<vmem>>[vector<16xi32>], vector<16xf32>,
        tpu.vector_store_idx %arg12[%get3A_1328], %exp3A_1337 {add = true} : memref<10112xf32, #tpu.memory_space<vmem>>[vector<16xi32>], vector<16xf32>,
        %get3A_1339 = arith.index_cast %scan3A_1238 : i32 to index
        %get3A_1340 = arith.constant 96 : index
        %get3A_1341 = tpu.vector_load %arg6[%get3A_1339, %get3A_1340] {strides = array<i32>} : memref<79x128xi32, #tpu.memory_space<vmem>>, vector<16xi32>,
        %get3A_1342 = arith.index_cast %scan3A_1238 : i32 to index
        %get3A_1343 = arith.constant 96 : index
        %get3A_1344 = tpu.vector_load %arg7[%get3A_1342, %get3A_1343] {strides = array<i32>} : memref<79x128xi32, #tpu.memory_space<vmem>>, vector<16xi32>,
        %gather3A_1345 = tpu.vector_load_idx %arg9[%get3A_1341] : memref<10112xf32, #tpu.memory_space<vmem>>[vector<16xi32>], vector<16xf32>,
        %gather3A_1346 = tpu.vector_load_idx %arg10[%get3A_1344] : memref<10112xf32, #tpu.memory_space<vmem>>[vector<16xi32>], vector<16xf32>,
        %gather3A_1347 = tpu.vector_load_idx %arg8[%get3A_1341] : memref<10112xf32, #tpu.memory_space<vmem>>[vector<16xi32>], vector<16xf32>,
        %add3A_1348 = arith.addf %gather3A_1345, %gather3A_1346 : vector<16xf32>
        %mul3A_1349 = arith.constant 2.000000e-01 : f32
        %mul3A_1350 = vector.broadcast %mul3A_1349 : f32 to vector<16xf32>
        %mul3A_1351 = arith.mulf %mul3A_1350, %add3A_1348 : vector<16xf32>
        %max3A_1352 = arith.maximumf %add3A_1348, %mul3A_1351 : vector<16xf32>
        %exp3A_1353 = math.exp %max3A_1352 : vector<16xf32>
        %mul3A_1354 = arith.mulf %exp3A_1353, %gather3A_1347 : vector<16xf32>
        tpu.vector_store_idx %arg11[%get3A_1344], %mul3A_1354 {add = true} : memref<10112xf32, #tpu.memory_space<vmem>>[vector<16xi32>], vector<16xf32>,
        tpu.vector_store_idx %arg12[%get3A_1344], %exp3A_1353 {add = true} : memref<10112xf32, #tpu.memory_space<vmem>>[vector<16xi32>], vector<16xf32>,
        %get3A_1355 = arith.index_cast %scan3A_1238 : i32 to index
        %get3A_1356 = arith.constant 112 : index
        %get3A_1357 = tpu.vector_load %arg6[%get3A_1355, %get3A_1356] {strides = array<i32>} : memref<79x128xi32, #tpu.memory_space<vmem>>, vector<16xi32>,
        %get3A_1358 = arith.index_cast %scan3A_1238 : i32 to index
        %get3A_1359 = arith.constant 112 : index
        %get3A_1360 = tpu.vector_load %arg7[%get3A_1358, %get3A_1359] {strides = array<i32>} : memref<79x128xi32, #tpu.memory_space<vmem>>, vector<16xi32>,
        %gather3A_1361 = tpu.vector_load_idx %arg9[%get3A_1357] : memref<10112xf32, #tpu.memory_space<vmem>>[vector<16xi32>], vector<16xf32>,
        %gather3A_1362 = tpu.vector_load_idx %arg10[%get3A_1360] : memref<10112xf32, #tpu.memory_space<vmem>>[vector<16xi32>], vector<16xf32>,
        %gather3A_1363 = tpu.vector_load_idx %arg8[%get3A_1357] : memref<10112xf32, #tpu.memory_space<vmem>>[vector<16xi32>], vector<16xf32>,
        %add3A_1364 = arith.addf %gather3A_1361, %gather3A_1362 : vector<16xf32>
        %mul3A_1365 = arith.constant 2.000000e-01 : f32
        %mul3A_1366 = vector.broadcast %mul3A_1365 : f32 to vector<16xf32>
        %mul3A_1367 = arith.mulf %mul3A_1366, %add3A_1364 : vector<16xf32>
        %max3A_1368 = arith.maximumf %add3A_1364, %mul3A_1367 : vector<16xf32>
        %exp3A_1369 = math.exp %max3A_1368 : vector<16xf32>
        %mul3A_1370 = arith.mulf %exp3A_1369, %gather3A_1363 : vector<16xf32>
        tpu.vector_store_idx %arg11[%get3A_1360], %mul3A_1370 {add = true} : memref<10112xf32, #tpu.memory_space<vmem>>[vector<16xi32>], vector<16xf32>,
        tpu.vector_store_idx %arg12[%get3A_1360], %exp3A_1369 {add = true} : memref<10112xf32, #tpu.memory_space<vmem>>[vector<16xi32>], vector<16xf32>,
      } else {
      }
      %scan3A_1246 = arith.constant 0 : i32
      scf.yield %scan3A_1246 : i32
    }
    %scan3A_126 = arith.constant 79 : i32
    %run_scoped3A = arith.constant 0 : i32
    "tpu.region"() ({
      %run_scoped3A_1238 = tpu.sem_alloc : memref<!tpu.dma_semaphore, #tpu.memory_space<semaphore_mem>>
      %dma_start3A_1239 = arith.constant 0 : i32
      %dma_start3A_1240 = tpu.memref_slice %arg11[%dma_start3A_1239] : memref<10112xf32, #tpu.memory_space<vmem>> -> memref<10000xf32, #tpu.memory_space<vmem>>
      %dma_start3A_1241 = arith.constant 0 : i32
      %dma_start3A_1242 = tpu.memref_slice %arg14[%arg1, %run_scoped3A, %dma_start3A_1241] : memref<16x2x10000xf32, #tpu.memory_space<vmem_shared>> -> memref<1x1x10000xf32, #tpu.memory_space<vmem_shared>>
      %dma_start3A_1243 = tpu.memref_squeeze %dma_start3A_1242 : memref<1x1x10000xf32, #tpu.memory_space<vmem_shared>> -> memref<10000xf32, #tpu.memory_space<vmem_shared>>
      %dma_start3A_1244 = arith.constant 0 : i32
      %dma_start3A_1245 = tpu.memref_slice %arg14[%arg1, %run_scoped3A, %dma_start3A_1244] : memref<16x2x10000xf32, #tpu.memory_space<vmem_shared>> -> memref<1x1x10000xf32, #tpu.memory_space<vmem_shared>>
      %dma_start3A_1246 = tpu.memref_squeeze %dma_start3A_1245 : memref<1x1x10000xf32, #tpu.memory_space<vmem_shared>> -> memref<10000xf32, #tpu.memory_space<vmem_shared>>
      %dma_start3A_1247 = arith.constant 0 : i32
      %dma_start3A_1248 = tpu.memref_slice %arg11[%dma_start3A_1247] : memref<10112xf32, #tpu.memory_space<vmem>> -> memref<10000xf32, #tpu.memory_space<vmem>>
      tpu.enqueue_dma source(%dma_start3A_1248 : memref<10000xf32, #tpu.memory_space<vmem>>) target(%dma_start3A_1246 : memref<10000xf32, #tpu.memory_space<vmem_shared>>) target_semaphore(%run_scoped3A_1238 : memref<!tpu.dma_semaphore, #tpu.memory_space<semaphore_mem>>)
      %dma_wait3A_1249 = arith.constant 0 : i32
      %dma_wait3A_1250 = tpu.memref_slice %arg11[%dma_wait3A_1249] : memref<10112xf32, #tpu.memory_space<vmem>> -> memref<10000xf32, #tpu.memory_space<vmem>>
      %dma_wait3A_1251 = arith.constant 0 : i32
      %dma_wait3A_1252 = tpu.memref_slice %arg14[%arg1, %run_scoped3A, %dma_wait3A_1251] : memref<16x2x10000xf32, #tpu.memory_space<vmem_shared>> -> memref<1x1x10000xf32, #tpu.memory_space<vmem_shared>>
      %dma_wait3A_1253 = tpu.memref_squeeze %dma_wait3A_1252 : memref<1x1x10000xf32, #tpu.memory_space<vmem_shared>> -> memref<10000xf32, #tpu.memory_space<vmem_shared>>
      %dma_wait3A_1254 = arith.constant 0 : i32
      %dma_wait3A_1255 = tpu.memref_slice %arg14[%arg1, %run_scoped3A, %dma_wait3A_1254] : memref<16x2x10000xf32, #tpu.memory_space<vmem_shared>> -> memref<1x1x10000xf32, #tpu.memory_space<vmem_shared>>
      %dma_wait3A_1256 = tpu.memref_squeeze %dma_wait3A_1255 : memref<1x1x10000xf32, #tpu.memory_space<vmem_shared>> -> memref<10000xf32, #tpu.memory_space<vmem_shared>>
      %dma_wait3A_1257 = arith.constant 0 : i32
      %dma_wait3A_1258 = tpu.memref_slice %arg11[%dma_wait3A_1257] : memref<10112xf32, #tpu.memory_space<vmem>> -> memref<10000xf32, #tpu.memory_space<vmem>>
      tpu.wait_dma2 semaphore(%run_scoped3A_1238 : memref<!tpu.dma_semaphore, #tpu.memory_space<semaphore_mem>>) src(%dma_wait3A_1258 : memref<10000xf32, #tpu.memory_space<vmem>>) dst(%dma_wait3A_1256 : memref<10000xf32, #tpu.memory_space<vmem_shared>>)
      tpu.yield
    }) : () -> ()
    %run_scoped3A_127 = arith.constant 1 : i32
    "tpu.region"() ({
      %run_scoped3A_1238 = tpu.sem_alloc : memref<!tpu.dma_semaphore, #tpu.memory_space<semaphore_mem>>
      %dma_start3A_1239 = arith.constant 0 : i32
      %dma_start3A_1240 = tpu.memref_slice %arg12[%dma_start3A_1239] : memref<10112xf32, #tpu.memory_space<vmem>> -> memref<10000xf32, #tpu.memory_space<vmem>>
      %dma_start3A_1241 = arith.constant 0 : i32
      %dma_start3A_1242 = tpu.memref_slice %arg14[%arg1, %run_scoped3A_127, %dma_start3A_1241] : memref<16x2x10000xf32, #tpu.memory_space<vmem_shared>> -> memref<1x1x10000xf32, #tpu.memory_space<vmem_shared>>
      %dma_start3A_1243 = tpu.memref_squeeze %dma_start3A_1242 : memref<1x1x10000xf32, #tpu.memory_space<vmem_shared>> -> memref<10000xf32, #tpu.memory_space<vmem_shared>>
      %dma_start3A_1244 = arith.constant 0 : i32
      %dma_start3A_1245 = tpu.memref_slice %arg14[%arg1, %run_scoped3A_127, %dma_start3A_1244] : memref<16x2x10000xf32, #tpu.memory_space<vmem_shared>> -> memref<1x1x10000xf32, #tpu.memory_space<vmem_shared>>
      %dma_start3A_1246 = tpu.memref_squeeze %dma_start3A_1245 : memref<1x1x10000xf32, #tpu.memory_space<vmem_shared>> -> memref<10000xf32, #tpu.memory_space<vmem_shared>>
      %dma_start3A_1247 = arith.constant 0 : i32
      %dma_start3A_1248 = tpu.memref_slice %arg12[%dma_start3A_1247] : memref<10112xf32, #tpu.memory_space<vmem>> -> memref<10000xf32, #tpu.memory_space<vmem>>
      tpu.enqueue_dma source(%dma_start3A_1248 : memref<10000xf32, #tpu.memory_space<vmem>>) target(%dma_start3A_1246 : memref<10000xf32, #tpu.memory_space<vmem_shared>>) target_semaphore(%run_scoped3A_1238 : memref<!tpu.dma_semaphore, #tpu.memory_space<semaphore_mem>>)
      %dma_wait3A_1249 = arith.constant 0 : i32
      %dma_wait3A_1250 = tpu.memref_slice %arg12[%dma_wait3A_1249] : memref<10112xf32, #tpu.memory_space<vmem>> -> memref<10000xf32, #tpu.memory_space<vmem>>
      %dma_wait3A_1251 = arith.constant 0 : i32
      %dma_wait3A_1252 = tpu.memref_slice %arg14[%arg1, %run_scoped3A_127, %dma_wait3A_1251] : memref<16x2x10000xf32, #tpu.memory_space<vmem_shared>> -> memref<1x1x10000xf32, #tpu.memory_space<vmem_shared>>
      %dma_wait3A_1253 = tpu.memref_squeeze %dma_wait3A_1252 : memref<1x1x10000xf32, #tpu.memory_space<vmem_shared>> -> memref<10000xf32, #tpu.memory_space<vmem_shared>>
      %dma_wait3A_1254 = arith.constant 0 : i32
      %dma_wait3A_1255 = tpu.memref_slice %arg14[%arg1, %run_scoped3A_127, %dma_wait3A_1254] : memref<16x2x10000xf32, #tpu.memory_space<vmem_shared>> -> memref<1x1x10000xf32, #tpu.memory_space<vmem_shared>>
      %dma_wait3A_1256 = tpu.memref_squeeze %dma_wait3A_1255 : memref<1x1x10000xf32, #tpu.memory_space<vmem_shared>> -> memref<10000xf32, #tpu.memory_space<vmem_shared>>
      %dma_wait3A_1257 = arith.constant 0 : i32
      %dma_wait3A_1258 = tpu.memref_slice %arg12[%dma_wait3A_1257] : memref<10112xf32, #tpu.memory_space<vmem>> -> memref<10000xf32, #tpu.memory_space<vmem>>
      tpu.wait_dma2 semaphore(%run_scoped3A_1238 : memref<!tpu.dma_semaphore, #tpu.memory_space<semaphore_mem>>) src(%dma_wait3A_1258 : memref<10000xf32, #tpu.memory_space<vmem>>) dst(%dma_wait3A_1256 : memref<10000xf32, #tpu.memory_space<vmem_shared>>)
      tpu.yield
    }) : () -> ()
    %barrier3A = arith.constant 0 : index
    tpu.barrier barrier_id(%barrier3A)
    %mul3A_128 = arith.constant 624 : i32
    %mul3A_129 = arith.muli %arg1, %mul3A_128 : i32
    %dma_start3A_130 = arith.constant 0 : i32
    %dma_start3A_131 = arith.constant 0 : i32
    %dma_start3A_132 = arith.constant 0 : i32
    %dma_start3A_133 = arith.constant 0 : i32
    %dma_start3A_134 = arith.constant 0 : i32
    %dma_start3A_135 = arith.constant 0 : i32
    %dma_start3A_136 = tpu.memref_slice %arg13[%dma_start3A_132, %dma_start3A_133, %dma_start3A_135] : memref<16x2x640xf32, #tpu.memory_space<vmem>> -> memref<1x1x640xf32, #tpu.memory_space<vmem>>
    %dma_start3A_137 = tpu.memref_squeeze %dma_start3A_136 : memref<1x1x640xf32, #tpu.memory_space<vmem>> -> memref<640xf32, #tpu.memory_space<vmem>>
    %dma_start3A_138 = tpu.memref_slice %arg14[%dma_start3A_130, %dma_start3A_131, %mul3A_129] : memref<16x2x10000xf32, #tpu.memory_space<vmem_shared>> -> memref<1x1x640xf32, #tpu.memory_space<vmem_shared>>
    %dma_start3A_139 = tpu.memref_squeeze %dma_start3A_138 : memref<1x1x640xf32, #tpu.memory_space<vmem_shared>> -> memref<640xf32, #tpu.memory_space<vmem_shared>>
    %dma_start3A_140 = tpu.memref_slice %arg15[%dma_start3A_134] : memref<2x!tpu.dma_semaphore, #tpu.memory_space<semaphore_mem>> -> memref<1x!tpu.dma_semaphore, #tpu.memory_space<semaphore_mem>>
    %dma_start3A_141 = tpu.memref_squeeze %dma_start3A_140 : memref<1x!tpu.dma_semaphore, #tpu.memory_space<semaphore_mem>> -> memref<!tpu.dma_semaphore, #tpu.memory_space<semaphore_mem>>
    %dma_start3A_142 = arith.constant 0 : i32
    %dma_start3A_143 = tpu.memref_slice %arg13[%dma_start3A_132, %dma_start3A_133, %dma_start3A_142] : memref<16x2x640xf32, #tpu.memory_space<vmem>> -> memref<1x1x640xf32, #tpu.memory_space<vmem>>
    %dma_start3A_144 = tpu.memref_squeeze %dma_start3A_143 : memref<1x1x640xf32, #tpu.memory_space<vmem>> -> memref<640xf32, #tpu.memory_space<vmem>>
    %dma_start3A_145 = tpu.memref_slice %arg14[%dma_start3A_130, %dma_start3A_131, %mul3A_129] : memref<16x2x10000xf32, #tpu.memory_space<vmem_shared>> -> memref<1x1x640xf32, #tpu.memory_space<vmem_shared>>
    %dma_start3A_146 = tpu.memref_squeeze %dma_start3A_145 : memref<1x1x640xf32, #tpu.memory_space<vmem_shared>> -> memref<640xf32, #tpu.memory_space<vmem_shared>>
    tpu.enqueue_dma source(%dma_start3A_146 : memref<640xf32, #tpu.memory_space<vmem_shared>>) target(%dma_start3A_144 : memref<640xf32, #tpu.memory_space<vmem>>) target_semaphore(%dma_start3A_141 : memref<!tpu.dma_semaphore, #tpu.memory_space<semaphore_mem>>)
    %dma_start3A_147 = arith.constant 0 : i32
    %dma_start3A_148 = arith.constant 1 : i32
    %dma_start3A_149 = arith.constant 0 : i32
    %dma_start3A_150 = arith.constant 1 : i32
    %dma_start3A_151 = arith.constant 0 : i32
    %dma_start3A_152 = arith.constant 0 : i32
    %dma_start3A_153 = tpu.memref_slice %arg13[%dma_start3A_149, %dma_start3A_150, %dma_start3A_152] : memref<16x2x640xf32, #tpu.memory_space<vmem>> -> memref<1x1x640xf32, #tpu.memory_space<vmem>>
    %dma_start3A_154 = tpu.memref_squeeze %dma_start3A_153 : memref<1x1x640xf32, #tpu.memory_space<vmem>> -> memref<640xf32, #tpu.memory_space<vmem>>
    %dma_start3A_155 = tpu.memref_slice %arg14[%dma_start3A_147, %dma_start3A_148, %mul3A_129] : memref<16x2x10000xf32, #tpu.memory_space<vmem_shared>> -> memref<1x1x640xf32, #tpu.memory_space<vmem_shared>>
    %dma_start3A_156 = tpu.memref_squeeze %dma_start3A_155 : memref<1x1x640xf32, #tpu.memory_space<vmem_shared>> -> memref<640xf32, #tpu.memory_space<vmem_shared>>
    %dma_start3A_157 = tpu.memref_slice %arg15[%dma_start3A_151] : memref<2x!tpu.dma_semaphore, #tpu.memory_space<semaphore_mem>> -> memref<1x!tpu.dma_semaphore, #tpu.memory_space<semaphore_mem>>
    %dma_start3A_158 = tpu.memref_squeeze %dma_start3A_157 : memref<1x!tpu.dma_semaphore, #tpu.memory_space<semaphore_mem>> -> memref<!tpu.dma_semaphore, #tpu.memory_space<semaphore_mem>>
    %dma_start3A_159 = arith.constant 0 : i32
    %dma_start3A_160 = tpu.memref_slice %arg13[%dma_start3A_149, %dma_start3A_150, %dma_start3A_159] : memref<16x2x640xf32, #tpu.memory_space<vmem>> -> memref<1x1x640xf32, #tpu.memory_space<vmem>>
    %dma_start3A_161 = tpu.memref_squeeze %dma_start3A_160 : memref<1x1x640xf32, #tpu.memory_space<vmem>> -> memref<640xf32, #tpu.memory_space<vmem>>
    %dma_start3A_162 = tpu.memref_slice %arg14[%dma_start3A_147, %dma_start3A_148, %mul3A_129] : memref<16x2x10000xf32, #tpu.memory_space<vmem_shared>> -> memref<1x1x640xf32, #tpu.memory_space<vmem_shared>>
    %dma_start3A_163 = tpu.memref_squeeze %dma_start3A_162 : memref<1x1x640xf32, #tpu.memory_space<vmem_shared>> -> memref<640xf32, #tpu.memory_space<vmem_shared>>
    tpu.enqueue_dma source(%dma_start3A_163 : memref<640xf32, #tpu.memory_space<vmem_shared>>) target(%dma_start3A_161 : memref<640xf32, #tpu.memory_space<vmem>>) target_semaphore(%dma_start3A_158 : memref<!tpu.dma_semaphore, #tpu.memory_space<semaphore_mem>>)
    %dma_start3A_164 = arith.constant 1 : i32
    %dma_start3A_165 = arith.constant 0 : i32
    %dma_start3A_166 = arith.constant 1 : i32
    %dma_start3A_167 = arith.constant 0 : i32
    %dma_start3A_168 = arith.constant 0 : i32
    %dma_start3A_169 = arith.constant 0 : i32
    %dma_start3A_170 = tpu.memref_slice %arg13[%dma_start3A_166, %dma_start3A_167, %dma_start3A_169] : memref<16x2x640xf32, #tpu.memory_space<vmem>> -> memref<1x1x640xf32, #tpu.memory_space<vmem>>
    %dma_start3A_171 = tpu.memref_squeeze %dma_start3A_170 : memref<1x1x640xf32, #tpu.memory_space<vmem>> -> memref<640xf32, #tpu.memory_space<vmem>>
    %dma_start3A_172 = tpu.memref_slice %arg14[%dma_start3A_164, %dma_start3A_165, %mul3A_129] : memref<16x2x10000xf32, #tpu.memory_space<vmem_shared>> -> memref<1x1x640xf32, #tpu.memory_space<vmem_shared>>
    %dma_start3A_173 = tpu.memref_squeeze %dma_start3A_172 : memref<1x1x640xf32, #tpu.memory_space<vmem_shared>> -> memref<640xf32, #tpu.memory_space<vmem_shared>>
    %dma_start3A_174 = tpu.memref_slice %arg15[%dma_start3A_168] : memref<2x!tpu.dma_semaphore, #tpu.memory_space<semaphore_mem>> -> memref<1x!tpu.dma_semaphore, #tpu.memory_space<semaphore_mem>>
    %dma_start3A_175 = tpu.memref_squeeze %dma_start3A_174 : memref<1x!tpu.dma_semaphore, #tpu.memory_space<semaphore_mem>> -> memref<!tpu.dma_semaphore, #tpu.memory_space<semaphore_mem>>
    %dma_start3A_176 = arith.constant 0 : i32
    %dma_start3A_177 = tpu.memref_slice %arg13[%dma_start3A_166, %dma_start3A_167, %dma_start3A_176] : memref<16x2x640xf32, #tpu.memory_space<vmem>> -> memref<1x1x640xf32, #tpu.memory_space<vmem>>
    %dma_start3A_178 = tpu.memref_squeeze %dma_start3A_177 : memref<1x1x640xf32, #tpu.memory_space<vmem>> -> memref<640xf32, #tpu.memory_space<vmem>>
    %dma_start3A_179 = tpu.memref_slice %arg14[%dma_start3A_164, %dma_start3A_165, %mul3A_129] : memref<16x2x10000xf32, #tpu.memory_space<vmem_shared>> -> memref<1x1x640xf32, #tpu.memory_space<vmem_shared>>
    %dma_start3A_180 = tpu.memref_squeeze %dma_start3A_179 : memref<1x1x640xf32, #tpu.memory_space<vmem_shared>> -> memref<640xf32, #tpu.memory_space<vmem_shared>>
    tpu.enqueue_dma source(%dma_start3A_180 : memref<640xf32, #tpu.memory_space<vmem_shared>>) target(%dma_start3A_178 : memref<640xf32, #tpu.memory_space<vmem>>) target_semaphore(%dma_start3A_175 : memref<!tpu.dma_semaphore, #tpu.memory_space<semaphore_mem>>)
    %dma_start3A_181 = arith.constant 1 : i32
    %dma_start3A_182 = arith.constant 1 : i32
    %dma_start3A_183 = arith.constant 1 : i32
    %dma_start3A_184 = arith.constant 1 : i32
    %dma_start3A_185 = arith.constant 0 : i32
    %dma_start3A_186 = arith.constant 0 : i32
    %dma_start3A_187 = tpu.memref_slice %arg13[%dma_start3A_183, %dma_start3A_184, %dma_start3A_186] : memref<16x2x640xf32, #tpu.memory_space<vmem>> -> memref<1x1x640xf32, #tpu.memory_space<vmem>>
    %dma_start3A_188 = tpu.memref_squeeze %dma_start3A_187 : memref<1x1x640xf32, #tpu.memory_space<vmem>> -> memref<640xf32, #tpu.memory_space<vmem>>
    %dma_start3A_189 = tpu.memref_slice %arg14[%dma_start3A_181, %dma_start3A_182, %mul3A_129] : memref<16x2x10000xf32, #tpu.memory_space<vmem_shared>> -> memref<1x1x640xf32, #tpu.memory_space<vmem_shared>>
    %dma_start3A_190 = tpu.memref_squeeze %dma_start3A_189 : memref<1x1x640xf32, #tpu.memory_space<vmem_shared>> -> memref<640xf32, #tpu.memory_space<vmem_shared>>
    %dma_start3A_191 = tpu.memref_slice %arg15[%dma_start3A_185] : memref<2x!tpu.dma_semaphore, #tpu.memory_space<semaphore_mem>> -> memref<1x!tpu.dma_semaphore, #tpu.memory_space<semaphore_mem>>
    %dma_start3A_192 = tpu.memref_squeeze %dma_start3A_191 : memref<1x!tpu.dma_semaphore, #tpu.memory_space<semaphore_mem>> -> memref<!tpu.dma_semaphore, #tpu.memory_space<semaphore_mem>>
    %dma_start3A_193 = arith.constant 0 : i32
    %dma_start3A_194 = tpu.memref_slice %arg13[%dma_start3A_183, %dma_start3A_184, %dma_start3A_193] : memref<16x2x640xf32, #tpu.memory_space<vmem>> -> memref<1x1x640xf32, #tpu.memory_space<vmem>>
    %dma_start3A_195 = tpu.memref_squeeze %dma_start3A_194 : memref<1x1x640xf32, #tpu.memory_space<vmem>> -> memref<640xf32, #tpu.memory_space<vmem>>
    %dma_start3A_196 = tpu.memref_slice %arg14[%dma_start3A_181, %dma_start3A_182, %mul3A_129] : memref<16x2x10000xf32, #tpu.memory_space<vmem_shared>> -> memref<1x1x640xf32, #tpu.memory_space<vmem_shared>>
    %dma_start3A_197 = tpu.memref_squeeze %dma_start3A_196 : memref<1x1x640xf32, #tpu.memory_space<vmem_shared>> -> memref<640xf32, #tpu.memory_space<vmem_shared>>
    tpu.enqueue_dma source(%dma_start3A_197 : memref<640xf32, #tpu.memory_space<vmem_shared>>) target(%dma_start3A_195 : memref<640xf32, #tpu.memory_space<vmem>>) target_semaphore(%dma_start3A_192 : memref<!tpu.dma_semaphore, #tpu.memory_space<semaphore_mem>>)
    %dma_start3A_198 = arith.constant 2 : i32
    %dma_start3A_199 = arith.constant 0 : i32
    %dma_start3A_200 = arith.constant 2 : i32
    %dma_start3A_201 = arith.constant 0 : i32
    %dma_start3A_202 = arith.constant 0 : i32
    %dma_start3A_203 = arith.constant 0 : i32
    %dma_start3A_204 = tpu.memref_slice %arg13[%dma_start3A_200, %dma_start3A_201, %dma_start3A_203] : memref<16x2x640xf32, #tpu.memory_space<vmem>> -> memref<1x1x640xf32, #tpu.memory_space<vmem>>
    %dma_start3A_205 = tpu.memref_squeeze %dma_start3A_204 : memref<1x1x640xf32, #tpu.memory_space<vmem>> -> memref<640xf32, #tpu.memory_space<vmem>>
    %dma_start3A_206 = tpu.memref_slice %arg14[%dma_start3A_198, %dma_start3A_199, %mul3A_129] : memref<16x2x10000xf32, #tpu.memory_space<vmem_shared>> -> memref<1x1x640xf32, #tpu.memory_space<vmem_shared>>
    %dma_start3A_207 = tpu.memref_squeeze %dma_start3A_206 : memref<1x1x640xf32, #tpu.memory_space<vmem_shared>> -> memref<640xf32, #tpu.memory_space<vmem_shared>>
    %dma_start3A_208 = tpu.memref_slice %arg15[%dma_start3A_202] : memref<2x!tpu.dma_semaphore, #tpu.memory_space<semaphore_mem>> -> memref<1x!tpu.dma_semaphore, #tpu.memory_space<semaphore_mem>>
    %dma_start3A_209 = tpu.memref_squeeze %dma_start3A_208 : memref<1x!tpu.dma_semaphore, #tpu.memory_space<semaphore_mem>> -> memref<!tpu.dma_semaphore, #tpu.memory_space<semaphore_mem>>
    %dma_start3A_210 = arith.constant 0 : i32
    %dma_start3A_211 = tpu.memref_slice %arg13[%dma_start3A_200, %dma_start3A_201, %dma_start3A_210] : memref<16x2x640xf32, #tpu.memory_space<vmem>> -> memref<1x1x640xf32, #tpu.memory_space<vmem>>
    %dma_start3A_212 = tpu.memref_squeeze %dma_start3A_211 : memref<1x1x640xf32, #tpu.memory_space<vmem>> -> memref<640xf32, #tpu.memory_space<vmem>>
    %dma_start3A_213 = tpu.memref_slice %arg14[%dma_start3A_198, %dma_start3A_199, %mul3A_129] : memref<16x2x10000xf32, #tpu.memory_space<vmem_shared>> -> memref<1x1x640xf32, #tpu.memory_space<vmem_shared>>
    %dma_start3A_214 = tpu.memref_squeeze %dma_start3A_213 : memref<1x1x640xf32, #tpu.memory_space<vmem_shared>> -> memref<640xf32, #tpu.memory_space<vmem_shared>>
    tpu.enqueue_dma source(%dma_start3A_214 : memref<640xf32, #tpu.memory_space<vmem_shared>>) target(%dma_start3A_212 : memref<640xf32, #tpu.memory_space<vmem>>) target_semaphore(%dma_start3A_209 : memref<!tpu.dma_semaphore, #tpu.memory_space<semaphore_mem>>)
    %dma_start3A_215 = arith.constant 2 : i32
    %dma_start3A_216 = arith.constant 1 : i32
    %dma_start3A_217 = arith.constant 2 : i32
    %dma_start3A_218 = arith.constant 1 : i32
    %dma_start3A_219 = arith.constant 0 : i32
    %dma_start3A_220 = arith.constant 0 : i32
    %dma_start3A_221 = tpu.memref_slice %arg13[%dma_start3A_217, %dma_start3A_218, %dma_start3A_220] : memref<16x2x640xf32, #tpu.memory_space<vmem>> -> memref<1x1x640xf32, #tpu.memory_space<vmem>>
    %dma_start3A_222 = tpu.memref_squeeze %dma_start3A_221 : memref<1x1x640xf32, #tpu.memory_space<vmem>> -> memref<640xf32, #tpu.memory_space<vmem>>
    %dma_start3A_223 = tpu.memref_slice %arg14[%dma_start3A_215, %dma_start3A_216, %mul3A_129] : memref<16x2x10000xf32, #tpu.memory_space<vmem_shared>> -> memref<1x1x640xf32, #tpu.memory_space<vmem_shared>>
    %dma_start3A_224 = tpu.memref_squeeze %dma_start3A_223 : memref<1x1x640xf32, #tpu.memory_space<vmem_shared>> -> memref<640xf32, #tpu.memory_space<vmem_shared>>
    %dma_start3A_225 = tpu.memref_slice %arg15[%dma_start3A_219] : memref<2x!tpu.dma_semaphore, #tpu.memory_space<semaphore_mem>> -> memref<1x!tpu.dma_semaphore, #tpu.memory_space<semaphore_mem>>
    %dma_start3A_226 = tpu.memref_squeeze %dma_start3A_225 : memref<1x!tpu.dma_semaphore, #tpu.memory_space<semaphore_mem>> -> memref<!tpu.dma_semaphore, #tpu.memory_space<semaphore_mem>>
    %dma_start3A_227 = arith.constant 0 : i32
    %dma_start3A_228 = tpu.memref_slice %arg13[%dma_start3A_217, %dma_start3A_218, %dma_start3A_227] : memref<16x2x640xf32, #tpu.memory_space<vmem>> -> memref<1x1x640xf32, #tpu.memory_space<vmem>>
    %dma_start3A_229 = tpu.memref_squeeze %dma_start3A_228 : memref<1x1x640xf32, #tpu.memory_space<vmem>> -> memref<640xf32, #tpu.memory_space<vmem>>
    %dma_start3A_230 = tpu.memref_slice %arg14[%dma_start3A_215, %dma_start3A_216, %mul3A_129] : memref<16x2x10000xf32, #tpu.memory_space<vmem_shared>> -> memref<1x1x640xf32, #tpu.memory_space<vmem_shared>>
    %dma_start3A_231 = tpu.memref_squeeze %dma_start3A_230 : memref<1x1x640xf32, #tpu.memory_space<vmem_shared>> -> memref<640xf32, #tpu.memory_space<vmem_shared>>
    tpu.enqueue_dma source(%dma_start3A_231 : memref<640xf32, #tpu.memory_space<vmem_shared>>) target(%dma_start3A_229 : memref<640xf32, #tpu.memory_space<vmem>>) target_semaphore(%dma_start3A_226 : memref<!tpu.dma_semaphore, #tpu.memory_space<semaphore_mem>>)
    %dma_start3A_232 = arith.constant 3 : i32
    %dma_start3A_233 = arith.constant 0 : i32
    %dma_start3A_234 = arith.constant 3 : i32
    %dma_start3A_235 = arith.constant 0 : i32
    %dma_start3A_236 = arith.constant 0 : i32
    %dma_start3A_237 = arith.constant 0 : i32
    %dma_start3A_238 = tpu.memref_slice %arg13[%dma_start3A_234, %dma_start3A_235, %dma_start3A_237] : memref<16x2x640xf32, #tpu.memory_space<vmem>> -> memref<1x1x640xf32, #tpu.memory_space<vmem>>
    %dma_start3A_239 = tpu.memref_squeeze %dma_start3A_238 : memref<1x1x640xf32, #tpu.memory_space<vmem>> -> memref<640xf32, #tpu.memory_space<vmem>>
    %dma_start3A_240 = tpu.memref_slice %arg14[%dma_start3A_232, %dma_start3A_233, %mul3A_129] : memref<16x2x10000xf32, #tpu.memory_space<vmem_shared>> -> memref<1x1x640xf32, #tpu.memory_space<vmem_shared>>
    %dma_start3A_241 = tpu.memref_squeeze %dma_start3A_240 : memref<1x1x640xf32, #tpu.memory_space<vmem_shared>> -> memref<640xf32, #tpu.memory_space<vmem_shared>>
    %dma_start3A_242 = tpu.memref_slice %arg15[%dma_start3A_236] : memref<2x!tpu.dma_semaphore, #tpu.memory_space<semaphore_mem>> -> memref<1x!tpu.dma_semaphore, #tpu.memory_space<semaphore_mem>>
    %dma_start3A_243 = tpu.memref_squeeze %dma_start3A_242 : memref<1x!tpu.dma_semaphore, #tpu.memory_space<semaphore_mem>> -> memref<!tpu.dma_semaphore, #tpu.memory_space<semaphore_mem>>
    %dma_start3A_244 = arith.constant 0 : i32
    %dma_start3A_245 = tpu.memref_slice %arg13[%dma_start3A_234, %dma_start3A_235, %dma_start3A_244] : memref<16x2x640xf32, #tpu.memory_space<vmem>> -> memref<1x1x640xf32, #tpu.memory_space<vmem>>
    %dma_start3A_246 = tpu.memref_squeeze %dma_start3A_245 : memref<1x1x640xf32, #tpu.memory_space<vmem>> -> memref<640xf32, #tpu.memory_space<vmem>>
    %dma_start3A_247 = tpu.memref_slice %arg14[%dma_start3A_232, %dma_start3A_233, %mul3A_129] : memref<16x2x10000xf32, #tpu.memory_space<vmem_shared>> -> memref<1x1x640xf32, #tpu.memory_space<vmem_shared>>
    %dma_start3A_248 = tpu.memref_squeeze %dma_start3A_247 : memref<1x1x640xf32, #tpu.memory_space<vmem_shared>> -> memref<640xf32, #tpu.memory_space<vmem_shared>>
    tpu.enqueue_dma source(%dma_start3A_248 : memref<640xf32, #tpu.memory_space<vmem_shared>>) target(%dma_start3A_246 : memref<640xf32, #tpu.memory_space<vmem>>) target_semaphore(%dma_start3A_243 : memref<!tpu.dma_semaphore, #tpu.memory_space<semaphore_mem>>)
    %dma_start3A_249 = arith.constant 3 : i32
    %dma_start3A_250 = arith.constant 1 : i32
    %dma_start3A_251 = arith.constant 3 : i32
    %dma_start3A_252 = arith.constant 1 : i32
    %dma_start3A_253 = arith.constant 0 : i32
    %dma_start3A_254 = arith.constant 0 : i32
    %dma_start3A_255 = tpu.memref_slice %arg13[%dma_start3A_251, %dma_start3A_252, %dma_start3A_254] : memref<16x2x640xf32, #tpu.memory_space<vmem>> -> memref<1x1x640xf32, #tpu.memory_space<vmem>>
    %dma_start3A_256 = tpu.memref_squeeze %dma_start3A_255 : memref<1x1x640xf32, #tpu.memory_space<vmem>> -> memref<640xf32, #tpu.memory_space<vmem>>
    %dma_start3A_257 = tpu.memref_slice %arg14[%dma_start3A_249, %dma_start3A_250, %mul3A_129] : memref<16x2x10000xf32, #tpu.memory_space<vmem_shared>> -> memref<1x1x640xf32, #tpu.memory_space<vmem_shared>>
    %dma_start3A_258 = tpu.memref_squeeze %dma_start3A_257 : memref<1x1x640xf32, #tpu.memory_space<vmem_shared>> -> memref<640xf32, #tpu.memory_space<vmem_shared>>
    %dma_start3A_259 = tpu.memref_slice %arg15[%dma_start3A_253] : memref<2x!tpu.dma_semaphore, #tpu.memory_space<semaphore_mem>> -> memref<1x!tpu.dma_semaphore, #tpu.memory_space<semaphore_mem>>
    %dma_start3A_260 = tpu.memref_squeeze %dma_start3A_259 : memref<1x!tpu.dma_semaphore, #tpu.memory_space<semaphore_mem>> -> memref<!tpu.dma_semaphore, #tpu.memory_space<semaphore_mem>>
    %dma_start3A_261 = arith.constant 0 : i32
    %dma_start3A_262 = tpu.memref_slice %arg13[%dma_start3A_251, %dma_start3A_252, %dma_start3A_261] : memref<16x2x640xf32, #tpu.memory_space<vmem>> -> memref<1x1x640xf32, #tpu.memory_space<vmem>>
    %dma_start3A_263 = tpu.memref_squeeze %dma_start3A_262 : memref<1x1x640xf32, #tpu.memory_space<vmem>> -> memref<640xf32, #tpu.memory_space<vmem>>
    %dma_start3A_264 = tpu.memref_slice %arg14[%dma_start3A_249, %dma_start3A_250, %mul3A_129] : memref<16x2x10000xf32, #tpu.memory_space<vmem_shared>> -> memref<1x1x640xf32, #tpu.memory_space<vmem_shared>>
    %dma_start3A_265 = tpu.memref_squeeze %dma_start3A_264 : memref<1x1x640xf32, #tpu.memory_space<vmem_shared>> -> memref<640xf32, #tpu.memory_space<vmem_shared>>
    tpu.enqueue_dma source(%dma_start3A_265 : memref<640xf32, #tpu.memory_space<vmem_shared>>) target(%dma_start3A_263 : memref<640xf32, #tpu.memory_space<vmem>>) target_semaphore(%dma_start3A_260 : memref<!tpu.dma_semaphore, #tpu.memory_space<semaphore_mem>>)
    %dma_start3A_266 = arith.constant 4 : i32
    %dma_start3A_267 = arith.constant 0 : i32
    %dma_start3A_268 = arith.constant 4 : i32
    %dma_start3A_269 = arith.constant 0 : i32
    %dma_start3A_270 = arith.constant 0 : i32
    %dma_start3A_271 = arith.constant 0 : i32
    %dma_start3A_272 = tpu.memref_slice %arg13[%dma_start3A_268, %dma_start3A_269, %dma_start3A_271] : memref<16x2x640xf32, #tpu.memory_space<vmem>> -> memref<1x1x640xf32, #tpu.memory_space<vmem>>
    %dma_start3A_273 = tpu.memref_squeeze %dma_start3A_272 : memref<1x1x640xf32, #tpu.memory_space<vmem>> -> memref<640xf32, #tpu.memory_space<vmem>>
    %dma_start3A_274 = tpu.memref_slice %arg14[%dma_start3A_266, %dma_start3A_267, %mul3A_129] : memref<16x2x10000xf32, #tpu.memory_space<vmem_shared>> -> memref<1x1x640xf32, #tpu.memory_space<vmem_shared>>
    %dma_start3A_275 = tpu.memref_squeeze %dma_start3A_274 : memref<1x1x640xf32, #tpu.memory_space<vmem_shared>> -> memref<640xf32, #tpu.memory_space<vmem_shared>>
    %dma_start3A_276 = tpu.memref_slice %arg15[%dma_start3A_270] : memref<2x!tpu.dma_semaphore, #tpu.memory_space<semaphore_mem>> -> memref<1x!tpu.dma_semaphore, #tpu.memory_space<semaphore_mem>>
    %dma_start3A_277 = tpu.memref_squeeze %dma_start3A_276 : memref<1x!tpu.dma_semaphore, #tpu.memory_space<semaphore_mem>> -> memref<!tpu.dma_semaphore, #tpu.memory_space<semaphore_mem>>
    %dma_start3A_278 = arith.constant 0 : i32
    %dma_start3A_279 = tpu.memref_slice %arg13[%dma_start3A_268, %dma_start3A_269, %dma_start3A_278] : memref<16x2x640xf32, #tpu.memory_space<vmem>> -> memref<1x1x640xf32, #tpu.memory_space<vmem>>
    %dma_start3A_280 = tpu.memref_squeeze %dma_start3A_279 : memref<1x1x640xf32, #tpu.memory_space<vmem>> -> memref<640xf32, #tpu.memory_space<vmem>>
    %dma_start3A_281 = tpu.memref_slice %arg14[%dma_start3A_266, %dma_start3A_267, %mul3A_129] : memref<16x2x10000xf32, #tpu.memory_space<vmem_shared>> -> memref<1x1x640xf32, #tpu.memory_space<vmem_shared>>
    %dma_start3A_282 = tpu.memref_squeeze %dma_start3A_281 : memref<1x1x640xf32, #tpu.memory_space<vmem_shared>> -> memref<640xf32, #tpu.memory_space<vmem_shared>>
    tpu.enqueue_dma source(%dma_start3A_282 : memref<640xf32, #tpu.memory_space<vmem_shared>>) target(%dma_start3A_280 : memref<640xf32, #tpu.memory_space<vmem>>) target_semaphore(%dma_start3A_277 : memref<!tpu.dma_semaphore, #tpu.memory_space<semaphore_mem>>)
    %dma_start3A_283 = arith.constant 4 : i32
    %dma_start3A_284 = arith.constant 1 : i32
    %dma_start3A_285 = arith.constant 4 : i32
    %dma_start3A_286 = arith.constant 1 : i32
    %dma_start3A_287 = arith.constant 0 : i32
    %dma_start3A_288 = arith.constant 0 : i32
    %dma_start3A_289 = tpu.memref_slice %arg13[%dma_start3A_285, %dma_start3A_286, %dma_start3A_288] : memref<16x2x640xf32, #tpu.memory_space<vmem>> -> memref<1x1x640xf32, #tpu.memory_space<vmem>>
    %dma_start3A_290 = tpu.memref_squeeze %dma_start3A_289 : memref<1x1x640xf32, #tpu.memory_space<vmem>> -> memref<640xf32, #tpu.memory_space<vmem>>
    %dma_start3A_291 = tpu.memref_slice %arg14[%dma_start3A_283, %dma_start3A_284, %mul3A_129] : memref<16x2x10000xf32, #tpu.memory_space<vmem_shared>> -> memref<1x1x640xf32, #tpu.memory_space<vmem_shared>>
    %dma_start3A_292 = tpu.memref_squeeze %dma_start3A_291 : memref<1x1x640xf32, #tpu.memory_space<vmem_shared>> -> memref<640xf32, #tpu.memory_space<vmem_shared>>
    %dma_start3A_293 = tpu.memref_slice %arg15[%dma_start3A_287] : memref<2x!tpu.dma_semaphore, #tpu.memory_space<semaphore_mem>> -> memref<1x!tpu.dma_semaphore, #tpu.memory_space<semaphore_mem>>
    %dma_start3A_294 = tpu.memref_squeeze %dma_start3A_293 : memref<1x!tpu.dma_semaphore, #tpu.memory_space<semaphore_mem>> -> memref<!tpu.dma_semaphore, #tpu.memory_space<semaphore_mem>>
    %dma_start3A_295 = arith.constant 0 : i32
    %dma_start3A_296 = tpu.memref_slice %arg13[%dma_start3A_285, %dma_start3A_286, %dma_start3A_295] : memref<16x2x640xf32, #tpu.memory_space<vmem>> -> memref<1x1x640xf32, #tpu.memory_space<vmem>>
    %dma_start3A_297 = tpu.memref_squeeze %dma_start3A_296 : memref<1x1x640xf32, #tpu.memory_space<vmem>> -> memref<640xf32, #tpu.memory_space<vmem>>
    %dma_start3A_298 = tpu.memref_slice %arg14[%dma_start3A_283, %dma_start3A_284, %mul3A_129] : memref<16x2x10000xf32, #tpu.memory_space<vmem_shared>> -> memref<1x1x640xf32, #tpu.memory_space<vmem_shared>>
    %dma_start3A_299 = tpu.memref_squeeze %dma_start3A_298 : memref<1x1x640xf32, #tpu.memory_space<vmem_shared>> -> memref<640xf32, #tpu.memory_space<vmem_shared>>
    tpu.enqueue_dma source(%dma_start3A_299 : memref<640xf32, #tpu.memory_space<vmem_shared>>) target(%dma_start3A_297 : memref<640xf32, #tpu.memory_space<vmem>>) target_semaphore(%dma_start3A_294 : memref<!tpu.dma_semaphore, #tpu.memory_space<semaphore_mem>>)
    %dma_start3A_300 = arith.constant 5 : i32
    %dma_start3A_301 = arith.constant 0 : i32
    %dma_start3A_302 = arith.constant 5 : i32
    %dma_start3A_303 = arith.constant 0 : i32
    %dma_start3A_304 = arith.constant 0 : i32
    %dma_start3A_305 = arith.constant 0 : i32
    %dma_start3A_306 = tpu.memref_slice %arg13[%dma_start3A_302, %dma_start3A_303, %dma_start3A_305] : memref<16x2x640xf32, #tpu.memory_space<vmem>> -> memref<1x1x640xf32, #tpu.memory_space<vmem>>
    %dma_start3A_307 = tpu.memref_squeeze %dma_start3A_306 : memref<1x1x640xf32, #tpu.memory_space<vmem>> -> memref<640xf32, #tpu.memory_space<vmem>>
    %dma_start3A_308 = tpu.memref_slice %arg14[%dma_start3A_300, %dma_start3A_301, %mul3A_129] : memref<16x2x10000xf32, #tpu.memory_space<vmem_shared>> -> memref<1x1x640xf32, #tpu.memory_space<vmem_shared>>
    %dma_start3A_309 = tpu.memref_squeeze %dma_start3A_308 : memref<1x1x640xf32, #tpu.memory_space<vmem_shared>> -> memref<640xf32, #tpu.memory_space<vmem_shared>>
    %dma_start3A_310 = tpu.memref_slice %arg15[%dma_start3A_304] : memref<2x!tpu.dma_semaphore, #tpu.memory_space<semaphore_mem>> -> memref<1x!tpu.dma_semaphore, #tpu.memory_space<semaphore_mem>>
    %dma_start3A_311 = tpu.memref_squeeze %dma_start3A_310 : memref<1x!tpu.dma_semaphore, #tpu.memory_space<semaphore_mem>> -> memref<!tpu.dma_semaphore, #tpu.memory_space<semaphore_mem>>
    %dma_start3A_312 = arith.constant 0 : i32
    %dma_start3A_313 = tpu.memref_slice %arg13[%dma_start3A_302, %dma_start3A_303, %dma_start3A_312] : memref<16x2x640xf32, #tpu.memory_space<vmem>> -> memref<1x1x640xf32, #tpu.memory_space<vmem>>
    %dma_start3A_314 = tpu.memref_squeeze %dma_start3A_313 : memref<1x1x640xf32, #tpu.memory_space<vmem>> -> memref<640xf32, #tpu.memory_space<vmem>>
    %dma_start3A_315 = tpu.memref_slice %arg14[%dma_start3A_300, %dma_start3A_301, %mul3A_129] : memref<16x2x10000xf32, #tpu.memory_space<vmem_shared>> -> memref<1x1x640xf32, #tpu.memory_space<vmem_shared>>
    %dma_start3A_316 = tpu.memref_squeeze %dma_start3A_315 : memref<1x1x640xf32, #tpu.memory_space<vmem_shared>> -> memref<640xf32, #tpu.memory_space<vmem_shared>>
    tpu.enqueue_dma source(%dma_start3A_316 : memref<640xf32, #tpu.memory_space<vmem_shared>>) target(%dma_start3A_314 : memref<640xf32, #tpu.memory_space<vmem>>) target_semaphore(%dma_start3A_311 : memref<!tpu.dma_semaphore, #tpu.memory_space<semaphore_mem>>)
    %dma_start3A_317 = arith.constant 5 : i32
    %dma_start3A_318 = arith.constant 1 : i32
    %dma_start3A_319 = arith.constant 5 : i32
    %dma_start3A_320 = arith.constant 1 : i32
    %dma_start3A_321 = arith.constant 0 : i32
    %dma_start3A_322 = arith.constant 0 : i32
    %dma_start3A_323 = tpu.memref_slice %arg13[%dma_start3A_319, %dma_start3A_320, %dma_start3A_322] : memref<16x2x640xf32, #tpu.memory_space<vmem>> -> memref<1x1x640xf32, #tpu.memory_space<vmem>>
    %dma_start3A_324 = tpu.memref_squeeze %dma_start3A_323 : memref<1x1x640xf32, #tpu.memory_space<vmem>> -> memref<640xf32, #tpu.memory_space<vmem>>
    %dma_start3A_325 = tpu.memref_slice %arg14[%dma_start3A_317, %dma_start3A_318, %mul3A_129] : memref<16x2x10000xf32, #tpu.memory_space<vmem_shared>> -> memref<1x1x640xf32, #tpu.memory_space<vmem_shared>>
    %dma_start3A_326 = tpu.memref_squeeze %dma_start3A_325 : memref<1x1x640xf32, #tpu.memory_space<vmem_shared>> -> memref<640xf32, #tpu.memory_space<vmem_shared>>
    %dma_start3A_327 = tpu.memref_slice %arg15[%dma_start3A_321] : memref<2x!tpu.dma_semaphore, #tpu.memory_space<semaphore_mem>> -> memref<1x!tpu.dma_semaphore, #tpu.memory_space<semaphore_mem>>
    %dma_start3A_328 = tpu.memref_squeeze %dma_start3A_327 : memref<1x!tpu.dma_semaphore, #tpu.memory_space<semaphore_mem>> -> memref<!tpu.dma_semaphore, #tpu.memory_space<semaphore_mem>>
    %dma_start3A_329 = arith.constant 0 : i32
    %dma_start3A_330 = tpu.memref_slice %arg13[%dma_start3A_319, %dma_start3A_320, %dma_start3A_329] : memref<16x2x640xf32, #tpu.memory_space<vmem>> -> memref<1x1x640xf32, #tpu.memory_space<vmem>>
    %dma_start3A_331 = tpu.memref_squeeze %dma_start3A_330 : memref<1x1x640xf32, #tpu.memory_space<vmem>> -> memref<640xf32, #tpu.memory_space<vmem>>
    %dma_start3A_332 = tpu.memref_slice %arg14[%dma_start3A_317, %dma_start3A_318, %mul3A_129] : memref<16x2x10000xf32, #tpu.memory_space<vmem_shared>> -> memref<1x1x640xf32, #tpu.memory_space<vmem_shared>>
    %dma_start3A_333 = tpu.memref_squeeze %dma_start3A_332 : memref<1x1x640xf32, #tpu.memory_space<vmem_shared>> -> memref<640xf32, #tpu.memory_space<vmem_shared>>
    tpu.enqueue_dma source(%dma_start3A_333 : memref<640xf32, #tpu.memory_space<vmem_shared>>) target(%dma_start3A_331 : memref<640xf32, #tpu.memory_space<vmem>>) target_semaphore(%dma_start3A_328 : memref<!tpu.dma_semaphore, #tpu.memory_space<semaphore_mem>>)
    %dma_start3A_334 = arith.constant 6 : i32
    %dma_start3A_335 = arith.constant 0 : i32
    %dma_start3A_336 = arith.constant 6 : i32
    %dma_start3A_337 = arith.constant 0 : i32
    %dma_start3A_338 = arith.constant 0 : i32
    %dma_start3A_339 = arith.constant 0 : i32
    %dma_start3A_340 = tpu.memref_slice %arg13[%dma_start3A_336, %dma_start3A_337, %dma_start3A_339] : memref<16x2x640xf32, #tpu.memory_space<vmem>> -> memref<1x1x640xf32, #tpu.memory_space<vmem>>
    %dma_start3A_341 = tpu.memref_squeeze %dma_start3A_340 : memref<1x1x640xf32, #tpu.memory_space<vmem>> -> memref<640xf32, #tpu.memory_space<vmem>>
    %dma_start3A_342 = tpu.memref_slice %arg14[%dma_start3A_334, %dma_start3A_335, %mul3A_129] : memref<16x2x10000xf32, #tpu.memory_space<vmem_shared>> -> memref<1x1x640xf32, #tpu.memory_space<vmem_shared>>
    %dma_start3A_343 = tpu.memref_squeeze %dma_start3A_342 : memref<1x1x640xf32, #tpu.memory_space<vmem_shared>> -> memref<640xf32, #tpu.memory_space<vmem_shared>>
    %dma_start3A_344 = tpu.memref_slice %arg15[%dma_start3A_338] : memref<2x!tpu.dma_semaphore, #tpu.memory_space<semaphore_mem>> -> memref<1x!tpu.dma_semaphore, #tpu.memory_space<semaphore_mem>>
    %dma_start3A_345 = tpu.memref_squeeze %dma_start3A_344 : memref<1x!tpu.dma_semaphore, #tpu.memory_space<semaphore_mem>> -> memref<!tpu.dma_semaphore, #tpu.memory_space<semaphore_mem>>
    %dma_start3A_346 = arith.constant 0 : i32
    %dma_start3A_347 = tpu.memref_slice %arg13[%dma_start3A_336, %dma_start3A_337, %dma_start3A_346] : memref<16x2x640xf32, #tpu.memory_space<vmem>> -> memref<1x1x640xf32, #tpu.memory_space<vmem>>
    %dma_start3A_348 = tpu.memref_squeeze %dma_start3A_347 : memref<1x1x640xf32, #tpu.memory_space<vmem>> -> memref<640xf32, #tpu.memory_space<vmem>>
    %dma_start3A_349 = tpu.memref_slice %arg14[%dma_start3A_334, %dma_start3A_335, %mul3A_129] : memref<16x2x10000xf32, #tpu.memory_space<vmem_shared>> -> memref<1x1x640xf32, #tpu.memory_space<vmem_shared>>
    %dma_start3A_350 = tpu.memref_squeeze %dma_start3A_349 : memref<1x1x640xf32, #tpu.memory_space<vmem_shared>> -> memref<640xf32, #tpu.memory_space<vmem_shared>>
    tpu.enqueue_dma source(%dma_start3A_350 : memref<640xf32, #tpu.memory_space<vmem_shared>>) target(%dma_start3A_348 : memref<640xf32, #tpu.memory_space<vmem>>) target_semaphore(%dma_start3A_345 : memref<!tpu.dma_semaphore, #tpu.memory_space<semaphore_mem>>)
    %dma_start3A_351 = arith.constant 6 : i32
    %dma_start3A_352 = arith.constant 1 : i32
    %dma_start3A_353 = arith.constant 6 : i32
    %dma_start3A_354 = arith.constant 1 : i32
    %dma_start3A_355 = arith.constant 0 : i32
    %dma_start3A_356 = arith.constant 0 : i32
    %dma_start3A_357 = tpu.memref_slice %arg13[%dma_start3A_353, %dma_start3A_354, %dma_start3A_356] : memref<16x2x640xf32, #tpu.memory_space<vmem>> -> memref<1x1x640xf32, #tpu.memory_space<vmem>>
    %dma_start3A_358 = tpu.memref_squeeze %dma_start3A_357 : memref<1x1x640xf32, #tpu.memory_space<vmem>> -> memref<640xf32, #tpu.memory_space<vmem>>
    %dma_start3A_359 = tpu.memref_slice %arg14[%dma_start3A_351, %dma_start3A_352, %mul3A_129] : memref<16x2x10000xf32, #tpu.memory_space<vmem_shared>> -> memref<1x1x640xf32, #tpu.memory_space<vmem_shared>>
    %dma_start3A_360 = tpu.memref_squeeze %dma_start3A_359 : memref<1x1x640xf32, #tpu.memory_space<vmem_shared>> -> memref<640xf32, #tpu.memory_space<vmem_shared>>
    %dma_start3A_361 = tpu.memref_slice %arg15[%dma_start3A_355] : memref<2x!tpu.dma_semaphore, #tpu.memory_space<semaphore_mem>> -> memref<1x!tpu.dma_semaphore, #tpu.memory_space<semaphore_mem>>
    %dma_start3A_362 = tpu.memref_squeeze %dma_start3A_361 : memref<1x!tpu.dma_semaphore, #tpu.memory_space<semaphore_mem>> -> memref<!tpu.dma_semaphore, #tpu.memory_space<semaphore_mem>>
    %dma_start3A_363 = arith.constant 0 : i32
    %dma_start3A_364 = tpu.memref_slice %arg13[%dma_start3A_353, %dma_start3A_354, %dma_start3A_363] : memref<16x2x640xf32, #tpu.memory_space<vmem>> -> memref<1x1x640xf32, #tpu.memory_space<vmem>>
    %dma_start3A_365 = tpu.memref_squeeze %dma_start3A_364 : memref<1x1x640xf32, #tpu.memory_space<vmem>> -> memref<640xf32, #tpu.memory_space<vmem>>
    %dma_start3A_366 = tpu.memref_slice %arg14[%dma_start3A_351, %dma_start3A_352, %mul3A_129] : memref<16x2x10000xf32, #tpu.memory_space<vmem_shared>> -> memref<1x1x640xf32, #tpu.memory_space<vmem_shared>>
    %dma_start3A_367 = tpu.memref_squeeze %dma_start3A_366 : memref<1x1x640xf32, #tpu.memory_space<vmem_shared>> -> memref<640xf32, #tpu.memory_space<vmem_shared>>
    tpu.enqueue_dma source(%dma_start3A_367 : memref<640xf32, #tpu.memory_space<vmem_shared>>) target(%dma_start3A_365 : memref<640xf32, #tpu.memory_space<vmem>>) target_semaphore(%dma_start3A_362 : memref<!tpu.dma_semaphore, #tpu.memory_space<semaphore_mem>>)
    %dma_start3A_368 = arith.constant 7 : i32
    %dma_start3A_369 = arith.constant 0 : i32
    %dma_start3A_370 = arith.constant 7 : i32
    %dma_start3A_371 = arith.constant 0 : i32
    %dma_start3A_372 = arith.constant 0 : i32
    %dma_start3A_373 = arith.constant 0 : i32
    %dma_start3A_374 = tpu.memref_slice %arg13[%dma_start3A_370, %dma_start3A_371, %dma_start3A_373] : memref<16x2x640xf32, #tpu.memory_space<vmem>> -> memref<1x1x640xf32, #tpu.memory_space<vmem>>
    %dma_start3A_375 = tpu.memref_squeeze %dma_start3A_374 : memref<1x1x640xf32, #tpu.memory_space<vmem>> -> memref<640xf32, #tpu.memory_space<vmem>>
    %dma_start3A_376 = tpu.memref_slice %arg14[%dma_start3A_368, %dma_start3A_369, %mul3A_129] : memref<16x2x10000xf32, #tpu.memory_space<vmem_shared>> -> memref<1x1x640xf32, #tpu.memory_space<vmem_shared>>
    %dma_start3A_377 = tpu.memref_squeeze %dma_start3A_376 : memref<1x1x640xf32, #tpu.memory_space<vmem_shared>> -> memref<640xf32, #tpu.memory_space<vmem_shared>>
    %dma_start3A_378 = tpu.memref_slice %arg15[%dma_start3A_372] : memref<2x!tpu.dma_semaphore, #tpu.memory_space<semaphore_mem>> -> memref<1x!tpu.dma_semaphore, #tpu.memory_space<semaphore_mem>>
    %dma_start3A_379 = tpu.memref_squeeze %dma_start3A_378 : memref<1x!tpu.dma_semaphore, #tpu.memory_space<semaphore_mem>> -> memref<!tpu.dma_semaphore, #tpu.memory_space<semaphore_mem>>
    %dma_start3A_380 = arith.constant 0 : i32
    %dma_start3A_381 = tpu.memref_slice %arg13[%dma_start3A_370, %dma_start3A_371, %dma_start3A_380] : memref<16x2x640xf32, #tpu.memory_space<vmem>> -> memref<1x1x640xf32, #tpu.memory_space<vmem>>
    %dma_start3A_382 = tpu.memref_squeeze %dma_start3A_381 : memref<1x1x640xf32, #tpu.memory_space<vmem>> -> memref<640xf32, #tpu.memory_space<vmem>>
    %dma_start3A_383 = tpu.memref_slice %arg14[%dma_start3A_368, %dma_start3A_369, %mul3A_129] : memref<16x2x10000xf32, #tpu.memory_space<vmem_shared>> -> memref<1x1x640xf32, #tpu.memory_space<vmem_shared>>
    %dma_start3A_384 = tpu.memref_squeeze %dma_start3A_383 : memref<1x1x640xf32, #tpu.memory_space<vmem_shared>> -> memref<640xf32, #tpu.memory_space<vmem_shared>>
    tpu.enqueue_dma source(%dma_start3A_384 : memref<640xf32, #tpu.memory_space<vmem_shared>>) target(%dma_start3A_382 : memref<640xf32, #tpu.memory_space<vmem>>) target_semaphore(%dma_start3A_379 : memref<!tpu.dma_semaphore, #tpu.memory_space<semaphore_mem>>)
    %dma_start3A_385 = arith.constant 7 : i32
    %dma_start3A_386 = arith.constant 1 : i32
    %dma_start3A_387 = arith.constant 7 : i32
    %dma_start3A_388 = arith.constant 1 : i32
    %dma_start3A_389 = arith.constant 0 : i32
    %dma_start3A_390 = arith.constant 0 : i32
    %dma_start3A_391 = tpu.memref_slice %arg13[%dma_start3A_387, %dma_start3A_388, %dma_start3A_390] : memref<16x2x640xf32, #tpu.memory_space<vmem>> -> memref<1x1x640xf32, #tpu.memory_space<vmem>>
    %dma_start3A_392 = tpu.memref_squeeze %dma_start3A_391 : memref<1x1x640xf32, #tpu.memory_space<vmem>> -> memref<640xf32, #tpu.memory_space<vmem>>
    %dma_start3A_393 = tpu.memref_slice %arg14[%dma_start3A_385, %dma_start3A_386, %mul3A_129] : memref<16x2x10000xf32, #tpu.memory_space<vmem_shared>> -> memref<1x1x640xf32, #tpu.memory_space<vmem_shared>>
    %dma_start3A_394 = tpu.memref_squeeze %dma_start3A_393 : memref<1x1x640xf32, #tpu.memory_space<vmem_shared>> -> memref<640xf32, #tpu.memory_space<vmem_shared>>
    %dma_start3A_395 = tpu.memref_slice %arg15[%dma_start3A_389] : memref<2x!tpu.dma_semaphore, #tpu.memory_space<semaphore_mem>> -> memref<1x!tpu.dma_semaphore, #tpu.memory_space<semaphore_mem>>
    %dma_start3A_396 = tpu.memref_squeeze %dma_start3A_395 : memref<1x!tpu.dma_semaphore, #tpu.memory_space<semaphore_mem>> -> memref<!tpu.dma_semaphore, #tpu.memory_space<semaphore_mem>>
    %dma_start3A_397 = arith.constant 0 : i32
    %dma_start3A_398 = tpu.memref_slice %arg13[%dma_start3A_387, %dma_start3A_388, %dma_start3A_397] : memref<16x2x640xf32, #tpu.memory_space<vmem>> -> memref<1x1x640xf32, #tpu.memory_space<vmem>>
    %dma_start3A_399 = tpu.memref_squeeze %dma_start3A_398 : memref<1x1x640xf32, #tpu.memory_space<vmem>> -> memref<640xf32, #tpu.memory_space<vmem>>
    %dma_start3A_400 = tpu.memref_slice %arg14[%dma_start3A_385, %dma_start3A_386, %mul3A_129] : memref<16x2x10000xf32, #tpu.memory_space<vmem_shared>> -> memref<1x1x640xf32, #tpu.memory_space<vmem_shared>>
    %dma_start3A_401 = tpu.memref_squeeze %dma_start3A_400 : memref<1x1x640xf32, #tpu.memory_space<vmem_shared>> -> memref<640xf32, #tpu.memory_space<vmem_shared>>
    tpu.enqueue_dma source(%dma_start3A_401 : memref<640xf32, #tpu.memory_space<vmem_shared>>) target(%dma_start3A_399 : memref<640xf32, #tpu.memory_space<vmem>>) target_semaphore(%dma_start3A_396 : memref<!tpu.dma_semaphore, #tpu.memory_space<semaphore_mem>>)
    %dma_start3A_402 = arith.constant 8 : i32
    %dma_start3A_403 = arith.constant 0 : i32
    %dma_start3A_404 = arith.constant 8 : i32
    %dma_start3A_405 = arith.constant 0 : i32
    %dma_start3A_406 = arith.constant 0 : i32
    %dma_start3A_407 = arith.constant 0 : i32
    %dma_start3A_408 = tpu.memref_slice %arg13[%dma_start3A_404, %dma_start3A_405, %dma_start3A_407] : memref<16x2x640xf32, #tpu.memory_space<vmem>> -> memref<1x1x640xf32, #tpu.memory_space<vmem>>
    %dma_start3A_409 = tpu.memref_squeeze %dma_start3A_408 : memref<1x1x640xf32, #tpu.memory_space<vmem>> -> memref<640xf32, #tpu.memory_space<vmem>>
    %dma_start3A_410 = tpu.memref_slice %arg14[%dma_start3A_402, %dma_start3A_403, %mul3A_129] : memref<16x2x10000xf32, #tpu.memory_space<vmem_shared>> -> memref<1x1x640xf32, #tpu.memory_space<vmem_shared>>
    %dma_start3A_411 = tpu.memref_squeeze %dma_start3A_410 : memref<1x1x640xf32, #tpu.memory_space<vmem_shared>> -> memref<640xf32, #tpu.memory_space<vmem_shared>>
    %dma_start3A_412 = tpu.memref_slice %arg15[%dma_start3A_406] : memref<2x!tpu.dma_semaphore, #tpu.memory_space<semaphore_mem>> -> memref<1x!tpu.dma_semaphore, #tpu.memory_space<semaphore_mem>>
    %dma_start3A_413 = tpu.memref_squeeze %dma_start3A_412 : memref<1x!tpu.dma_semaphore, #tpu.memory_space<semaphore_mem>> -> memref<!tpu.dma_semaphore, #tpu.memory_space<semaphore_mem>>
    %dma_start3A_414 = arith.constant 0 : i32
    %dma_start3A_415 = tpu.memref_slice %arg13[%dma_start3A_404, %dma_start3A_405, %dma_start3A_414] : memref<16x2x640xf32, #tpu.memory_space<vmem>> -> memref<1x1x640xf32, #tpu.memory_space<vmem>>
    %dma_start3A_416 = tpu.memref_squeeze %dma_start3A_415 : memref<1x1x640xf32, #tpu.memory_space<vmem>> -> memref<640xf32, #tpu.memory_space<vmem>>
    %dma_start3A_417 = tpu.memref_slice %arg14[%dma_start3A_402, %dma_start3A_403, %mul3A_129] : memref<16x2x10000xf32, #tpu.memory_space<vmem_shared>> -> memref<1x1x640xf32, #tpu.memory_space<vmem_shared>>
    %dma_start3A_418 = tpu.memref_squeeze %dma_start3A_417 : memref<1x1x640xf32, #tpu.memory_space<vmem_shared>> -> memref<640xf32, #tpu.memory_space<vmem_shared>>
    tpu.enqueue_dma source(%dma_start3A_418 : memref<640xf32, #tpu.memory_space<vmem_shared>>) target(%dma_start3A_416 : memref<640xf32, #tpu.memory_space<vmem>>) target_semaphore(%dma_start3A_413 : memref<!tpu.dma_semaphore, #tpu.memory_space<semaphore_mem>>)
    %dma_start3A_419 = arith.constant 8 : i32
    %dma_start3A_420 = arith.constant 1 : i32
    %dma_start3A_421 = arith.constant 8 : i32
    %dma_start3A_422 = arith.constant 1 : i32
    %dma_start3A_423 = arith.constant 0 : i32
    %dma_start3A_424 = arith.constant 0 : i32
    %dma_start3A_425 = tpu.memref_slice %arg13[%dma_start3A_421, %dma_start3A_422, %dma_start3A_424] : memref<16x2x640xf32, #tpu.memory_space<vmem>> -> memref<1x1x640xf32, #tpu.memory_space<vmem>>
    %dma_start3A_426 = tpu.memref_squeeze %dma_start3A_425 : memref<1x1x640xf32, #tpu.memory_space<vmem>> -> memref<640xf32, #tpu.memory_space<vmem>>
    %dma_start3A_427 = tpu.memref_slice %arg14[%dma_start3A_419, %dma_start3A_420, %mul3A_129] : memref<16x2x10000xf32, #tpu.memory_space<vmem_shared>> -> memref<1x1x640xf32, #tpu.memory_space<vmem_shared>>
    %dma_start3A_428 = tpu.memref_squeeze %dma_start3A_427 : memref<1x1x640xf32, #tpu.memory_space<vmem_shared>> -> memref<640xf32, #tpu.memory_space<vmem_shared>>
    %dma_start3A_429 = tpu.memref_slice %arg15[%dma_start3A_423] : memref<2x!tpu.dma_semaphore, #tpu.memory_space<semaphore_mem>> -> memref<1x!tpu.dma_semaphore, #tpu.memory_space<semaphore_mem>>
    %dma_start3A_430 = tpu.memref_squeeze %dma_start3A_429 : memref<1x!tpu.dma_semaphore, #tpu.memory_space<semaphore_mem>> -> memref<!tpu.dma_semaphore, #tpu.memory_space<semaphore_mem>>
    %dma_start3A_431 = arith.constant 0 : i32
    %dma_start3A_432 = tpu.memref_slice %arg13[%dma_start3A_421, %dma_start3A_422, %dma_start3A_431] : memref<16x2x640xf32, #tpu.memory_space<vmem>> -> memref<1x1x640xf32, #tpu.memory_space<vmem>>
    %dma_start3A_433 = tpu.memref_squeeze %dma_start3A_432 : memref<1x1x640xf32, #tpu.memory_space<vmem>> -> memref<640xf32, #tpu.memory_space<vmem>>
    %dma_start3A_434 = tpu.memref_slice %arg14[%dma_start3A_419, %dma_start3A_420, %mul3A_129] : memref<16x2x10000xf32, #tpu.memory_space<vmem_shared>> -> memref<1x1x640xf32, #tpu.memory_space<vmem_shared>>
    %dma_start3A_435 = tpu.memref_squeeze %dma_start3A_434 : memref<1x1x640xf32, #tpu.memory_space<vmem_shared>> -> memref<640xf32, #tpu.memory_space<vmem_shared>>
    tpu.enqueue_dma source(%dma_start3A_435 : memref<640xf32, #tpu.memory_space<vmem_shared>>) target(%dma_start3A_433 : memref<640xf32, #tpu.memory_space<vmem>>) target_semaphore(%dma_start3A_430 : memref<!tpu.dma_semaphore, #tpu.memory_space<semaphore_mem>>)
    %dma_start3A_436 = arith.constant 9 : i32
    %dma_start3A_437 = arith.constant 0 : i32
    %dma_start3A_438 = arith.constant 9 : i32
    %dma_start3A_439 = arith.constant 0 : i32
    %dma_start3A_440 = arith.constant 0 : i32
    %dma_start3A_441 = arith.constant 0 : i32
    %dma_start3A_442 = tpu.memref_slice %arg13[%dma_start3A_438, %dma_start3A_439, %dma_start3A_441] : memref<16x2x640xf32, #tpu.memory_space<vmem>> -> memref<1x1x640xf32, #tpu.memory_space<vmem>>
    %dma_start3A_443 = tpu.memref_squeeze %dma_start3A_442 : memref<1x1x640xf32, #tpu.memory_space<vmem>> -> memref<640xf32, #tpu.memory_space<vmem>>
    %dma_start3A_444 = tpu.memref_slice %arg14[%dma_start3A_436, %dma_start3A_437, %mul3A_129] : memref<16x2x10000xf32, #tpu.memory_space<vmem_shared>> -> memref<1x1x640xf32, #tpu.memory_space<vmem_shared>>
    %dma_start3A_445 = tpu.memref_squeeze %dma_start3A_444 : memref<1x1x640xf32, #tpu.memory_space<vmem_shared>> -> memref<640xf32, #tpu.memory_space<vmem_shared>>
    %dma_start3A_446 = tpu.memref_slice %arg15[%dma_start3A_440] : memref<2x!tpu.dma_semaphore, #tpu.memory_space<semaphore_mem>> -> memref<1x!tpu.dma_semaphore, #tpu.memory_space<semaphore_mem>>
    %dma_start3A_447 = tpu.memref_squeeze %dma_start3A_446 : memref<1x!tpu.dma_semaphore, #tpu.memory_space<semaphore_mem>> -> memref<!tpu.dma_semaphore, #tpu.memory_space<semaphore_mem>>
    %dma_start3A_448 = arith.constant 0 : i32
    %dma_start3A_449 = tpu.memref_slice %arg13[%dma_start3A_438, %dma_start3A_439, %dma_start3A_448] : memref<16x2x640xf32, #tpu.memory_space<vmem>> -> memref<1x1x640xf32, #tpu.memory_space<vmem>>
    %dma_start3A_450 = tpu.memref_squeeze %dma_start3A_449 : memref<1x1x640xf32, #tpu.memory_space<vmem>> -> memref<640xf32, #tpu.memory_space<vmem>>
    %dma_start3A_451 = tpu.memref_slice %arg14[%dma_start3A_436, %dma_start3A_437, %mul3A_129] : memref<16x2x10000xf32, #tpu.memory_space<vmem_shared>> -> memref<1x1x640xf32, #tpu.memory_space<vmem_shared>>
    %dma_start3A_452 = tpu.memref_squeeze %dma_start3A_451 : memref<1x1x640xf32, #tpu.memory_space<vmem_shared>> -> memref<640xf32, #tpu.memory_space<vmem_shared>>
    tpu.enqueue_dma source(%dma_start3A_452 : memref<640xf32, #tpu.memory_space<vmem_shared>>) target(%dma_start3A_450 : memref<640xf32, #tpu.memory_space<vmem>>) target_semaphore(%dma_start3A_447 : memref<!tpu.dma_semaphore, #tpu.memory_space<semaphore_mem>>)
    %dma_start3A_453 = arith.constant 9 : i32
    %dma_start3A_454 = arith.constant 1 : i32
    %dma_start3A_455 = arith.constant 9 : i32
    %dma_start3A_456 = arith.constant 1 : i32
    %dma_start3A_457 = arith.constant 0 : i32
    %dma_start3A_458 = arith.constant 0 : i32
    %dma_start3A_459 = tpu.memref_slice %arg13[%dma_start3A_455, %dma_start3A_456, %dma_start3A_458] : memref<16x2x640xf32, #tpu.memory_space<vmem>> -> memref<1x1x640xf32, #tpu.memory_space<vmem>>
    %dma_start3A_460 = tpu.memref_squeeze %dma_start3A_459 : memref<1x1x640xf32, #tpu.memory_space<vmem>> -> memref<640xf32, #tpu.memory_space<vmem>>
    %dma_start3A_461 = tpu.memref_slice %arg14[%dma_start3A_453, %dma_start3A_454, %mul3A_129] : memref<16x2x10000xf32, #tpu.memory_space<vmem_shared>> -> memref<1x1x640xf32, #tpu.memory_space<vmem_shared>>
    %dma_start3A_462 = tpu.memref_squeeze %dma_start3A_461 : memref<1x1x640xf32, #tpu.memory_space<vmem_shared>> -> memref<640xf32, #tpu.memory_space<vmem_shared>>
    %dma_start3A_463 = tpu.memref_slice %arg15[%dma_start3A_457] : memref<2x!tpu.dma_semaphore, #tpu.memory_space<semaphore_mem>> -> memref<1x!tpu.dma_semaphore, #tpu.memory_space<semaphore_mem>>
    %dma_start3A_464 = tpu.memref_squeeze %dma_start3A_463 : memref<1x!tpu.dma_semaphore, #tpu.memory_space<semaphore_mem>> -> memref<!tpu.dma_semaphore, #tpu.memory_space<semaphore_mem>>
    %dma_start3A_465 = arith.constant 0 : i32
    %dma_start3A_466 = tpu.memref_slice %arg13[%dma_start3A_455, %dma_start3A_456, %dma_start3A_465] : memref<16x2x640xf32, #tpu.memory_space<vmem>> -> memref<1x1x640xf32, #tpu.memory_space<vmem>>
    %dma_start3A_467 = tpu.memref_squeeze %dma_start3A_466 : memref<1x1x640xf32, #tpu.memory_space<vmem>> -> memref<640xf32, #tpu.memory_space<vmem>>
    %dma_start3A_468 = tpu.memref_slice %arg14[%dma_start3A_453, %dma_start3A_454, %mul3A_129] : memref<16x2x10000xf32, #tpu.memory_space<vmem_shared>> -> memref<1x1x640xf32, #tpu.memory_space<vmem_shared>>
    %dma_start3A_469 = tpu.memref_squeeze %dma_start3A_468 : memref<1x1x640xf32, #tpu.memory_space<vmem_shared>> -> memref<640xf32, #tpu.memory_space<vmem_shared>>
    tpu.enqueue_dma source(%dma_start3A_469 : memref<640xf32, #tpu.memory_space<vmem_shared>>) target(%dma_start3A_467 : memref<640xf32, #tpu.memory_space<vmem>>) target_semaphore(%dma_start3A_464 : memref<!tpu.dma_semaphore, #tpu.memory_space<semaphore_mem>>)
    %dma_start3A_470 = arith.constant 10 : i32
    %dma_start3A_471 = arith.constant 0 : i32
    %dma_start3A_472 = arith.constant 10 : i32
    %dma_start3A_473 = arith.constant 0 : i32
    %dma_start3A_474 = arith.constant 0 : i32
    %dma_start3A_475 = arith.constant 0 : i32
    %dma_start3A_476 = tpu.memref_slice %arg13[%dma_start3A_472, %dma_start3A_473, %dma_start3A_475] : memref<16x2x640xf32, #tpu.memory_space<vmem>> -> memref<1x1x640xf32, #tpu.memory_space<vmem>>
    %dma_start3A_477 = tpu.memref_squeeze %dma_start3A_476 : memref<1x1x640xf32, #tpu.memory_space<vmem>> -> memref<640xf32, #tpu.memory_space<vmem>>
    %dma_start3A_478 = tpu.memref_slice %arg14[%dma_start3A_470, %dma_start3A_471, %mul3A_129] : memref<16x2x10000xf32, #tpu.memory_space<vmem_shared>> -> memref<1x1x640xf32, #tpu.memory_space<vmem_shared>>
    %dma_start3A_479 = tpu.memref_squeeze %dma_start3A_478 : memref<1x1x640xf32, #tpu.memory_space<vmem_shared>> -> memref<640xf32, #tpu.memory_space<vmem_shared>>
    %dma_start3A_480 = tpu.memref_slice %arg15[%dma_start3A_474] : memref<2x!tpu.dma_semaphore, #tpu.memory_space<semaphore_mem>> -> memref<1x!tpu.dma_semaphore, #tpu.memory_space<semaphore_mem>>
    %dma_start3A_481 = tpu.memref_squeeze %dma_start3A_480 : memref<1x!tpu.dma_semaphore, #tpu.memory_space<semaphore_mem>> -> memref<!tpu.dma_semaphore, #tpu.memory_space<semaphore_mem>>
    %dma_start3A_482 = arith.constant 0 : i32
    %dma_start3A_483 = tpu.memref_slice %arg13[%dma_start3A_472, %dma_start3A_473, %dma_start3A_482] : memref<16x2x640xf32, #tpu.memory_space<vmem>> -> memref<1x1x640xf32, #tpu.memory_space<vmem>>
    %dma_start3A_484 = tpu.memref_squeeze %dma_start3A_483 : memref<1x1x640xf32, #tpu.memory_space<vmem>> -> memref<640xf32, #tpu.memory_space<vmem>>
    %dma_start3A_485 = tpu.memref_slice %arg14[%dma_start3A_470, %dma_start3A_471, %mul3A_129] : memref<16x2x10000xf32, #tpu.memory_space<vmem_shared>> -> memref<1x1x640xf32, #tpu.memory_space<vmem_shared>>
    %dma_start3A_486 = tpu.memref_squeeze %dma_start3A_485 : memref<1x1x640xf32, #tpu.memory_space<vmem_shared>> -> memref<640xf32, #tpu.memory_space<vmem_shared>>
    tpu.enqueue_dma source(%dma_start3A_486 : memref<640xf32, #tpu.memory_space<vmem_shared>>) target(%dma_start3A_484 : memref<640xf32, #tpu.memory_space<vmem>>) target_semaphore(%dma_start3A_481 : memref<!tpu.dma_semaphore, #tpu.memory_space<semaphore_mem>>)
    %dma_start3A_487 = arith.constant 10 : i32
    %dma_start3A_488 = arith.constant 1 : i32
    %dma_start3A_489 = arith.constant 10 : i32
    %dma_start3A_490 = arith.constant 1 : i32
    %dma_start3A_491 = arith.constant 0 : i32
    %dma_start3A_492 = arith.constant 0 : i32
    %dma_start3A_493 = tpu.memref_slice %arg13[%dma_start3A_489, %dma_start3A_490, %dma_start3A_492] : memref<16x2x640xf32, #tpu.memory_space<vmem>> -> memref<1x1x640xf32, #tpu.memory_space<vmem>>
    %dma_start3A_494 = tpu.memref_squeeze %dma_start3A_493 : memref<1x1x640xf32, #tpu.memory_space<vmem>> -> memref<640xf32, #tpu.memory_space<vmem>>
    %dma_start3A_495 = tpu.memref_slice %arg14[%dma_start3A_487, %dma_start3A_488, %mul3A_129] : memref<16x2x10000xf32, #tpu.memory_space<vmem_shared>> -> memref<1x1x640xf32, #tpu.memory_space<vmem_shared>>
    %dma_start3A_496 = tpu.memref_squeeze %dma_start3A_495 : memref<1x1x640xf32, #tpu.memory_space<vmem_shared>> -> memref<640xf32, #tpu.memory_space<vmem_shared>>
    %dma_start3A_497 = tpu.memref_slice %arg15[%dma_start3A_491] : memref<2x!tpu.dma_semaphore, #tpu.memory_space<semaphore_mem>> -> memref<1x!tpu.dma_semaphore, #tpu.memory_space<semaphore_mem>>
    %dma_start3A_498 = tpu.memref_squeeze %dma_start3A_497 : memref<1x!tpu.dma_semaphore, #tpu.memory_space<semaphore_mem>> -> memref<!tpu.dma_semaphore, #tpu.memory_space<semaphore_mem>>
    %dma_start3A_499 = arith.constant 0 : i32
    %dma_start3A_500 = tpu.memref_slice %arg13[%dma_start3A_489, %dma_start3A_490, %dma_start3A_499] : memref<16x2x640xf32, #tpu.memory_space<vmem>> -> memref<1x1x640xf32, #tpu.memory_space<vmem>>
    %dma_start3A_501 = tpu.memref_squeeze %dma_start3A_500 : memref<1x1x640xf32, #tpu.memory_space<vmem>> -> memref<640xf32, #tpu.memory_space<vmem>>
    %dma_start3A_502 = tpu.memref_slice %arg14[%dma_start3A_487, %dma_start3A_488, %mul3A_129] : memref<16x2x10000xf32, #tpu.memory_space<vmem_shared>> -> memref<1x1x640xf32, #tpu.memory_space<vmem_shared>>
    %dma_start3A_503 = tpu.memref_squeeze %dma_start3A_502 : memref<1x1x640xf32, #tpu.memory_space<vmem_shared>> -> memref<640xf32, #tpu.memory_space<vmem_shared>>
    tpu.enqueue_dma source(%dma_start3A_503 : memref<640xf32, #tpu.memory_space<vmem_shared>>) target(%dma_start3A_501 : memref<640xf32, #tpu.memory_space<vmem>>) target_semaphore(%dma_start3A_498 : memref<!tpu.dma_semaphore, #tpu.memory_space<semaphore_mem>>)
    %dma_start3A_504 = arith.constant 11 : i32
    %dma_start3A_505 = arith.constant 0 : i32
    %dma_start3A_506 = arith.constant 11 : i32
    %dma_start3A_507 = arith.constant 0 : i32
    %dma_start3A_508 = arith.constant 0 : i32
    %dma_start3A_509 = arith.constant 0 : i32
    %dma_start3A_510 = tpu.memref_slice %arg13[%dma_start3A_506, %dma_start3A_507, %dma_start3A_509] : memref<16x2x640xf32, #tpu.memory_space<vmem>> -> memref<1x1x640xf32, #tpu.memory_space<vmem>>
    %dma_start3A_511 = tpu.memref_squeeze %dma_start3A_510 : memref<1x1x640xf32, #tpu.memory_space<vmem>> -> memref<640xf32, #tpu.memory_space<vmem>>
    %dma_start3A_512 = tpu.memref_slice %arg14[%dma_start3A_504, %dma_start3A_505, %mul3A_129] : memref<16x2x10000xf32, #tpu.memory_space<vmem_shared>> -> memref<1x1x640xf32, #tpu.memory_space<vmem_shared>>
    %dma_start3A_513 = tpu.memref_squeeze %dma_start3A_512 : memref<1x1x640xf32, #tpu.memory_space<vmem_shared>> -> memref<640xf32, #tpu.memory_space<vmem_shared>>
    %dma_start3A_514 = tpu.memref_slice %arg15[%dma_start3A_508] : memref<2x!tpu.dma_semaphore, #tpu.memory_space<semaphore_mem>> -> memref<1x!tpu.dma_semaphore, #tpu.memory_space<semaphore_mem>>
    %dma_start3A_515 = tpu.memref_squeeze %dma_start3A_514 : memref<1x!tpu.dma_semaphore, #tpu.memory_space<semaphore_mem>> -> memref<!tpu.dma_semaphore, #tpu.memory_space<semaphore_mem>>
    %dma_start3A_516 = arith.constant 0 : i32
    %dma_start3A_517 = tpu.memref_slice %arg13[%dma_start3A_506, %dma_start3A_507, %dma_start3A_516] : memref<16x2x640xf32, #tpu.memory_space<vmem>> -> memref<1x1x640xf32, #tpu.memory_space<vmem>>
    %dma_start3A_518 = tpu.memref_squeeze %dma_start3A_517 : memref<1x1x640xf32, #tpu.memory_space<vmem>> -> memref<640xf32, #tpu.memory_space<vmem>>
    %dma_start3A_519 = tpu.memref_slice %arg14[%dma_start3A_504, %dma_start3A_505, %mul3A_129] : memref<16x2x10000xf32, #tpu.memory_space<vmem_shared>> -> memref<1x1x640xf32, #tpu.memory_space<vmem_shared>>
    %dma_start3A_520 = tpu.memref_squeeze %dma_start3A_519 : memref<1x1x640xf32, #tpu.memory_space<vmem_shared>> -> memref<640xf32, #tpu.memory_space<vmem_shared>>
    tpu.enqueue_dma source(%dma_start3A_520 : memref<640xf32, #tpu.memory_space<vmem_shared>>) target(%dma_start3A_518 : memref<640xf32, #tpu.memory_space<vmem>>) target_semaphore(%dma_start3A_515 : memref<!tpu.dma_semaphore, #tpu.memory_space<semaphore_mem>>)
    %dma_start3A_521 = arith.constant 11 : i32
    %dma_start3A_522 = arith.constant 1 : i32
    %dma_start3A_523 = arith.constant 11 : i32
    %dma_start3A_524 = arith.constant 1 : i32
    %dma_start3A_525 = arith.constant 0 : i32
    %dma_start3A_526 = arith.constant 0 : i32
    %dma_start3A_527 = tpu.memref_slice %arg13[%dma_start3A_523, %dma_start3A_524, %dma_start3A_526] : memref<16x2x640xf32, #tpu.memory_space<vmem>> -> memref<1x1x640xf32, #tpu.memory_space<vmem>>
    %dma_start3A_528 = tpu.memref_squeeze %dma_start3A_527 : memref<1x1x640xf32, #tpu.memory_space<vmem>> -> memref<640xf32, #tpu.memory_space<vmem>>
    %dma_start3A_529 = tpu.memref_slice %arg14[%dma_start3A_521, %dma_start3A_522, %mul3A_129] : memref<16x2x10000xf32, #tpu.memory_space<vmem_shared>> -> memref<1x1x640xf32, #tpu.memory_space<vmem_shared>>
    %dma_start3A_530 = tpu.memref_squeeze %dma_start3A_529 : memref<1x1x640xf32, #tpu.memory_space<vmem_shared>> -> memref<640xf32, #tpu.memory_space<vmem_shared>>
    %dma_start3A_531 = tpu.memref_slice %arg15[%dma_start3A_525] : memref<2x!tpu.dma_semaphore, #tpu.memory_space<semaphore_mem>> -> memref<1x!tpu.dma_semaphore, #tpu.memory_space<semaphore_mem>>
    %dma_start3A_532 = tpu.memref_squeeze %dma_start3A_531 : memref<1x!tpu.dma_semaphore, #tpu.memory_space<semaphore_mem>> -> memref<!tpu.dma_semaphore, #tpu.memory_space<semaphore_mem>>
    %dma_start3A_533 = arith.constant 0 : i32
    %dma_start3A_534 = tpu.memref_slice %arg13[%dma_start3A_523, %dma_start3A_524, %dma_start3A_533] : memref<16x2x640xf32, #tpu.memory_space<vmem>> -> memref<1x1x640xf32, #tpu.memory_space<vmem>>
    %dma_start3A_535 = tpu.memref_squeeze %dma_start3A_534 : memref<1x1x640xf32, #tpu.memory_space<vmem>> -> memref<640xf32, #tpu.memory_space<vmem>>
    %dma_start3A_536 = tpu.memref_slice %arg14[%dma_start3A_521, %dma_start3A_522, %mul3A_129] : memref<16x2x10000xf32, #tpu.memory_space<vmem_shared>> -> memref<1x1x640xf32, #tpu.memory_space<vmem_shared>>
    %dma_start3A_537 = tpu.memref_squeeze %dma_start3A_536 : memref<1x1x640xf32, #tpu.memory_space<vmem_shared>> -> memref<640xf32, #tpu.memory_space<vmem_shared>>
    tpu.enqueue_dma source(%dma_start3A_537 : memref<640xf32, #tpu.memory_space<vmem_shared>>) target(%dma_start3A_535 : memref<640xf32, #tpu.memory_space<vmem>>) target_semaphore(%dma_start3A_532 : memref<!tpu.dma_semaphore, #tpu.memory_space<semaphore_mem>>)
    %dma_start3A_538 = arith.constant 12 : i32
    %dma_start3A_539 = arith.constant 0 : i32
    %dma_start3A_540 = arith.constant 12 : i32
    %dma_start3A_541 = arith.constant 0 : i32
    %dma_start3A_542 = arith.constant 0 : i32
    %dma_start3A_543 = arith.constant 0 : i32
    %dma_start3A_544 = tpu.memref_slice %arg13[%dma_start3A_540, %dma_start3A_541, %dma_start3A_543] : memref<16x2x640xf32, #tpu.memory_space<vmem>> -> memref<1x1x640xf32, #tpu.memory_space<vmem>>
    %dma_start3A_545 = tpu.memref_squeeze %dma_start3A_544 : memref<1x1x640xf32, #tpu.memory_space<vmem>> -> memref<640xf32, #tpu.memory_space<vmem>>
    %dma_start3A_546 = tpu.memref_slice %arg14[%dma_start3A_538, %dma_start3A_539, %mul3A_129] : memref<16x2x10000xf32, #tpu.memory_space<vmem_shared>> -> memref<1x1x640xf32, #tpu.memory_space<vmem_shared>>
    %dma_start3A_547 = tpu.memref_squeeze %dma_start3A_546 : memref<1x1x640xf32, #tpu.memory_space<vmem_shared>> -> memref<640xf32, #tpu.memory_space<vmem_shared>>
    %dma_start3A_548 = tpu.memref_slice %arg15[%dma_start3A_542] : memref<2x!tpu.dma_semaphore, #tpu.memory_space<semaphore_mem>> -> memref<1x!tpu.dma_semaphore, #tpu.memory_space<semaphore_mem>>
    %dma_start3A_549 = tpu.memref_squeeze %dma_start3A_548 : memref<1x!tpu.dma_semaphore, #tpu.memory_space<semaphore_mem>> -> memref<!tpu.dma_semaphore, #tpu.memory_space<semaphore_mem>>
    %dma_start3A_550 = arith.constant 0 : i32
    %dma_start3A_551 = tpu.memref_slice %arg13[%dma_start3A_540, %dma_start3A_541, %dma_start3A_550] : memref<16x2x640xf32, #tpu.memory_space<vmem>> -> memref<1x1x640xf32, #tpu.memory_space<vmem>>
    %dma_start3A_552 = tpu.memref_squeeze %dma_start3A_551 : memref<1x1x640xf32, #tpu.memory_space<vmem>> -> memref<640xf32, #tpu.memory_space<vmem>>
    %dma_start3A_553 = tpu.memref_slice %arg14[%dma_start3A_538, %dma_start3A_539, %mul3A_129] : memref<16x2x10000xf32, #tpu.memory_space<vmem_shared>> -> memref<1x1x640xf32, #tpu.memory_space<vmem_shared>>
    %dma_start3A_554 = tpu.memref_squeeze %dma_start3A_553 : memref<1x1x640xf32, #tpu.memory_space<vmem_shared>> -> memref<640xf32, #tpu.memory_space<vmem_shared>>
    tpu.enqueue_dma source(%dma_start3A_554 : memref<640xf32, #tpu.memory_space<vmem_shared>>) target(%dma_start3A_552 : memref<640xf32, #tpu.memory_space<vmem>>) target_semaphore(%dma_start3A_549 : memref<!tpu.dma_semaphore, #tpu.memory_space<semaphore_mem>>)
    %dma_start3A_555 = arith.constant 12 : i32
    %dma_start3A_556 = arith.constant 1 : i32
    %dma_start3A_557 = arith.constant 12 : i32
    %dma_start3A_558 = arith.constant 1 : i32
    %dma_start3A_559 = arith.constant 0 : i32
    %dma_start3A_560 = arith.constant 0 : i32
    %dma_start3A_561 = tpu.memref_slice %arg13[%dma_start3A_557, %dma_start3A_558, %dma_start3A_560] : memref<16x2x640xf32, #tpu.memory_space<vmem>> -> memref<1x1x640xf32, #tpu.memory_space<vmem>>
    %dma_start3A_562 = tpu.memref_squeeze %dma_start3A_561 : memref<1x1x640xf32, #tpu.memory_space<vmem>> -> memref<640xf32, #tpu.memory_space<vmem>>
    %dma_start3A_563 = tpu.memref_slice %arg14[%dma_start3A_555, %dma_start3A_556, %mul3A_129] : memref<16x2x10000xf32, #tpu.memory_space<vmem_shared>> -> memref<1x1x640xf32, #tpu.memory_space<vmem_shared>>
    %dma_start3A_564 = tpu.memref_squeeze %dma_start3A_563 : memref<1x1x640xf32, #tpu.memory_space<vmem_shared>> -> memref<640xf32, #tpu.memory_space<vmem_shared>>
    %dma_start3A_565 = tpu.memref_slice %arg15[%dma_start3A_559] : memref<2x!tpu.dma_semaphore, #tpu.memory_space<semaphore_mem>> -> memref<1x!tpu.dma_semaphore, #tpu.memory_space<semaphore_mem>>
    %dma_start3A_566 = tpu.memref_squeeze %dma_start3A_565 : memref<1x!tpu.dma_semaphore, #tpu.memory_space<semaphore_mem>> -> memref<!tpu.dma_semaphore, #tpu.memory_space<semaphore_mem>>
    %dma_start3A_567 = arith.constant 0 : i32
    %dma_start3A_568 = tpu.memref_slice %arg13[%dma_start3A_557, %dma_start3A_558, %dma_start3A_567] : memref<16x2x640xf32, #tpu.memory_space<vmem>> -> memref<1x1x640xf32, #tpu.memory_space<vmem>>
    %dma_start3A_569 = tpu.memref_squeeze %dma_start3A_568 : memref<1x1x640xf32, #tpu.memory_space<vmem>> -> memref<640xf32, #tpu.memory_space<vmem>>
    %dma_start3A_570 = tpu.memref_slice %arg14[%dma_start3A_555, %dma_start3A_556, %mul3A_129] : memref<16x2x10000xf32, #tpu.memory_space<vmem_shared>> -> memref<1x1x640xf32, #tpu.memory_space<vmem_shared>>
    %dma_start3A_571 = tpu.memref_squeeze %dma_start3A_570 : memref<1x1x640xf32, #tpu.memory_space<vmem_shared>> -> memref<640xf32, #tpu.memory_space<vmem_shared>>
    tpu.enqueue_dma source(%dma_start3A_571 : memref<640xf32, #tpu.memory_space<vmem_shared>>) target(%dma_start3A_569 : memref<640xf32, #tpu.memory_space<vmem>>) target_semaphore(%dma_start3A_566 : memref<!tpu.dma_semaphore, #tpu.memory_space<semaphore_mem>>)
    %dma_start3A_572 = arith.constant 13 : i32
    %dma_start3A_573 = arith.constant 0 : i32
    %dma_start3A_574 = arith.constant 13 : i32
    %dma_start3A_575 = arith.constant 0 : i32
    %dma_start3A_576 = arith.constant 0 : i32
    %dma_start3A_577 = arith.constant 0 : i32
    %dma_start3A_578 = tpu.memref_slice %arg13[%dma_start3A_574, %dma_start3A_575, %dma_start3A_577] : memref<16x2x640xf32, #tpu.memory_space<vmem>> -> memref<1x1x640xf32, #tpu.memory_space<vmem>>
    %dma_start3A_579 = tpu.memref_squeeze %dma_start3A_578 : memref<1x1x640xf32, #tpu.memory_space<vmem>> -> memref<640xf32, #tpu.memory_space<vmem>>
    %dma_start3A_580 = tpu.memref_slice %arg14[%dma_start3A_572, %dma_start3A_573, %mul3A_129] : memref<16x2x10000xf32, #tpu.memory_space<vmem_shared>> -> memref<1x1x640xf32, #tpu.memory_space<vmem_shared>>
    %dma_start3A_581 = tpu.memref_squeeze %dma_start3A_580 : memref<1x1x640xf32, #tpu.memory_space<vmem_shared>> -> memref<640xf32, #tpu.memory_space<vmem_shared>>
    %dma_start3A_582 = tpu.memref_slice %arg15[%dma_start3A_576] : memref<2x!tpu.dma_semaphore, #tpu.memory_space<semaphore_mem>> -> memref<1x!tpu.dma_semaphore, #tpu.memory_space<semaphore_mem>>
    %dma_start3A_583 = tpu.memref_squeeze %dma_start3A_582 : memref<1x!tpu.dma_semaphore, #tpu.memory_space<semaphore_mem>> -> memref<!tpu.dma_semaphore, #tpu.memory_space<semaphore_mem>>
    %dma_start3A_584 = arith.constant 0 : i32
    %dma_start3A_585 = tpu.memref_slice %arg13[%dma_start3A_574, %dma_start3A_575, %dma_start3A_584] : memref<16x2x640xf32, #tpu.memory_space<vmem>> -> memref<1x1x640xf32, #tpu.memory_space<vmem>>
    %dma_start3A_586 = tpu.memref_squeeze %dma_start3A_585 : memref<1x1x640xf32, #tpu.memory_space<vmem>> -> memref<640xf32, #tpu.memory_space<vmem>>
    %dma_start3A_587 = tpu.memref_slice %arg14[%dma_start3A_572, %dma_start3A_573, %mul3A_129] : memref<16x2x10000xf32, #tpu.memory_space<vmem_shared>> -> memref<1x1x640xf32, #tpu.memory_space<vmem_shared>>
    %dma_start3A_588 = tpu.memref_squeeze %dma_start3A_587 : memref<1x1x640xf32, #tpu.memory_space<vmem_shared>> -> memref<640xf32, #tpu.memory_space<vmem_shared>>
    tpu.enqueue_dma source(%dma_start3A_588 : memref<640xf32, #tpu.memory_space<vmem_shared>>) target(%dma_start3A_586 : memref<640xf32, #tpu.memory_space<vmem>>) target_semaphore(%dma_start3A_583 : memref<!tpu.dma_semaphore, #tpu.memory_space<semaphore_mem>>)
    %dma_start3A_589 = arith.constant 13 : i32
    %dma_start3A_590 = arith.constant 1 : i32
    %dma_start3A_591 = arith.constant 13 : i32
    %dma_start3A_592 = arith.constant 1 : i32
    %dma_start3A_593 = arith.constant 0 : i32
    %dma_start3A_594 = arith.constant 0 : i32
    %dma_start3A_595 = tpu.memref_slice %arg13[%dma_start3A_591, %dma_start3A_592, %dma_start3A_594] : memref<16x2x640xf32, #tpu.memory_space<vmem>> -> memref<1x1x640xf32, #tpu.memory_space<vmem>>
    %dma_start3A_596 = tpu.memref_squeeze %dma_start3A_595 : memref<1x1x640xf32, #tpu.memory_space<vmem>> -> memref<640xf32, #tpu.memory_space<vmem>>
    %dma_start3A_597 = tpu.memref_slice %arg14[%dma_start3A_589, %dma_start3A_590, %mul3A_129] : memref<16x2x10000xf32, #tpu.memory_space<vmem_shared>> -> memref<1x1x640xf32, #tpu.memory_space<vmem_shared>>
    %dma_start3A_598 = tpu.memref_squeeze %dma_start3A_597 : memref<1x1x640xf32, #tpu.memory_space<vmem_shared>> -> memref<640xf32, #tpu.memory_space<vmem_shared>>
    %dma_start3A_599 = tpu.memref_slice %arg15[%dma_start3A_593] : memref<2x!tpu.dma_semaphore, #tpu.memory_space<semaphore_mem>> -> memref<1x!tpu.dma_semaphore, #tpu.memory_space<semaphore_mem>>
    %dma_start3A_600 = tpu.memref_squeeze %dma_start3A_599 : memref<1x!tpu.dma_semaphore, #tpu.memory_space<semaphore_mem>> -> memref<!tpu.dma_semaphore, #tpu.memory_space<semaphore_mem>>
    %dma_start3A_601 = arith.constant 0 : i32
    %dma_start3A_602 = tpu.memref_slice %arg13[%dma_start3A_591, %dma_start3A_592, %dma_start3A_601] : memref<16x2x640xf32, #tpu.memory_space<vmem>> -> memref<1x1x640xf32, #tpu.memory_space<vmem>>
    %dma_start3A_603 = tpu.memref_squeeze %dma_start3A_602 : memref<1x1x640xf32, #tpu.memory_space<vmem>> -> memref<640xf32, #tpu.memory_space<vmem>>
    %dma_start3A_604 = tpu.memref_slice %arg14[%dma_start3A_589, %dma_start3A_590, %mul3A_129] : memref<16x2x10000xf32, #tpu.memory_space<vmem_shared>> -> memref<1x1x640xf32, #tpu.memory_space<vmem_shared>>
    %dma_start3A_605 = tpu.memref_squeeze %dma_start3A_604 : memref<1x1x640xf32, #tpu.memory_space<vmem_shared>> -> memref<640xf32, #tpu.memory_space<vmem_shared>>
    tpu.enqueue_dma source(%dma_start3A_605 : memref<640xf32, #tpu.memory_space<vmem_shared>>) target(%dma_start3A_603 : memref<640xf32, #tpu.memory_space<vmem>>) target_semaphore(%dma_start3A_600 : memref<!tpu.dma_semaphore, #tpu.memory_space<semaphore_mem>>)
    %dma_start3A_606 = arith.constant 14 : i32
    %dma_start3A_607 = arith.constant 0 : i32
    %dma_start3A_608 = arith.constant 14 : i32
    %dma_start3A_609 = arith.constant 0 : i32
    %dma_start3A_610 = arith.constant 0 : i32
    %dma_start3A_611 = arith.constant 0 : i32
    %dma_start3A_612 = tpu.memref_slice %arg13[%dma_start3A_608, %dma_start3A_609, %dma_start3A_611] : memref<16x2x640xf32, #tpu.memory_space<vmem>> -> memref<1x1x640xf32, #tpu.memory_space<vmem>>
    %dma_start3A_613 = tpu.memref_squeeze %dma_start3A_612 : memref<1x1x640xf32, #tpu.memory_space<vmem>> -> memref<640xf32, #tpu.memory_space<vmem>>
    %dma_start3A_614 = tpu.memref_slice %arg14[%dma_start3A_606, %dma_start3A_607, %mul3A_129] : memref<16x2x10000xf32, #tpu.memory_space<vmem_shared>> -> memref<1x1x640xf32, #tpu.memory_space<vmem_shared>>
    %dma_start3A_615 = tpu.memref_squeeze %dma_start3A_614 : memref<1x1x640xf32, #tpu.memory_space<vmem_shared>> -> memref<640xf32, #tpu.memory_space<vmem_shared>>
    %dma_start3A_616 = tpu.memref_slice %arg15[%dma_start3A_610] : memref<2x!tpu.dma_semaphore, #tpu.memory_space<semaphore_mem>> -> memref<1x!tpu.dma_semaphore, #tpu.memory_space<semaphore_mem>>
    %dma_start3A_617 = tpu.memref_squeeze %dma_start3A_616 : memref<1x!tpu.dma_semaphore, #tpu.memory_space<semaphore_mem>> -> memref<!tpu.dma_semaphore, #tpu.memory_space<semaphore_mem>>
    %dma_start3A_618 = arith.constant 0 : i32
    %dma_start3A_619 = tpu.memref_slice %arg13[%dma_start3A_608, %dma_start3A_609, %dma_start3A_618] : memref<16x2x640xf32, #tpu.memory_space<vmem>> -> memref<1x1x640xf32, #tpu.memory_space<vmem>>
    %dma_start3A_620 = tpu.memref_squeeze %dma_start3A_619 : memref<1x1x640xf32, #tpu.memory_space<vmem>> -> memref<640xf32, #tpu.memory_space<vmem>>
    %dma_start3A_621 = tpu.memref_slice %arg14[%dma_start3A_606, %dma_start3A_607, %mul3A_129] : memref<16x2x10000xf32, #tpu.memory_space<vmem_shared>> -> memref<1x1x640xf32, #tpu.memory_space<vmem_shared>>
    %dma_start3A_622 = tpu.memref_squeeze %dma_start3A_621 : memref<1x1x640xf32, #tpu.memory_space<vmem_shared>> -> memref<640xf32, #tpu.memory_space<vmem_shared>>
    tpu.enqueue_dma source(%dma_start3A_622 : memref<640xf32, #tpu.memory_space<vmem_shared>>) target(%dma_start3A_620 : memref<640xf32, #tpu.memory_space<vmem>>) target_semaphore(%dma_start3A_617 : memref<!tpu.dma_semaphore, #tpu.memory_space<semaphore_mem>>)
    %dma_start3A_623 = arith.constant 14 : i32
    %dma_start3A_624 = arith.constant 1 : i32
    %dma_start3A_625 = arith.constant 14 : i32
    %dma_start3A_626 = arith.constant 1 : i32
    %dma_start3A_627 = arith.constant 0 : i32
    %dma_start3A_628 = arith.constant 0 : i32
    %dma_start3A_629 = tpu.memref_slice %arg13[%dma_start3A_625, %dma_start3A_626, %dma_start3A_628] : memref<16x2x640xf32, #tpu.memory_space<vmem>> -> memref<1x1x640xf32, #tpu.memory_space<vmem>>
    %dma_start3A_630 = tpu.memref_squeeze %dma_start3A_629 : memref<1x1x640xf32, #tpu.memory_space<vmem>> -> memref<640xf32, #tpu.memory_space<vmem>>
    %dma_start3A_631 = tpu.memref_slice %arg14[%dma_start3A_623, %dma_start3A_624, %mul3A_129] : memref<16x2x10000xf32, #tpu.memory_space<vmem_shared>> -> memref<1x1x640xf32, #tpu.memory_space<vmem_shared>>
    %dma_start3A_632 = tpu.memref_squeeze %dma_start3A_631 : memref<1x1x640xf32, #tpu.memory_space<vmem_shared>> -> memref<640xf32, #tpu.memory_space<vmem_shared>>
    %dma_start3A_633 = tpu.memref_slice %arg15[%dma_start3A_627] : memref<2x!tpu.dma_semaphore, #tpu.memory_space<semaphore_mem>> -> memref<1x!tpu.dma_semaphore, #tpu.memory_space<semaphore_mem>>
    %dma_start3A_634 = tpu.memref_squeeze %dma_start3A_633 : memref<1x!tpu.dma_semaphore, #tpu.memory_space<semaphore_mem>> -> memref<!tpu.dma_semaphore, #tpu.memory_space<semaphore_mem>>
    %dma_start3A_635 = arith.constant 0 : i32
    %dma_start3A_636 = tpu.memref_slice %arg13[%dma_start3A_625, %dma_start3A_626, %dma_start3A_635] : memref<16x2x640xf32, #tpu.memory_space<vmem>> -> memref<1x1x640xf32, #tpu.memory_space<vmem>>
    %dma_start3A_637 = tpu.memref_squeeze %dma_start3A_636 : memref<1x1x640xf32, #tpu.memory_space<vmem>> -> memref<640xf32, #tpu.memory_space<vmem>>
    %dma_start3A_638 = tpu.memref_slice %arg14[%dma_start3A_623, %dma_start3A_624, %mul3A_129] : memref<16x2x10000xf32, #tpu.memory_space<vmem_shared>> -> memref<1x1x640xf32, #tpu.memory_space<vmem_shared>>
    %dma_start3A_639 = tpu.memref_squeeze %dma_start3A_638 : memref<1x1x640xf32, #tpu.memory_space<vmem_shared>> -> memref<640xf32, #tpu.memory_space<vmem_shared>>
    tpu.enqueue_dma source(%dma_start3A_639 : memref<640xf32, #tpu.memory_space<vmem_shared>>) target(%dma_start3A_637 : memref<640xf32, #tpu.memory_space<vmem>>) target_semaphore(%dma_start3A_634 : memref<!tpu.dma_semaphore, #tpu.memory_space<semaphore_mem>>)
    %dma_start3A_640 = arith.constant 15 : i32
    %dma_start3A_641 = arith.constant 0 : i32
    %dma_start3A_642 = arith.constant 15 : i32
    %dma_start3A_643 = arith.constant 0 : i32
    %dma_start3A_644 = arith.constant 0 : i32
    %dma_start3A_645 = arith.constant 0 : i32
    %dma_start3A_646 = tpu.memref_slice %arg13[%dma_start3A_642, %dma_start3A_643, %dma_start3A_645] : memref<16x2x640xf32, #tpu.memory_space<vmem>> -> memref<1x1x640xf32, #tpu.memory_space<vmem>>
    %dma_start3A_647 = tpu.memref_squeeze %dma_start3A_646 : memref<1x1x640xf32, #tpu.memory_space<vmem>> -> memref<640xf32, #tpu.memory_space<vmem>>
    %dma_start3A_648 = tpu.memref_slice %arg14[%dma_start3A_640, %dma_start3A_641, %mul3A_129] : memref<16x2x10000xf32, #tpu.memory_space<vmem_shared>> -> memref<1x1x640xf32, #tpu.memory_space<vmem_shared>>
    %dma_start3A_649 = tpu.memref_squeeze %dma_start3A_648 : memref<1x1x640xf32, #tpu.memory_space<vmem_shared>> -> memref<640xf32, #tpu.memory_space<vmem_shared>>
    %dma_start3A_650 = tpu.memref_slice %arg15[%dma_start3A_644] : memref<2x!tpu.dma_semaphore, #tpu.memory_space<semaphore_mem>> -> memref<1x!tpu.dma_semaphore, #tpu.memory_space<semaphore_mem>>
    %dma_start3A_651 = tpu.memref_squeeze %dma_start3A_650 : memref<1x!tpu.dma_semaphore, #tpu.memory_space<semaphore_mem>> -> memref<!tpu.dma_semaphore, #tpu.memory_space<semaphore_mem>>
    %dma_start3A_652 = arith.constant 0 : i32
    %dma_start3A_653 = tpu.memref_slice %arg13[%dma_start3A_642, %dma_start3A_643, %dma_start3A_652] : memref<16x2x640xf32, #tpu.memory_space<vmem>> -> memref<1x1x640xf32, #tpu.memory_space<vmem>>
    %dma_start3A_654 = tpu.memref_squeeze %dma_start3A_653 : memref<1x1x640xf32, #tpu.memory_space<vmem>> -> memref<640xf32, #tpu.memory_space<vmem>>
    %dma_start3A_655 = tpu.memref_slice %arg14[%dma_start3A_640, %dma_start3A_641, %mul3A_129] : memref<16x2x10000xf32, #tpu.memory_space<vmem_shared>> -> memref<1x1x640xf32, #tpu.memory_space<vmem_shared>>
    %dma_start3A_656 = tpu.memref_squeeze %dma_start3A_655 : memref<1x1x640xf32, #tpu.memory_space<vmem_shared>> -> memref<640xf32, #tpu.memory_space<vmem_shared>>
    tpu.enqueue_dma source(%dma_start3A_656 : memref<640xf32, #tpu.memory_space<vmem_shared>>) target(%dma_start3A_654 : memref<640xf32, #tpu.memory_space<vmem>>) target_semaphore(%dma_start3A_651 : memref<!tpu.dma_semaphore, #tpu.memory_space<semaphore_mem>>)
    %dma_start3A_657 = arith.constant 15 : i32
    %dma_start3A_658 = arith.constant 1 : i32
    %dma_start3A_659 = arith.constant 15 : i32
    %dma_start3A_660 = arith.constant 1 : i32
    %dma_start3A_661 = arith.constant 0 : i32
    %dma_start3A_662 = arith.constant 0 : i32
    %dma_start3A_663 = tpu.memref_slice %arg13[%dma_start3A_659, %dma_start3A_660, %dma_start3A_662] : memref<16x2x640xf32, #tpu.memory_space<vmem>> -> memref<1x1x640xf32, #tpu.memory_space<vmem>>
    %dma_start3A_664 = tpu.memref_squeeze %dma_start3A_663 : memref<1x1x640xf32, #tpu.memory_space<vmem>> -> memref<640xf32, #tpu.memory_space<vmem>>
    %dma_start3A_665 = tpu.memref_slice %arg14[%dma_start3A_657, %dma_start3A_658, %mul3A_129] : memref<16x2x10000xf32, #tpu.memory_space<vmem_shared>> -> memref<1x1x640xf32, #tpu.memory_space<vmem_shared>>
    %dma_start3A_666 = tpu.memref_squeeze %dma_start3A_665 : memref<1x1x640xf32, #tpu.memory_space<vmem_shared>> -> memref<640xf32, #tpu.memory_space<vmem_shared>>
    %dma_start3A_667 = tpu.memref_slice %arg15[%dma_start3A_661] : memref<2x!tpu.dma_semaphore, #tpu.memory_space<semaphore_mem>> -> memref<1x!tpu.dma_semaphore, #tpu.memory_space<semaphore_mem>>
    %dma_start3A_668 = tpu.memref_squeeze %dma_start3A_667 : memref<1x!tpu.dma_semaphore, #tpu.memory_space<semaphore_mem>> -> memref<!tpu.dma_semaphore, #tpu.memory_space<semaphore_mem>>
    %dma_start3A_669 = arith.constant 0 : i32
    %dma_start3A_670 = tpu.memref_slice %arg13[%dma_start3A_659, %dma_start3A_660, %dma_start3A_669] : memref<16x2x640xf32, #tpu.memory_space<vmem>> -> memref<1x1x640xf32, #tpu.memory_space<vmem>>
    %dma_start3A_671 = tpu.memref_squeeze %dma_start3A_670 : memref<1x1x640xf32, #tpu.memory_space<vmem>> -> memref<640xf32, #tpu.memory_space<vmem>>
    %dma_start3A_672 = tpu.memref_slice %arg14[%dma_start3A_657, %dma_start3A_658, %mul3A_129] : memref<16x2x10000xf32, #tpu.memory_space<vmem_shared>> -> memref<1x1x640xf32, #tpu.memory_space<vmem_shared>>
    %dma_start3A_673 = tpu.memref_squeeze %dma_start3A_672 : memref<1x1x640xf32, #tpu.memory_space<vmem_shared>> -> memref<640xf32, #tpu.memory_space<vmem_shared>>
    tpu.enqueue_dma source(%dma_start3A_673 : memref<640xf32, #tpu.memory_space<vmem_shared>>) target(%dma_start3A_671 : memref<640xf32, #tpu.memory_space<vmem>>) target_semaphore(%dma_start3A_668 : memref<!tpu.dma_semaphore, #tpu.memory_space<semaphore_mem>>)
    %dma_wait3A_674 = arith.constant 0 : i32
    %dma_wait3A_675 = arith.constant 0 : i32
    %dma_wait3A_676 = arith.constant 0 : i32
    %dma_wait3A_677 = arith.constant 0 : i32
    %dma_wait3A_678 = arith.constant 0 : i32
    %dma_wait3A_679 = arith.constant 0 : i32
    %dma_wait3A_680 = tpu.memref_slice %arg13[%dma_wait3A_676, %dma_wait3A_677, %dma_wait3A_679] : memref<16x2x640xf32, #tpu.memory_space<vmem>> -> memref<1x1x640xf32, #tpu.memory_space<vmem>>
    %dma_wait3A_681 = tpu.memref_squeeze %dma_wait3A_680 : memref<1x1x640xf32, #tpu.memory_space<vmem>> -> memref<640xf32, #tpu.memory_space<vmem>>
    %dma_wait3A_682 = tpu.memref_slice %arg14[%dma_wait3A_674, %dma_wait3A_675, %mul3A_129] : memref<16x2x10000xf32, #tpu.memory_space<vmem_shared>> -> memref<1x1x640xf32, #tpu.memory_space<vmem_shared>>
    %dma_wait3A_683 = tpu.memref_squeeze %dma_wait3A_682 : memref<1x1x640xf32, #tpu.memory_space<vmem_shared>> -> memref<640xf32, #tpu.memory_space<vmem_shared>>
    %dma_wait3A_684 = tpu.memref_slice %arg15[%dma_wait3A_678] : memref<2x!tpu.dma_semaphore, #tpu.memory_space<semaphore_mem>> -> memref<1x!tpu.dma_semaphore, #tpu.memory_space<semaphore_mem>>
    %dma_wait3A_685 = tpu.memref_squeeze %dma_wait3A_684 : memref<1x!tpu.dma_semaphore, #tpu.memory_space<semaphore_mem>> -> memref<!tpu.dma_semaphore, #tpu.memory_space<semaphore_mem>>
    %dma_wait3A_686 = arith.constant 0 : i32
    %dma_wait3A_687 = tpu.memref_slice %arg13[%dma_wait3A_676, %dma_wait3A_677, %dma_wait3A_686] : memref<16x2x640xf32, #tpu.memory_space<vmem>> -> memref<1x1x640xf32, #tpu.memory_space<vmem>>
    %dma_wait3A_688 = tpu.memref_squeeze %dma_wait3A_687 : memref<1x1x640xf32, #tpu.memory_space<vmem>> -> memref<640xf32, #tpu.memory_space<vmem>>
    %dma_wait3A_689 = tpu.memref_slice %arg14[%dma_wait3A_674, %dma_wait3A_675, %mul3A_129] : memref<16x2x10000xf32, #tpu.memory_space<vmem_shared>> -> memref<1x1x640xf32, #tpu.memory_space<vmem_shared>>
    %dma_wait3A_690 = tpu.memref_squeeze %dma_wait3A_689 : memref<1x1x640xf32, #tpu.memory_space<vmem_shared>> -> memref<640xf32, #tpu.memory_space<vmem_shared>>
    tpu.wait_dma2 semaphore(%dma_wait3A_685 : memref<!tpu.dma_semaphore, #tpu.memory_space<semaphore_mem>>) src(%dma_wait3A_690 : memref<640xf32, #tpu.memory_space<vmem_shared>>) dst(%dma_wait3A_688 : memref<640xf32, #tpu.memory_space<vmem>>)
    %dma_wait3A_691 = arith.constant 0 : i32
    %dma_wait3A_692 = arith.constant 1 : i32
    %dma_wait3A_693 = arith.constant 0 : i32
    %dma_wait3A_694 = arith.constant 1 : i32
    %dma_wait3A_695 = arith.constant 0 : i32
    %dma_wait3A_696 = arith.constant 0 : i32
    %dma_wait3A_697 = tpu.memref_slice %arg13[%dma_wait3A_693, %dma_wait3A_694, %dma_wait3A_696] : memref<16x2x640xf32, #tpu.memory_space<vmem>> -> memref<1x1x640xf32, #tpu.memory_space<vmem>>
    %dma_wait3A_698 = tpu.memref_squeeze %dma_wait3A_697 : memref<1x1x640xf32, #tpu.memory_space<vmem>> -> memref<640xf32, #tpu.memory_space<vmem>>
    %dma_wait3A_699 = tpu.memref_slice %arg14[%dma_wait3A_691, %dma_wait3A_692, %mul3A_129] : memref<16x2x10000xf32, #tpu.memory_space<vmem_shared>> -> memref<1x1x640xf32, #tpu.memory_space<vmem_shared>>
    %dma_wait3A_700 = tpu.memref_squeeze %dma_wait3A_699 : memref<1x1x640xf32, #tpu.memory_space<vmem_shared>> -> memref<640xf32, #tpu.memory_space<vmem_shared>>
    %dma_wait3A_701 = tpu.memref_slice %arg15[%dma_wait3A_695] : memref<2x!tpu.dma_semaphore, #tpu.memory_space<semaphore_mem>> -> memref<1x!tpu.dma_semaphore, #tpu.memory_space<semaphore_mem>>
    %dma_wait3A_702 = tpu.memref_squeeze %dma_wait3A_701 : memref<1x!tpu.dma_semaphore, #tpu.memory_space<semaphore_mem>> -> memref<!tpu.dma_semaphore, #tpu.memory_space<semaphore_mem>>
    %dma_wait3A_703 = arith.constant 0 : i32
    %dma_wait3A_704 = tpu.memref_slice %arg13[%dma_wait3A_693, %dma_wait3A_694, %dma_wait3A_703] : memref<16x2x640xf32, #tpu.memory_space<vmem>> -> memref<1x1x640xf32, #tpu.memory_space<vmem>>
    %dma_wait3A_705 = tpu.memref_squeeze %dma_wait3A_704 : memref<1x1x640xf32, #tpu.memory_space<vmem>> -> memref<640xf32, #tpu.memory_space<vmem>>
    %dma_wait3A_706 = tpu.memref_slice %arg14[%dma_wait3A_691, %dma_wait3A_692, %mul3A_129] : memref<16x2x10000xf32, #tpu.memory_space<vmem_shared>> -> memref<1x1x640xf32, #tpu.memory_space<vmem_shared>>
    %dma_wait3A_707 = tpu.memref_squeeze %dma_wait3A_706 : memref<1x1x640xf32, #tpu.memory_space<vmem_shared>> -> memref<640xf32, #tpu.memory_space<vmem_shared>>
    tpu.wait_dma2 semaphore(%dma_wait3A_702 : memref<!tpu.dma_semaphore, #tpu.memory_space<semaphore_mem>>) src(%dma_wait3A_707 : memref<640xf32, #tpu.memory_space<vmem_shared>>) dst(%dma_wait3A_705 : memref<640xf32, #tpu.memory_space<vmem>>)
    %dma_wait3A_708 = arith.constant 1 : i32
    %dma_wait3A_709 = arith.constant 0 : i32
    %dma_wait3A_710 = arith.constant 1 : i32
    %dma_wait3A_711 = arith.constant 0 : i32
    %dma_wait3A_712 = arith.constant 0 : i32
    %dma_wait3A_713 = arith.constant 0 : i32
    %dma_wait3A_714 = tpu.memref_slice %arg13[%dma_wait3A_710, %dma_wait3A_711, %dma_wait3A_713] : memref<16x2x640xf32, #tpu.memory_space<vmem>> -> memref<1x1x640xf32, #tpu.memory_space<vmem>>
    %dma_wait3A_715 = tpu.memref_squeeze %dma_wait3A_714 : memref<1x1x640xf32, #tpu.memory_space<vmem>> -> memref<640xf32, #tpu.memory_space<vmem>>
    %dma_wait3A_716 = tpu.memref_slice %arg14[%dma_wait3A_708, %dma_wait3A_709, %mul3A_129] : memref<16x2x10000xf32, #tpu.memory_space<vmem_shared>> -> memref<1x1x640xf32, #tpu.memory_space<vmem_shared>>
    %dma_wait3A_717 = tpu.memref_squeeze %dma_wait3A_716 : memref<1x1x640xf32, #tpu.memory_space<vmem_shared>> -> memref<640xf32, #tpu.memory_space<vmem_shared>>
    %dma_wait3A_718 = tpu.memref_slice %arg15[%dma_wait3A_712] : memref<2x!tpu.dma_semaphore, #tpu.memory_space<semaphore_mem>> -> memref<1x!tpu.dma_semaphore, #tpu.memory_space<semaphore_mem>>
    %dma_wait3A_719 = tpu.memref_squeeze %dma_wait3A_718 : memref<1x!tpu.dma_semaphore, #tpu.memory_space<semaphore_mem>> -> memref<!tpu.dma_semaphore, #tpu.memory_space<semaphore_mem>>
    %dma_wait3A_720 = arith.constant 0 : i32
    %dma_wait3A_721 = tpu.memref_slice %arg13[%dma_wait3A_710, %dma_wait3A_711, %dma_wait3A_720] : memref<16x2x640xf32, #tpu.memory_space<vmem>> -> memref<1x1x640xf32, #tpu.memory_space<vmem>>
    %dma_wait3A_722 = tpu.memref_squeeze %dma_wait3A_721 : memref<1x1x640xf32, #tpu.memory_space<vmem>> -> memref<640xf32, #tpu.memory_space<vmem>>
    %dma_wait3A_723 = tpu.memref_slice %arg14[%dma_wait3A_708, %dma_wait3A_709, %mul3A_129] : memref<16x2x10000xf32, #tpu.memory_space<vmem_shared>> -> memref<1x1x640xf32, #tpu.memory_space<vmem_shared>>
    %dma_wait3A_724 = tpu.memref_squeeze %dma_wait3A_723 : memref<1x1x640xf32, #tpu.memory_space<vmem_shared>> -> memref<640xf32, #tpu.memory_space<vmem_shared>>
    tpu.wait_dma2 semaphore(%dma_wait3A_719 : memref<!tpu.dma_semaphore, #tpu.memory_space<semaphore_mem>>) src(%dma_wait3A_724 : memref<640xf32, #tpu.memory_space<vmem_shared>>) dst(%dma_wait3A_722 : memref<640xf32, #tpu.memory_space<vmem>>)
    %dma_wait3A_725 = arith.constant 1 : i32
    %dma_wait3A_726 = arith.constant 1 : i32
    %dma_wait3A_727 = arith.constant 1 : i32
    %dma_wait3A_728 = arith.constant 1 : i32
    %dma_wait3A_729 = arith.constant 0 : i32
    %dma_wait3A_730 = arith.constant 0 : i32
    %dma_wait3A_731 = tpu.memref_slice %arg13[%dma_wait3A_727, %dma_wait3A_728, %dma_wait3A_730] : memref<16x2x640xf32, #tpu.memory_space<vmem>> -> memref<1x1x640xf32, #tpu.memory_space<vmem>>
    %dma_wait3A_732 = tpu.memref_squeeze %dma_wait3A_731 : memref<1x1x640xf32, #tpu.memory_space<vmem>> -> memref<640xf32, #tpu.memory_space<vmem>>
    %dma_wait3A_733 = tpu.memref_slice %arg14[%dma_wait3A_725, %dma_wait3A_726, %mul3A_129] : memref<16x2x10000xf32, #tpu.memory_space<vmem_shared>> -> memref<1x1x640xf32, #tpu.memory_space<vmem_shared>>
    %dma_wait3A_734 = tpu.memref_squeeze %dma_wait3A_733 : memref<1x1x640xf32, #tpu.memory_space<vmem_shared>> -> memref<640xf32, #tpu.memory_space<vmem_shared>>
    %dma_wait3A_735 = tpu.memref_slice %arg15[%dma_wait3A_729] : memref<2x!tpu.dma_semaphore, #tpu.memory_space<semaphore_mem>> -> memref<1x!tpu.dma_semaphore, #tpu.memory_space<semaphore_mem>>
    %dma_wait3A_736 = tpu.memref_squeeze %dma_wait3A_735 : memref<1x!tpu.dma_semaphore, #tpu.memory_space<semaphore_mem>> -> memref<!tpu.dma_semaphore, #tpu.memory_space<semaphore_mem>>
    %dma_wait3A_737 = arith.constant 0 : i32
    %dma_wait3A_738 = tpu.memref_slice %arg13[%dma_wait3A_727, %dma_wait3A_728, %dma_wait3A_737] : memref<16x2x640xf32, #tpu.memory_space<vmem>> -> memref<1x1x640xf32, #tpu.memory_space<vmem>>
    %dma_wait3A_739 = tpu.memref_squeeze %dma_wait3A_738 : memref<1x1x640xf32, #tpu.memory_space<vmem>> -> memref<640xf32, #tpu.memory_space<vmem>>
    %dma_wait3A_740 = tpu.memref_slice %arg14[%dma_wait3A_725, %dma_wait3A_726, %mul3A_129] : memref<16x2x10000xf32, #tpu.memory_space<vmem_shared>> -> memref<1x1x640xf32, #tpu.memory_space<vmem_shared>>
    %dma_wait3A_741 = tpu.memref_squeeze %dma_wait3A_740 : memref<1x1x640xf32, #tpu.memory_space<vmem_shared>> -> memref<640xf32, #tpu.memory_space<vmem_shared>>
    tpu.wait_dma2 semaphore(%dma_wait3A_736 : memref<!tpu.dma_semaphore, #tpu.memory_space<semaphore_mem>>) src(%dma_wait3A_741 : memref<640xf32, #tpu.memory_space<vmem_shared>>) dst(%dma_wait3A_739 : memref<640xf32, #tpu.memory_space<vmem>>)
    %dma_wait3A_742 = arith.constant 2 : i32
    %dma_wait3A_743 = arith.constant 0 : i32
    %dma_wait3A_744 = arith.constant 2 : i32
    %dma_wait3A_745 = arith.constant 0 : i32
    %dma_wait3A_746 = arith.constant 0 : i32
    %dma_wait3A_747 = arith.constant 0 : i32
    %dma_wait3A_748 = tpu.memref_slice %arg13[%dma_wait3A_744, %dma_wait3A_745, %dma_wait3A_747] : memref<16x2x640xf32, #tpu.memory_space<vmem>> -> memref<1x1x640xf32, #tpu.memory_space<vmem>>
    %dma_wait3A_749 = tpu.memref_squeeze %dma_wait3A_748 : memref<1x1x640xf32, #tpu.memory_space<vmem>> -> memref<640xf32, #tpu.memory_space<vmem>>
    %dma_wait3A_750 = tpu.memref_slice %arg14[%dma_wait3A_742, %dma_wait3A_743, %mul3A_129] : memref<16x2x10000xf32, #tpu.memory_space<vmem_shared>> -> memref<1x1x640xf32, #tpu.memory_space<vmem_shared>>
    %dma_wait3A_751 = tpu.memref_squeeze %dma_wait3A_750 : memref<1x1x640xf32, #tpu.memory_space<vmem_shared>> -> memref<640xf32, #tpu.memory_space<vmem_shared>>
    %dma_wait3A_752 = tpu.memref_slice %arg15[%dma_wait3A_746] : memref<2x!tpu.dma_semaphore, #tpu.memory_space<semaphore_mem>> -> memref<1x!tpu.dma_semaphore, #tpu.memory_space<semaphore_mem>>
    %dma_wait3A_753 = tpu.memref_squeeze %dma_wait3A_752 : memref<1x!tpu.dma_semaphore, #tpu.memory_space<semaphore_mem>> -> memref<!tpu.dma_semaphore, #tpu.memory_space<semaphore_mem>>
    %dma_wait3A_754 = arith.constant 0 : i32
    %dma_wait3A_755 = tpu.memref_slice %arg13[%dma_wait3A_744, %dma_wait3A_745, %dma_wait3A_754] : memref<16x2x640xf32, #tpu.memory_space<vmem>> -> memref<1x1x640xf32, #tpu.memory_space<vmem>>
    %dma_wait3A_756 = tpu.memref_squeeze %dma_wait3A_755 : memref<1x1x640xf32, #tpu.memory_space<vmem>> -> memref<640xf32, #tpu.memory_space<vmem>>
    %dma_wait3A_757 = tpu.memref_slice %arg14[%dma_wait3A_742, %dma_wait3A_743, %mul3A_129] : memref<16x2x10000xf32, #tpu.memory_space<vmem_shared>> -> memref<1x1x640xf32, #tpu.memory_space<vmem_shared>>
    %dma_wait3A_758 = tpu.memref_squeeze %dma_wait3A_757 : memref<1x1x640xf32, #tpu.memory_space<vmem_shared>> -> memref<640xf32, #tpu.memory_space<vmem_shared>>
    tpu.wait_dma2 semaphore(%dma_wait3A_753 : memref<!tpu.dma_semaphore, #tpu.memory_space<semaphore_mem>>) src(%dma_wait3A_758 : memref<640xf32, #tpu.memory_space<vmem_shared>>) dst(%dma_wait3A_756 : memref<640xf32, #tpu.memory_space<vmem>>)
    %dma_wait3A_759 = arith.constant 2 : i32
    %dma_wait3A_760 = arith.constant 1 : i32
    %dma_wait3A_761 = arith.constant 2 : i32
    %dma_wait3A_762 = arith.constant 1 : i32
    %dma_wait3A_763 = arith.constant 0 : i32
    %dma_wait3A_764 = arith.constant 0 : i32
    %dma_wait3A_765 = tpu.memref_slice %arg13[%dma_wait3A_761, %dma_wait3A_762, %dma_wait3A_764] : memref<16x2x640xf32, #tpu.memory_space<vmem>> -> memref<1x1x640xf32, #tpu.memory_space<vmem>>
    %dma_wait3A_766 = tpu.memref_squeeze %dma_wait3A_765 : memref<1x1x640xf32, #tpu.memory_space<vmem>> -> memref<640xf32, #tpu.memory_space<vmem>>
    %dma_wait3A_767 = tpu.memref_slice %arg14[%dma_wait3A_759, %dma_wait3A_760, %mul3A_129] : memref<16x2x10000xf32, #tpu.memory_space<vmem_shared>> -> memref<1x1x640xf32, #tpu.memory_space<vmem_shared>>
    %dma_wait3A_768 = tpu.memref_squeeze %dma_wait3A_767 : memref<1x1x640xf32, #tpu.memory_space<vmem_shared>> -> memref<640xf32, #tpu.memory_space<vmem_shared>>
    %dma_wait3A_769 = tpu.memref_slice %arg15[%dma_wait3A_763] : memref<2x!tpu.dma_semaphore, #tpu.memory_space<semaphore_mem>> -> memref<1x!tpu.dma_semaphore, #tpu.memory_space<semaphore_mem>>
    %dma_wait3A_770 = tpu.memref_squeeze %dma_wait3A_769 : memref<1x!tpu.dma_semaphore, #tpu.memory_space<semaphore_mem>> -> memref<!tpu.dma_semaphore, #tpu.memory_space<semaphore_mem>>
    %dma_wait3A_771 = arith.constant 0 : i32
    %dma_wait3A_772 = tpu.memref_slice %arg13[%dma_wait3A_761, %dma_wait3A_762, %dma_wait3A_771] : memref<16x2x640xf32, #tpu.memory_space<vmem>> -> memref<1x1x640xf32, #tpu.memory_space<vmem>>
    %dma_wait3A_773 = tpu.memref_squeeze %dma_wait3A_772 : memref<1x1x640xf32, #tpu.memory_space<vmem>> -> memref<640xf32, #tpu.memory_space<vmem>>
    %dma_wait3A_774 = tpu.memref_slice %arg14[%dma_wait3A_759, %dma_wait3A_760, %mul3A_129] : memref<16x2x10000xf32, #tpu.memory_space<vmem_shared>> -> memref<1x1x640xf32, #tpu.memory_space<vmem_shared>>
    %dma_wait3A_775 = tpu.memref_squeeze %dma_wait3A_774 : memref<1x1x640xf32, #tpu.memory_space<vmem_shared>> -> memref<640xf32, #tpu.memory_space<vmem_shared>>
    tpu.wait_dma2 semaphore(%dma_wait3A_770 : memref<!tpu.dma_semaphore, #tpu.memory_space<semaphore_mem>>) src(%dma_wait3A_775 : memref<640xf32, #tpu.memory_space<vmem_shared>>) dst(%dma_wait3A_773 : memref<640xf32, #tpu.memory_space<vmem>>)
    %dma_wait3A_776 = arith.constant 3 : i32
    %dma_wait3A_777 = arith.constant 0 : i32
    %dma_wait3A_778 = arith.constant 3 : i32
    %dma_wait3A_779 = arith.constant 0 : i32
    %dma_wait3A_780 = arith.constant 0 : i32
    %dma_wait3A_781 = arith.constant 0 : i32
    %dma_wait3A_782 = tpu.memref_slice %arg13[%dma_wait3A_778, %dma_wait3A_779, %dma_wait3A_781] : memref<16x2x640xf32, #tpu.memory_space<vmem>> -> memref<1x1x640xf32, #tpu.memory_space<vmem>>
    %dma_wait3A_783 = tpu.memref_squeeze %dma_wait3A_782 : memref<1x1x640xf32, #tpu.memory_space<vmem>> -> memref<640xf32, #tpu.memory_space<vmem>>
    %dma_wait3A_784 = tpu.memref_slice %arg14[%dma_wait3A_776, %dma_wait3A_777, %mul3A_129] : memref<16x2x10000xf32, #tpu.memory_space<vmem_shared>> -> memref<1x1x640xf32, #tpu.memory_space<vmem_shared>>
    %dma_wait3A_785 = tpu.memref_squeeze %dma_wait3A_784 : memref<1x1x640xf32, #tpu.memory_space<vmem_shared>> -> memref<640xf32, #tpu.memory_space<vmem_shared>>
    %dma_wait3A_786 = tpu.memref_slice %arg15[%dma_wait3A_780] : memref<2x!tpu.dma_semaphore, #tpu.memory_space<semaphore_mem>> -> memref<1x!tpu.dma_semaphore, #tpu.memory_space<semaphore_mem>>
    %dma_wait3A_787 = tpu.memref_squeeze %dma_wait3A_786 : memref<1x!tpu.dma_semaphore, #tpu.memory_space<semaphore_mem>> -> memref<!tpu.dma_semaphore, #tpu.memory_space<semaphore_mem>>
    %dma_wait3A_788 = arith.constant 0 : i32
    %dma_wait3A_789 = tpu.memref_slice %arg13[%dma_wait3A_778, %dma_wait3A_779, %dma_wait3A_788] : memref<16x2x640xf32, #tpu.memory_space<vmem>> -> memref<1x1x640xf32, #tpu.memory_space<vmem>>
    %dma_wait3A_790 = tpu.memref_squeeze %dma_wait3A_789 : memref<1x1x640xf32, #tpu.memory_space<vmem>> -> memref<640xf32, #tpu.memory_space<vmem>>
    %dma_wait3A_791 = tpu.memref_slice %arg14[%dma_wait3A_776, %dma_wait3A_777, %mul3A_129] : memref<16x2x10000xf32, #tpu.memory_space<vmem_shared>> -> memref<1x1x640xf32, #tpu.memory_space<vmem_shared>>
    %dma_wait3A_792 = tpu.memref_squeeze %dma_wait3A_791 : memref<1x1x640xf32, #tpu.memory_space<vmem_shared>> -> memref<640xf32, #tpu.memory_space<vmem_shared>>
    tpu.wait_dma2 semaphore(%dma_wait3A_787 : memref<!tpu.dma_semaphore, #tpu.memory_space<semaphore_mem>>) src(%dma_wait3A_792 : memref<640xf32, #tpu.memory_space<vmem_shared>>) dst(%dma_wait3A_790 : memref<640xf32, #tpu.memory_space<vmem>>)
    %dma_wait3A_793 = arith.constant 3 : i32
    %dma_wait3A_794 = arith.constant 1 : i32
    %dma_wait3A_795 = arith.constant 3 : i32
    %dma_wait3A_796 = arith.constant 1 : i32
    %dma_wait3A_797 = arith.constant 0 : i32
    %dma_wait3A_798 = arith.constant 0 : i32
    %dma_wait3A_799 = tpu.memref_slice %arg13[%dma_wait3A_795, %dma_wait3A_796, %dma_wait3A_798] : memref<16x2x640xf32, #tpu.memory_space<vmem>> -> memref<1x1x640xf32, #tpu.memory_space<vmem>>
    %dma_wait3A_800 = tpu.memref_squeeze %dma_wait3A_799 : memref<1x1x640xf32, #tpu.memory_space<vmem>> -> memref<640xf32, #tpu.memory_space<vmem>>
    %dma_wait3A_801 = tpu.memref_slice %arg14[%dma_wait3A_793, %dma_wait3A_794, %mul3A_129] : memref<16x2x10000xf32, #tpu.memory_space<vmem_shared>> -> memref<1x1x640xf32, #tpu.memory_space<vmem_shared>>
    %dma_wait3A_802 = tpu.memref_squeeze %dma_wait3A_801 : memref<1x1x640xf32, #tpu.memory_space<vmem_shared>> -> memref<640xf32, #tpu.memory_space<vmem_shared>>
    %dma_wait3A_803 = tpu.memref_slice %arg15[%dma_wait3A_797] : memref<2x!tpu.dma_semaphore, #tpu.memory_space<semaphore_mem>> -> memref<1x!tpu.dma_semaphore, #tpu.memory_space<semaphore_mem>>
    %dma_wait3A_804 = tpu.memref_squeeze %dma_wait3A_803 : memref<1x!tpu.dma_semaphore, #tpu.memory_space<semaphore_mem>> -> memref<!tpu.dma_semaphore, #tpu.memory_space<semaphore_mem>>
    %dma_wait3A_805 = arith.constant 0 : i32
    %dma_wait3A_806 = tpu.memref_slice %arg13[%dma_wait3A_795, %dma_wait3A_796, %dma_wait3A_805] : memref<16x2x640xf32, #tpu.memory_space<vmem>> -> memref<1x1x640xf32, #tpu.memory_space<vmem>>
    %dma_wait3A_807 = tpu.memref_squeeze %dma_wait3A_806 : memref<1x1x640xf32, #tpu.memory_space<vmem>> -> memref<640xf32, #tpu.memory_space<vmem>>
    %dma_wait3A_808 = tpu.memref_slice %arg14[%dma_wait3A_793, %dma_wait3A_794, %mul3A_129] : memref<16x2x10000xf32, #tpu.memory_space<vmem_shared>> -> memref<1x1x640xf32, #tpu.memory_space<vmem_shared>>
    %dma_wait3A_809 = tpu.memref_squeeze %dma_wait3A_808 : memref<1x1x640xf32, #tpu.memory_space<vmem_shared>> -> memref<640xf32, #tpu.memory_space<vmem_shared>>
    tpu.wait_dma2 semaphore(%dma_wait3A_804 : memref<!tpu.dma_semaphore, #tpu.memory_space<semaphore_mem>>) src(%dma_wait3A_809 : memref<640xf32, #tpu.memory_space<vmem_shared>>) dst(%dma_wait3A_807 : memref<640xf32, #tpu.memory_space<vmem>>)
    %dma_wait3A_810 = arith.constant 4 : i32
    %dma_wait3A_811 = arith.constant 0 : i32
    %dma_wait3A_812 = arith.constant 4 : i32
    %dma_wait3A_813 = arith.constant 0 : i32
    %dma_wait3A_814 = arith.constant 0 : i32
    %dma_wait3A_815 = arith.constant 0 : i32
    %dma_wait3A_816 = tpu.memref_slice %arg13[%dma_wait3A_812, %dma_wait3A_813, %dma_wait3A_815] : memref<16x2x640xf32, #tpu.memory_space<vmem>> -> memref<1x1x640xf32, #tpu.memory_space<vmem>>
    %dma_wait3A_817 = tpu.memref_squeeze %dma_wait3A_816 : memref<1x1x640xf32, #tpu.memory_space<vmem>> -> memref<640xf32, #tpu.memory_space<vmem>>
    %dma_wait3A_818 = tpu.memref_slice %arg14[%dma_wait3A_810, %dma_wait3A_811, %mul3A_129] : memref<16x2x10000xf32, #tpu.memory_space<vmem_shared>> -> memref<1x1x640xf32, #tpu.memory_space<vmem_shared>>
    %dma_wait3A_819 = tpu.memref_squeeze %dma_wait3A_818 : memref<1x1x640xf32, #tpu.memory_space<vmem_shared>> -> memref<640xf32, #tpu.memory_space<vmem_shared>>
    %dma_wait3A_820 = tpu.memref_slice %arg15[%dma_wait3A_814] : memref<2x!tpu.dma_semaphore, #tpu.memory_space<semaphore_mem>> -> memref<1x!tpu.dma_semaphore, #tpu.memory_space<semaphore_mem>>
    %dma_wait3A_821 = tpu.memref_squeeze %dma_wait3A_820 : memref<1x!tpu.dma_semaphore, #tpu.memory_space<semaphore_mem>> -> memref<!tpu.dma_semaphore, #tpu.memory_space<semaphore_mem>>
    %dma_wait3A_822 = arith.constant 0 : i32
    %dma_wait3A_823 = tpu.memref_slice %arg13[%dma_wait3A_812, %dma_wait3A_813, %dma_wait3A_822] : memref<16x2x640xf32, #tpu.memory_space<vmem>> -> memref<1x1x640xf32, #tpu.memory_space<vmem>>
    %dma_wait3A_824 = tpu.memref_squeeze %dma_wait3A_823 : memref<1x1x640xf32, #tpu.memory_space<vmem>> -> memref<640xf32, #tpu.memory_space<vmem>>
    %dma_wait3A_825 = tpu.memref_slice %arg14[%dma_wait3A_810, %dma_wait3A_811, %mul3A_129] : memref<16x2x10000xf32, #tpu.memory_space<vmem_shared>> -> memref<1x1x640xf32, #tpu.memory_space<vmem_shared>>
    %dma_wait3A_826 = tpu.memref_squeeze %dma_wait3A_825 : memref<1x1x640xf32, #tpu.memory_space<vmem_shared>> -> memref<640xf32, #tpu.memory_space<vmem_shared>>
    tpu.wait_dma2 semaphore(%dma_wait3A_821 : memref<!tpu.dma_semaphore, #tpu.memory_space<semaphore_mem>>) src(%dma_wait3A_826 : memref<640xf32, #tpu.memory_space<vmem_shared>>) dst(%dma_wait3A_824 : memref<640xf32, #tpu.memory_space<vmem>>)
    %dma_wait3A_827 = arith.constant 4 : i32
    %dma_wait3A_828 = arith.constant 1 : i32
    %dma_wait3A_829 = arith.constant 4 : i32
    %dma_wait3A_830 = arith.constant 1 : i32
    %dma_wait3A_831 = arith.constant 0 : i32
    %dma_wait3A_832 = arith.constant 0 : i32
    %dma_wait3A_833 = tpu.memref_slice %arg13[%dma_wait3A_829, %dma_wait3A_830, %dma_wait3A_832] : memref<16x2x640xf32, #tpu.memory_space<vmem>> -> memref<1x1x640xf32, #tpu.memory_space<vmem>>
    %dma_wait3A_834 = tpu.memref_squeeze %dma_wait3A_833 : memref<1x1x640xf32, #tpu.memory_space<vmem>> -> memref<640xf32, #tpu.memory_space<vmem>>
    %dma_wait3A_835 = tpu.memref_slice %arg14[%dma_wait3A_827, %dma_wait3A_828, %mul3A_129] : memref<16x2x10000xf32, #tpu.memory_space<vmem_shared>> -> memref<1x1x640xf32, #tpu.memory_space<vmem_shared>>
    %dma_wait3A_836 = tpu.memref_squeeze %dma_wait3A_835 : memref<1x1x640xf32, #tpu.memory_space<vmem_shared>> -> memref<640xf32, #tpu.memory_space<vmem_shared>>
    %dma_wait3A_837 = tpu.memref_slice %arg15[%dma_wait3A_831] : memref<2x!tpu.dma_semaphore, #tpu.memory_space<semaphore_mem>> -> memref<1x!tpu.dma_semaphore, #tpu.memory_space<semaphore_mem>>
    %dma_wait3A_838 = tpu.memref_squeeze %dma_wait3A_837 : memref<1x!tpu.dma_semaphore, #tpu.memory_space<semaphore_mem>> -> memref<!tpu.dma_semaphore, #tpu.memory_space<semaphore_mem>>
    %dma_wait3A_839 = arith.constant 0 : i32
    %dma_wait3A_840 = tpu.memref_slice %arg13[%dma_wait3A_829, %dma_wait3A_830, %dma_wait3A_839] : memref<16x2x640xf32, #tpu.memory_space<vmem>> -> memref<1x1x640xf32, #tpu.memory_space<vmem>>
    %dma_wait3A_841 = tpu.memref_squeeze %dma_wait3A_840 : memref<1x1x640xf32, #tpu.memory_space<vmem>> -> memref<640xf32, #tpu.memory_space<vmem>>
    %dma_wait3A_842 = tpu.memref_slice %arg14[%dma_wait3A_827, %dma_wait3A_828, %mul3A_129] : memref<16x2x10000xf32, #tpu.memory_space<vmem_shared>> -> memref<1x1x640xf32, #tpu.memory_space<vmem_shared>>
    %dma_wait3A_843 = tpu.memref_squeeze %dma_wait3A_842 : memref<1x1x640xf32, #tpu.memory_space<vmem_shared>> -> memref<640xf32, #tpu.memory_space<vmem_shared>>
    tpu.wait_dma2 semaphore(%dma_wait3A_838 : memref<!tpu.dma_semaphore, #tpu.memory_space<semaphore_mem>>) src(%dma_wait3A_843 : memref<640xf32, #tpu.memory_space<vmem_shared>>) dst(%dma_wait3A_841 : memref<640xf32, #tpu.memory_space<vmem>>)
    %dma_wait3A_844 = arith.constant 5 : i32
    %dma_wait3A_845 = arith.constant 0 : i32
    %dma_wait3A_846 = arith.constant 5 : i32
    %dma_wait3A_847 = arith.constant 0 : i32
    %dma_wait3A_848 = arith.constant 0 : i32
    %dma_wait3A_849 = arith.constant 0 : i32
    %dma_wait3A_850 = tpu.memref_slice %arg13[%dma_wait3A_846, %dma_wait3A_847, %dma_wait3A_849] : memref<16x2x640xf32, #tpu.memory_space<vmem>> -> memref<1x1x640xf32, #tpu.memory_space<vmem>>
    %dma_wait3A_851 = tpu.memref_squeeze %dma_wait3A_850 : memref<1x1x640xf32, #tpu.memory_space<vmem>> -> memref<640xf32, #tpu.memory_space<vmem>>
    %dma_wait3A_852 = tpu.memref_slice %arg14[%dma_wait3A_844, %dma_wait3A_845, %mul3A_129] : memref<16x2x10000xf32, #tpu.memory_space<vmem_shared>> -> memref<1x1x640xf32, #tpu.memory_space<vmem_shared>>
    %dma_wait3A_853 = tpu.memref_squeeze %dma_wait3A_852 : memref<1x1x640xf32, #tpu.memory_space<vmem_shared>> -> memref<640xf32, #tpu.memory_space<vmem_shared>>
    %dma_wait3A_854 = tpu.memref_slice %arg15[%dma_wait3A_848] : memref<2x!tpu.dma_semaphore, #tpu.memory_space<semaphore_mem>> -> memref<1x!tpu.dma_semaphore, #tpu.memory_space<semaphore_mem>>
    %dma_wait3A_855 = tpu.memref_squeeze %dma_wait3A_854 : memref<1x!tpu.dma_semaphore, #tpu.memory_space<semaphore_mem>> -> memref<!tpu.dma_semaphore, #tpu.memory_space<semaphore_mem>>
    %dma_wait3A_856 = arith.constant 0 : i32
    %dma_wait3A_857 = tpu.memref_slice %arg13[%dma_wait3A_846, %dma_wait3A_847, %dma_wait3A_856] : memref<16x2x640xf32, #tpu.memory_space<vmem>> -> memref<1x1x640xf32, #tpu.memory_space<vmem>>
    %dma_wait3A_858 = tpu.memref_squeeze %dma_wait3A_857 : memref<1x1x640xf32, #tpu.memory_space<vmem>> -> memref<640xf32, #tpu.memory_space<vmem>>
    %dma_wait3A_859 = tpu.memref_slice %arg14[%dma_wait3A_844, %dma_wait3A_845, %mul3A_129] : memref<16x2x10000xf32, #tpu.memory_space<vmem_shared>> -> memref<1x1x640xf32, #tpu.memory_space<vmem_shared>>
    %dma_wait3A_860 = tpu.memref_squeeze %dma_wait3A_859 : memref<1x1x640xf32, #tpu.memory_space<vmem_shared>> -> memref<640xf32, #tpu.memory_space<vmem_shared>>
    tpu.wait_dma2 semaphore(%dma_wait3A_855 : memref<!tpu.dma_semaphore, #tpu.memory_space<semaphore_mem>>) src(%dma_wait3A_860 : memref<640xf32, #tpu.memory_space<vmem_shared>>) dst(%dma_wait3A_858 : memref<640xf32, #tpu.memory_space<vmem>>)
    %dma_wait3A_861 = arith.constant 5 : i32
    %dma_wait3A_862 = arith.constant 1 : i32
    %dma_wait3A_863 = arith.constant 5 : i32
    %dma_wait3A_864 = arith.constant 1 : i32
    %dma_wait3A_865 = arith.constant 0 : i32
    %dma_wait3A_866 = arith.constant 0 : i32
    %dma_wait3A_867 = tpu.memref_slice %arg13[%dma_wait3A_863, %dma_wait3A_864, %dma_wait3A_866] : memref<16x2x640xf32, #tpu.memory_space<vmem>> -> memref<1x1x640xf32, #tpu.memory_space<vmem>>
    %dma_wait3A_868 = tpu.memref_squeeze %dma_wait3A_867 : memref<1x1x640xf32, #tpu.memory_space<vmem>> -> memref<640xf32, #tpu.memory_space<vmem>>
    %dma_wait3A_869 = tpu.memref_slice %arg14[%dma_wait3A_861, %dma_wait3A_862, %mul3A_129] : memref<16x2x10000xf32, #tpu.memory_space<vmem_shared>> -> memref<1x1x640xf32, #tpu.memory_space<vmem_shared>>
    %dma_wait3A_870 = tpu.memref_squeeze %dma_wait3A_869 : memref<1x1x640xf32, #tpu.memory_space<vmem_shared>> -> memref<640xf32, #tpu.memory_space<vmem_shared>>
    %dma_wait3A_871 = tpu.memref_slice %arg15[%dma_wait3A_865] : memref<2x!tpu.dma_semaphore, #tpu.memory_space<semaphore_mem>> -> memref<1x!tpu.dma_semaphore, #tpu.memory_space<semaphore_mem>>
    %dma_wait3A_872 = tpu.memref_squeeze %dma_wait3A_871 : memref<1x!tpu.dma_semaphore, #tpu.memory_space<semaphore_mem>> -> memref<!tpu.dma_semaphore, #tpu.memory_space<semaphore_mem>>
    %dma_wait3A_873 = arith.constant 0 : i32
    %dma_wait3A_874 = tpu.memref_slice %arg13[%dma_wait3A_863, %dma_wait3A_864, %dma_wait3A_873] : memref<16x2x640xf32, #tpu.memory_space<vmem>> -> memref<1x1x640xf32, #tpu.memory_space<vmem>>
    %dma_wait3A_875 = tpu.memref_squeeze %dma_wait3A_874 : memref<1x1x640xf32, #tpu.memory_space<vmem>> -> memref<640xf32, #tpu.memory_space<vmem>>
    %dma_wait3A_876 = tpu.memref_slice %arg14[%dma_wait3A_861, %dma_wait3A_862, %mul3A_129] : memref<16x2x10000xf32, #tpu.memory_space<vmem_shared>> -> memref<1x1x640xf32, #tpu.memory_space<vmem_shared>>
    %dma_wait3A_877 = tpu.memref_squeeze %dma_wait3A_876 : memref<1x1x640xf32, #tpu.memory_space<vmem_shared>> -> memref<640xf32, #tpu.memory_space<vmem_shared>>
    tpu.wait_dma2 semaphore(%dma_wait3A_872 : memref<!tpu.dma_semaphore, #tpu.memory_space<semaphore_mem>>) src(%dma_wait3A_877 : memref<640xf32, #tpu.memory_space<vmem_shared>>) dst(%dma_wait3A_875 : memref<640xf32, #tpu.memory_space<vmem>>)
    %dma_wait3A_878 = arith.constant 6 : i32
    %dma_wait3A_879 = arith.constant 0 : i32
    %dma_wait3A_880 = arith.constant 6 : i32
    %dma_wait3A_881 = arith.constant 0 : i32
    %dma_wait3A_882 = arith.constant 0 : i32
    %dma_wait3A_883 = arith.constant 0 : i32
    %dma_wait3A_884 = tpu.memref_slice %arg13[%dma_wait3A_880, %dma_wait3A_881, %dma_wait3A_883] : memref<16x2x640xf32, #tpu.memory_space<vmem>> -> memref<1x1x640xf32, #tpu.memory_space<vmem>>
    %dma_wait3A_885 = tpu.memref_squeeze %dma_wait3A_884 : memref<1x1x640xf32, #tpu.memory_space<vmem>> -> memref<640xf32, #tpu.memory_space<vmem>>
    %dma_wait3A_886 = tpu.memref_slice %arg14[%dma_wait3A_878, %dma_wait3A_879, %mul3A_129] : memref<16x2x10000xf32, #tpu.memory_space<vmem_shared>> -> memref<1x1x640xf32, #tpu.memory_space<vmem_shared>>
    %dma_wait3A_887 = tpu.memref_squeeze %dma_wait3A_886 : memref<1x1x640xf32, #tpu.memory_space<vmem_shared>> -> memref<640xf32, #tpu.memory_space<vmem_shared>>
    %dma_wait3A_888 = tpu.memref_slice %arg15[%dma_wait3A_882] : memref<2x!tpu.dma_semaphore, #tpu.memory_space<semaphore_mem>> -> memref<1x!tpu.dma_semaphore, #tpu.memory_space<semaphore_mem>>
    %dma_wait3A_889 = tpu.memref_squeeze %dma_wait3A_888 : memref<1x!tpu.dma_semaphore, #tpu.memory_space<semaphore_mem>> -> memref<!tpu.dma_semaphore, #tpu.memory_space<semaphore_mem>>
    %dma_wait3A_890 = arith.constant 0 : i32
    %dma_wait3A_891 = tpu.memref_slice %arg13[%dma_wait3A_880, %dma_wait3A_881, %dma_wait3A_890] : memref<16x2x640xf32, #tpu.memory_space<vmem>> -> memref<1x1x640xf32, #tpu.memory_space<vmem>>
    %dma_wait3A_892 = tpu.memref_squeeze %dma_wait3A_891 : memref<1x1x640xf32, #tpu.memory_space<vmem>> -> memref<640xf32, #tpu.memory_space<vmem>>
    %dma_wait3A_893 = tpu.memref_slice %arg14[%dma_wait3A_878, %dma_wait3A_879, %mul3A_129] : memref<16x2x10000xf32, #tpu.memory_space<vmem_shared>> -> memref<1x1x640xf32, #tpu.memory_space<vmem_shared>>
    %dma_wait3A_894 = tpu.memref_squeeze %dma_wait3A_893 : memref<1x1x640xf32, #tpu.memory_space<vmem_shared>> -> memref<640xf32, #tpu.memory_space<vmem_shared>>
    tpu.wait_dma2 semaphore(%dma_wait3A_889 : memref<!tpu.dma_semaphore, #tpu.memory_space<semaphore_mem>>) src(%dma_wait3A_894 : memref<640xf32, #tpu.memory_space<vmem_shared>>) dst(%dma_wait3A_892 : memref<640xf32, #tpu.memory_space<vmem>>)
    %dma_wait3A_895 = arith.constant 6 : i32
    %dma_wait3A_896 = arith.constant 1 : i32
    %dma_wait3A_897 = arith.constant 6 : i32
    %dma_wait3A_898 = arith.constant 1 : i32
    %dma_wait3A_899 = arith.constant 0 : i32
    %dma_wait3A_900 = arith.constant 0 : i32
    %dma_wait3A_901 = tpu.memref_slice %arg13[%dma_wait3A_897, %dma_wait3A_898, %dma_wait3A_900] : memref<16x2x640xf32, #tpu.memory_space<vmem>> -> memref<1x1x640xf32, #tpu.memory_space<vmem>>
    %dma_wait3A_902 = tpu.memref_squeeze %dma_wait3A_901 : memref<1x1x640xf32, #tpu.memory_space<vmem>> -> memref<640xf32, #tpu.memory_space<vmem>>
    %dma_wait3A_903 = tpu.memref_slice %arg14[%dma_wait3A_895, %dma_wait3A_896, %mul3A_129] : memref<16x2x10000xf32, #tpu.memory_space<vmem_shared>> -> memref<1x1x640xf32, #tpu.memory_space<vmem_shared>>
    %dma_wait3A_904 = tpu.memref_squeeze %dma_wait3A_903 : memref<1x1x640xf32, #tpu.memory_space<vmem_shared>> -> memref<640xf32, #tpu.memory_space<vmem_shared>>
    %dma_wait3A_905 = tpu.memref_slice %arg15[%dma_wait3A_899] : memref<2x!tpu.dma_semaphore, #tpu.memory_space<semaphore_mem>> -> memref<1x!tpu.dma_semaphore, #tpu.memory_space<semaphore_mem>>
    %dma_wait3A_906 = tpu.memref_squeeze %dma_wait3A_905 : memref<1x!tpu.dma_semaphore, #tpu.memory_space<semaphore_mem>> -> memref<!tpu.dma_semaphore, #tpu.memory_space<semaphore_mem>>
    %dma_wait3A_907 = arith.constant 0 : i32
    %dma_wait3A_908 = tpu.memref_slice %arg13[%dma_wait3A_897, %dma_wait3A_898, %dma_wait3A_907] : memref<16x2x640xf32, #tpu.memory_space<vmem>> -> memref<1x1x640xf32, #tpu.memory_space<vmem>>
    %dma_wait3A_909 = tpu.memref_squeeze %dma_wait3A_908 : memref<1x1x640xf32, #tpu.memory_space<vmem>> -> memref<640xf32, #tpu.memory_space<vmem>>
    %dma_wait3A_910 = tpu.memref_slice %arg14[%dma_wait3A_895, %dma_wait3A_896, %mul3A_129] : memref<16x2x10000xf32, #tpu.memory_space<vmem_shared>> -> memref<1x1x640xf32, #tpu.memory_space<vmem_shared>>
    %dma_wait3A_911 = tpu.memref_squeeze %dma_wait3A_910 : memref<1x1x640xf32, #tpu.memory_space<vmem_shared>> -> memref<640xf32, #tpu.memory_space<vmem_shared>>
    tpu.wait_dma2 semaphore(%dma_wait3A_906 : memref<!tpu.dma_semaphore, #tpu.memory_space<semaphore_mem>>) src(%dma_wait3A_911 : memref<640xf32, #tpu.memory_space<vmem_shared>>) dst(%dma_wait3A_909 : memref<640xf32, #tpu.memory_space<vmem>>)
    %dma_wait3A_912 = arith.constant 7 : i32
    %dma_wait3A_913 = arith.constant 0 : i32
    %dma_wait3A_914 = arith.constant 7 : i32
    %dma_wait3A_915 = arith.constant 0 : i32
    %dma_wait3A_916 = arith.constant 0 : i32
    %dma_wait3A_917 = arith.constant 0 : i32
    %dma_wait3A_918 = tpu.memref_slice %arg13[%dma_wait3A_914, %dma_wait3A_915, %dma_wait3A_917] : memref<16x2x640xf32, #tpu.memory_space<vmem>> -> memref<1x1x640xf32, #tpu.memory_space<vmem>>
    %dma_wait3A_919 = tpu.memref_squeeze %dma_wait3A_918 : memref<1x1x640xf32, #tpu.memory_space<vmem>> -> memref<640xf32, #tpu.memory_space<vmem>>
    %dma_wait3A_920 = tpu.memref_slice %arg14[%dma_wait3A_912, %dma_wait3A_913, %mul3A_129] : memref<16x2x10000xf32, #tpu.memory_space<vmem_shared>> -> memref<1x1x640xf32, #tpu.memory_space<vmem_shared>>
    %dma_wait3A_921 = tpu.memref_squeeze %dma_wait3A_920 : memref<1x1x640xf32, #tpu.memory_space<vmem_shared>> -> memref<640xf32, #tpu.memory_space<vmem_shared>>
    %dma_wait3A_922 = tpu.memref_slice %arg15[%dma_wait3A_916] : memref<2x!tpu.dma_semaphore, #tpu.memory_space<semaphore_mem>> -> memref<1x!tpu.dma_semaphore, #tpu.memory_space<semaphore_mem>>
    %dma_wait3A_923 = tpu.memref_squeeze %dma_wait3A_922 : memref<1x!tpu.dma_semaphore, #tpu.memory_space<semaphore_mem>> -> memref<!tpu.dma_semaphore, #tpu.memory_space<semaphore_mem>>
    %dma_wait3A_924 = arith.constant 0 : i32
    %dma_wait3A_925 = tpu.memref_slice %arg13[%dma_wait3A_914, %dma_wait3A_915, %dma_wait3A_924] : memref<16x2x640xf32, #tpu.memory_space<vmem>> -> memref<1x1x640xf32, #tpu.memory_space<vmem>>
    %dma_wait3A_926 = tpu.memref_squeeze %dma_wait3A_925 : memref<1x1x640xf32, #tpu.memory_space<vmem>> -> memref<640xf32, #tpu.memory_space<vmem>>
    %dma_wait3A_927 = tpu.memref_slice %arg14[%dma_wait3A_912, %dma_wait3A_913, %mul3A_129] : memref<16x2x10000xf32, #tpu.memory_space<vmem_shared>> -> memref<1x1x640xf32, #tpu.memory_space<vmem_shared>>
    %dma_wait3A_928 = tpu.memref_squeeze %dma_wait3A_927 : memref<1x1x640xf32, #tpu.memory_space<vmem_shared>> -> memref<640xf32, #tpu.memory_space<vmem_shared>>
    tpu.wait_dma2 semaphore(%dma_wait3A_923 : memref<!tpu.dma_semaphore, #tpu.memory_space<semaphore_mem>>) src(%dma_wait3A_928 : memref<640xf32, #tpu.memory_space<vmem_shared>>) dst(%dma_wait3A_926 : memref<640xf32, #tpu.memory_space<vmem>>)
    %dma_wait3A_929 = arith.constant 7 : i32
    %dma_wait3A_930 = arith.constant 1 : i32
    %dma_wait3A_931 = arith.constant 7 : i32
    %dma_wait3A_932 = arith.constant 1 : i32
    %dma_wait3A_933 = arith.constant 0 : i32
    %dma_wait3A_934 = arith.constant 0 : i32
    %dma_wait3A_935 = tpu.memref_slice %arg13[%dma_wait3A_931, %dma_wait3A_932, %dma_wait3A_934] : memref<16x2x640xf32, #tpu.memory_space<vmem>> -> memref<1x1x640xf32, #tpu.memory_space<vmem>>
    %dma_wait3A_936 = tpu.memref_squeeze %dma_wait3A_935 : memref<1x1x640xf32, #tpu.memory_space<vmem>> -> memref<640xf32, #tpu.memory_space<vmem>>
    %dma_wait3A_937 = tpu.memref_slice %arg14[%dma_wait3A_929, %dma_wait3A_930, %mul3A_129] : memref<16x2x10000xf32, #tpu.memory_space<vmem_shared>> -> memref<1x1x640xf32, #tpu.memory_space<vmem_shared>>
    %dma_wait3A_938 = tpu.memref_squeeze %dma_wait3A_937 : memref<1x1x640xf32, #tpu.memory_space<vmem_shared>> -> memref<640xf32, #tpu.memory_space<vmem_shared>>
    %dma_wait3A_939 = tpu.memref_slice %arg15[%dma_wait3A_933] : memref<2x!tpu.dma_semaphore, #tpu.memory_space<semaphore_mem>> -> memref<1x!tpu.dma_semaphore, #tpu.memory_space<semaphore_mem>>
    %dma_wait3A_940 = tpu.memref_squeeze %dma_wait3A_939 : memref<1x!tpu.dma_semaphore, #tpu.memory_space<semaphore_mem>> -> memref<!tpu.dma_semaphore, #tpu.memory_space<semaphore_mem>>
    %dma_wait3A_941 = arith.constant 0 : i32
    %dma_wait3A_942 = tpu.memref_slice %arg13[%dma_wait3A_931, %dma_wait3A_932, %dma_wait3A_941] : memref<16x2x640xf32, #tpu.memory_space<vmem>> -> memref<1x1x640xf32, #tpu.memory_space<vmem>>
    %dma_wait3A_943 = tpu.memref_squeeze %dma_wait3A_942 : memref<1x1x640xf32, #tpu.memory_space<vmem>> -> memref<640xf32, #tpu.memory_space<vmem>>
    %dma_wait3A_944 = tpu.memref_slice %arg14[%dma_wait3A_929, %dma_wait3A_930, %mul3A_129] : memref<16x2x10000xf32, #tpu.memory_space<vmem_shared>> -> memref<1x1x640xf32, #tpu.memory_space<vmem_shared>>
    %dma_wait3A_945 = tpu.memref_squeeze %dma_wait3A_944 : memref<1x1x640xf32, #tpu.memory_space<vmem_shared>> -> memref<640xf32, #tpu.memory_space<vmem_shared>>
    tpu.wait_dma2 semaphore(%dma_wait3A_940 : memref<!tpu.dma_semaphore, #tpu.memory_space<semaphore_mem>>) src(%dma_wait3A_945 : memref<640xf32, #tpu.memory_space<vmem_shared>>) dst(%dma_wait3A_943 : memref<640xf32, #tpu.memory_space<vmem>>)
    %dma_wait3A_946 = arith.constant 8 : i32
    %dma_wait3A_947 = arith.constant 0 : i32
    %dma_wait3A_948 = arith.constant 8 : i32
    %dma_wait3A_949 = arith.constant 0 : i32
    %dma_wait3A_950 = arith.constant 0 : i32
    %dma_wait3A_951 = arith.constant 0 : i32
    %dma_wait3A_952 = tpu.memref_slice %arg13[%dma_wait3A_948, %dma_wait3A_949, %dma_wait3A_951] : memref<16x2x640xf32, #tpu.memory_space<vmem>> -> memref<1x1x640xf32, #tpu.memory_space<vmem>>
    %dma_wait3A_953 = tpu.memref_squeeze %dma_wait3A_952 : memref<1x1x640xf32, #tpu.memory_space<vmem>> -> memref<640xf32, #tpu.memory_space<vmem>>
    %dma_wait3A_954 = tpu.memref_slice %arg14[%dma_wait3A_946, %dma_wait3A_947, %mul3A_129] : memref<16x2x10000xf32, #tpu.memory_space<vmem_shared>> -> memref<1x1x640xf32, #tpu.memory_space<vmem_shared>>
    %dma_wait3A_955 = tpu.memref_squeeze %dma_wait3A_954 : memref<1x1x640xf32, #tpu.memory_space<vmem_shared>> -> memref<640xf32, #tpu.memory_space<vmem_shared>>
    %dma_wait3A_956 = tpu.memref_slice %arg15[%dma_wait3A_950] : memref<2x!tpu.dma_semaphore, #tpu.memory_space<semaphore_mem>> -> memref<1x!tpu.dma_semaphore, #tpu.memory_space<semaphore_mem>>
    %dma_wait3A_957 = tpu.memref_squeeze %dma_wait3A_956 : memref<1x!tpu.dma_semaphore, #tpu.memory_space<semaphore_mem>> -> memref<!tpu.dma_semaphore, #tpu.memory_space<semaphore_mem>>
    %dma_wait3A_958 = arith.constant 0 : i32
    %dma_wait3A_959 = tpu.memref_slice %arg13[%dma_wait3A_948, %dma_wait3A_949, %dma_wait3A_958] : memref<16x2x640xf32, #tpu.memory_space<vmem>> -> memref<1x1x640xf32, #tpu.memory_space<vmem>>
    %dma_wait3A_960 = tpu.memref_squeeze %dma_wait3A_959 : memref<1x1x640xf32, #tpu.memory_space<vmem>> -> memref<640xf32, #tpu.memory_space<vmem>>
    %dma_wait3A_961 = tpu.memref_slice %arg14[%dma_wait3A_946, %dma_wait3A_947, %mul3A_129] : memref<16x2x10000xf32, #tpu.memory_space<vmem_shared>> -> memref<1x1x640xf32, #tpu.memory_space<vmem_shared>>
    %dma_wait3A_962 = tpu.memref_squeeze %dma_wait3A_961 : memref<1x1x640xf32, #tpu.memory_space<vmem_shared>> -> memref<640xf32, #tpu.memory_space<vmem_shared>>
    tpu.wait_dma2 semaphore(%dma_wait3A_957 : memref<!tpu.dma_semaphore, #tpu.memory_space<semaphore_mem>>) src(%dma_wait3A_962 : memref<640xf32, #tpu.memory_space<vmem_shared>>) dst(%dma_wait3A_960 : memref<640xf32, #tpu.memory_space<vmem>>)
    %dma_wait3A_963 = arith.constant 8 : i32
    %dma_wait3A_964 = arith.constant 1 : i32
    %dma_wait3A_965 = arith.constant 8 : i32
    %dma_wait3A_966 = arith.constant 1 : i32
    %dma_wait3A_967 = arith.constant 0 : i32
    %dma_wait3A_968 = arith.constant 0 : i32
    %dma_wait3A_969 = tpu.memref_slice %arg13[%dma_wait3A_965, %dma_wait3A_966, %dma_wait3A_968] : memref<16x2x640xf32, #tpu.memory_space<vmem>> -> memref<1x1x640xf32, #tpu.memory_space<vmem>>
    %dma_wait3A_970 = tpu.memref_squeeze %dma_wait3A_969 : memref<1x1x640xf32, #tpu.memory_space<vmem>> -> memref<640xf32, #tpu.memory_space<vmem>>
    %dma_wait3A_971 = tpu.memref_slice %arg14[%dma_wait3A_963, %dma_wait3A_964, %mul3A_129] : memref<16x2x10000xf32, #tpu.memory_space<vmem_shared>> -> memref<1x1x640xf32, #tpu.memory_space<vmem_shared>>
    %dma_wait3A_972 = tpu.memref_squeeze %dma_wait3A_971 : memref<1x1x640xf32, #tpu.memory_space<vmem_shared>> -> memref<640xf32, #tpu.memory_space<vmem_shared>>
    %dma_wait3A_973 = tpu.memref_slice %arg15[%dma_wait3A_967] : memref<2x!tpu.dma_semaphore, #tpu.memory_space<semaphore_mem>> -> memref<1x!tpu.dma_semaphore, #tpu.memory_space<semaphore_mem>>
    %dma_wait3A_974 = tpu.memref_squeeze %dma_wait3A_973 : memref<1x!tpu.dma_semaphore, #tpu.memory_space<semaphore_mem>> -> memref<!tpu.dma_semaphore, #tpu.memory_space<semaphore_mem>>
    %dma_wait3A_975 = arith.constant 0 : i32
    %dma_wait3A_976 = tpu.memref_slice %arg13[%dma_wait3A_965, %dma_wait3A_966, %dma_wait3A_975] : memref<16x2x640xf32, #tpu.memory_space<vmem>> -> memref<1x1x640xf32, #tpu.memory_space<vmem>>
    %dma_wait3A_977 = tpu.memref_squeeze %dma_wait3A_976 : memref<1x1x640xf32, #tpu.memory_space<vmem>> -> memref<640xf32, #tpu.memory_space<vmem>>
    %dma_wait3A_978 = tpu.memref_slice %arg14[%dma_wait3A_963, %dma_wait3A_964, %mul3A_129] : memref<16x2x10000xf32, #tpu.memory_space<vmem_shared>> -> memref<1x1x640xf32, #tpu.memory_space<vmem_shared>>
    %dma_wait3A_979 = tpu.memref_squeeze %dma_wait3A_978 : memref<1x1x640xf32, #tpu.memory_space<vmem_shared>> -> memref<640xf32, #tpu.memory_space<vmem_shared>>
    tpu.wait_dma2 semaphore(%dma_wait3A_974 : memref<!tpu.dma_semaphore, #tpu.memory_space<semaphore_mem>>) src(%dma_wait3A_979 : memref<640xf32, #tpu.memory_space<vmem_shared>>) dst(%dma_wait3A_977 : memref<640xf32, #tpu.memory_space<vmem>>)
    %dma_wait3A_980 = arith.constant 9 : i32
    %dma_wait3A_981 = arith.constant 0 : i32
    %dma_wait3A_982 = arith.constant 9 : i32
    %dma_wait3A_983 = arith.constant 0 : i32
    %dma_wait3A_984 = arith.constant 0 : i32
    %dma_wait3A_985 = arith.constant 0 : i32
    %dma_wait3A_986 = tpu.memref_slice %arg13[%dma_wait3A_982, %dma_wait3A_983, %dma_wait3A_985] : memref<16x2x640xf32, #tpu.memory_space<vmem>> -> memref<1x1x640xf32, #tpu.memory_space<vmem>>
    %dma_wait3A_987 = tpu.memref_squeeze %dma_wait3A_986 : memref<1x1x640xf32, #tpu.memory_space<vmem>> -> memref<640xf32, #tpu.memory_space<vmem>>
    %dma_wait3A_988 = tpu.memref_slice %arg14[%dma_wait3A_980, %dma_wait3A_981, %mul3A_129] : memref<16x2x10000xf32, #tpu.memory_space<vmem_shared>> -> memref<1x1x640xf32, #tpu.memory_space<vmem_shared>>
    %dma_wait3A_989 = tpu.memref_squeeze %dma_wait3A_988 : memref<1x1x640xf32, #tpu.memory_space<vmem_shared>> -> memref<640xf32, #tpu.memory_space<vmem_shared>>
    %dma_wait3A_990 = tpu.memref_slice %arg15[%dma_wait3A_984] : memref<2x!tpu.dma_semaphore, #tpu.memory_space<semaphore_mem>> -> memref<1x!tpu.dma_semaphore, #tpu.memory_space<semaphore_mem>>
    %dma_wait3A_991 = tpu.memref_squeeze %dma_wait3A_990 : memref<1x!tpu.dma_semaphore, #tpu.memory_space<semaphore_mem>> -> memref<!tpu.dma_semaphore, #tpu.memory_space<semaphore_mem>>
    %dma_wait3A_992 = arith.constant 0 : i32
    %dma_wait3A_993 = tpu.memref_slice %arg13[%dma_wait3A_982, %dma_wait3A_983, %dma_wait3A_992] : memref<16x2x640xf32, #tpu.memory_space<vmem>> -> memref<1x1x640xf32, #tpu.memory_space<vmem>>
    %dma_wait3A_994 = tpu.memref_squeeze %dma_wait3A_993 : memref<1x1x640xf32, #tpu.memory_space<vmem>> -> memref<640xf32, #tpu.memory_space<vmem>>
    %dma_wait3A_995 = tpu.memref_slice %arg14[%dma_wait3A_980, %dma_wait3A_981, %mul3A_129] : memref<16x2x10000xf32, #tpu.memory_space<vmem_shared>> -> memref<1x1x640xf32, #tpu.memory_space<vmem_shared>>
    %dma_wait3A_996 = tpu.memref_squeeze %dma_wait3A_995 : memref<1x1x640xf32, #tpu.memory_space<vmem_shared>> -> memref<640xf32, #tpu.memory_space<vmem_shared>>
    tpu.wait_dma2 semaphore(%dma_wait3A_991 : memref<!tpu.dma_semaphore, #tpu.memory_space<semaphore_mem>>) src(%dma_wait3A_996 : memref<640xf32, #tpu.memory_space<vmem_shared>>) dst(%dma_wait3A_994 : memref<640xf32, #tpu.memory_space<vmem>>)
    %dma_wait3A_997 = arith.constant 9 : i32
    %dma_wait3A_998 = arith.constant 1 : i32
    %dma_wait3A_999 = arith.constant 9 : i32
    %dma_wait3A_1000 = arith.constant 1 : i32
    %dma_wait3A_1001 = arith.constant 0 : i32
    %dma_wait3A_1002 = arith.constant 0 : i32
    %dma_wait3A_1003 = tpu.memref_slice %arg13[%dma_wait3A_999, %dma_wait3A_1000, %dma_wait3A_1002] : memref<16x2x640xf32, #tpu.memory_space<vmem>> -> memref<1x1x640xf32, #tpu.memory_space<vmem>>
    %dma_wait3A_1004 = tpu.memref_squeeze %dma_wait3A_1003 : memref<1x1x640xf32, #tpu.memory_space<vmem>> -> memref<640xf32, #tpu.memory_space<vmem>>
    %dma_wait3A_1005 = tpu.memref_slice %arg14[%dma_wait3A_997, %dma_wait3A_998, %mul3A_129] : memref<16x2x10000xf32, #tpu.memory_space<vmem_shared>> -> memref<1x1x640xf32, #tpu.memory_space<vmem_shared>>
    %dma_wait3A_1006 = tpu.memref_squeeze %dma_wait3A_1005 : memref<1x1x640xf32, #tpu.memory_space<vmem_shared>> -> memref<640xf32, #tpu.memory_space<vmem_shared>>
    %dma_wait3A_1007 = tpu.memref_slice %arg15[%dma_wait3A_1001] : memref<2x!tpu.dma_semaphore, #tpu.memory_space<semaphore_mem>> -> memref<1x!tpu.dma_semaphore, #tpu.memory_space<semaphore_mem>>
    %dma_wait3A_1008 = tpu.memref_squeeze %dma_wait3A_1007 : memref<1x!tpu.dma_semaphore, #tpu.memory_space<semaphore_mem>> -> memref<!tpu.dma_semaphore, #tpu.memory_space<semaphore_mem>>
    %dma_wait3A_1009 = arith.constant 0 : i32
    %dma_wait3A_1010 = tpu.memref_slice %arg13[%dma_wait3A_999, %dma_wait3A_1000, %dma_wait3A_1009] : memref<16x2x640xf32, #tpu.memory_space<vmem>> -> memref<1x1x640xf32, #tpu.memory_space<vmem>>
    %dma_wait3A_1011 = tpu.memref_squeeze %dma_wait3A_1010 : memref<1x1x640xf32, #tpu.memory_space<vmem>> -> memref<640xf32, #tpu.memory_space<vmem>>
    %dma_wait3A_1012 = tpu.memref_slice %arg14[%dma_wait3A_997, %dma_wait3A_998, %mul3A_129] : memref<16x2x10000xf32, #tpu.memory_space<vmem_shared>> -> memref<1x1x640xf32, #tpu.memory_space<vmem_shared>>
    %dma_wait3A_1013 = tpu.memref_squeeze %dma_wait3A_1012 : memref<1x1x640xf32, #tpu.memory_space<vmem_shared>> -> memref<640xf32, #tpu.memory_space<vmem_shared>>
    tpu.wait_dma2 semaphore(%dma_wait3A_1008 : memref<!tpu.dma_semaphore, #tpu.memory_space<semaphore_mem>>) src(%dma_wait3A_1013 : memref<640xf32, #tpu.memory_space<vmem_shared>>) dst(%dma_wait3A_1011 : memref<640xf32, #tpu.memory_space<vmem>>)
    %dma_wait3A_1014 = arith.constant 10 : i32
    %dma_wait3A_1015 = arith.constant 0 : i32
    %dma_wait3A_1016 = arith.constant 10 : i32
    %dma_wait3A_1017 = arith.constant 0 : i32
    %dma_wait3A_1018 = arith.constant 0 : i32
    %dma_wait3A_1019 = arith.constant 0 : i32
    %dma_wait3A_1020 = tpu.memref_slice %arg13[%dma_wait3A_1016, %dma_wait3A_1017, %dma_wait3A_1019] : memref<16x2x640xf32, #tpu.memory_space<vmem>> -> memref<1x1x640xf32, #tpu.memory_space<vmem>>
    %dma_wait3A_1021 = tpu.memref_squeeze %dma_wait3A_1020 : memref<1x1x640xf32, #tpu.memory_space<vmem>> -> memref<640xf32, #tpu.memory_space<vmem>>
    %dma_wait3A_1022 = tpu.memref_slice %arg14[%dma_wait3A_1014, %dma_wait3A_1015, %mul3A_129] : memref<16x2x10000xf32, #tpu.memory_space<vmem_shared>> -> memref<1x1x640xf32, #tpu.memory_space<vmem_shared>>
    %dma_wait3A_1023 = tpu.memref_squeeze %dma_wait3A_1022 : memref<1x1x640xf32, #tpu.memory_space<vmem_shared>> -> memref<640xf32, #tpu.memory_space<vmem_shared>>
    %dma_wait3A_1024 = tpu.memref_slice %arg15[%dma_wait3A_1018] : memref<2x!tpu.dma_semaphore, #tpu.memory_space<semaphore_mem>> -> memref<1x!tpu.dma_semaphore, #tpu.memory_space<semaphore_mem>>
    %dma_wait3A_1025 = tpu.memref_squeeze %dma_wait3A_1024 : memref<1x!tpu.dma_semaphore, #tpu.memory_space<semaphore_mem>> -> memref<!tpu.dma_semaphore, #tpu.memory_space<semaphore_mem>>
    %dma_wait3A_1026 = arith.constant 0 : i32
    %dma_wait3A_1027 = tpu.memref_slice %arg13[%dma_wait3A_1016, %dma_wait3A_1017, %dma_wait3A_1026] : memref<16x2x640xf32, #tpu.memory_space<vmem>> -> memref<1x1x640xf32, #tpu.memory_space<vmem>>
    %dma_wait3A_1028 = tpu.memref_squeeze %dma_wait3A_1027 : memref<1x1x640xf32, #tpu.memory_space<vmem>> -> memref<640xf32, #tpu.memory_space<vmem>>
    %dma_wait3A_1029 = tpu.memref_slice %arg14[%dma_wait3A_1014, %dma_wait3A_1015, %mul3A_129] : memref<16x2x10000xf32, #tpu.memory_space<vmem_shared>> -> memref<1x1x640xf32, #tpu.memory_space<vmem_shared>>
    %dma_wait3A_1030 = tpu.memref_squeeze %dma_wait3A_1029 : memref<1x1x640xf32, #tpu.memory_space<vmem_shared>> -> memref<640xf32, #tpu.memory_space<vmem_shared>>
    tpu.wait_dma2 semaphore(%dma_wait3A_1025 : memref<!tpu.dma_semaphore, #tpu.memory_space<semaphore_mem>>) src(%dma_wait3A_1030 : memref<640xf32, #tpu.memory_space<vmem_shared>>) dst(%dma_wait3A_1028 : memref<640xf32, #tpu.memory_space<vmem>>)
    %dma_wait3A_1031 = arith.constant 10 : i32
    %dma_wait3A_1032 = arith.constant 1 : i32
    %dma_wait3A_1033 = arith.constant 10 : i32
    %dma_wait3A_1034 = arith.constant 1 : i32
    %dma_wait3A_1035 = arith.constant 0 : i32
    %dma_wait3A_1036 = arith.constant 0 : i32
    %dma_wait3A_1037 = tpu.memref_slice %arg13[%dma_wait3A_1033, %dma_wait3A_1034, %dma_wait3A_1036] : memref<16x2x640xf32, #tpu.memory_space<vmem>> -> memref<1x1x640xf32, #tpu.memory_space<vmem>>
    %dma_wait3A_1038 = tpu.memref_squeeze %dma_wait3A_1037 : memref<1x1x640xf32, #tpu.memory_space<vmem>> -> memref<640xf32, #tpu.memory_space<vmem>>
    %dma_wait3A_1039 = tpu.memref_slice %arg14[%dma_wait3A_1031, %dma_wait3A_1032, %mul3A_129] : memref<16x2x10000xf32, #tpu.memory_space<vmem_shared>> -> memref<1x1x640xf32, #tpu.memory_space<vmem_shared>>
    %dma_wait3A_1040 = tpu.memref_squeeze %dma_wait3A_1039 : memref<1x1x640xf32, #tpu.memory_space<vmem_shared>> -> memref<640xf32, #tpu.memory_space<vmem_shared>>
    %dma_wait3A_1041 = tpu.memref_slice %arg15[%dma_wait3A_1035] : memref<2x!tpu.dma_semaphore, #tpu.memory_space<semaphore_mem>> -> memref<1x!tpu.dma_semaphore, #tpu.memory_space<semaphore_mem>>
    %dma_wait3A_1042 = tpu.memref_squeeze %dma_wait3A_1041 : memref<1x!tpu.dma_semaphore, #tpu.memory_space<semaphore_mem>> -> memref<!tpu.dma_semaphore, #tpu.memory_space<semaphore_mem>>
    %dma_wait3A_1043 = arith.constant 0 : i32
    %dma_wait3A_1044 = tpu.memref_slice %arg13[%dma_wait3A_1033, %dma_wait3A_1034, %dma_wait3A_1043] : memref<16x2x640xf32, #tpu.memory_space<vmem>> -> memref<1x1x640xf32, #tpu.memory_space<vmem>>
    %dma_wait3A_1045 = tpu.memref_squeeze %dma_wait3A_1044 : memref<1x1x640xf32, #tpu.memory_space<vmem>> -> memref<640xf32, #tpu.memory_space<vmem>>
    %dma_wait3A_1046 = tpu.memref_slice %arg14[%dma_wait3A_1031, %dma_wait3A_1032, %mul3A_129] : memref<16x2x10000xf32, #tpu.memory_space<vmem_shared>> -> memref<1x1x640xf32, #tpu.memory_space<vmem_shared>>
    %dma_wait3A_1047 = tpu.memref_squeeze %dma_wait3A_1046 : memref<1x1x640xf32, #tpu.memory_space<vmem_shared>> -> memref<640xf32, #tpu.memory_space<vmem_shared>>
    tpu.wait_dma2 semaphore(%dma_wait3A_1042 : memref<!tpu.dma_semaphore, #tpu.memory_space<semaphore_mem>>) src(%dma_wait3A_1047 : memref<640xf32, #tpu.memory_space<vmem_shared>>) dst(%dma_wait3A_1045 : memref<640xf32, #tpu.memory_space<vmem>>)
    %dma_wait3A_1048 = arith.constant 11 : i32
    %dma_wait3A_1049 = arith.constant 0 : i32
    %dma_wait3A_1050 = arith.constant 11 : i32
    %dma_wait3A_1051 = arith.constant 0 : i32
    %dma_wait3A_1052 = arith.constant 0 : i32
    %dma_wait3A_1053 = arith.constant 0 : i32
    %dma_wait3A_1054 = tpu.memref_slice %arg13[%dma_wait3A_1050, %dma_wait3A_1051, %dma_wait3A_1053] : memref<16x2x640xf32, #tpu.memory_space<vmem>> -> memref<1x1x640xf32, #tpu.memory_space<vmem>>
    %dma_wait3A_1055 = tpu.memref_squeeze %dma_wait3A_1054 : memref<1x1x640xf32, #tpu.memory_space<vmem>> -> memref<640xf32, #tpu.memory_space<vmem>>
    %dma_wait3A_1056 = tpu.memref_slice %arg14[%dma_wait3A_1048, %dma_wait3A_1049, %mul3A_129] : memref<16x2x10000xf32, #tpu.memory_space<vmem_shared>> -> memref<1x1x640xf32, #tpu.memory_space<vmem_shared>>
    %dma_wait3A_1057 = tpu.memref_squeeze %dma_wait3A_1056 : memref<1x1x640xf32, #tpu.memory_space<vmem_shared>> -> memref<640xf32, #tpu.memory_space<vmem_shared>>
    %dma_wait3A_1058 = tpu.memref_slice %arg15[%dma_wait3A_1052] : memref<2x!tpu.dma_semaphore, #tpu.memory_space<semaphore_mem>> -> memref<1x!tpu.dma_semaphore, #tpu.memory_space<semaphore_mem>>
    %dma_wait3A_1059 = tpu.memref_squeeze %dma_wait3A_1058 : memref<1x!tpu.dma_semaphore, #tpu.memory_space<semaphore_mem>> -> memref<!tpu.dma_semaphore, #tpu.memory_space<semaphore_mem>>
    %dma_wait3A_1060 = arith.constant 0 : i32
    %dma_wait3A_1061 = tpu.memref_slice %arg13[%dma_wait3A_1050, %dma_wait3A_1051, %dma_wait3A_1060] : memref<16x2x640xf32, #tpu.memory_space<vmem>> -> memref<1x1x640xf32, #tpu.memory_space<vmem>>
    %dma_wait3A_1062 = tpu.memref_squeeze %dma_wait3A_1061 : memref<1x1x640xf32, #tpu.memory_space<vmem>> -> memref<640xf32, #tpu.memory_space<vmem>>
    %dma_wait3A_1063 = tpu.memref_slice %arg14[%dma_wait3A_1048, %dma_wait3A_1049, %mul3A_129] : memref<16x2x10000xf32, #tpu.memory_space<vmem_shared>> -> memref<1x1x640xf32, #tpu.memory_space<vmem_shared>>
    %dma_wait3A_1064 = tpu.memref_squeeze %dma_wait3A_1063 : memref<1x1x640xf32, #tpu.memory_space<vmem_shared>> -> memref<640xf32, #tpu.memory_space<vmem_shared>>
    tpu.wait_dma2 semaphore(%dma_wait3A_1059 : memref<!tpu.dma_semaphore, #tpu.memory_space<semaphore_mem>>) src(%dma_wait3A_1064 : memref<640xf32, #tpu.memory_space<vmem_shared>>) dst(%dma_wait3A_1062 : memref<640xf32, #tpu.memory_space<vmem>>)
    %dma_wait3A_1065 = arith.constant 11 : i32
    %dma_wait3A_1066 = arith.constant 1 : i32
    %dma_wait3A_1067 = arith.constant 11 : i32
    %dma_wait3A_1068 = arith.constant 1 : i32
    %dma_wait3A_1069 = arith.constant 0 : i32
    %dma_wait3A_1070 = arith.constant 0 : i32
    %dma_wait3A_1071 = tpu.memref_slice %arg13[%dma_wait3A_1067, %dma_wait3A_1068, %dma_wait3A_1070] : memref<16x2x640xf32, #tpu.memory_space<vmem>> -> memref<1x1x640xf32, #tpu.memory_space<vmem>>
    %dma_wait3A_1072 = tpu.memref_squeeze %dma_wait3A_1071 : memref<1x1x640xf32, #tpu.memory_space<vmem>> -> memref<640xf32, #tpu.memory_space<vmem>>
    %dma_wait3A_1073 = tpu.memref_slice %arg14[%dma_wait3A_1065, %dma_wait3A_1066, %mul3A_129] : memref<16x2x10000xf32, #tpu.memory_space<vmem_shared>> -> memref<1x1x640xf32, #tpu.memory_space<vmem_shared>>
    %dma_wait3A_1074 = tpu.memref_squeeze %dma_wait3A_1073 : memref<1x1x640xf32, #tpu.memory_space<vmem_shared>> -> memref<640xf32, #tpu.memory_space<vmem_shared>>
    %dma_wait3A_1075 = tpu.memref_slice %arg15[%dma_wait3A_1069] : memref<2x!tpu.dma_semaphore, #tpu.memory_space<semaphore_mem>> -> memref<1x!tpu.dma_semaphore, #tpu.memory_space<semaphore_mem>>
    %dma_wait3A_1076 = tpu.memref_squeeze %dma_wait3A_1075 : memref<1x!tpu.dma_semaphore, #tpu.memory_space<semaphore_mem>> -> memref<!tpu.dma_semaphore, #tpu.memory_space<semaphore_mem>>
    %dma_wait3A_1077 = arith.constant 0 : i32
    %dma_wait3A_1078 = tpu.memref_slice %arg13[%dma_wait3A_1067, %dma_wait3A_1068, %dma_wait3A_1077] : memref<16x2x640xf32, #tpu.memory_space<vmem>> -> memref<1x1x640xf32, #tpu.memory_space<vmem>>
    %dma_wait3A_1079 = tpu.memref_squeeze %dma_wait3A_1078 : memref<1x1x640xf32, #tpu.memory_space<vmem>> -> memref<640xf32, #tpu.memory_space<vmem>>
    %dma_wait3A_1080 = tpu.memref_slice %arg14[%dma_wait3A_1065, %dma_wait3A_1066, %mul3A_129] : memref<16x2x10000xf32, #tpu.memory_space<vmem_shared>> -> memref<1x1x640xf32, #tpu.memory_space<vmem_shared>>
    %dma_wait3A_1081 = tpu.memref_squeeze %dma_wait3A_1080 : memref<1x1x640xf32, #tpu.memory_space<vmem_shared>> -> memref<640xf32, #tpu.memory_space<vmem_shared>>
    tpu.wait_dma2 semaphore(%dma_wait3A_1076 : memref<!tpu.dma_semaphore, #tpu.memory_space<semaphore_mem>>) src(%dma_wait3A_1081 : memref<640xf32, #tpu.memory_space<vmem_shared>>) dst(%dma_wait3A_1079 : memref<640xf32, #tpu.memory_space<vmem>>)
    %dma_wait3A_1082 = arith.constant 12 : i32
    %dma_wait3A_1083 = arith.constant 0 : i32
    %dma_wait3A_1084 = arith.constant 12 : i32
    %dma_wait3A_1085 = arith.constant 0 : i32
    %dma_wait3A_1086 = arith.constant 0 : i32
    %dma_wait3A_1087 = arith.constant 0 : i32
    %dma_wait3A_1088 = tpu.memref_slice %arg13[%dma_wait3A_1084, %dma_wait3A_1085, %dma_wait3A_1087] : memref<16x2x640xf32, #tpu.memory_space<vmem>> -> memref<1x1x640xf32, #tpu.memory_space<vmem>>
    %dma_wait3A_1089 = tpu.memref_squeeze %dma_wait3A_1088 : memref<1x1x640xf32, #tpu.memory_space<vmem>> -> memref<640xf32, #tpu.memory_space<vmem>>
    %dma_wait3A_1090 = tpu.memref_slice %arg14[%dma_wait3A_1082, %dma_wait3A_1083, %mul3A_129] : memref<16x2x10000xf32, #tpu.memory_space<vmem_shared>> -> memref<1x1x640xf32, #tpu.memory_space<vmem_shared>>
    %dma_wait3A_1091 = tpu.memref_squeeze %dma_wait3A_1090 : memref<1x1x640xf32, #tpu.memory_space<vmem_shared>> -> memref<640xf32, #tpu.memory_space<vmem_shared>>
    %dma_wait3A_1092 = tpu.memref_slice %arg15[%dma_wait3A_1086] : memref<2x!tpu.dma_semaphore, #tpu.memory_space<semaphore_mem>> -> memref<1x!tpu.dma_semaphore, #tpu.memory_space<semaphore_mem>>
    %dma_wait3A_1093 = tpu.memref_squeeze %dma_wait3A_1092 : memref<1x!tpu.dma_semaphore, #tpu.memory_space<semaphore_mem>> -> memref<!tpu.dma_semaphore, #tpu.memory_space<semaphore_mem>>
    %dma_wait3A_1094 = arith.constant 0 : i32
    %dma_wait3A_1095 = tpu.memref_slice %arg13[%dma_wait3A_1084, %dma_wait3A_1085, %dma_wait3A_1094] : memref<16x2x640xf32, #tpu.memory_space<vmem>> -> memref<1x1x640xf32, #tpu.memory_space<vmem>>
    %dma_wait3A_1096 = tpu.memref_squeeze %dma_wait3A_1095 : memref<1x1x640xf32, #tpu.memory_space<vmem>> -> memref<640xf32, #tpu.memory_space<vmem>>
    %dma_wait3A_1097 = tpu.memref_slice %arg14[%dma_wait3A_1082, %dma_wait3A_1083, %mul3A_129] : memref<16x2x10000xf32, #tpu.memory_space<vmem_shared>> -> memref<1x1x640xf32, #tpu.memory_space<vmem_shared>>
    %dma_wait3A_1098 = tpu.memref_squeeze %dma_wait3A_1097 : memref<1x1x640xf32, #tpu.memory_space<vmem_shared>> -> memref<640xf32, #tpu.memory_space<vmem_shared>>
    tpu.wait_dma2 semaphore(%dma_wait3A_1093 : memref<!tpu.dma_semaphore, #tpu.memory_space<semaphore_mem>>) src(%dma_wait3A_1098 : memref<640xf32, #tpu.memory_space<vmem_shared>>) dst(%dma_wait3A_1096 : memref<640xf32, #tpu.memory_space<vmem>>)
    %dma_wait3A_1099 = arith.constant 12 : i32
    %dma_wait3A_1100 = arith.constant 1 : i32
    %dma_wait3A_1101 = arith.constant 12 : i32
    %dma_wait3A_1102 = arith.constant 1 : i32
    %dma_wait3A_1103 = arith.constant 0 : i32
    %dma_wait3A_1104 = arith.constant 0 : i32
    %dma_wait3A_1105 = tpu.memref_slice %arg13[%dma_wait3A_1101, %dma_wait3A_1102, %dma_wait3A_1104] : memref<16x2x640xf32, #tpu.memory_space<vmem>> -> memref<1x1x640xf32, #tpu.memory_space<vmem>>
    %dma_wait3A_1106 = tpu.memref_squeeze %dma_wait3A_1105 : memref<1x1x640xf32, #tpu.memory_space<vmem>> -> memref<640xf32, #tpu.memory_space<vmem>>
    %dma_wait3A_1107 = tpu.memref_slice %arg14[%dma_wait3A_1099, %dma_wait3A_1100, %mul3A_129] : memref<16x2x10000xf32, #tpu.memory_space<vmem_shared>> -> memref<1x1x640xf32, #tpu.memory_space<vmem_shared>>
    %dma_wait3A_1108 = tpu.memref_squeeze %dma_wait3A_1107 : memref<1x1x640xf32, #tpu.memory_space<vmem_shared>> -> memref<640xf32, #tpu.memory_space<vmem_shared>>
    %dma_wait3A_1109 = tpu.memref_slice %arg15[%dma_wait3A_1103] : memref<2x!tpu.dma_semaphore, #tpu.memory_space<semaphore_mem>> -> memref<1x!tpu.dma_semaphore, #tpu.memory_space<semaphore_mem>>
    %dma_wait3A_1110 = tpu.memref_squeeze %dma_wait3A_1109 : memref<1x!tpu.dma_semaphore, #tpu.memory_space<semaphore_mem>> -> memref<!tpu.dma_semaphore, #tpu.memory_space<semaphore_mem>>
    %dma_wait3A_1111 = arith.constant 0 : i32
    %dma_wait3A_1112 = tpu.memref_slice %arg13[%dma_wait3A_1101, %dma_wait3A_1102, %dma_wait3A_1111] : memref<16x2x640xf32, #tpu.memory_space<vmem>> -> memref<1x1x640xf32, #tpu.memory_space<vmem>>
    %dma_wait3A_1113 = tpu.memref_squeeze %dma_wait3A_1112 : memref<1x1x640xf32, #tpu.memory_space<vmem>> -> memref<640xf32, #tpu.memory_space<vmem>>
    %dma_wait3A_1114 = tpu.memref_slice %arg14[%dma_wait3A_1099, %dma_wait3A_1100, %mul3A_129] : memref<16x2x10000xf32, #tpu.memory_space<vmem_shared>> -> memref<1x1x640xf32, #tpu.memory_space<vmem_shared>>
    %dma_wait3A_1115 = tpu.memref_squeeze %dma_wait3A_1114 : memref<1x1x640xf32, #tpu.memory_space<vmem_shared>> -> memref<640xf32, #tpu.memory_space<vmem_shared>>
    tpu.wait_dma2 semaphore(%dma_wait3A_1110 : memref<!tpu.dma_semaphore, #tpu.memory_space<semaphore_mem>>) src(%dma_wait3A_1115 : memref<640xf32, #tpu.memory_space<vmem_shared>>) dst(%dma_wait3A_1113 : memref<640xf32, #tpu.memory_space<vmem>>)
    %dma_wait3A_1116 = arith.constant 13 : i32
    %dma_wait3A_1117 = arith.constant 0 : i32
    %dma_wait3A_1118 = arith.constant 13 : i32
    %dma_wait3A_1119 = arith.constant 0 : i32
    %dma_wait3A_1120 = arith.constant 0 : i32
    %dma_wait3A_1121 = arith.constant 0 : i32
    %dma_wait3A_1122 = tpu.memref_slice %arg13[%dma_wait3A_1118, %dma_wait3A_1119, %dma_wait3A_1121] : memref<16x2x640xf32, #tpu.memory_space<vmem>> -> memref<1x1x640xf32, #tpu.memory_space<vmem>>
    %dma_wait3A_1123 = tpu.memref_squeeze %dma_wait3A_1122 : memref<1x1x640xf32, #tpu.memory_space<vmem>> -> memref<640xf32, #tpu.memory_space<vmem>>
    %dma_wait3A_1124 = tpu.memref_slice %arg14[%dma_wait3A_1116, %dma_wait3A_1117, %mul3A_129] : memref<16x2x10000xf32, #tpu.memory_space<vmem_shared>> -> memref<1x1x640xf32, #tpu.memory_space<vmem_shared>>
    %dma_wait3A_1125 = tpu.memref_squeeze %dma_wait3A_1124 : memref<1x1x640xf32, #tpu.memory_space<vmem_shared>> -> memref<640xf32, #tpu.memory_space<vmem_shared>>
    %dma_wait3A_1126 = tpu.memref_slice %arg15[%dma_wait3A_1120] : memref<2x!tpu.dma_semaphore, #tpu.memory_space<semaphore_mem>> -> memref<1x!tpu.dma_semaphore, #tpu.memory_space<semaphore_mem>>
    %dma_wait3A_1127 = tpu.memref_squeeze %dma_wait3A_1126 : memref<1x!tpu.dma_semaphore, #tpu.memory_space<semaphore_mem>> -> memref<!tpu.dma_semaphore, #tpu.memory_space<semaphore_mem>>
    %dma_wait3A_1128 = arith.constant 0 : i32
    %dma_wait3A_1129 = tpu.memref_slice %arg13[%dma_wait3A_1118, %dma_wait3A_1119, %dma_wait3A_1128] : memref<16x2x640xf32, #tpu.memory_space<vmem>> -> memref<1x1x640xf32, #tpu.memory_space<vmem>>
    %dma_wait3A_1130 = tpu.memref_squeeze %dma_wait3A_1129 : memref<1x1x640xf32, #tpu.memory_space<vmem>> -> memref<640xf32, #tpu.memory_space<vmem>>
    %dma_wait3A_1131 = tpu.memref_slice %arg14[%dma_wait3A_1116, %dma_wait3A_1117, %mul3A_129] : memref<16x2x10000xf32, #tpu.memory_space<vmem_shared>> -> memref<1x1x640xf32, #tpu.memory_space<vmem_shared>>
    %dma_wait3A_1132 = tpu.memref_squeeze %dma_wait3A_1131 : memref<1x1x640xf32, #tpu.memory_space<vmem_shared>> -> memref<640xf32, #tpu.memory_space<vmem_shared>>
    tpu.wait_dma2 semaphore(%dma_wait3A_1127 : memref<!tpu.dma_semaphore, #tpu.memory_space<semaphore_mem>>) src(%dma_wait3A_1132 : memref<640xf32, #tpu.memory_space<vmem_shared>>) dst(%dma_wait3A_1130 : memref<640xf32, #tpu.memory_space<vmem>>)
    %dma_wait3A_1133 = arith.constant 13 : i32
    %dma_wait3A_1134 = arith.constant 1 : i32
    %dma_wait3A_1135 = arith.constant 13 : i32
    %dma_wait3A_1136 = arith.constant 1 : i32
    %dma_wait3A_1137 = arith.constant 0 : i32
    %dma_wait3A_1138 = arith.constant 0 : i32
    %dma_wait3A_1139 = tpu.memref_slice %arg13[%dma_wait3A_1135, %dma_wait3A_1136, %dma_wait3A_1138] : memref<16x2x640xf32, #tpu.memory_space<vmem>> -> memref<1x1x640xf32, #tpu.memory_space<vmem>>
    %dma_wait3A_1140 = tpu.memref_squeeze %dma_wait3A_1139 : memref<1x1x640xf32, #tpu.memory_space<vmem>> -> memref<640xf32, #tpu.memory_space<vmem>>
    %dma_wait3A_1141 = tpu.memref_slice %arg14[%dma_wait3A_1133, %dma_wait3A_1134, %mul3A_129] : memref<16x2x10000xf32, #tpu.memory_space<vmem_shared>> -> memref<1x1x640xf32, #tpu.memory_space<vmem_shared>>
    %dma_wait3A_1142 = tpu.memref_squeeze %dma_wait3A_1141 : memref<1x1x640xf32, #tpu.memory_space<vmem_shared>> -> memref<640xf32, #tpu.memory_space<vmem_shared>>
    %dma_wait3A_1143 = tpu.memref_slice %arg15[%dma_wait3A_1137] : memref<2x!tpu.dma_semaphore, #tpu.memory_space<semaphore_mem>> -> memref<1x!tpu.dma_semaphore, #tpu.memory_space<semaphore_mem>>
    %dma_wait3A_1144 = tpu.memref_squeeze %dma_wait3A_1143 : memref<1x!tpu.dma_semaphore, #tpu.memory_space<semaphore_mem>> -> memref<!tpu.dma_semaphore, #tpu.memory_space<semaphore_mem>>
    %dma_wait3A_1145 = arith.constant 0 : i32
    %dma_wait3A_1146 = tpu.memref_slice %arg13[%dma_wait3A_1135, %dma_wait3A_1136, %dma_wait3A_1145] : memref<16x2x640xf32, #tpu.memory_space<vmem>> -> memref<1x1x640xf32, #tpu.memory_space<vmem>>
    %dma_wait3A_1147 = tpu.memref_squeeze %dma_wait3A_1146 : memref<1x1x640xf32, #tpu.memory_space<vmem>> -> memref<640xf32, #tpu.memory_space<vmem>>
    %dma_wait3A_1148 = tpu.memref_slice %arg14[%dma_wait3A_1133, %dma_wait3A_1134, %mul3A_129] : memref<16x2x10000xf32, #tpu.memory_space<vmem_shared>> -> memref<1x1x640xf32, #tpu.memory_space<vmem_shared>>
    %dma_wait3A_1149 = tpu.memref_squeeze %dma_wait3A_1148 : memref<1x1x640xf32, #tpu.memory_space<vmem_shared>> -> memref<640xf32, #tpu.memory_space<vmem_shared>>
    tpu.wait_dma2 semaphore(%dma_wait3A_1144 : memref<!tpu.dma_semaphore, #tpu.memory_space<semaphore_mem>>) src(%dma_wait3A_1149 : memref<640xf32, #tpu.memory_space<vmem_shared>>) dst(%dma_wait3A_1147 : memref<640xf32, #tpu.memory_space<vmem>>)
    %dma_wait3A_1150 = arith.constant 14 : i32
    %dma_wait3A_1151 = arith.constant 0 : i32
    %dma_wait3A_1152 = arith.constant 14 : i32
    %dma_wait3A_1153 = arith.constant 0 : i32
    %dma_wait3A_1154 = arith.constant 0 : i32
    %dma_wait3A_1155 = arith.constant 0 : i32
    %dma_wait3A_1156 = tpu.memref_slice %arg13[%dma_wait3A_1152, %dma_wait3A_1153, %dma_wait3A_1155] : memref<16x2x640xf32, #tpu.memory_space<vmem>> -> memref<1x1x640xf32, #tpu.memory_space<vmem>>
    %dma_wait3A_1157 = tpu.memref_squeeze %dma_wait3A_1156 : memref<1x1x640xf32, #tpu.memory_space<vmem>> -> memref<640xf32, #tpu.memory_space<vmem>>
    %dma_wait3A_1158 = tpu.memref_slice %arg14[%dma_wait3A_1150, %dma_wait3A_1151, %mul3A_129] : memref<16x2x10000xf32, #tpu.memory_space<vmem_shared>> -> memref<1x1x640xf32, #tpu.memory_space<vmem_shared>>
    %dma_wait3A_1159 = tpu.memref_squeeze %dma_wait3A_1158 : memref<1x1x640xf32, #tpu.memory_space<vmem_shared>> -> memref<640xf32, #tpu.memory_space<vmem_shared>>
    %dma_wait3A_1160 = tpu.memref_slice %arg15[%dma_wait3A_1154] : memref<2x!tpu.dma_semaphore, #tpu.memory_space<semaphore_mem>> -> memref<1x!tpu.dma_semaphore, #tpu.memory_space<semaphore_mem>>
    %dma_wait3A_1161 = tpu.memref_squeeze %dma_wait3A_1160 : memref<1x!tpu.dma_semaphore, #tpu.memory_space<semaphore_mem>> -> memref<!tpu.dma_semaphore, #tpu.memory_space<semaphore_mem>>
    %dma_wait3A_1162 = arith.constant 0 : i32
    %dma_wait3A_1163 = tpu.memref_slice %arg13[%dma_wait3A_1152, %dma_wait3A_1153, %dma_wait3A_1162] : memref<16x2x640xf32, #tpu.memory_space<vmem>> -> memref<1x1x640xf32, #tpu.memory_space<vmem>>
    %dma_wait3A_1164 = tpu.memref_squeeze %dma_wait3A_1163 : memref<1x1x640xf32, #tpu.memory_space<vmem>> -> memref<640xf32, #tpu.memory_space<vmem>>
    %dma_wait3A_1165 = tpu.memref_slice %arg14[%dma_wait3A_1150, %dma_wait3A_1151, %mul3A_129] : memref<16x2x10000xf32, #tpu.memory_space<vmem_shared>> -> memref<1x1x640xf32, #tpu.memory_space<vmem_shared>>
    %dma_wait3A_1166 = tpu.memref_squeeze %dma_wait3A_1165 : memref<1x1x640xf32, #tpu.memory_space<vmem_shared>> -> memref<640xf32, #tpu.memory_space<vmem_shared>>
    tpu.wait_dma2 semaphore(%dma_wait3A_1161 : memref<!tpu.dma_semaphore, #tpu.memory_space<semaphore_mem>>) src(%dma_wait3A_1166 : memref<640xf32, #tpu.memory_space<vmem_shared>>) dst(%dma_wait3A_1164 : memref<640xf32, #tpu.memory_space<vmem>>)
    %dma_wait3A_1167 = arith.constant 14 : i32
    %dma_wait3A_1168 = arith.constant 1 : i32
    %dma_wait3A_1169 = arith.constant 14 : i32
    %dma_wait3A_1170 = arith.constant 1 : i32
    %dma_wait3A_1171 = arith.constant 0 : i32
    %dma_wait3A_1172 = arith.constant 0 : i32
    %dma_wait3A_1173 = tpu.memref_slice %arg13[%dma_wait3A_1169, %dma_wait3A_1170, %dma_wait3A_1172] : memref<16x2x640xf32, #tpu.memory_space<vmem>> -> memref<1x1x640xf32, #tpu.memory_space<vmem>>
    %dma_wait3A_1174 = tpu.memref_squeeze %dma_wait3A_1173 : memref<1x1x640xf32, #tpu.memory_space<vmem>> -> memref<640xf32, #tpu.memory_space<vmem>>
    %dma_wait3A_1175 = tpu.memref_slice %arg14[%dma_wait3A_1167, %dma_wait3A_1168, %mul3A_129] : memref<16x2x10000xf32, #tpu.memory_space<vmem_shared>> -> memref<1x1x640xf32, #tpu.memory_space<vmem_shared>>
    %dma_wait3A_1176 = tpu.memref_squeeze %dma_wait3A_1175 : memref<1x1x640xf32, #tpu.memory_space<vmem_shared>> -> memref<640xf32, #tpu.memory_space<vmem_shared>>
    %dma_wait3A_1177 = tpu.memref_slice %arg15[%dma_wait3A_1171] : memref<2x!tpu.dma_semaphore, #tpu.memory_space<semaphore_mem>> -> memref<1x!tpu.dma_semaphore, #tpu.memory_space<semaphore_mem>>
    %dma_wait3A_1178 = tpu.memref_squeeze %dma_wait3A_1177 : memref<1x!tpu.dma_semaphore, #tpu.memory_space<semaphore_mem>> -> memref<!tpu.dma_semaphore, #tpu.memory_space<semaphore_mem>>
    %dma_wait3A_1179 = arith.constant 0 : i32
    %dma_wait3A_1180 = tpu.memref_slice %arg13[%dma_wait3A_1169, %dma_wait3A_1170, %dma_wait3A_1179] : memref<16x2x640xf32, #tpu.memory_space<vmem>> -> memref<1x1x640xf32, #tpu.memory_space<vmem>>
    %dma_wait3A_1181 = tpu.memref_squeeze %dma_wait3A_1180 : memref<1x1x640xf32, #tpu.memory_space<vmem>> -> memref<640xf32, #tpu.memory_space<vmem>>
    %dma_wait3A_1182 = tpu.memref_slice %arg14[%dma_wait3A_1167, %dma_wait3A_1168, %mul3A_129] : memref<16x2x10000xf32, #tpu.memory_space<vmem_shared>> -> memref<1x1x640xf32, #tpu.memory_space<vmem_shared>>
    %dma_wait3A_1183 = tpu.memref_squeeze %dma_wait3A_1182 : memref<1x1x640xf32, #tpu.memory_space<vmem_shared>> -> memref<640xf32, #tpu.memory_space<vmem_shared>>
    tpu.wait_dma2 semaphore(%dma_wait3A_1178 : memref<!tpu.dma_semaphore, #tpu.memory_space<semaphore_mem>>) src(%dma_wait3A_1183 : memref<640xf32, #tpu.memory_space<vmem_shared>>) dst(%dma_wait3A_1181 : memref<640xf32, #tpu.memory_space<vmem>>)
    %dma_wait3A_1184 = arith.constant 15 : i32
    %dma_wait3A_1185 = arith.constant 0 : i32
    %dma_wait3A_1186 = arith.constant 15 : i32
    %dma_wait3A_1187 = arith.constant 0 : i32
    %dma_wait3A_1188 = arith.constant 0 : i32
    %dma_wait3A_1189 = arith.constant 0 : i32
    %dma_wait3A_1190 = tpu.memref_slice %arg13[%dma_wait3A_1186, %dma_wait3A_1187, %dma_wait3A_1189] : memref<16x2x640xf32, #tpu.memory_space<vmem>> -> memref<1x1x640xf32, #tpu.memory_space<vmem>>
    %dma_wait3A_1191 = tpu.memref_squeeze %dma_wait3A_1190 : memref<1x1x640xf32, #tpu.memory_space<vmem>> -> memref<640xf32, #tpu.memory_space<vmem>>
    %dma_wait3A_1192 = tpu.memref_slice %arg14[%dma_wait3A_1184, %dma_wait3A_1185, %mul3A_129] : memref<16x2x10000xf32, #tpu.memory_space<vmem_shared>> -> memref<1x1x640xf32, #tpu.memory_space<vmem_shared>>
    %dma_wait3A_1193 = tpu.memref_squeeze %dma_wait3A_1192 : memref<1x1x640xf32, #tpu.memory_space<vmem_shared>> -> memref<640xf32, #tpu.memory_space<vmem_shared>>
    %dma_wait3A_1194 = tpu.memref_slice %arg15[%dma_wait3A_1188] : memref<2x!tpu.dma_semaphore, #tpu.memory_space<semaphore_mem>> -> memref<1x!tpu.dma_semaphore, #tpu.memory_space<semaphore_mem>>
    %dma_wait3A_1195 = tpu.memref_squeeze %dma_wait3A_1194 : memref<1x!tpu.dma_semaphore, #tpu.memory_space<semaphore_mem>> -> memref<!tpu.dma_semaphore, #tpu.memory_space<semaphore_mem>>
    %dma_wait3A_1196 = arith.constant 0 : i32
    %dma_wait3A_1197 = tpu.memref_slice %arg13[%dma_wait3A_1186, %dma_wait3A_1187, %dma_wait3A_1196] : memref<16x2x640xf32, #tpu.memory_space<vmem>> -> memref<1x1x640xf32, #tpu.memory_space<vmem>>
    %dma_wait3A_1198 = tpu.memref_squeeze %dma_wait3A_1197 : memref<1x1x640xf32, #tpu.memory_space<vmem>> -> memref<640xf32, #tpu.memory_space<vmem>>
    %dma_wait3A_1199 = tpu.memref_slice %arg14[%dma_wait3A_1184, %dma_wait3A_1185, %mul3A_129] : memref<16x2x10000xf32, #tpu.memory_space<vmem_shared>> -> memref<1x1x640xf32, #tpu.memory_space<vmem_shared>>
    %dma_wait3A_1200 = tpu.memref_squeeze %dma_wait3A_1199 : memref<1x1x640xf32, #tpu.memory_space<vmem_shared>> -> memref<640xf32, #tpu.memory_space<vmem_shared>>
    tpu.wait_dma2 semaphore(%dma_wait3A_1195 : memref<!tpu.dma_semaphore, #tpu.memory_space<semaphore_mem>>) src(%dma_wait3A_1200 : memref<640xf32, #tpu.memory_space<vmem_shared>>) dst(%dma_wait3A_1198 : memref<640xf32, #tpu.memory_space<vmem>>)
    %dma_wait3A_1201 = arith.constant 15 : i32
    %dma_wait3A_1202 = arith.constant 1 : i32
    %dma_wait3A_1203 = arith.constant 15 : i32
    %dma_wait3A_1204 = arith.constant 1 : i32
    %dma_wait3A_1205 = arith.constant 0 : i32
    %dma_wait3A_1206 = arith.constant 0 : i32
    %dma_wait3A_1207 = tpu.memref_slice %arg13[%dma_wait3A_1203, %dma_wait3A_1204, %dma_wait3A_1206] : memref<16x2x640xf32, #tpu.memory_space<vmem>> -> memref<1x1x640xf32, #tpu.memory_space<vmem>>
    %dma_wait3A_1208 = tpu.memref_squeeze %dma_wait3A_1207 : memref<1x1x640xf32, #tpu.memory_space<vmem>> -> memref<640xf32, #tpu.memory_space<vmem>>
    %dma_wait3A_1209 = tpu.memref_slice %arg14[%dma_wait3A_1201, %dma_wait3A_1202, %mul3A_129] : memref<16x2x10000xf32, #tpu.memory_space<vmem_shared>> -> memref<1x1x640xf32, #tpu.memory_space<vmem_shared>>
    %dma_wait3A_1210 = tpu.memref_squeeze %dma_wait3A_1209 : memref<1x1x640xf32, #tpu.memory_space<vmem_shared>> -> memref<640xf32, #tpu.memory_space<vmem_shared>>
    %dma_wait3A_1211 = tpu.memref_slice %arg15[%dma_wait3A_1205] : memref<2x!tpu.dma_semaphore, #tpu.memory_space<semaphore_mem>> -> memref<1x!tpu.dma_semaphore, #tpu.memory_space<semaphore_mem>>
    %dma_wait3A_1212 = tpu.memref_squeeze %dma_wait3A_1211 : memref<1x!tpu.dma_semaphore, #tpu.memory_space<semaphore_mem>> -> memref<!tpu.dma_semaphore, #tpu.memory_space<semaphore_mem>>
    %dma_wait3A_1213 = arith.constant 0 : i32
    %dma_wait3A_1214 = tpu.memref_slice %arg13[%dma_wait3A_1203, %dma_wait3A_1204, %dma_wait3A_1213] : memref<16x2x640xf32, #tpu.memory_space<vmem>> -> memref<1x1x640xf32, #tpu.memory_space<vmem>>
    %dma_wait3A_1215 = tpu.memref_squeeze %dma_wait3A_1214 : memref<1x1x640xf32, #tpu.memory_space<vmem>> -> memref<640xf32, #tpu.memory_space<vmem>>
    %dma_wait3A_1216 = tpu.memref_slice %arg14[%dma_wait3A_1201, %dma_wait3A_1202, %mul3A_129] : memref<16x2x10000xf32, #tpu.memory_space<vmem_shared>> -> memref<1x1x640xf32, #tpu.memory_space<vmem_shared>>
    %dma_wait3A_1217 = tpu.memref_squeeze %dma_wait3A_1216 : memref<1x1x640xf32, #tpu.memory_space<vmem_shared>> -> memref<640xf32, #tpu.memory_space<vmem_shared>>
    tpu.wait_dma2 semaphore(%dma_wait3A_1212 : memref<!tpu.dma_semaphore, #tpu.memory_space<semaphore_mem>>) src(%dma_wait3A_1217 : memref<640xf32, #tpu.memory_space<vmem_shared>>) dst(%dma_wait3A_1215 : memref<640xf32, #tpu.memory_space<vmem>>)
    %scan3A_1218 = arith.constant 0 : i32
    %scan3A_1219 = arith.constant 0 : i32
    %scan3A_1220 = arith.constant 40 : i32
    %scan3A_1221 = arith.addi %scan3A_1219, %scan3A_1220 : i32
    %scan3A_1222 = arith.constant 1 : i32
    %scan3A_1223 = scf.for %scan3A_1238 = %scan3A_1219 to %scan3A_1221 step %scan3A_1222 iter_args(%scan3A_1239 = %scan3A_1218) -> (i32)  : i32 {
      %mul3A_1240 = arith.constant 16 : i32
      %mul3A_1241 = arith.muli %scan3A_1238, %mul3A_1240 : i32
      %get3A = arith.constant 0 : i32
      %get3A_1242 = arith.constant 0 : i32
      %get3A_1243 = arith.index_cast %get3A : i32 to index
      %get3A_1244 = arith.index_cast %get3A_1242 : i32 to index
      %get3A_1245 = arith.index_cast %mul3A_1241 : i32 to index
      %get3A_1246 = tpu.vector_load %arg13[%get3A_1243, %get3A_1244, %get3A_1245] {strides = array<i32>} : memref<16x2x640xf32, #tpu.memory_space<vmem>>, vector<16xf32>,
      %mul3A_1247 = arith.constant 16 : i32
      %mul3A_1248 = arith.muli %scan3A_1238, %mul3A_1247 : i32
      %get3A_1249 = arith.constant 1 : i32
      %get3A_1250 = arith.constant 0 : i32
      %get3A_1251 = arith.index_cast %get3A_1249 : i32 to index
      %get3A_1252 = arith.index_cast %get3A_1250 : i32 to index
      %get3A_1253 = arith.index_cast %mul3A_1248 : i32 to index
      %get3A_1254 = tpu.vector_load %arg13[%get3A_1251, %get3A_1252, %get3A_1253] {strides = array<i32>} : memref<16x2x640xf32, #tpu.memory_space<vmem>>, vector<16xf32>,
      %add3A_1255 = arith.addf %get3A_1246, %get3A_1254 : vector<16xf32>
      %mul3A_1256 = arith.constant 16 : i32
      %mul3A_1257 = arith.muli %scan3A_1238, %mul3A_1256 : i32
      %get3A_1258 = arith.constant 2 : i32
      %get3A_1259 = arith.constant 0 : i32
      %get3A_1260 = arith.index_cast %get3A_1258 : i32 to index
      %get3A_1261 = arith.index_cast %get3A_1259 : i32 to index
      %get3A_1262 = arith.index_cast %mul3A_1257 : i32 to index
      %get3A_1263 = tpu.vector_load %arg13[%get3A_1260, %get3A_1261, %get3A_1262] {strides = array<i32>} : memref<16x2x640xf32, #tpu.memory_space<vmem>>, vector<16xf32>,
      %add3A_1264 = arith.addf %add3A_1255, %get3A_1263 : vector<16xf32>
      %mul3A_1265 = arith.constant 16 : i32
      %mul3A_1266 = arith.muli %scan3A_1238, %mul3A_1265 : i32
      %get3A_1267 = arith.constant 3 : i32
      %get3A_1268 = arith.constant 0 : i32
      %get3A_1269 = arith.index_cast %get3A_1267 : i32 to index
      %get3A_1270 = arith.index_cast %get3A_1268 : i32 to index
      %get3A_1271 = arith.index_cast %mul3A_1266 : i32 to index
      %get3A_1272 = tpu.vector_load %arg13[%get3A_1269, %get3A_1270, %get3A_1271] {strides = array<i32>} : memref<16x2x640xf32, #tpu.memory_space<vmem>>, vector<16xf32>,
      %add3A_1273 = arith.addf %add3A_1264, %get3A_1272 : vector<16xf32>
      %mul3A_1274 = arith.constant 16 : i32
      %mul3A_1275 = arith.muli %scan3A_1238, %mul3A_1274 : i32
      %get3A_1276 = arith.constant 4 : i32
      %get3A_1277 = arith.constant 0 : i32
      %get3A_1278 = arith.index_cast %get3A_1276 : i32 to index
      %get3A_1279 = arith.index_cast %get3A_1277 : i32 to index
      %get3A_1280 = arith.index_cast %mul3A_1275 : i32 to index
      %get3A_1281 = tpu.vector_load %arg13[%get3A_1278, %get3A_1279, %get3A_1280] {strides = array<i32>} : memref<16x2x640xf32, #tpu.memory_space<vmem>>, vector<16xf32>,
      %add3A_1282 = arith.addf %add3A_1273, %get3A_1281 : vector<16xf32>
      %mul3A_1283 = arith.constant 16 : i32
      %mul3A_1284 = arith.muli %scan3A_1238, %mul3A_1283 : i32
      %get3A_1285 = arith.constant 5 : i32
      %get3A_1286 = arith.constant 0 : i32
      %get3A_1287 = arith.index_cast %get3A_1285 : i32 to index
      %get3A_1288 = arith.index_cast %get3A_1286 : i32 to index
      %get3A_1289 = arith.index_cast %mul3A_1284 : i32 to index
      %get3A_1290 = tpu.vector_load %arg13[%get3A_1287, %get3A_1288, %get3A_1289] {strides = array<i32>} : memref<16x2x640xf32, #tpu.memory_space<vmem>>, vector<16xf32>,
      %add3A_1291 = arith.addf %add3A_1282, %get3A_1290 : vector<16xf32>
      %mul3A_1292 = arith.constant 16 : i32
      %mul3A_1293 = arith.muli %scan3A_1238, %mul3A_1292 : i32
      %get3A_1294 = arith.constant 6 : i32
      %get3A_1295 = arith.constant 0 : i32
      %get3A_1296 = arith.index_cast %get3A_1294 : i32 to index
      %get3A_1297 = arith.index_cast %get3A_1295 : i32 to index
      %get3A_1298 = arith.index_cast %mul3A_1293 : i32 to index
      %get3A_1299 = tpu.vector_load %arg13[%get3A_1296, %get3A_1297, %get3A_1298] {strides = array<i32>} : memref<16x2x640xf32, #tpu.memory_space<vmem>>, vector<16xf32>,
      %add3A_1300 = arith.addf %add3A_1291, %get3A_1299 : vector<16xf32>
      %mul3A_1301 = arith.constant 16 : i32
      %mul3A_1302 = arith.muli %scan3A_1238, %mul3A_1301 : i32
      %get3A_1303 = arith.constant 7 : i32
      %get3A_1304 = arith.constant 0 : i32
      %get3A_1305 = arith.index_cast %get3A_1303 : i32 to index
      %get3A_1306 = arith.index_cast %get3A_1304 : i32 to index
      %get3A_1307 = arith.index_cast %mul3A_1302 : i32 to index
      %get3A_1308 = tpu.vector_load %arg13[%get3A_1305, %get3A_1306, %get3A_1307] {strides = array<i32>} : memref<16x2x640xf32, #tpu.memory_space<vmem>>, vector<16xf32>,
      %add3A_1309 = arith.addf %add3A_1300, %get3A_1308 : vector<16xf32>
      %mul3A_1310 = arith.constant 16 : i32
      %mul3A_1311 = arith.muli %scan3A_1238, %mul3A_1310 : i32
      %get3A_1312 = arith.constant 8 : i32
      %get3A_1313 = arith.constant 0 : i32
      %get3A_1314 = arith.index_cast %get3A_1312 : i32 to index
      %get3A_1315 = arith.index_cast %get3A_1313 : i32 to index
      %get3A_1316 = arith.index_cast %mul3A_1311 : i32 to index
      %get3A_1317 = tpu.vector_load %arg13[%get3A_1314, %get3A_1315, %get3A_1316] {strides = array<i32>} : memref<16x2x640xf32, #tpu.memory_space<vmem>>, vector<16xf32>,
      %add3A_1318 = arith.addf %add3A_1309, %get3A_1317 : vector<16xf32>
      %mul3A_1319 = arith.constant 16 : i32
      %mul3A_1320 = arith.muli %scan3A_1238, %mul3A_1319 : i32
      %get3A_1321 = arith.constant 9 : i32
      %get3A_1322 = arith.constant 0 : i32
      %get3A_1323 = arith.index_cast %get3A_1321 : i32 to index
      %get3A_1324 = arith.index_cast %get3A_1322 : i32 to index
      %get3A_1325 = arith.index_cast %mul3A_1320 : i32 to index
      %get3A_1326 = tpu.vector_load %arg13[%get3A_1323, %get3A_1324, %get3A_1325] {strides = array<i32>} : memref<16x2x640xf32, #tpu.memory_space<vmem>>, vector<16xf32>,
      %add3A_1327 = arith.addf %add3A_1318, %get3A_1326 : vector<16xf32>
      %mul3A_1328 = arith.constant 16 : i32
      %mul3A_1329 = arith.muli %scan3A_1238, %mul3A_1328 : i32
      %get3A_1330 = arith.constant 10 : i32
      %get3A_1331 = arith.constant 0 : i32
      %get3A_1332 = arith.index_cast %get3A_1330 : i32 to index
      %get3A_1333 = arith.index_cast %get3A_1331 : i32 to index
      %get3A_1334 = arith.index_cast %mul3A_1329 : i32 to index
      %get3A_1335 = tpu.vector_load %arg13[%get3A_1332, %get3A_1333, %get3A_1334] {strides = array<i32>} : memref<16x2x640xf32, #tpu.memory_space<vmem>>, vector<16xf32>,
      %add3A_1336 = arith.addf %add3A_1327, %get3A_1335 : vector<16xf32>
      %mul3A_1337 = arith.constant 16 : i32
      %mul3A_1338 = arith.muli %scan3A_1238, %mul3A_1337 : i32
      %get3A_1339 = arith.constant 11 : i32
      %get3A_1340 = arith.constant 0 : i32
      %get3A_1341 = arith.index_cast %get3A_1339 : i32 to index
      %get3A_1342 = arith.index_cast %get3A_1340 : i32 to index
      %get3A_1343 = arith.index_cast %mul3A_1338 : i32 to index
      %get3A_1344 = tpu.vector_load %arg13[%get3A_1341, %get3A_1342, %get3A_1343] {strides = array<i32>} : memref<16x2x640xf32, #tpu.memory_space<vmem>>, vector<16xf32>,
      %add3A_1345 = arith.addf %add3A_1336, %get3A_1344 : vector<16xf32>
      %mul3A_1346 = arith.constant 16 : i32
      %mul3A_1347 = arith.muli %scan3A_1238, %mul3A_1346 : i32
      %get3A_1348 = arith.constant 12 : i32
      %get3A_1349 = arith.constant 0 : i32
      %get3A_1350 = arith.index_cast %get3A_1348 : i32 to index
      %get3A_1351 = arith.index_cast %get3A_1349 : i32 to index
      %get3A_1352 = arith.index_cast %mul3A_1347 : i32 to index
      %get3A_1353 = tpu.vector_load %arg13[%get3A_1350, %get3A_1351, %get3A_1352] {strides = array<i32>} : memref<16x2x640xf32, #tpu.memory_space<vmem>>, vector<16xf32>,
      %add3A_1354 = arith.addf %add3A_1345, %get3A_1353 : vector<16xf32>
      %mul3A_1355 = arith.constant 16 : i32
      %mul3A_1356 = arith.muli %scan3A_1238, %mul3A_1355 : i32
      %get3A_1357 = arith.constant 13 : i32
      %get3A_1358 = arith.constant 0 : i32
      %get3A_1359 = arith.index_cast %get3A_1357 : i32 to index
      %get3A_1360 = arith.index_cast %get3A_1358 : i32 to index
      %get3A_1361 = arith.index_cast %mul3A_1356 : i32 to index
      %get3A_1362 = tpu.vector_load %arg13[%get3A_1359, %get3A_1360, %get3A_1361] {strides = array<i32>} : memref<16x2x640xf32, #tpu.memory_space<vmem>>, vector<16xf32>,
      %add3A_1363 = arith.addf %add3A_1354, %get3A_1362 : vector<16xf32>
      %mul3A_1364 = arith.constant 16 : i32
      %mul3A_1365 = arith.muli %scan3A_1238, %mul3A_1364 : i32
      %get3A_1366 = arith.constant 14 : i32
      %get3A_1367 = arith.constant 0 : i32
      %get3A_1368 = arith.index_cast %get3A_1366 : i32 to index
      %get3A_1369 = arith.index_cast %get3A_1367 : i32 to index
      %get3A_1370 = arith.index_cast %mul3A_1365 : i32 to index
      %get3A_1371 = tpu.vector_load %arg13[%get3A_1368, %get3A_1369, %get3A_1370] {strides = array<i32>} : memref<16x2x640xf32, #tpu.memory_space<vmem>>, vector<16xf32>,
      %add3A_1372 = arith.addf %add3A_1363, %get3A_1371 : vector<16xf32>
      %mul3A_1373 = arith.constant 16 : i32
      %mul3A_1374 = arith.muli %scan3A_1238, %mul3A_1373 : i32
      %get3A_1375 = arith.constant 15 : i32
      %get3A_1376 = arith.constant 0 : i32
      %get3A_1377 = arith.index_cast %get3A_1375 : i32 to index
      %get3A_1378 = arith.index_cast %get3A_1376 : i32 to index
      %get3A_1379 = arith.index_cast %mul3A_1374 : i32 to index
      %get3A_1380 = tpu.vector_load %arg13[%get3A_1377, %get3A_1378, %get3A_1379] {strides = array<i32>} : memref<16x2x640xf32, #tpu.memory_space<vmem>>, vector<16xf32>,
      %add3A_1381 = arith.addf %add3A_1372, %get3A_1380 : vector<16xf32>
      %mul3A_1382 = arith.constant 16 : i32
      %mul3A_1383 = arith.muli %scan3A_1238, %mul3A_1382 : i32
      %swap3A = arith.index_cast %mul3A_1383 : i32 to index
      %swap3A_1384 = tpu.vector_load %arg11[%swap3A] {strides = array<i32>} : memref<10112xf32, #tpu.memory_space<vmem>>, vector<16xf32>,
      tpu.vector_store %arg11[%swap3A], %add3A_1381 {strides = array<i32>} : memref<10112xf32, #tpu.memory_space<vmem>>, vector<16xf32>,
      %scan3A_1385 = arith.constant 0 : i32
      scf.yield %scan3A_1385 : i32
    }
    %scan3A_1224 = arith.constant 40 : i32
    %scan3A_1225 = arith.constant 0 : i32
    %scan3A_1226 = arith.constant 0 : i32
    %scan3A_1227 = arith.constant 40 : i32
    %scan3A_1228 = arith.addi %scan3A_1226, %scan3A_1227 : i32
    %scan3A_1229 = arith.constant 1 : i32
    %scan3A_1230 = scf.for %scan3A_1238 = %scan3A_1226 to %scan3A_1228 step %scan3A_1229 iter_args(%scan3A_1239 = %scan3A_1225) -> (i32)  : i32 {
      %mul3A_1240 = arith.constant 16 : i32
      %mul3A_1241 = arith.muli %scan3A_1238, %mul3A_1240 : i32
      %get3A = arith.constant 0 : i32
      %get3A_1242 = arith.constant 1 : i32
      %get3A_1243 = arith.index_cast %get3A : i32 to index
      %get3A_1244 = arith.index_cast %get3A_1242 : i32 to index
      %get3A_1245 = arith.index_cast %mul3A_1241 : i32 to index
      %get3A_1246 = tpu.vector_load %arg13[%get3A_1243, %get3A_1244, %get3A_1245] {strides = array<i32>} : memref<16x2x640xf32, #tpu.memory_space<vmem>>, vector<16xf32>,
      %mul3A_1247 = arith.constant 16 : i32
      %mul3A_1248 = arith.muli %scan3A_1238, %mul3A_1247 : i32
      %get3A_1249 = arith.constant 1 : i32
      %get3A_1250 = arith.constant 1 : i32
      %get3A_1251 = arith.index_cast %get3A_1249 : i32 to index
      %get3A_1252 = arith.index_cast %get3A_1250 : i32 to index
      %get3A_1253 = arith.index_cast %mul3A_1248 : i32 to index
      %get3A_1254 = tpu.vector_load %arg13[%get3A_1251, %get3A_1252, %get3A_1253] {strides = array<i32>} : memref<16x2x640xf32, #tpu.memory_space<vmem>>, vector<16xf32>,
      %add3A_1255 = arith.addf %get3A_1246, %get3A_1254 : vector<16xf32>
      %mul3A_1256 = arith.constant 16 : i32
      %mul3A_1257 = arith.muli %scan3A_1238, %mul3A_1256 : i32
      %get3A_1258 = arith.constant 2 : i32
      %get3A_1259 = arith.constant 1 : i32
      %get3A_1260 = arith.index_cast %get3A_1258 : i32 to index
      %get3A_1261 = arith.index_cast %get3A_1259 : i32 to index
      %get3A_1262 = arith.index_cast %mul3A_1257 : i32 to index
      %get3A_1263 = tpu.vector_load %arg13[%get3A_1260, %get3A_1261, %get3A_1262] {strides = array<i32>} : memref<16x2x640xf32, #tpu.memory_space<vmem>>, vector<16xf32>,
      %add3A_1264 = arith.addf %add3A_1255, %get3A_1263 : vector<16xf32>
      %mul3A_1265 = arith.constant 16 : i32
      %mul3A_1266 = arith.muli %scan3A_1238, %mul3A_1265 : i32
      %get3A_1267 = arith.constant 3 : i32
      %get3A_1268 = arith.constant 1 : i32
      %get3A_1269 = arith.index_cast %get3A_1267 : i32 to index
      %get3A_1270 = arith.index_cast %get3A_1268 : i32 to index
      %get3A_1271 = arith.index_cast %mul3A_1266 : i32 to index
      %get3A_1272 = tpu.vector_load %arg13[%get3A_1269, %get3A_1270, %get3A_1271] {strides = array<i32>} : memref<16x2x640xf32, #tpu.memory_space<vmem>>, vector<16xf32>,
      %add3A_1273 = arith.addf %add3A_1264, %get3A_1272 : vector<16xf32>
      %mul3A_1274 = arith.constant 16 : i32
      %mul3A_1275 = arith.muli %scan3A_1238, %mul3A_1274 : i32
      %get3A_1276 = arith.constant 4 : i32
      %get3A_1277 = arith.constant 1 : i32
      %get3A_1278 = arith.index_cast %get3A_1276 : i32 to index
      %get3A_1279 = arith.index_cast %get3A_1277 : i32 to index
      %get3A_1280 = arith.index_cast %mul3A_1275 : i32 to index
      %get3A_1281 = tpu.vector_load %arg13[%get3A_1278, %get3A_1279, %get3A_1280] {strides = array<i32>} : memref<16x2x640xf32, #tpu.memory_space<vmem>>, vector<16xf32>,
      %add3A_1282 = arith.addf %add3A_1273, %get3A_1281 : vector<16xf32>
      %mul3A_1283 = arith.constant 16 : i32
      %mul3A_1284 = arith.muli %scan3A_1238, %mul3A_1283 : i32
      %get3A_1285 = arith.constant 5 : i32
      %get3A_1286 = arith.constant 1 : i32
      %get3A_1287 = arith.index_cast %get3A_1285 : i32 to index
      %get3A_1288 = arith.index_cast %get3A_1286 : i32 to index
      %get3A_1289 = arith.index_cast %mul3A_1284 : i32 to index
      %get3A_1290 = tpu.vector_load %arg13[%get3A_1287, %get3A_1288, %get3A_1289] {strides = array<i32>} : memref<16x2x640xf32, #tpu.memory_space<vmem>>, vector<16xf32>,
      %add3A_1291 = arith.addf %add3A_1282, %get3A_1290 : vector<16xf32>
      %mul3A_1292 = arith.constant 16 : i32
      %mul3A_1293 = arith.muli %scan3A_1238, %mul3A_1292 : i32
      %get3A_1294 = arith.constant 6 : i32
      %get3A_1295 = arith.constant 1 : i32
      %get3A_1296 = arith.index_cast %get3A_1294 : i32 to index
      %get3A_1297 = arith.index_cast %get3A_1295 : i32 to index
      %get3A_1298 = arith.index_cast %mul3A_1293 : i32 to index
      %get3A_1299 = tpu.vector_load %arg13[%get3A_1296, %get3A_1297, %get3A_1298] {strides = array<i32>} : memref<16x2x640xf32, #tpu.memory_space<vmem>>, vector<16xf32>,
      %add3A_1300 = arith.addf %add3A_1291, %get3A_1299 : vector<16xf32>
      %mul3A_1301 = arith.constant 16 : i32
      %mul3A_1302 = arith.muli %scan3A_1238, %mul3A_1301 : i32
      %get3A_1303 = arith.constant 7 : i32
      %get3A_1304 = arith.constant 1 : i32
      %get3A_1305 = arith.index_cast %get3A_1303 : i32 to index
      %get3A_1306 = arith.index_cast %get3A_1304 : i32 to index
      %get3A_1307 = arith.index_cast %mul3A_1302 : i32 to index
      %get3A_1308 = tpu.vector_load %arg13[%get3A_1305, %get3A_1306, %get3A_1307] {strides = array<i32>} : memref<16x2x640xf32, #tpu.memory_space<vmem>>, vector<16xf32>,
      %add3A_1309 = arith.addf %add3A_1300, %get3A_1308 : vector<16xf32>
      %mul3A_1310 = arith.constant 16 : i32
      %mul3A_1311 = arith.muli %scan3A_1238, %mul3A_1310 : i32
      %get3A_1312 = arith.constant 8 : i32
      %get3A_1313 = arith.constant 1 : i32
      %get3A_1314 = arith.index_cast %get3A_1312 : i32 to index
      %get3A_1315 = arith.index_cast %get3A_1313 : i32 to index
      %get3A_1316 = arith.index_cast %mul3A_1311 : i32 to index
      %get3A_1317 = tpu.vector_load %arg13[%get3A_1314, %get3A_1315, %get3A_1316] {strides = array<i32>} : memref<16x2x640xf32, #tpu.memory_space<vmem>>, vector<16xf32>,
      %add3A_1318 = arith.addf %add3A_1309, %get3A_1317 : vector<16xf32>
      %mul3A_1319 = arith.constant 16 : i32
      %mul3A_1320 = arith.muli %scan3A_1238, %mul3A_1319 : i32
      %get3A_1321 = arith.constant 9 : i32
      %get3A_1322 = arith.constant 1 : i32
      %get3A_1323 = arith.index_cast %get3A_1321 : i32 to index
      %get3A_1324 = arith.index_cast %get3A_1322 : i32 to index
      %get3A_1325 = arith.index_cast %mul3A_1320 : i32 to index
      %get3A_1326 = tpu.vector_load %arg13[%get3A_1323, %get3A_1324, %get3A_1325] {strides = array<i32>} : memref<16x2x640xf32, #tpu.memory_space<vmem>>, vector<16xf32>,
      %add3A_1327 = arith.addf %add3A_1318, %get3A_1326 : vector<16xf32>
      %mul3A_1328 = arith.constant 16 : i32
      %mul3A_1329 = arith.muli %scan3A_1238, %mul3A_1328 : i32
      %get3A_1330 = arith.constant 10 : i32
      %get3A_1331 = arith.constant 1 : i32
      %get3A_1332 = arith.index_cast %get3A_1330 : i32 to index
      %get3A_1333 = arith.index_cast %get3A_1331 : i32 to index
      %get3A_1334 = arith.index_cast %mul3A_1329 : i32 to index
      %get3A_1335 = tpu.vector_load %arg13[%get3A_1332, %get3A_1333, %get3A_1334] {strides = array<i32>} : memref<16x2x640xf32, #tpu.memory_space<vmem>>, vector<16xf32>,
      %add3A_1336 = arith.addf %add3A_1327, %get3A_1335 : vector<16xf32>
      %mul3A_1337 = arith.constant 16 : i32
      %mul3A_1338 = arith.muli %scan3A_1238, %mul3A_1337 : i32
      %get3A_1339 = arith.constant 11 : i32
      %get3A_1340 = arith.constant 1 : i32
      %get3A_1341 = arith.index_cast %get3A_1339 : i32 to index
      %get3A_1342 = arith.index_cast %get3A_1340 : i32 to index
      %get3A_1343 = arith.index_cast %mul3A_1338 : i32 to index
      %get3A_1344 = tpu.vector_load %arg13[%get3A_1341, %get3A_1342, %get3A_1343] {strides = array<i32>} : memref<16x2x640xf32, #tpu.memory_space<vmem>>, vector<16xf32>,
      %add3A_1345 = arith.addf %add3A_1336, %get3A_1344 : vector<16xf32>
      %mul3A_1346 = arith.constant 16 : i32
      %mul3A_1347 = arith.muli %scan3A_1238, %mul3A_1346 : i32
      %get3A_1348 = arith.constant 12 : i32
      %get3A_1349 = arith.constant 1 : i32
      %get3A_1350 = arith.index_cast %get3A_1348 : i32 to index
      %get3A_1351 = arith.index_cast %get3A_1349 : i32 to index
      %get3A_1352 = arith.index_cast %mul3A_1347 : i32 to index
      %get3A_1353 = tpu.vector_load %arg13[%get3A_1350, %get3A_1351, %get3A_1352] {strides = array<i32>} : memref<16x2x640xf32, #tpu.memory_space<vmem>>, vector<16xf32>,
      %add3A_1354 = arith.addf %add3A_1345, %get3A_1353 : vector<16xf32>
      %mul3A_1355 = arith.constant 16 : i32
      %mul3A_1356 = arith.muli %scan3A_1238, %mul3A_1355 : i32
      %get3A_1357 = arith.constant 13 : i32
      %get3A_1358 = arith.constant 1 : i32
      %get3A_1359 = arith.index_cast %get3A_1357 : i32 to index
      %get3A_1360 = arith.index_cast %get3A_1358 : i32 to index
      %get3A_1361 = arith.index_cast %mul3A_1356 : i32 to index
      %get3A_1362 = tpu.vector_load %arg13[%get3A_1359, %get3A_1360, %get3A_1361] {strides = array<i32>} : memref<16x2x640xf32, #tpu.memory_space<vmem>>, vector<16xf32>,
      %add3A_1363 = arith.addf %add3A_1354, %get3A_1362 : vector<16xf32>
      %mul3A_1364 = arith.constant 16 : i32
      %mul3A_1365 = arith.muli %scan3A_1238, %mul3A_1364 : i32
      %get3A_1366 = arith.constant 14 : i32
      %get3A_1367 = arith.constant 1 : i32
      %get3A_1368 = arith.index_cast %get3A_1366 : i32 to index
      %get3A_1369 = arith.index_cast %get3A_1367 : i32 to index
      %get3A_1370 = arith.index_cast %mul3A_1365 : i32 to index
      %get3A_1371 = tpu.vector_load %arg13[%get3A_1368, %get3A_1369, %get3A_1370] {strides = array<i32>} : memref<16x2x640xf32, #tpu.memory_space<vmem>>, vector<16xf32>,
      %add3A_1372 = arith.addf %add3A_1363, %get3A_1371 : vector<16xf32>
      %mul3A_1373 = arith.constant 16 : i32
      %mul3A_1374 = arith.muli %scan3A_1238, %mul3A_1373 : i32
      %get3A_1375 = arith.constant 15 : i32
      %get3A_1376 = arith.constant 1 : i32
      %get3A_1377 = arith.index_cast %get3A_1375 : i32 to index
      %get3A_1378 = arith.index_cast %get3A_1376 : i32 to index
      %get3A_1379 = arith.index_cast %mul3A_1374 : i32 to index
      %get3A_1380 = tpu.vector_load %arg13[%get3A_1377, %get3A_1378, %get3A_1379] {strides = array<i32>} : memref<16x2x640xf32, #tpu.memory_space<vmem>>, vector<16xf32>,
      %add3A_1381 = arith.addf %add3A_1372, %get3A_1380 : vector<16xf32>
      %mul3A_1382 = arith.constant 16 : i32
      %mul3A_1383 = arith.muli %scan3A_1238, %mul3A_1382 : i32
      %swap3A = arith.index_cast %mul3A_1383 : i32 to index
      %swap3A_1384 = tpu.vector_load %arg12[%swap3A] {strides = array<i32>} : memref<10112xf32, #tpu.memory_space<vmem>>, vector<16xf32>,
      tpu.vector_store %arg12[%swap3A], %add3A_1381 {strides = array<i32>} : memref<10112xf32, #tpu.memory_space<vmem>>, vector<16xf32>,
      %scan3A_1385 = arith.constant 0 : i32
      scf.yield %scan3A_1385 : i32
    }
    %scan3A_1231 = arith.constant 40 : i32
    %lt3A = arith.constant 15 : i32
    %lt3A_1232 = arith.cmpi slt, %arg1, %lt3A : i32
    %convert_element_type3A = arith.extui %lt3A_1232 : i1 to i32
    %cond3A = arith.constant 0 : i32
    %cond3A_1233 = arith.cmpi ne, %convert_element_type3A, %cond3A : i32
    scf.if %cond3A_1233 {
      %run_scoped3A_1238 = arith.constant 0 : i32
      "tpu.region"() ({
        %run_scoped3A_1240 = tpu.sem_alloc : memref<!tpu.dma_semaphore, #tpu.memory_space<semaphore_mem>>
        %dma_start3A_1241 = arith.constant 0 : i32
        %dma_start3A_1242 = tpu.memref_slice %arg11[%dma_start3A_1241] : memref<10112xf32, #tpu.memory_space<vmem>> -> memref<624xf32, #tpu.memory_space<vmem>>
        %dma_start3A_1243 = tpu.memref_slice %arg5[%arg0, %run_scoped3A_1238, %mul3A_129] : memref<2x2x10000xf32, #tpu.memory_space<hbm>> -> memref<1x1x624xf32, #tpu.memory_space<hbm>>
        %dma_start3A_1244 = tpu.memref_squeeze %dma_start3A_1243 : memref<1x1x624xf32, #tpu.memory_space<hbm>> -> memref<624xf32, #tpu.memory_space<hbm>>
        %dma_start3A_1245 = tpu.memref_slice %arg5[%arg0, %run_scoped3A_1238, %mul3A_129] : memref<2x2x10000xf32, #tpu.memory_space<hbm>> -> memref<1x1x624xf32, #tpu.memory_space<hbm>>
        %dma_start3A_1246 = tpu.memref_squeeze %dma_start3A_1245 : memref<1x1x624xf32, #tpu.memory_space<hbm>> -> memref<624xf32, #tpu.memory_space<hbm>>
        %dma_start3A_1247 = arith.constant 0 : i32
        %dma_start3A_1248 = tpu.memref_slice %arg11[%dma_start3A_1247] : memref<10112xf32, #tpu.memory_space<vmem>> -> memref<624xf32, #tpu.memory_space<vmem>>
        tpu.enqueue_dma source(%dma_start3A_1248 : memref<624xf32, #tpu.memory_space<vmem>>) target(%dma_start3A_1246 : memref<624xf32, #tpu.memory_space<hbm>>) target_semaphore(%run_scoped3A_1240 : memref<!tpu.dma_semaphore, #tpu.memory_space<semaphore_mem>>)
        %dma_wait3A_1249 = arith.constant 0 : i32
        %dma_wait3A_1250 = tpu.memref_slice %arg11[%dma_wait3A_1249] : memref<10112xf32, #tpu.memory_space<vmem>> -> memref<624xf32, #tpu.memory_space<vmem>>
        %dma_wait3A_1251 = tpu.memref_slice %arg5[%arg0, %run_scoped3A_1238, %mul3A_129] : memref<2x2x10000xf32, #tpu.memory_space<hbm>> -> memref<1x1x624xf32, #tpu.memory_space<hbm>>
        %dma_wait3A_1252 = tpu.memref_squeeze %dma_wait3A_1251 : memref<1x1x624xf32, #tpu.memory_space<hbm>> -> memref<624xf32, #tpu.memory_space<hbm>>
        %dma_wait3A_1253 = tpu.memref_slice %arg5[%arg0, %run_scoped3A_1238, %mul3A_129] : memref<2x2x10000xf32, #tpu.memory_space<hbm>> -> memref<1x1x624xf32, #tpu.memory_space<hbm>>
        %dma_wait3A_1254 = tpu.memref_squeeze %dma_wait3A_1253 : memref<1x1x624xf32, #tpu.memory_space<hbm>> -> memref<624xf32, #tpu.memory_space<hbm>>
        %dma_wait3A_1255 = arith.constant 0 : i32
        %dma_wait3A_1256 = tpu.memref_slice %arg11[%dma_wait3A_1255] : memref<10112xf32, #tpu.memory_space<vmem>> -> memref<624xf32, #tpu.memory_space<vmem>>
        tpu.wait_dma2 semaphore(%run_scoped3A_1240 : memref<!tpu.dma_semaphore, #tpu.memory_space<semaphore_mem>>) src(%dma_wait3A_1256 : memref<624xf32, #tpu.memory_space<vmem>>) dst(%dma_wait3A_1254 : memref<624xf32, #tpu.memory_space<hbm>>)
        tpu.yield
      }) : () -> ()
      %run_scoped3A_1239 = arith.constant 1 : i32
      "tpu.region"() ({
        %run_scoped3A_1240 = tpu.sem_alloc : memref<!tpu.dma_semaphore, #tpu.memory_space<semaphore_mem>>
        %dma_start3A_1241 = arith.constant 0 : i32
        %dma_start3A_1242 = tpu.memref_slice %arg12[%dma_start3A_1241] : memref<10112xf32, #tpu.memory_space<vmem>> -> memref<624xf32, #tpu.memory_space<vmem>>
        %dma_start3A_1243 = tpu.memref_slice %arg5[%arg0, %run_scoped3A_1239, %mul3A_129] : memref<2x2x10000xf32, #tpu.memory_space<hbm>> -> memref<1x1x624xf32, #tpu.memory_space<hbm>>
        %dma_start3A_1244 = tpu.memref_squeeze %dma_start3A_1243 : memref<1x1x624xf32, #tpu.memory_space<hbm>> -> memref<624xf32, #tpu.memory_space<hbm>>
        %dma_start3A_1245 = tpu.memref_slice %arg5[%arg0, %run_scoped3A_1239, %mul3A_129] : memref<2x2x10000xf32, #tpu.memory_space<hbm>> -> memref<1x1x624xf32, #tpu.memory_space<hbm>>
        %dma_start3A_1246 = tpu.memref_squeeze %dma_start3A_1245 : memref<1x1x624xf32, #tpu.memory_space<hbm>> -> memref<624xf32, #tpu.memory_space<hbm>>
        %dma_start3A_1247 = arith.constant 0 : i32
        %dma_start3A_1248 = tpu.memref_slice %arg12[%dma_start3A_1247] : memref<10112xf32, #tpu.memory_space<vmem>> -> memref<624xf32, #tpu.memory_space<vmem>>
        tpu.enqueue_dma source(%dma_start3A_1248 : memref<624xf32, #tpu.memory_space<vmem>>) target(%dma_start3A_1246 : memref<624xf32, #tpu.memory_space<hbm>>) target_semaphore(%run_scoped3A_1240 : memref<!tpu.dma_semaphore, #tpu.memory_space<semaphore_mem>>)
        %dma_wait3A_1249 = arith.constant 0 : i32
        %dma_wait3A_1250 = tpu.memref_slice %arg12[%dma_wait3A_1249] : memref<10112xf32, #tpu.memory_space<vmem>> -> memref<624xf32, #tpu.memory_space<vmem>>
        %dma_wait3A_1251 = tpu.memref_slice %arg5[%arg0, %run_scoped3A_1239, %mul3A_129] : memref<2x2x10000xf32, #tpu.memory_space<hbm>> -> memref<1x1x624xf32, #tpu.memory_space<hbm>>
        %dma_wait3A_1252 = tpu.memref_squeeze %dma_wait3A_1251 : memref<1x1x624xf32, #tpu.memory_space<hbm>> -> memref<624xf32, #tpu.memory_space<hbm>>
        %dma_wait3A_1253 = tpu.memref_slice %arg5[%arg0, %run_scoped3A_1239, %mul3A_129] : memref<2x2x10000xf32, #tpu.memory_space<hbm>> -> memref<1x1x624xf32, #tpu.memory_space<hbm>>
        %dma_wait3A_1254 = tpu.memref_squeeze %dma_wait3A_1253 : memref<1x1x624xf32, #tpu.memory_space<hbm>> -> memref<624xf32, #tpu.memory_space<hbm>>
        %dma_wait3A_1255 = arith.constant 0 : i32
        %dma_wait3A_1256 = tpu.memref_slice %arg12[%dma_wait3A_1255] : memref<10112xf32, #tpu.memory_space<vmem>> -> memref<624xf32, #tpu.memory_space<vmem>>
        tpu.wait_dma2 semaphore(%run_scoped3A_1240 : memref<!tpu.dma_semaphore, #tpu.memory_space<semaphore_mem>>) src(%dma_wait3A_1256 : memref<624xf32, #tpu.memory_space<vmem>>) dst(%dma_wait3A_1254 : memref<624xf32, #tpu.memory_space<hbm>>)
        tpu.yield
      }) : () -> ()
    } else {
    }
    %eq3A = arith.constant 15 : i32
    %eq3A_1234 = arith.cmpi eq, %arg1, %eq3A : i32
    %convert_element_type3A_1235 = arith.extui %eq3A_1234 : i1 to i32
    %cond3A_1236 = arith.constant 0 : i32
    %cond3A_1237 = arith.cmpi ne, %convert_element_type3A_1235, %cond3A_1236 : i32
    scf.if %cond3A_1237 {
      %run_scoped3A_1238 = arith.constant 0 : i32
      "tpu.region"() ({
        %run_scoped3A_1240 = tpu.sem_alloc : memref<!tpu.dma_semaphore, #tpu.memory_space<semaphore_mem>>
        %dma_start3A_1241 = arith.constant 0 : i32
        %dma_start3A_1242 = tpu.memref_slice %arg11[%dma_start3A_1241] : memref<10112xf32, #tpu.memory_space<vmem>> -> memref<640xf32, #tpu.memory_space<vmem>>
        %dma_start3A_1243 = arith.constant 9360 : i32
        %dma_start3A_1244 = tpu.memref_slice %arg5[%arg0, %run_scoped3A_1238, %dma_start3A_1243] : memref<2x2x10000xf32, #tpu.memory_space<hbm>> -> memref<1x1x640xf32, #tpu.memory_space<hbm>>
        %dma_start3A_1245 = tpu.memref_squeeze %dma_start3A_1244 : memref<1x1x640xf32, #tpu.memory_space<hbm>> -> memref<640xf32, #tpu.memory_space<hbm>>
        %dma_start3A_1246 = arith.constant 9360 : i32
        %dma_start3A_1247 = tpu.memref_slice %arg5[%arg0, %run_scoped3A_1238, %dma_start3A_1246] : memref<2x2x10000xf32, #tpu.memory_space<hbm>> -> memref<1x1x640xf32, #tpu.memory_space<hbm>>
        %dma_start3A_1248 = tpu.memref_squeeze %dma_start3A_1247 : memref<1x1x640xf32, #tpu.memory_space<hbm>> -> memref<640xf32, #tpu.memory_space<hbm>>
        %dma_start3A_1249 = arith.constant 0 : i32
        %dma_start3A_1250 = tpu.memref_slice %arg11[%dma_start3A_1249] : memref<10112xf32, #tpu.memory_space<vmem>> -> memref<640xf32, #tpu.memory_space<vmem>>
        tpu.enqueue_dma source(%dma_start3A_1250 : memref<640xf32, #tpu.memory_space<vmem>>) target(%dma_start3A_1248 : memref<640xf32, #tpu.memory_space<hbm>>) target_semaphore(%run_scoped3A_1240 : memref<!tpu.dma_semaphore, #tpu.memory_space<semaphore_mem>>)
        %dma_wait3A_1251 = arith.constant 0 : i32
        %dma_wait3A_1252 = tpu.memref_slice %arg11[%dma_wait3A_1251] : memref<10112xf32, #tpu.memory_space<vmem>> -> memref<640xf32, #tpu.memory_space<vmem>>
        %dma_wait3A_1253 = arith.constant 9360 : i32
        %dma_wait3A_1254 = tpu.memref_slice %arg5[%arg0, %run_scoped3A_1238, %dma_wait3A_1253] : memref<2x2x10000xf32, #tpu.memory_space<hbm>> -> memref<1x1x640xf32, #tpu.memory_space<hbm>>
        %dma_wait3A_1255 = tpu.memref_squeeze %dma_wait3A_1254 : memref<1x1x640xf32, #tpu.memory_space<hbm>> -> memref<640xf32, #tpu.memory_space<hbm>>
        %dma_wait3A_1256 = arith.constant 9360 : i32
        %dma_wait3A_1257 = tpu.memref_slice %arg5[%arg0, %run_scoped3A_1238, %dma_wait3A_1256] : memref<2x2x10000xf32, #tpu.memory_space<hbm>> -> memref<1x1x640xf32, #tpu.memory_space<hbm>>
        %dma_wait3A_1258 = tpu.memref_squeeze %dma_wait3A_1257 : memref<1x1x640xf32, #tpu.memory_space<hbm>> -> memref<640xf32, #tpu.memory_space<hbm>>
        %dma_wait3A_1259 = arith.constant 0 : i32
        %dma_wait3A_1260 = tpu.memref_slice %arg11[%dma_wait3A_1259] : memref<10112xf32, #tpu.memory_space<vmem>> -> memref<640xf32, #tpu.memory_space<vmem>>
        tpu.wait_dma2 semaphore(%run_scoped3A_1240 : memref<!tpu.dma_semaphore, #tpu.memory_space<semaphore_mem>>) src(%dma_wait3A_1260 : memref<640xf32, #tpu.memory_space<vmem>>) dst(%dma_wait3A_1258 : memref<640xf32, #tpu.memory_space<hbm>>)
        tpu.yield
      }) : () -> ()
      %run_scoped3A_1239 = arith.constant 1 : i32
      "tpu.region"() ({
        %run_scoped3A_1240 = tpu.sem_alloc : memref<!tpu.dma_semaphore, #tpu.memory_space<semaphore_mem>>
        %dma_start3A_1241 = arith.constant 0 : i32
        %dma_start3A_1242 = tpu.memref_slice %arg12[%dma_start3A_1241] : memref<10112xf32, #tpu.memory_space<vmem>> -> memref<640xf32, #tpu.memory_space<vmem>>
        %dma_start3A_1243 = arith.constant 9360 : i32
        %dma_start3A_1244 = tpu.memref_slice %arg5[%arg0, %run_scoped3A_1239, %dma_start3A_1243] : memref<2x2x10000xf32, #tpu.memory_space<hbm>> -> memref<1x1x640xf32, #tpu.memory_space<hbm>>
        %dma_start3A_1245 = tpu.memref_squeeze %dma_start3A_1244 : memref<1x1x640xf32, #tpu.memory_space<hbm>> -> memref<640xf32, #tpu.memory_space<hbm>>
        %dma_start3A_1246 = arith.constant 9360 : i32
        %dma_start3A_1247 = tpu.memref_slice %arg5[%arg0, %run_scoped3A_1239, %dma_start3A_1246] : memref<2x2x10000xf32, #tpu.memory_space<hbm>> -> memref<1x1x640xf32, #tpu.memory_space<hbm>>
        %dma_start3A_1248 = tpu.memref_squeeze %dma_start3A_1247 : memref<1x1x640xf32, #tpu.memory_space<hbm>> -> memref<640xf32, #tpu.memory_space<hbm>>
        %dma_start3A_1249 = arith.constant 0 : i32
        %dma_start3A_1250 = tpu.memref_slice %arg12[%dma_start3A_1249] : memref<10112xf32, #tpu.memory_space<vmem>> -> memref<640xf32, #tpu.memory_space<vmem>>
        tpu.enqueue_dma source(%dma_start3A_1250 : memref<640xf32, #tpu.memory_space<vmem>>) target(%dma_start3A_1248 : memref<640xf32, #tpu.memory_space<hbm>>) target_semaphore(%run_scoped3A_1240 : memref<!tpu.dma_semaphore, #tpu.memory_space<semaphore_mem>>)
        %dma_wait3A_1251 = arith.constant 0 : i32
        %dma_wait3A_1252 = tpu.memref_slice %arg12[%dma_wait3A_1251] : memref<10112xf32, #tpu.memory_space<vmem>> -> memref<640xf32, #tpu.memory_space<vmem>>
        %dma_wait3A_1253 = arith.constant 9360 : i32
        %dma_wait3A_1254 = tpu.memref_slice %arg5[%arg0, %run_scoped3A_1239, %dma_wait3A_1253] : memref<2x2x10000xf32, #tpu.memory_space<hbm>> -> memref<1x1x640xf32, #tpu.memory_space<hbm>>
        %dma_wait3A_1255 = tpu.memref_squeeze %dma_wait3A_1254 : memref<1x1x640xf32, #tpu.memory_space<hbm>> -> memref<640xf32, #tpu.memory_space<hbm>>
        %dma_wait3A_1256 = arith.constant 9360 : i32
        %dma_wait3A_1257 = tpu.memref_slice %arg5[%arg0, %run_scoped3A_1239, %dma_wait3A_1256] : memref<2x2x10000xf32, #tpu.memory_space<hbm>> -> memref<1x1x640xf32, #tpu.memory_space<hbm>>
        %dma_wait3A_1258 = tpu.memref_squeeze %dma_wait3A_1257 : memref<1x1x640xf32, #tpu.memory_space<hbm>> -> memref<640xf32, #tpu.memory_space<hbm>>
        %dma_wait3A_1259 = arith.constant 0 : i32
        %dma_wait3A_1260 = tpu.memref_slice %arg12[%dma_wait3A_1259] : memref<10112xf32, #tpu.memory_space<vmem>> -> memref<640xf32, #tpu.memory_space<vmem>>
        tpu.wait_dma2 semaphore(%run_scoped3A_1240 : memref<!tpu.dma_semaphore, #tpu.memory_space<semaphore_mem>>) src(%dma_wait3A_1260 : memref<640xf32, #tpu.memory_space<vmem>>) dst(%dma_wait3A_1258 : memref<640xf32, #tpu.memory_space<hbm>>)
        tpu.yield
      }) : () -> ()
    } else {
    }
    return
  }
}

#map = affine_map<(d0, d1) -> (0, 0)>
#map1 = affine_map<(d0, d1) -> (0, 0, 0)>
module attributes {stable_mosaic.version = 14 : i64} {
  func.func @sc1(%arg0: i32, %arg1: i32, %arg2: memref<10000x80xf32, #tpu.memory_space<hbm>>, %arg3: memref<10000x16xf32, #tpu.memory_space<hbm>>, %arg4: memref<2528x128xi32, #tpu.memory_space<hbm>>, %arg5: memref<2528x128xi32, #tpu.memory_space<hbm>>, %arg6: memref<2x10000x128xf32, #tpu.memory_space<hbm>>, %arg7: memref<79x128xi32, #tpu.memory_space<vmem>>, %arg8: memref<79x128xi32, #tpu.memory_space<vmem>>, %arg9: memref<2x128x80xf32, #tpu.memory_space<vmem>>, %arg10: memref<2x128x16xf32, #tpu.memory_space<vmem>>, %arg11: memref<2x128x80xf32, #tpu.memory_space<vmem>>, %arg12: memref<25x80xf32, #tpu.memory_space<vmem>>, %arg13: memref<10000x80xf32, #tpu.memory_space<vmem_shared>>, %arg14: memref<2x!tpu.dma_semaphore, #tpu.memory_space<semaphore_mem>>, %arg15: memref<2x!tpu.dma_semaphore, #tpu.memory_space<semaphore_mem>>) attributes {dimension_semantics = [#tpu.dimension_semantics<core_parallel>, #tpu.dimension_semantics<subcore_parallel>], iteration_bounds = array<i64: 2, 16>, scalar_prefetch = 0 : i64, scratch_operands = 9 : i64, tpu.core_type = #tpu.core_type<sc_vector_subcore>, window_params = [{transform_indices = #map}, {transform_indices = #map}, {transform_indices = #map}, {transform_indices = #map}, {transform_indices = #map1}]} {
    %mul3A = arith.constant 16 : i32
    %mul3A_0 = arith.muli %arg0, %mul3A : i32
    %add3A = arith.addi %mul3A_0, %arg1 : i32
    %mul3A_1 = arith.constant 79 : i32
    %mul3A_2 = arith.muli %add3A, %mul3A_1 : i32
    %iota3A = tpu.iota {dimensions = array<i32: 0>} : vector<16xi32>
    %and3A = arith.constant 7 : i32
    %and3A_3 = vector.broadcast %and3A : i32 to vector<16xi32>
    %and3A_4 = arith.andi %iota3A, %and3A_3 : vector<16xi32>
    %broadcast_in_dim3A = arith.constant 0.000000e+00 : f32
    %broadcast_in_dim3A_5 = vector.broadcast %broadcast_in_dim3A : f32 to vector<16xf32>
    %scan3A = arith.constant 0 : i32
    %scan3A_6 = arith.constant 0 : i32
    %scan3A_7 = arith.constant 25 : i32
    %scan3A_8 = arith.addi %scan3A_6, %scan3A_7 : i32
    %scan3A_9 = arith.constant 1 : i32
    %scan3A_10 = scf.for %scan3A_527 = %scan3A_6 to %scan3A_8 step %scan3A_9 iter_args(%scan3A_528 = %scan3A) -> (i32)  : i32 {
      %swap3A = arith.index_cast %scan3A_527 : i32 to index
      %swap3A_529 = arith.constant 0 : index
      %swap3A_530 = tpu.vector_load %arg12[%swap3A, %swap3A_529] {strides = array<i32>} : memref<25x80xf32, #tpu.memory_space<vmem>>, vector<1x16xf32>,
      %swap3A_531 = vector.shape_cast %swap3A_530 : vector<1x16xf32> to vector<16xf32>
      %swap3A_532 = vector.shape_cast %broadcast_in_dim3A_5 : vector<16xf32> to vector<1x16xf32>
      tpu.vector_store %arg12[%swap3A, %swap3A_529], %swap3A_532 {strides = array<i32>} : memref<25x80xf32, #tpu.memory_space<vmem>>, vector<1x16xf32>,
      %swap3A_533 = arith.index_cast %scan3A_527 : i32 to index
      %swap3A_534 = arith.constant 16 : index
      %swap3A_535 = tpu.vector_load %arg12[%swap3A_533, %swap3A_534] {strides = array<i32>} : memref<25x80xf32, #tpu.memory_space<vmem>>, vector<1x16xf32>,
      %swap3A_536 = vector.shape_cast %swap3A_535 : vector<1x16xf32> to vector<16xf32>
      %swap3A_537 = vector.shape_cast %broadcast_in_dim3A_5 : vector<16xf32> to vector<1x16xf32>
      tpu.vector_store %arg12[%swap3A_533, %swap3A_534], %swap3A_537 {strides = array<i32>} : memref<25x80xf32, #tpu.memory_space<vmem>>, vector<1x16xf32>,
      %swap3A_538 = arith.index_cast %scan3A_527 : i32 to index
      %swap3A_539 = arith.constant 32 : index
      %swap3A_540 = tpu.vector_load %arg12[%swap3A_538, %swap3A_539] {strides = array<i32>} : memref<25x80xf32, #tpu.memory_space<vmem>>, vector<1x16xf32>,
      %swap3A_541 = vector.shape_cast %swap3A_540 : vector<1x16xf32> to vector<16xf32>
      %swap3A_542 = vector.shape_cast %broadcast_in_dim3A_5 : vector<16xf32> to vector<1x16xf32>
      tpu.vector_store %arg12[%swap3A_538, %swap3A_539], %swap3A_542 {strides = array<i32>} : memref<25x80xf32, #tpu.memory_space<vmem>>, vector<1x16xf32>,
      %swap3A_543 = arith.index_cast %scan3A_527 : i32 to index
      %swap3A_544 = arith.constant 48 : index
      %swap3A_545 = tpu.vector_load %arg12[%swap3A_543, %swap3A_544] {strides = array<i32>} : memref<25x80xf32, #tpu.memory_space<vmem>>, vector<1x16xf32>,
      %swap3A_546 = vector.shape_cast %swap3A_545 : vector<1x16xf32> to vector<16xf32>
      %swap3A_547 = vector.shape_cast %broadcast_in_dim3A_5 : vector<16xf32> to vector<1x16xf32>
      tpu.vector_store %arg12[%swap3A_543, %swap3A_544], %swap3A_547 {strides = array<i32>} : memref<25x80xf32, #tpu.memory_space<vmem>>, vector<1x16xf32>,
      %swap3A_548 = arith.index_cast %scan3A_527 : i32 to index
      %swap3A_549 = arith.constant 64 : index
      %swap3A_550 = tpu.vector_load %arg12[%swap3A_548, %swap3A_549] {strides = array<i32>} : memref<25x80xf32, #tpu.memory_space<vmem>>, vector<1x16xf32>,
      %swap3A_551 = vector.shape_cast %swap3A_550 : vector<1x16xf32> to vector<16xf32>
      %swap3A_552 = vector.shape_cast %broadcast_in_dim3A_5 : vector<16xf32> to vector<1x16xf32>
      tpu.vector_store %arg12[%swap3A_548, %swap3A_549], %swap3A_552 {strides = array<i32>} : memref<25x80xf32, #tpu.memory_space<vmem>>, vector<1x16xf32>,
      %scan3A_553 = arith.constant 0 : i32
      scf.yield %scan3A_553 : i32
    }
    %scan3A_11 = arith.constant 25 : i32
    %dma_start3A = arith.constant 0 : i32
    %dma_start3A_12 = arith.constant 0 : i32
    %dma_start3A_13 = tpu.memref_slice %arg4[%mul3A_2, %dma_start3A_12] : memref<2528x128xi32, #tpu.memory_space<hbm>> -> memref<79x128xi32, #tpu.memory_space<hbm>>
    %dma_start3A_14 = tpu.memref_slice %arg14[%dma_start3A] : memref<2x!tpu.dma_semaphore, #tpu.memory_space<semaphore_mem>> -> memref<1x!tpu.dma_semaphore, #tpu.memory_space<semaphore_mem>>
    %dma_start3A_15 = tpu.memref_squeeze %dma_start3A_14 : memref<1x!tpu.dma_semaphore, #tpu.memory_space<semaphore_mem>> -> memref<!tpu.dma_semaphore, #tpu.memory_space<semaphore_mem>>
    %dma_start3A_16 = arith.constant 0 : i32
    %dma_start3A_17 = tpu.memref_slice %arg4[%mul3A_2, %dma_start3A_16] : memref<2528x128xi32, #tpu.memory_space<hbm>> -> memref<79x128xi32, #tpu.memory_space<hbm>>
    tpu.enqueue_dma source(%dma_start3A_17 : memref<79x128xi32, #tpu.memory_space<hbm>>) target(%arg7 : memref<79x128xi32, #tpu.memory_space<vmem>>) target_semaphore(%dma_start3A_15 : memref<!tpu.dma_semaphore, #tpu.memory_space<semaphore_mem>>)
    %dma_start3A_18 = arith.constant 0 : i32
    %dma_start3A_19 = arith.constant 0 : i32
    %dma_start3A_20 = tpu.memref_slice %arg5[%mul3A_2, %dma_start3A_19] : memref<2528x128xi32, #tpu.memory_space<hbm>> -> memref<79x128xi32, #tpu.memory_space<hbm>>
    %dma_start3A_21 = tpu.memref_slice %arg14[%dma_start3A_18] : memref<2x!tpu.dma_semaphore, #tpu.memory_space<semaphore_mem>> -> memref<1x!tpu.dma_semaphore, #tpu.memory_space<semaphore_mem>>
    %dma_start3A_22 = tpu.memref_squeeze %dma_start3A_21 : memref<1x!tpu.dma_semaphore, #tpu.memory_space<semaphore_mem>> -> memref<!tpu.dma_semaphore, #tpu.memory_space<semaphore_mem>>
    %dma_start3A_23 = arith.constant 0 : i32
    %dma_start3A_24 = tpu.memref_slice %arg5[%mul3A_2, %dma_start3A_23] : memref<2528x128xi32, #tpu.memory_space<hbm>> -> memref<79x128xi32, #tpu.memory_space<hbm>>
    tpu.enqueue_dma source(%dma_start3A_24 : memref<79x128xi32, #tpu.memory_space<hbm>>) target(%arg8 : memref<79x128xi32, #tpu.memory_space<vmem>>) target_semaphore(%dma_start3A_22 : memref<!tpu.dma_semaphore, #tpu.memory_space<semaphore_mem>>)
    %mul3A_25 = arith.constant 625 : i32
    %mul3A_26 = arith.muli %arg1, %mul3A_25 : i32
    %add3A_27 = arith.constant 0 : i32
    %add3A_28 = arith.addi %mul3A_26, %add3A_27 : i32
    %dma_start3A_29 = arith.constant 1 : i32
    %dma_start3A_30 = arith.constant 0 : i32
    %dma_start3A_31 = tpu.memref_slice %arg13[%add3A_28, %dma_start3A_30] : memref<10000x80xf32, #tpu.memory_space<vmem_shared>> -> memref<25x80xf32, #tpu.memory_space<vmem_shared>>
    %dma_start3A_32 = tpu.memref_slice %arg14[%dma_start3A_29] : memref<2x!tpu.dma_semaphore, #tpu.memory_space<semaphore_mem>> -> memref<1x!tpu.dma_semaphore, #tpu.memory_space<semaphore_mem>>
    %dma_start3A_33 = tpu.memref_squeeze %dma_start3A_32 : memref<1x!tpu.dma_semaphore, #tpu.memory_space<semaphore_mem>> -> memref<!tpu.dma_semaphore, #tpu.memory_space<semaphore_mem>>
    %dma_start3A_34 = arith.constant 0 : i32
    %dma_start3A_35 = tpu.memref_slice %arg13[%add3A_28, %dma_start3A_34] : memref<10000x80xf32, #tpu.memory_space<vmem_shared>> -> memref<25x80xf32, #tpu.memory_space<vmem_shared>>
    tpu.enqueue_dma source(%arg12 : memref<25x80xf32, #tpu.memory_space<vmem>>) target(%dma_start3A_35 : memref<25x80xf32, #tpu.memory_space<vmem_shared>>) target_semaphore(%dma_start3A_33 : memref<!tpu.dma_semaphore, #tpu.memory_space<semaphore_mem>>)
    %mul3A_36 = arith.constant 625 : i32
    %mul3A_37 = arith.muli %arg1, %mul3A_36 : i32
    %add3A_38 = arith.constant 25 : i32
    %add3A_39 = arith.addi %mul3A_37, %add3A_38 : i32
    %dma_start3A_40 = arith.constant 1 : i32
    %dma_start3A_41 = arith.constant 0 : i32
    %dma_start3A_42 = tpu.memref_slice %arg13[%add3A_39, %dma_start3A_41] : memref<10000x80xf32, #tpu.memory_space<vmem_shared>> -> memref<25x80xf32, #tpu.memory_space<vmem_shared>>
    %dma_start3A_43 = tpu.memref_slice %arg14[%dma_start3A_40] : memref<2x!tpu.dma_semaphore, #tpu.memory_space<semaphore_mem>> -> memref<1x!tpu.dma_semaphore, #tpu.memory_space<semaphore_mem>>
    %dma_start3A_44 = tpu.memref_squeeze %dma_start3A_43 : memref<1x!tpu.dma_semaphore, #tpu.memory_space<semaphore_mem>> -> memref<!tpu.dma_semaphore, #tpu.memory_space<semaphore_mem>>
    %dma_start3A_45 = arith.constant 0 : i32
    %dma_start3A_46 = tpu.memref_slice %arg13[%add3A_39, %dma_start3A_45] : memref<10000x80xf32, #tpu.memory_space<vmem_shared>> -> memref<25x80xf32, #tpu.memory_space<vmem_shared>>
    tpu.enqueue_dma source(%arg12 : memref<25x80xf32, #tpu.memory_space<vmem>>) target(%dma_start3A_46 : memref<25x80xf32, #tpu.memory_space<vmem_shared>>) target_semaphore(%dma_start3A_44 : memref<!tpu.dma_semaphore, #tpu.memory_space<semaphore_mem>>)
    %mul3A_47 = arith.constant 625 : i32
    %mul3A_48 = arith.muli %arg1, %mul3A_47 : i32
    %add3A_49 = arith.constant 50 : i32
    %add3A_50 = arith.addi %mul3A_48, %add3A_49 : i32
    %dma_start3A_51 = arith.constant 1 : i32
    %dma_start3A_52 = arith.constant 0 : i32
    %dma_start3A_53 = tpu.memref_slice %arg13[%add3A_50, %dma_start3A_52] : memref<10000x80xf32, #tpu.memory_space<vmem_shared>> -> memref<25x80xf32, #tpu.memory_space<vmem_shared>>
    %dma_start3A_54 = tpu.memref_slice %arg14[%dma_start3A_51] : memref<2x!tpu.dma_semaphore, #tpu.memory_space<semaphore_mem>> -> memref<1x!tpu.dma_semaphore, #tpu.memory_space<semaphore_mem>>
    %dma_start3A_55 = tpu.memref_squeeze %dma_start3A_54 : memref<1x!tpu.dma_semaphore, #tpu.memory_space<semaphore_mem>> -> memref<!tpu.dma_semaphore, #tpu.memory_space<semaphore_mem>>
    %dma_start3A_56 = arith.constant 0 : i32
    %dma_start3A_57 = tpu.memref_slice %arg13[%add3A_50, %dma_start3A_56] : memref<10000x80xf32, #tpu.memory_space<vmem_shared>> -> memref<25x80xf32, #tpu.memory_space<vmem_shared>>
    tpu.enqueue_dma source(%arg12 : memref<25x80xf32, #tpu.memory_space<vmem>>) target(%dma_start3A_57 : memref<25x80xf32, #tpu.memory_space<vmem_shared>>) target_semaphore(%dma_start3A_55 : memref<!tpu.dma_semaphore, #tpu.memory_space<semaphore_mem>>)
    %mul3A_58 = arith.constant 625 : i32
    %mul3A_59 = arith.muli %arg1, %mul3A_58 : i32
    %add3A_60 = arith.constant 75 : i32
    %add3A_61 = arith.addi %mul3A_59, %add3A_60 : i32
    %dma_start3A_62 = arith.constant 1 : i32
    %dma_start3A_63 = arith.constant 0 : i32
    %dma_start3A_64 = tpu.memref_slice %arg13[%add3A_61, %dma_start3A_63] : memref<10000x80xf32, #tpu.memory_space<vmem_shared>> -> memref<25x80xf32, #tpu.memory_space<vmem_shared>>
    %dma_start3A_65 = tpu.memref_slice %arg14[%dma_start3A_62] : memref<2x!tpu.dma_semaphore, #tpu.memory_space<semaphore_mem>> -> memref<1x!tpu.dma_semaphore, #tpu.memory_space<semaphore_mem>>
    %dma_start3A_66 = tpu.memref_squeeze %dma_start3A_65 : memref<1x!tpu.dma_semaphore, #tpu.memory_space<semaphore_mem>> -> memref<!tpu.dma_semaphore, #tpu.memory_space<semaphore_mem>>
    %dma_start3A_67 = arith.constant 0 : i32
    %dma_start3A_68 = tpu.memref_slice %arg13[%add3A_61, %dma_start3A_67] : memref<10000x80xf32, #tpu.memory_space<vmem_shared>> -> memref<25x80xf32, #tpu.memory_space<vmem_shared>>
    tpu.enqueue_dma source(%arg12 : memref<25x80xf32, #tpu.memory_space<vmem>>) target(%dma_start3A_68 : memref<25x80xf32, #tpu.memory_space<vmem_shared>>) target_semaphore(%dma_start3A_66 : memref<!tpu.dma_semaphore, #tpu.memory_space<semaphore_mem>>)
    %mul3A_69 = arith.constant 625 : i32
    %mul3A_70 = arith.muli %arg1, %mul3A_69 : i32
    %add3A_71 = arith.constant 100 : i32
    %add3A_72 = arith.addi %mul3A_70, %add3A_71 : i32
    %dma_start3A_73 = arith.constant 1 : i32
    %dma_start3A_74 = arith.constant 0 : i32
    %dma_start3A_75 = tpu.memref_slice %arg13[%add3A_72, %dma_start3A_74] : memref<10000x80xf32, #tpu.memory_space<vmem_shared>> -> memref<25x80xf32, #tpu.memory_space<vmem_shared>>
    %dma_start3A_76 = tpu.memref_slice %arg14[%dma_start3A_73] : memref<2x!tpu.dma_semaphore, #tpu.memory_space<semaphore_mem>> -> memref<1x!tpu.dma_semaphore, #tpu.memory_space<semaphore_mem>>
    %dma_start3A_77 = tpu.memref_squeeze %dma_start3A_76 : memref<1x!tpu.dma_semaphore, #tpu.memory_space<semaphore_mem>> -> memref<!tpu.dma_semaphore, #tpu.memory_space<semaphore_mem>>
    %dma_start3A_78 = arith.constant 0 : i32
    %dma_start3A_79 = tpu.memref_slice %arg13[%add3A_72, %dma_start3A_78] : memref<10000x80xf32, #tpu.memory_space<vmem_shared>> -> memref<25x80xf32, #tpu.memory_space<vmem_shared>>
    tpu.enqueue_dma source(%arg12 : memref<25x80xf32, #tpu.memory_space<vmem>>) target(%dma_start3A_79 : memref<25x80xf32, #tpu.memory_space<vmem_shared>>) target_semaphore(%dma_start3A_77 : memref<!tpu.dma_semaphore, #tpu.memory_space<semaphore_mem>>)
    %mul3A_80 = arith.constant 625 : i32
    %mul3A_81 = arith.muli %arg1, %mul3A_80 : i32
    %add3A_82 = arith.constant 125 : i32
    %add3A_83 = arith.addi %mul3A_81, %add3A_82 : i32
    %dma_start3A_84 = arith.constant 1 : i32
    %dma_start3A_85 = arith.constant 0 : i32
    %dma_start3A_86 = tpu.memref_slice %arg13[%add3A_83, %dma_start3A_85] : memref<10000x80xf32, #tpu.memory_space<vmem_shared>> -> memref<25x80xf32, #tpu.memory_space<vmem_shared>>
    %dma_start3A_87 = tpu.memref_slice %arg14[%dma_start3A_84] : memref<2x!tpu.dma_semaphore, #tpu.memory_space<semaphore_mem>> -> memref<1x!tpu.dma_semaphore, #tpu.memory_space<semaphore_mem>>
    %dma_start3A_88 = tpu.memref_squeeze %dma_start3A_87 : memref<1x!tpu.dma_semaphore, #tpu.memory_space<semaphore_mem>> -> memref<!tpu.dma_semaphore, #tpu.memory_space<semaphore_mem>>
    %dma_start3A_89 = arith.constant 0 : i32
    %dma_start3A_90 = tpu.memref_slice %arg13[%add3A_83, %dma_start3A_89] : memref<10000x80xf32, #tpu.memory_space<vmem_shared>> -> memref<25x80xf32, #tpu.memory_space<vmem_shared>>
    tpu.enqueue_dma source(%arg12 : memref<25x80xf32, #tpu.memory_space<vmem>>) target(%dma_start3A_90 : memref<25x80xf32, #tpu.memory_space<vmem_shared>>) target_semaphore(%dma_start3A_88 : memref<!tpu.dma_semaphore, #tpu.memory_space<semaphore_mem>>)
    %mul3A_91 = arith.constant 625 : i32
    %mul3A_92 = arith.muli %arg1, %mul3A_91 : i32
    %add3A_93 = arith.constant 150 : i32
    %add3A_94 = arith.addi %mul3A_92, %add3A_93 : i32
    %dma_start3A_95 = arith.constant 1 : i32
    %dma_start3A_96 = arith.constant 0 : i32
    %dma_start3A_97 = tpu.memref_slice %arg13[%add3A_94, %dma_start3A_96] : memref<10000x80xf32, #tpu.memory_space<vmem_shared>> -> memref<25x80xf32, #tpu.memory_space<vmem_shared>>
    %dma_start3A_98 = tpu.memref_slice %arg14[%dma_start3A_95] : memref<2x!tpu.dma_semaphore, #tpu.memory_space<semaphore_mem>> -> memref<1x!tpu.dma_semaphore, #tpu.memory_space<semaphore_mem>>
    %dma_start3A_99 = tpu.memref_squeeze %dma_start3A_98 : memref<1x!tpu.dma_semaphore, #tpu.memory_space<semaphore_mem>> -> memref<!tpu.dma_semaphore, #tpu.memory_space<semaphore_mem>>
    %dma_start3A_100 = arith.constant 0 : i32
    %dma_start3A_101 = tpu.memref_slice %arg13[%add3A_94, %dma_start3A_100] : memref<10000x80xf32, #tpu.memory_space<vmem_shared>> -> memref<25x80xf32, #tpu.memory_space<vmem_shared>>
    tpu.enqueue_dma source(%arg12 : memref<25x80xf32, #tpu.memory_space<vmem>>) target(%dma_start3A_101 : memref<25x80xf32, #tpu.memory_space<vmem_shared>>) target_semaphore(%dma_start3A_99 : memref<!tpu.dma_semaphore, #tpu.memory_space<semaphore_mem>>)
    %mul3A_102 = arith.constant 625 : i32
    %mul3A_103 = arith.muli %arg1, %mul3A_102 : i32
    %add3A_104 = arith.constant 175 : i32
    %add3A_105 = arith.addi %mul3A_103, %add3A_104 : i32
    %dma_start3A_106 = arith.constant 1 : i32
    %dma_start3A_107 = arith.constant 0 : i32
    %dma_start3A_108 = tpu.memref_slice %arg13[%add3A_105, %dma_start3A_107] : memref<10000x80xf32, #tpu.memory_space<vmem_shared>> -> memref<25x80xf32, #tpu.memory_space<vmem_shared>>
    %dma_start3A_109 = tpu.memref_slice %arg14[%dma_start3A_106] : memref<2x!tpu.dma_semaphore, #tpu.memory_space<semaphore_mem>> -> memref<1x!tpu.dma_semaphore, #tpu.memory_space<semaphore_mem>>
    %dma_start3A_110 = tpu.memref_squeeze %dma_start3A_109 : memref<1x!tpu.dma_semaphore, #tpu.memory_space<semaphore_mem>> -> memref<!tpu.dma_semaphore, #tpu.memory_space<semaphore_mem>>
    %dma_start3A_111 = arith.constant 0 : i32
    %dma_start3A_112 = tpu.memref_slice %arg13[%add3A_105, %dma_start3A_111] : memref<10000x80xf32, #tpu.memory_space<vmem_shared>> -> memref<25x80xf32, #tpu.memory_space<vmem_shared>>
    tpu.enqueue_dma source(%arg12 : memref<25x80xf32, #tpu.memory_space<vmem>>) target(%dma_start3A_112 : memref<25x80xf32, #tpu.memory_space<vmem_shared>>) target_semaphore(%dma_start3A_110 : memref<!tpu.dma_semaphore, #tpu.memory_space<semaphore_mem>>)
    %mul3A_113 = arith.constant 625 : i32
    %mul3A_114 = arith.muli %arg1, %mul3A_113 : i32
    %add3A_115 = arith.constant 200 : i32
    %add3A_116 = arith.addi %mul3A_114, %add3A_115 : i32
    %dma_start3A_117 = arith.constant 1 : i32
    %dma_start3A_118 = arith.constant 0 : i32
    %dma_start3A_119 = tpu.memref_slice %arg13[%add3A_116, %dma_start3A_118] : memref<10000x80xf32, #tpu.memory_space<vmem_shared>> -> memref<25x80xf32, #tpu.memory_space<vmem_shared>>
    %dma_start3A_120 = tpu.memref_slice %arg14[%dma_start3A_117] : memref<2x!tpu.dma_semaphore, #tpu.memory_space<semaphore_mem>> -> memref<1x!tpu.dma_semaphore, #tpu.memory_space<semaphore_mem>>
    %dma_start3A_121 = tpu.memref_squeeze %dma_start3A_120 : memref<1x!tpu.dma_semaphore, #tpu.memory_space<semaphore_mem>> -> memref<!tpu.dma_semaphore, #tpu.memory_space<semaphore_mem>>
    %dma_start3A_122 = arith.constant 0 : i32
    %dma_start3A_123 = tpu.memref_slice %arg13[%add3A_116, %dma_start3A_122] : memref<10000x80xf32, #tpu.memory_space<vmem_shared>> -> memref<25x80xf32, #tpu.memory_space<vmem_shared>>
    tpu.enqueue_dma source(%arg12 : memref<25x80xf32, #tpu.memory_space<vmem>>) target(%dma_start3A_123 : memref<25x80xf32, #tpu.memory_space<vmem_shared>>) target_semaphore(%dma_start3A_121 : memref<!tpu.dma_semaphore, #tpu.memory_space<semaphore_mem>>)
    %mul3A_124 = arith.constant 625 : i32
    %mul3A_125 = arith.muli %arg1, %mul3A_124 : i32
    %add3A_126 = arith.constant 225 : i32
    %add3A_127 = arith.addi %mul3A_125, %add3A_126 : i32
    %dma_start3A_128 = arith.constant 1 : i32
    %dma_start3A_129 = arith.constant 0 : i32
    %dma_start3A_130 = tpu.memref_slice %arg13[%add3A_127, %dma_start3A_129] : memref<10000x80xf32, #tpu.memory_space<vmem_shared>> -> memref<25x80xf32, #tpu.memory_space<vmem_shared>>
    %dma_start3A_131 = tpu.memref_slice %arg14[%dma_start3A_128] : memref<2x!tpu.dma_semaphore, #tpu.memory_space<semaphore_mem>> -> memref<1x!tpu.dma_semaphore, #tpu.memory_space<semaphore_mem>>
    %dma_start3A_132 = tpu.memref_squeeze %dma_start3A_131 : memref<1x!tpu.dma_semaphore, #tpu.memory_space<semaphore_mem>> -> memref<!tpu.dma_semaphore, #tpu.memory_space<semaphore_mem>>
    %dma_start3A_133 = arith.constant 0 : i32
    %dma_start3A_134 = tpu.memref_slice %arg13[%add3A_127, %dma_start3A_133] : memref<10000x80xf32, #tpu.memory_space<vmem_shared>> -> memref<25x80xf32, #tpu.memory_space<vmem_shared>>
    tpu.enqueue_dma source(%arg12 : memref<25x80xf32, #tpu.memory_space<vmem>>) target(%dma_start3A_134 : memref<25x80xf32, #tpu.memory_space<vmem_shared>>) target_semaphore(%dma_start3A_132 : memref<!tpu.dma_semaphore, #tpu.memory_space<semaphore_mem>>)
    %mul3A_135 = arith.constant 625 : i32
    %mul3A_136 = arith.muli %arg1, %mul3A_135 : i32
    %add3A_137 = arith.constant 250 : i32
    %add3A_138 = arith.addi %mul3A_136, %add3A_137 : i32
    %dma_start3A_139 = arith.constant 1 : i32
    %dma_start3A_140 = arith.constant 0 : i32
    %dma_start3A_141 = tpu.memref_slice %arg13[%add3A_138, %dma_start3A_140] : memref<10000x80xf32, #tpu.memory_space<vmem_shared>> -> memref<25x80xf32, #tpu.memory_space<vmem_shared>>
    %dma_start3A_142 = tpu.memref_slice %arg14[%dma_start3A_139] : memref<2x!tpu.dma_semaphore, #tpu.memory_space<semaphore_mem>> -> memref<1x!tpu.dma_semaphore, #tpu.memory_space<semaphore_mem>>
    %dma_start3A_143 = tpu.memref_squeeze %dma_start3A_142 : memref<1x!tpu.dma_semaphore, #tpu.memory_space<semaphore_mem>> -> memref<!tpu.dma_semaphore, #tpu.memory_space<semaphore_mem>>
    %dma_start3A_144 = arith.constant 0 : i32
    %dma_start3A_145 = tpu.memref_slice %arg13[%add3A_138, %dma_start3A_144] : memref<10000x80xf32, #tpu.memory_space<vmem_shared>> -> memref<25x80xf32, #tpu.memory_space<vmem_shared>>
    tpu.enqueue_dma source(%arg12 : memref<25x80xf32, #tpu.memory_space<vmem>>) target(%dma_start3A_145 : memref<25x80xf32, #tpu.memory_space<vmem_shared>>) target_semaphore(%dma_start3A_143 : memref<!tpu.dma_semaphore, #tpu.memory_space<semaphore_mem>>)
    %mul3A_146 = arith.constant 625 : i32
    %mul3A_147 = arith.muli %arg1, %mul3A_146 : i32
    %add3A_148 = arith.constant 275 : i32
    %add3A_149 = arith.addi %mul3A_147, %add3A_148 : i32
    %dma_start3A_150 = arith.constant 1 : i32
    %dma_start3A_151 = arith.constant 0 : i32
    %dma_start3A_152 = tpu.memref_slice %arg13[%add3A_149, %dma_start3A_151] : memref<10000x80xf32, #tpu.memory_space<vmem_shared>> -> memref<25x80xf32, #tpu.memory_space<vmem_shared>>
    %dma_start3A_153 = tpu.memref_slice %arg14[%dma_start3A_150] : memref<2x!tpu.dma_semaphore, #tpu.memory_space<semaphore_mem>> -> memref<1x!tpu.dma_semaphore, #tpu.memory_space<semaphore_mem>>
    %dma_start3A_154 = tpu.memref_squeeze %dma_start3A_153 : memref<1x!tpu.dma_semaphore, #tpu.memory_space<semaphore_mem>> -> memref<!tpu.dma_semaphore, #tpu.memory_space<semaphore_mem>>
    %dma_start3A_155 = arith.constant 0 : i32
    %dma_start3A_156 = tpu.memref_slice %arg13[%add3A_149, %dma_start3A_155] : memref<10000x80xf32, #tpu.memory_space<vmem_shared>> -> memref<25x80xf32, #tpu.memory_space<vmem_shared>>
    tpu.enqueue_dma source(%arg12 : memref<25x80xf32, #tpu.memory_space<vmem>>) target(%dma_start3A_156 : memref<25x80xf32, #tpu.memory_space<vmem_shared>>) target_semaphore(%dma_start3A_154 : memref<!tpu.dma_semaphore, #tpu.memory_space<semaphore_mem>>)
    %mul3A_157 = arith.constant 625 : i32
    %mul3A_158 = arith.muli %arg1, %mul3A_157 : i32
    %add3A_159 = arith.constant 300 : i32
    %add3A_160 = arith.addi %mul3A_158, %add3A_159 : i32
    %dma_start3A_161 = arith.constant 1 : i32
    %dma_start3A_162 = arith.constant 0 : i32
    %dma_start3A_163 = tpu.memref_slice %arg13[%add3A_160, %dma_start3A_162] : memref<10000x80xf32, #tpu.memory_space<vmem_shared>> -> memref<25x80xf32, #tpu.memory_space<vmem_shared>>
    %dma_start3A_164 = tpu.memref_slice %arg14[%dma_start3A_161] : memref<2x!tpu.dma_semaphore, #tpu.memory_space<semaphore_mem>> -> memref<1x!tpu.dma_semaphore, #tpu.memory_space<semaphore_mem>>
    %dma_start3A_165 = tpu.memref_squeeze %dma_start3A_164 : memref<1x!tpu.dma_semaphore, #tpu.memory_space<semaphore_mem>> -> memref<!tpu.dma_semaphore, #tpu.memory_space<semaphore_mem>>
    %dma_start3A_166 = arith.constant 0 : i32
    %dma_start3A_167 = tpu.memref_slice %arg13[%add3A_160, %dma_start3A_166] : memref<10000x80xf32, #tpu.memory_space<vmem_shared>> -> memref<25x80xf32, #tpu.memory_space<vmem_shared>>
    tpu.enqueue_dma source(%arg12 : memref<25x80xf32, #tpu.memory_space<vmem>>) target(%dma_start3A_167 : memref<25x80xf32, #tpu.memory_space<vmem_shared>>) target_semaphore(%dma_start3A_165 : memref<!tpu.dma_semaphore, #tpu.memory_space<semaphore_mem>>)
    %mul3A_168 = arith.constant 625 : i32
    %mul3A_169 = arith.muli %arg1, %mul3A_168 : i32
    %add3A_170 = arith.constant 325 : i32
    %add3A_171 = arith.addi %mul3A_169, %add3A_170 : i32
    %dma_start3A_172 = arith.constant 1 : i32
    %dma_start3A_173 = arith.constant 0 : i32
    %dma_start3A_174 = tpu.memref_slice %arg13[%add3A_171, %dma_start3A_173] : memref<10000x80xf32, #tpu.memory_space<vmem_shared>> -> memref<25x80xf32, #tpu.memory_space<vmem_shared>>
    %dma_start3A_175 = tpu.memref_slice %arg14[%dma_start3A_172] : memref<2x!tpu.dma_semaphore, #tpu.memory_space<semaphore_mem>> -> memref<1x!tpu.dma_semaphore, #tpu.memory_space<semaphore_mem>>
    %dma_start3A_176 = tpu.memref_squeeze %dma_start3A_175 : memref<1x!tpu.dma_semaphore, #tpu.memory_space<semaphore_mem>> -> memref<!tpu.dma_semaphore, #tpu.memory_space<semaphore_mem>>
    %dma_start3A_177 = arith.constant 0 : i32
    %dma_start3A_178 = tpu.memref_slice %arg13[%add3A_171, %dma_start3A_177] : memref<10000x80xf32, #tpu.memory_space<vmem_shared>> -> memref<25x80xf32, #tpu.memory_space<vmem_shared>>
    tpu.enqueue_dma source(%arg12 : memref<25x80xf32, #tpu.memory_space<vmem>>) target(%dma_start3A_178 : memref<25x80xf32, #tpu.memory_space<vmem_shared>>) target_semaphore(%dma_start3A_176 : memref<!tpu.dma_semaphore, #tpu.memory_space<semaphore_mem>>)
    %mul3A_179 = arith.constant 625 : i32
    %mul3A_180 = arith.muli %arg1, %mul3A_179 : i32
    %add3A_181 = arith.constant 350 : i32
    %add3A_182 = arith.addi %mul3A_180, %add3A_181 : i32
    %dma_start3A_183 = arith.constant 1 : i32
    %dma_start3A_184 = arith.constant 0 : i32
    %dma_start3A_185 = tpu.memref_slice %arg13[%add3A_182, %dma_start3A_184] : memref<10000x80xf32, #tpu.memory_space<vmem_shared>> -> memref<25x80xf32, #tpu.memory_space<vmem_shared>>
    %dma_start3A_186 = tpu.memref_slice %arg14[%dma_start3A_183] : memref<2x!tpu.dma_semaphore, #tpu.memory_space<semaphore_mem>> -> memref<1x!tpu.dma_semaphore, #tpu.memory_space<semaphore_mem>>
    %dma_start3A_187 = tpu.memref_squeeze %dma_start3A_186 : memref<1x!tpu.dma_semaphore, #tpu.memory_space<semaphore_mem>> -> memref<!tpu.dma_semaphore, #tpu.memory_space<semaphore_mem>>
    %dma_start3A_188 = arith.constant 0 : i32
    %dma_start3A_189 = tpu.memref_slice %arg13[%add3A_182, %dma_start3A_188] : memref<10000x80xf32, #tpu.memory_space<vmem_shared>> -> memref<25x80xf32, #tpu.memory_space<vmem_shared>>
    tpu.enqueue_dma source(%arg12 : memref<25x80xf32, #tpu.memory_space<vmem>>) target(%dma_start3A_189 : memref<25x80xf32, #tpu.memory_space<vmem_shared>>) target_semaphore(%dma_start3A_187 : memref<!tpu.dma_semaphore, #tpu.memory_space<semaphore_mem>>)
    %mul3A_190 = arith.constant 625 : i32
    %mul3A_191 = arith.muli %arg1, %mul3A_190 : i32
    %add3A_192 = arith.constant 375 : i32
    %add3A_193 = arith.addi %mul3A_191, %add3A_192 : i32
    %dma_start3A_194 = arith.constant 1 : i32
    %dma_start3A_195 = arith.constant 0 : i32
    %dma_start3A_196 = tpu.memref_slice %arg13[%add3A_193, %dma_start3A_195] : memref<10000x80xf32, #tpu.memory_space<vmem_shared>> -> memref<25x80xf32, #tpu.memory_space<vmem_shared>>
    %dma_start3A_197 = tpu.memref_slice %arg14[%dma_start3A_194] : memref<2x!tpu.dma_semaphore, #tpu.memory_space<semaphore_mem>> -> memref<1x!tpu.dma_semaphore, #tpu.memory_space<semaphore_mem>>
    %dma_start3A_198 = tpu.memref_squeeze %dma_start3A_197 : memref<1x!tpu.dma_semaphore, #tpu.memory_space<semaphore_mem>> -> memref<!tpu.dma_semaphore, #tpu.memory_space<semaphore_mem>>
    %dma_start3A_199 = arith.constant 0 : i32
    %dma_start3A_200 = tpu.memref_slice %arg13[%add3A_193, %dma_start3A_199] : memref<10000x80xf32, #tpu.memory_space<vmem_shared>> -> memref<25x80xf32, #tpu.memory_space<vmem_shared>>
    tpu.enqueue_dma source(%arg12 : memref<25x80xf32, #tpu.memory_space<vmem>>) target(%dma_start3A_200 : memref<25x80xf32, #tpu.memory_space<vmem_shared>>) target_semaphore(%dma_start3A_198 : memref<!tpu.dma_semaphore, #tpu.memory_space<semaphore_mem>>)
    %mul3A_201 = arith.constant 625 : i32
    %mul3A_202 = arith.muli %arg1, %mul3A_201 : i32
    %add3A_203 = arith.constant 400 : i32
    %add3A_204 = arith.addi %mul3A_202, %add3A_203 : i32
    %dma_start3A_205 = arith.constant 1 : i32
    %dma_start3A_206 = arith.constant 0 : i32
    %dma_start3A_207 = tpu.memref_slice %arg13[%add3A_204, %dma_start3A_206] : memref<10000x80xf32, #tpu.memory_space<vmem_shared>> -> memref<25x80xf32, #tpu.memory_space<vmem_shared>>
    %dma_start3A_208 = tpu.memref_slice %arg14[%dma_start3A_205] : memref<2x!tpu.dma_semaphore, #tpu.memory_space<semaphore_mem>> -> memref<1x!tpu.dma_semaphore, #tpu.memory_space<semaphore_mem>>
    %dma_start3A_209 = tpu.memref_squeeze %dma_start3A_208 : memref<1x!tpu.dma_semaphore, #tpu.memory_space<semaphore_mem>> -> memref<!tpu.dma_semaphore, #tpu.memory_space<semaphore_mem>>
    %dma_start3A_210 = arith.constant 0 : i32
    %dma_start3A_211 = tpu.memref_slice %arg13[%add3A_204, %dma_start3A_210] : memref<10000x80xf32, #tpu.memory_space<vmem_shared>> -> memref<25x80xf32, #tpu.memory_space<vmem_shared>>
    tpu.enqueue_dma source(%arg12 : memref<25x80xf32, #tpu.memory_space<vmem>>) target(%dma_start3A_211 : memref<25x80xf32, #tpu.memory_space<vmem_shared>>) target_semaphore(%dma_start3A_209 : memref<!tpu.dma_semaphore, #tpu.memory_space<semaphore_mem>>)
    %mul3A_212 = arith.constant 625 : i32
    %mul3A_213 = arith.muli %arg1, %mul3A_212 : i32
    %add3A_214 = arith.constant 425 : i32
    %add3A_215 = arith.addi %mul3A_213, %add3A_214 : i32
    %dma_start3A_216 = arith.constant 1 : i32
    %dma_start3A_217 = arith.constant 0 : i32
    %dma_start3A_218 = tpu.memref_slice %arg13[%add3A_215, %dma_start3A_217] : memref<10000x80xf32, #tpu.memory_space<vmem_shared>> -> memref<25x80xf32, #tpu.memory_space<vmem_shared>>
    %dma_start3A_219 = tpu.memref_slice %arg14[%dma_start3A_216] : memref<2x!tpu.dma_semaphore, #tpu.memory_space<semaphore_mem>> -> memref<1x!tpu.dma_semaphore, #tpu.memory_space<semaphore_mem>>
    %dma_start3A_220 = tpu.memref_squeeze %dma_start3A_219 : memref<1x!tpu.dma_semaphore, #tpu.memory_space<semaphore_mem>> -> memref<!tpu.dma_semaphore, #tpu.memory_space<semaphore_mem>>
    %dma_start3A_221 = arith.constant 0 : i32
    %dma_start3A_222 = tpu.memref_slice %arg13[%add3A_215, %dma_start3A_221] : memref<10000x80xf32, #tpu.memory_space<vmem_shared>> -> memref<25x80xf32, #tpu.memory_space<vmem_shared>>
    tpu.enqueue_dma source(%arg12 : memref<25x80xf32, #tpu.memory_space<vmem>>) target(%dma_start3A_222 : memref<25x80xf32, #tpu.memory_space<vmem_shared>>) target_semaphore(%dma_start3A_220 : memref<!tpu.dma_semaphore, #tpu.memory_space<semaphore_mem>>)
    %mul3A_223 = arith.constant 625 : i32
    %mul3A_224 = arith.muli %arg1, %mul3A_223 : i32
    %add3A_225 = arith.constant 450 : i32
    %add3A_226 = arith.addi %mul3A_224, %add3A_225 : i32
    %dma_start3A_227 = arith.constant 1 : i32
    %dma_start3A_228 = arith.constant 0 : i32
    %dma_start3A_229 = tpu.memref_slice %arg13[%add3A_226, %dma_start3A_228] : memref<10000x80xf32, #tpu.memory_space<vmem_shared>> -> memref<25x80xf32, #tpu.memory_space<vmem_shared>>
    %dma_start3A_230 = tpu.memref_slice %arg14[%dma_start3A_227] : memref<2x!tpu.dma_semaphore, #tpu.memory_space<semaphore_mem>> -> memref<1x!tpu.dma_semaphore, #tpu.memory_space<semaphore_mem>>
    %dma_start3A_231 = tpu.memref_squeeze %dma_start3A_230 : memref<1x!tpu.dma_semaphore, #tpu.memory_space<semaphore_mem>> -> memref<!tpu.dma_semaphore, #tpu.memory_space<semaphore_mem>>
    %dma_start3A_232 = arith.constant 0 : i32
    %dma_start3A_233 = tpu.memref_slice %arg13[%add3A_226, %dma_start3A_232] : memref<10000x80xf32, #tpu.memory_space<vmem_shared>> -> memref<25x80xf32, #tpu.memory_space<vmem_shared>>
    tpu.enqueue_dma source(%arg12 : memref<25x80xf32, #tpu.memory_space<vmem>>) target(%dma_start3A_233 : memref<25x80xf32, #tpu.memory_space<vmem_shared>>) target_semaphore(%dma_start3A_231 : memref<!tpu.dma_semaphore, #tpu.memory_space<semaphore_mem>>)
    %mul3A_234 = arith.constant 625 : i32
    %mul3A_235 = arith.muli %arg1, %mul3A_234 : i32
    %add3A_236 = arith.constant 475 : i32
    %add3A_237 = arith.addi %mul3A_235, %add3A_236 : i32
    %dma_start3A_238 = arith.constant 1 : i32
    %dma_start3A_239 = arith.constant 0 : i32
    %dma_start3A_240 = tpu.memref_slice %arg13[%add3A_237, %dma_start3A_239] : memref<10000x80xf32, #tpu.memory_space<vmem_shared>> -> memref<25x80xf32, #tpu.memory_space<vmem_shared>>
    %dma_start3A_241 = tpu.memref_slice %arg14[%dma_start3A_238] : memref<2x!tpu.dma_semaphore, #tpu.memory_space<semaphore_mem>> -> memref<1x!tpu.dma_semaphore, #tpu.memory_space<semaphore_mem>>
    %dma_start3A_242 = tpu.memref_squeeze %dma_start3A_241 : memref<1x!tpu.dma_semaphore, #tpu.memory_space<semaphore_mem>> -> memref<!tpu.dma_semaphore, #tpu.memory_space<semaphore_mem>>
    %dma_start3A_243 = arith.constant 0 : i32
    %dma_start3A_244 = tpu.memref_slice %arg13[%add3A_237, %dma_start3A_243] : memref<10000x80xf32, #tpu.memory_space<vmem_shared>> -> memref<25x80xf32, #tpu.memory_space<vmem_shared>>
    tpu.enqueue_dma source(%arg12 : memref<25x80xf32, #tpu.memory_space<vmem>>) target(%dma_start3A_244 : memref<25x80xf32, #tpu.memory_space<vmem_shared>>) target_semaphore(%dma_start3A_242 : memref<!tpu.dma_semaphore, #tpu.memory_space<semaphore_mem>>)
    %mul3A_245 = arith.constant 625 : i32
    %mul3A_246 = arith.muli %arg1, %mul3A_245 : i32
    %add3A_247 = arith.constant 500 : i32
    %add3A_248 = arith.addi %mul3A_246, %add3A_247 : i32
    %dma_start3A_249 = arith.constant 1 : i32
    %dma_start3A_250 = arith.constant 0 : i32
    %dma_start3A_251 = tpu.memref_slice %arg13[%add3A_248, %dma_start3A_250] : memref<10000x80xf32, #tpu.memory_space<vmem_shared>> -> memref<25x80xf32, #tpu.memory_space<vmem_shared>>
    %dma_start3A_252 = tpu.memref_slice %arg14[%dma_start3A_249] : memref<2x!tpu.dma_semaphore, #tpu.memory_space<semaphore_mem>> -> memref<1x!tpu.dma_semaphore, #tpu.memory_space<semaphore_mem>>
    %dma_start3A_253 = tpu.memref_squeeze %dma_start3A_252 : memref<1x!tpu.dma_semaphore, #tpu.memory_space<semaphore_mem>> -> memref<!tpu.dma_semaphore, #tpu.memory_space<semaphore_mem>>
    %dma_start3A_254 = arith.constant 0 : i32
    %dma_start3A_255 = tpu.memref_slice %arg13[%add3A_248, %dma_start3A_254] : memref<10000x80xf32, #tpu.memory_space<vmem_shared>> -> memref<25x80xf32, #tpu.memory_space<vmem_shared>>
    tpu.enqueue_dma source(%arg12 : memref<25x80xf32, #tpu.memory_space<vmem>>) target(%dma_start3A_255 : memref<25x80xf32, #tpu.memory_space<vmem_shared>>) target_semaphore(%dma_start3A_253 : memref<!tpu.dma_semaphore, #tpu.memory_space<semaphore_mem>>)
    %mul3A_256 = arith.constant 625 : i32
    %mul3A_257 = arith.muli %arg1, %mul3A_256 : i32
    %add3A_258 = arith.constant 525 : i32
    %add3A_259 = arith.addi %mul3A_257, %add3A_258 : i32
    %dma_start3A_260 = arith.constant 1 : i32
    %dma_start3A_261 = arith.constant 0 : i32
    %dma_start3A_262 = tpu.memref_slice %arg13[%add3A_259, %dma_start3A_261] : memref<10000x80xf32, #tpu.memory_space<vmem_shared>> -> memref<25x80xf32, #tpu.memory_space<vmem_shared>>
    %dma_start3A_263 = tpu.memref_slice %arg14[%dma_start3A_260] : memref<2x!tpu.dma_semaphore, #tpu.memory_space<semaphore_mem>> -> memref<1x!tpu.dma_semaphore, #tpu.memory_space<semaphore_mem>>
    %dma_start3A_264 = tpu.memref_squeeze %dma_start3A_263 : memref<1x!tpu.dma_semaphore, #tpu.memory_space<semaphore_mem>> -> memref<!tpu.dma_semaphore, #tpu.memory_space<semaphore_mem>>
    %dma_start3A_265 = arith.constant 0 : i32
    %dma_start3A_266 = tpu.memref_slice %arg13[%add3A_259, %dma_start3A_265] : memref<10000x80xf32, #tpu.memory_space<vmem_shared>> -> memref<25x80xf32, #tpu.memory_space<vmem_shared>>
    tpu.enqueue_dma source(%arg12 : memref<25x80xf32, #tpu.memory_space<vmem>>) target(%dma_start3A_266 : memref<25x80xf32, #tpu.memory_space<vmem_shared>>) target_semaphore(%dma_start3A_264 : memref<!tpu.dma_semaphore, #tpu.memory_space<semaphore_mem>>)
    %mul3A_267 = arith.constant 625 : i32
    %mul3A_268 = arith.muli %arg1, %mul3A_267 : i32
    %add3A_269 = arith.constant 550 : i32
    %add3A_270 = arith.addi %mul3A_268, %add3A_269 : i32
    %dma_start3A_271 = arith.constant 1 : i32
    %dma_start3A_272 = arith.constant 0 : i32
    %dma_start3A_273 = tpu.memref_slice %arg13[%add3A_270, %dma_start3A_272] : memref<10000x80xf32, #tpu.memory_space<vmem_shared>> -> memref<25x80xf32, #tpu.memory_space<vmem_shared>>
    %dma_start3A_274 = tpu.memref_slice %arg14[%dma_start3A_271] : memref<2x!tpu.dma_semaphore, #tpu.memory_space<semaphore_mem>> -> memref<1x!tpu.dma_semaphore, #tpu.memory_space<semaphore_mem>>
    %dma_start3A_275 = tpu.memref_squeeze %dma_start3A_274 : memref<1x!tpu.dma_semaphore, #tpu.memory_space<semaphore_mem>> -> memref<!tpu.dma_semaphore, #tpu.memory_space<semaphore_mem>>
    %dma_start3A_276 = arith.constant 0 : i32
    %dma_start3A_277 = tpu.memref_slice %arg13[%add3A_270, %dma_start3A_276] : memref<10000x80xf32, #tpu.memory_space<vmem_shared>> -> memref<25x80xf32, #tpu.memory_space<vmem_shared>>
    tpu.enqueue_dma source(%arg12 : memref<25x80xf32, #tpu.memory_space<vmem>>) target(%dma_start3A_277 : memref<25x80xf32, #tpu.memory_space<vmem_shared>>) target_semaphore(%dma_start3A_275 : memref<!tpu.dma_semaphore, #tpu.memory_space<semaphore_mem>>)
    %mul3A_278 = arith.constant 625 : i32
    %mul3A_279 = arith.muli %arg1, %mul3A_278 : i32
    %add3A_280 = arith.constant 575 : i32
    %add3A_281 = arith.addi %mul3A_279, %add3A_280 : i32
    %dma_start3A_282 = arith.constant 1 : i32
    %dma_start3A_283 = arith.constant 0 : i32
    %dma_start3A_284 = tpu.memref_slice %arg13[%add3A_281, %dma_start3A_283] : memref<10000x80xf32, #tpu.memory_space<vmem_shared>> -> memref<25x80xf32, #tpu.memory_space<vmem_shared>>
    %dma_start3A_285 = tpu.memref_slice %arg14[%dma_start3A_282] : memref<2x!tpu.dma_semaphore, #tpu.memory_space<semaphore_mem>> -> memref<1x!tpu.dma_semaphore, #tpu.memory_space<semaphore_mem>>
    %dma_start3A_286 = tpu.memref_squeeze %dma_start3A_285 : memref<1x!tpu.dma_semaphore, #tpu.memory_space<semaphore_mem>> -> memref<!tpu.dma_semaphore, #tpu.memory_space<semaphore_mem>>
    %dma_start3A_287 = arith.constant 0 : i32
    %dma_start3A_288 = tpu.memref_slice %arg13[%add3A_281, %dma_start3A_287] : memref<10000x80xf32, #tpu.memory_space<vmem_shared>> -> memref<25x80xf32, #tpu.memory_space<vmem_shared>>
    tpu.enqueue_dma source(%arg12 : memref<25x80xf32, #tpu.memory_space<vmem>>) target(%dma_start3A_288 : memref<25x80xf32, #tpu.memory_space<vmem_shared>>) target_semaphore(%dma_start3A_286 : memref<!tpu.dma_semaphore, #tpu.memory_space<semaphore_mem>>)
    %mul3A_289 = arith.constant 625 : i32
    %mul3A_290 = arith.muli %arg1, %mul3A_289 : i32
    %add3A_291 = arith.constant 600 : i32
    %add3A_292 = arith.addi %mul3A_290, %add3A_291 : i32
    %dma_start3A_293 = arith.constant 1 : i32
    %dma_start3A_294 = arith.constant 0 : i32
    %dma_start3A_295 = tpu.memref_slice %arg13[%add3A_292, %dma_start3A_294] : memref<10000x80xf32, #tpu.memory_space<vmem_shared>> -> memref<25x80xf32, #tpu.memory_space<vmem_shared>>
    %dma_start3A_296 = tpu.memref_slice %arg14[%dma_start3A_293] : memref<2x!tpu.dma_semaphore, #tpu.memory_space<semaphore_mem>> -> memref<1x!tpu.dma_semaphore, #tpu.memory_space<semaphore_mem>>
    %dma_start3A_297 = tpu.memref_squeeze %dma_start3A_296 : memref<1x!tpu.dma_semaphore, #tpu.memory_space<semaphore_mem>> -> memref<!tpu.dma_semaphore, #tpu.memory_space<semaphore_mem>>
    %dma_start3A_298 = arith.constant 0 : i32
    %dma_start3A_299 = tpu.memref_slice %arg13[%add3A_292, %dma_start3A_298] : memref<10000x80xf32, #tpu.memory_space<vmem_shared>> -> memref<25x80xf32, #tpu.memory_space<vmem_shared>>
    tpu.enqueue_dma source(%arg12 : memref<25x80xf32, #tpu.memory_space<vmem>>) target(%dma_start3A_299 : memref<25x80xf32, #tpu.memory_space<vmem_shared>>) target_semaphore(%dma_start3A_297 : memref<!tpu.dma_semaphore, #tpu.memory_space<semaphore_mem>>)
    %dma_wait3A = arith.constant 0 : i32
    %dma_wait3A_300 = arith.constant 0 : i32
    %dma_wait3A_301 = tpu.memref_slice %arg4[%mul3A_2, %dma_wait3A_300] : memref<2528x128xi32, #tpu.memory_space<hbm>> -> memref<79x128xi32, #tpu.memory_space<hbm>>
    %dma_wait3A_302 = tpu.memref_slice %arg14[%dma_wait3A] : memref<2x!tpu.dma_semaphore, #tpu.memory_space<semaphore_mem>> -> memref<1x!tpu.dma_semaphore, #tpu.memory_space<semaphore_mem>>
    %dma_wait3A_303 = tpu.memref_squeeze %dma_wait3A_302 : memref<1x!tpu.dma_semaphore, #tpu.memory_space<semaphore_mem>> -> memref<!tpu.dma_semaphore, #tpu.memory_space<semaphore_mem>>
    %dma_wait3A_304 = arith.constant 0 : i32
    %dma_wait3A_305 = tpu.memref_slice %arg4[%mul3A_2, %dma_wait3A_304] : memref<2528x128xi32, #tpu.memory_space<hbm>> -> memref<79x128xi32, #tpu.memory_space<hbm>>
    tpu.wait_dma2 semaphore(%dma_wait3A_303 : memref<!tpu.dma_semaphore, #tpu.memory_space<semaphore_mem>>) src(%dma_wait3A_305 : memref<79x128xi32, #tpu.memory_space<hbm>>) dst(%arg7 : memref<79x128xi32, #tpu.memory_space<vmem>>)
    %dma_wait3A_306 = arith.constant 0 : i32
    %dma_wait3A_307 = arith.constant 0 : i32
    %dma_wait3A_308 = tpu.memref_slice %arg5[%mul3A_2, %dma_wait3A_307] : memref<2528x128xi32, #tpu.memory_space<hbm>> -> memref<79x128xi32, #tpu.memory_space<hbm>>
    %dma_wait3A_309 = tpu.memref_slice %arg14[%dma_wait3A_306] : memref<2x!tpu.dma_semaphore, #tpu.memory_space<semaphore_mem>> -> memref<1x!tpu.dma_semaphore, #tpu.memory_space<semaphore_mem>>
    %dma_wait3A_310 = tpu.memref_squeeze %dma_wait3A_309 : memref<1x!tpu.dma_semaphore, #tpu.memory_space<semaphore_mem>> -> memref<!tpu.dma_semaphore, #tpu.memory_space<semaphore_mem>>
    %dma_wait3A_311 = arith.constant 0 : i32
    %dma_wait3A_312 = tpu.memref_slice %arg5[%mul3A_2, %dma_wait3A_311] : memref<2528x128xi32, #tpu.memory_space<hbm>> -> memref<79x128xi32, #tpu.memory_space<hbm>>
    tpu.wait_dma2 semaphore(%dma_wait3A_310 : memref<!tpu.dma_semaphore, #tpu.memory_space<semaphore_mem>>) src(%dma_wait3A_312 : memref<79x128xi32, #tpu.memory_space<hbm>>) dst(%arg8 : memref<79x128xi32, #tpu.memory_space<vmem>>)
    %dma_wait3A_313 = arith.constant 1 : i32
    %dma_wait3A_314 = arith.constant 0 : i32
    %dma_wait3A_315 = tpu.memref_slice %arg13[%add3A_28, %dma_wait3A_314] : memref<10000x80xf32, #tpu.memory_space<vmem_shared>> -> memref<25x80xf32, #tpu.memory_space<vmem_shared>>
    %dma_wait3A_316 = tpu.memref_slice %arg14[%dma_wait3A_313] : memref<2x!tpu.dma_semaphore, #tpu.memory_space<semaphore_mem>> -> memref<1x!tpu.dma_semaphore, #tpu.memory_space<semaphore_mem>>
    %dma_wait3A_317 = tpu.memref_squeeze %dma_wait3A_316 : memref<1x!tpu.dma_semaphore, #tpu.memory_space<semaphore_mem>> -> memref<!tpu.dma_semaphore, #tpu.memory_space<semaphore_mem>>
    %dma_wait3A_318 = arith.constant 0 : i32
    %dma_wait3A_319 = tpu.memref_slice %arg13[%add3A_28, %dma_wait3A_318] : memref<10000x80xf32, #tpu.memory_space<vmem_shared>> -> memref<25x80xf32, #tpu.memory_space<vmem_shared>>
    tpu.wait_dma2 semaphore(%dma_wait3A_317 : memref<!tpu.dma_semaphore, #tpu.memory_space<semaphore_mem>>) src(%arg12 : memref<25x80xf32, #tpu.memory_space<vmem>>) dst(%dma_wait3A_319 : memref<25x80xf32, #tpu.memory_space<vmem_shared>>)
    %dma_wait3A_320 = arith.constant 1 : i32
    %dma_wait3A_321 = arith.constant 0 : i32
    %dma_wait3A_322 = tpu.memref_slice %arg13[%add3A_39, %dma_wait3A_321] : memref<10000x80xf32, #tpu.memory_space<vmem_shared>> -> memref<25x80xf32, #tpu.memory_space<vmem_shared>>
    %dma_wait3A_323 = tpu.memref_slice %arg14[%dma_wait3A_320] : memref<2x!tpu.dma_semaphore, #tpu.memory_space<semaphore_mem>> -> memref<1x!tpu.dma_semaphore, #tpu.memory_space<semaphore_mem>>
    %dma_wait3A_324 = tpu.memref_squeeze %dma_wait3A_323 : memref<1x!tpu.dma_semaphore, #tpu.memory_space<semaphore_mem>> -> memref<!tpu.dma_semaphore, #tpu.memory_space<semaphore_mem>>
    %dma_wait3A_325 = arith.constant 0 : i32
    %dma_wait3A_326 = tpu.memref_slice %arg13[%add3A_39, %dma_wait3A_325] : memref<10000x80xf32, #tpu.memory_space<vmem_shared>> -> memref<25x80xf32, #tpu.memory_space<vmem_shared>>
    tpu.wait_dma2 semaphore(%dma_wait3A_324 : memref<!tpu.dma_semaphore, #tpu.memory_space<semaphore_mem>>) src(%arg12 : memref<25x80xf32, #tpu.memory_space<vmem>>) dst(%dma_wait3A_326 : memref<25x80xf32, #tpu.memory_space<vmem_shared>>)
    %dma_wait3A_327 = arith.constant 1 : i32
    %dma_wait3A_328 = arith.constant 0 : i32
    %dma_wait3A_329 = tpu.memref_slice %arg13[%add3A_50, %dma_wait3A_328] : memref<10000x80xf32, #tpu.memory_space<vmem_shared>> -> memref<25x80xf32, #tpu.memory_space<vmem_shared>>
    %dma_wait3A_330 = tpu.memref_slice %arg14[%dma_wait3A_327] : memref<2x!tpu.dma_semaphore, #tpu.memory_space<semaphore_mem>> -> memref<1x!tpu.dma_semaphore, #tpu.memory_space<semaphore_mem>>
    %dma_wait3A_331 = tpu.memref_squeeze %dma_wait3A_330 : memref<1x!tpu.dma_semaphore, #tpu.memory_space<semaphore_mem>> -> memref<!tpu.dma_semaphore, #tpu.memory_space<semaphore_mem>>
    %dma_wait3A_332 = arith.constant 0 : i32
    %dma_wait3A_333 = tpu.memref_slice %arg13[%add3A_50, %dma_wait3A_332] : memref<10000x80xf32, #tpu.memory_space<vmem_shared>> -> memref<25x80xf32, #tpu.memory_space<vmem_shared>>
    tpu.wait_dma2 semaphore(%dma_wait3A_331 : memref<!tpu.dma_semaphore, #tpu.memory_space<semaphore_mem>>) src(%arg12 : memref<25x80xf32, #tpu.memory_space<vmem>>) dst(%dma_wait3A_333 : memref<25x80xf32, #tpu.memory_space<vmem_shared>>)
    %dma_wait3A_334 = arith.constant 1 : i32
    %dma_wait3A_335 = arith.constant 0 : i32
    %dma_wait3A_336 = tpu.memref_slice %arg13[%add3A_61, %dma_wait3A_335] : memref<10000x80xf32, #tpu.memory_space<vmem_shared>> -> memref<25x80xf32, #tpu.memory_space<vmem_shared>>
    %dma_wait3A_337 = tpu.memref_slice %arg14[%dma_wait3A_334] : memref<2x!tpu.dma_semaphore, #tpu.memory_space<semaphore_mem>> -> memref<1x!tpu.dma_semaphore, #tpu.memory_space<semaphore_mem>>
    %dma_wait3A_338 = tpu.memref_squeeze %dma_wait3A_337 : memref<1x!tpu.dma_semaphore, #tpu.memory_space<semaphore_mem>> -> memref<!tpu.dma_semaphore, #tpu.memory_space<semaphore_mem>>
    %dma_wait3A_339 = arith.constant 0 : i32
    %dma_wait3A_340 = tpu.memref_slice %arg13[%add3A_61, %dma_wait3A_339] : memref<10000x80xf32, #tpu.memory_space<vmem_shared>> -> memref<25x80xf32, #tpu.memory_space<vmem_shared>>
    tpu.wait_dma2 semaphore(%dma_wait3A_338 : memref<!tpu.dma_semaphore, #tpu.memory_space<semaphore_mem>>) src(%arg12 : memref<25x80xf32, #tpu.memory_space<vmem>>) dst(%dma_wait3A_340 : memref<25x80xf32, #tpu.memory_space<vmem_shared>>)
    %dma_wait3A_341 = arith.constant 1 : i32
    %dma_wait3A_342 = arith.constant 0 : i32
    %dma_wait3A_343 = tpu.memref_slice %arg13[%add3A_72, %dma_wait3A_342] : memref<10000x80xf32, #tpu.memory_space<vmem_shared>> -> memref<25x80xf32, #tpu.memory_space<vmem_shared>>
    %dma_wait3A_344 = tpu.memref_slice %arg14[%dma_wait3A_341] : memref<2x!tpu.dma_semaphore, #tpu.memory_space<semaphore_mem>> -> memref<1x!tpu.dma_semaphore, #tpu.memory_space<semaphore_mem>>
    %dma_wait3A_345 = tpu.memref_squeeze %dma_wait3A_344 : memref<1x!tpu.dma_semaphore, #tpu.memory_space<semaphore_mem>> -> memref<!tpu.dma_semaphore, #tpu.memory_space<semaphore_mem>>
    %dma_wait3A_346 = arith.constant 0 : i32
    %dma_wait3A_347 = tpu.memref_slice %arg13[%add3A_72, %dma_wait3A_346] : memref<10000x80xf32, #tpu.memory_space<vmem_shared>> -> memref<25x80xf32, #tpu.memory_space<vmem_shared>>
    tpu.wait_dma2 semaphore(%dma_wait3A_345 : memref<!tpu.dma_semaphore, #tpu.memory_space<semaphore_mem>>) src(%arg12 : memref<25x80xf32, #tpu.memory_space<vmem>>) dst(%dma_wait3A_347 : memref<25x80xf32, #tpu.memory_space<vmem_shared>>)
    %dma_wait3A_348 = arith.constant 1 : i32
    %dma_wait3A_349 = arith.constant 0 : i32
    %dma_wait3A_350 = tpu.memref_slice %arg13[%add3A_83, %dma_wait3A_349] : memref<10000x80xf32, #tpu.memory_space<vmem_shared>> -> memref<25x80xf32, #tpu.memory_space<vmem_shared>>
    %dma_wait3A_351 = tpu.memref_slice %arg14[%dma_wait3A_348] : memref<2x!tpu.dma_semaphore, #tpu.memory_space<semaphore_mem>> -> memref<1x!tpu.dma_semaphore, #tpu.memory_space<semaphore_mem>>
    %dma_wait3A_352 = tpu.memref_squeeze %dma_wait3A_351 : memref<1x!tpu.dma_semaphore, #tpu.memory_space<semaphore_mem>> -> memref<!tpu.dma_semaphore, #tpu.memory_space<semaphore_mem>>
    %dma_wait3A_353 = arith.constant 0 : i32
    %dma_wait3A_354 = tpu.memref_slice %arg13[%add3A_83, %dma_wait3A_353] : memref<10000x80xf32, #tpu.memory_space<vmem_shared>> -> memref<25x80xf32, #tpu.memory_space<vmem_shared>>
    tpu.wait_dma2 semaphore(%dma_wait3A_352 : memref<!tpu.dma_semaphore, #tpu.memory_space<semaphore_mem>>) src(%arg12 : memref<25x80xf32, #tpu.memory_space<vmem>>) dst(%dma_wait3A_354 : memref<25x80xf32, #tpu.memory_space<vmem_shared>>)
    %dma_wait3A_355 = arith.constant 1 : i32
    %dma_wait3A_356 = arith.constant 0 : i32
    %dma_wait3A_357 = tpu.memref_slice %arg13[%add3A_94, %dma_wait3A_356] : memref<10000x80xf32, #tpu.memory_space<vmem_shared>> -> memref<25x80xf32, #tpu.memory_space<vmem_shared>>
    %dma_wait3A_358 = tpu.memref_slice %arg14[%dma_wait3A_355] : memref<2x!tpu.dma_semaphore, #tpu.memory_space<semaphore_mem>> -> memref<1x!tpu.dma_semaphore, #tpu.memory_space<semaphore_mem>>
    %dma_wait3A_359 = tpu.memref_squeeze %dma_wait3A_358 : memref<1x!tpu.dma_semaphore, #tpu.memory_space<semaphore_mem>> -> memref<!tpu.dma_semaphore, #tpu.memory_space<semaphore_mem>>
    %dma_wait3A_360 = arith.constant 0 : i32
    %dma_wait3A_361 = tpu.memref_slice %arg13[%add3A_94, %dma_wait3A_360] : memref<10000x80xf32, #tpu.memory_space<vmem_shared>> -> memref<25x80xf32, #tpu.memory_space<vmem_shared>>
    tpu.wait_dma2 semaphore(%dma_wait3A_359 : memref<!tpu.dma_semaphore, #tpu.memory_space<semaphore_mem>>) src(%arg12 : memref<25x80xf32, #tpu.memory_space<vmem>>) dst(%dma_wait3A_361 : memref<25x80xf32, #tpu.memory_space<vmem_shared>>)
    %dma_wait3A_362 = arith.constant 1 : i32
    %dma_wait3A_363 = arith.constant 0 : i32
    %dma_wait3A_364 = tpu.memref_slice %arg13[%add3A_105, %dma_wait3A_363] : memref<10000x80xf32, #tpu.memory_space<vmem_shared>> -> memref<25x80xf32, #tpu.memory_space<vmem_shared>>
    %dma_wait3A_365 = tpu.memref_slice %arg14[%dma_wait3A_362] : memref<2x!tpu.dma_semaphore, #tpu.memory_space<semaphore_mem>> -> memref<1x!tpu.dma_semaphore, #tpu.memory_space<semaphore_mem>>
    %dma_wait3A_366 = tpu.memref_squeeze %dma_wait3A_365 : memref<1x!tpu.dma_semaphore, #tpu.memory_space<semaphore_mem>> -> memref<!tpu.dma_semaphore, #tpu.memory_space<semaphore_mem>>
    %dma_wait3A_367 = arith.constant 0 : i32
    %dma_wait3A_368 = tpu.memref_slice %arg13[%add3A_105, %dma_wait3A_367] : memref<10000x80xf32, #tpu.memory_space<vmem_shared>> -> memref<25x80xf32, #tpu.memory_space<vmem_shared>>
    tpu.wait_dma2 semaphore(%dma_wait3A_366 : memref<!tpu.dma_semaphore, #tpu.memory_space<semaphore_mem>>) src(%arg12 : memref<25x80xf32, #tpu.memory_space<vmem>>) dst(%dma_wait3A_368 : memref<25x80xf32, #tpu.memory_space<vmem_shared>>)
    %dma_wait3A_369 = arith.constant 1 : i32
    %dma_wait3A_370 = arith.constant 0 : i32
    %dma_wait3A_371 = tpu.memref_slice %arg13[%add3A_116, %dma_wait3A_370] : memref<10000x80xf32, #tpu.memory_space<vmem_shared>> -> memref<25x80xf32, #tpu.memory_space<vmem_shared>>
    %dma_wait3A_372 = tpu.memref_slice %arg14[%dma_wait3A_369] : memref<2x!tpu.dma_semaphore, #tpu.memory_space<semaphore_mem>> -> memref<1x!tpu.dma_semaphore, #tpu.memory_space<semaphore_mem>>
    %dma_wait3A_373 = tpu.memref_squeeze %dma_wait3A_372 : memref<1x!tpu.dma_semaphore, #tpu.memory_space<semaphore_mem>> -> memref<!tpu.dma_semaphore, #tpu.memory_space<semaphore_mem>>
    %dma_wait3A_374 = arith.constant 0 : i32
    %dma_wait3A_375 = tpu.memref_slice %arg13[%add3A_116, %dma_wait3A_374] : memref<10000x80xf32, #tpu.memory_space<vmem_shared>> -> memref<25x80xf32, #tpu.memory_space<vmem_shared>>
    tpu.wait_dma2 semaphore(%dma_wait3A_373 : memref<!tpu.dma_semaphore, #tpu.memory_space<semaphore_mem>>) src(%arg12 : memref<25x80xf32, #tpu.memory_space<vmem>>) dst(%dma_wait3A_375 : memref<25x80xf32, #tpu.memory_space<vmem_shared>>)
    %dma_wait3A_376 = arith.constant 1 : i32
    %dma_wait3A_377 = arith.constant 0 : i32
    %dma_wait3A_378 = tpu.memref_slice %arg13[%add3A_127, %dma_wait3A_377] : memref<10000x80xf32, #tpu.memory_space<vmem_shared>> -> memref<25x80xf32, #tpu.memory_space<vmem_shared>>
    %dma_wait3A_379 = tpu.memref_slice %arg14[%dma_wait3A_376] : memref<2x!tpu.dma_semaphore, #tpu.memory_space<semaphore_mem>> -> memref<1x!tpu.dma_semaphore, #tpu.memory_space<semaphore_mem>>
    %dma_wait3A_380 = tpu.memref_squeeze %dma_wait3A_379 : memref<1x!tpu.dma_semaphore, #tpu.memory_space<semaphore_mem>> -> memref<!tpu.dma_semaphore, #tpu.memory_space<semaphore_mem>>
    %dma_wait3A_381 = arith.constant 0 : i32
    %dma_wait3A_382 = tpu.memref_slice %arg13[%add3A_127, %dma_wait3A_381] : memref<10000x80xf32, #tpu.memory_space<vmem_shared>> -> memref<25x80xf32, #tpu.memory_space<vmem_shared>>
    tpu.wait_dma2 semaphore(%dma_wait3A_380 : memref<!tpu.dma_semaphore, #tpu.memory_space<semaphore_mem>>) src(%arg12 : memref<25x80xf32, #tpu.memory_space<vmem>>) dst(%dma_wait3A_382 : memref<25x80xf32, #tpu.memory_space<vmem_shared>>)
    %dma_wait3A_383 = arith.constant 1 : i32
    %dma_wait3A_384 = arith.constant 0 : i32
    %dma_wait3A_385 = tpu.memref_slice %arg13[%add3A_138, %dma_wait3A_384] : memref<10000x80xf32, #tpu.memory_space<vmem_shared>> -> memref<25x80xf32, #tpu.memory_space<vmem_shared>>
    %dma_wait3A_386 = tpu.memref_slice %arg14[%dma_wait3A_383] : memref<2x!tpu.dma_semaphore, #tpu.memory_space<semaphore_mem>> -> memref<1x!tpu.dma_semaphore, #tpu.memory_space<semaphore_mem>>
    %dma_wait3A_387 = tpu.memref_squeeze %dma_wait3A_386 : memref<1x!tpu.dma_semaphore, #tpu.memory_space<semaphore_mem>> -> memref<!tpu.dma_semaphore, #tpu.memory_space<semaphore_mem>>
    %dma_wait3A_388 = arith.constant 0 : i32
    %dma_wait3A_389 = tpu.memref_slice %arg13[%add3A_138, %dma_wait3A_388] : memref<10000x80xf32, #tpu.memory_space<vmem_shared>> -> memref<25x80xf32, #tpu.memory_space<vmem_shared>>
    tpu.wait_dma2 semaphore(%dma_wait3A_387 : memref<!tpu.dma_semaphore, #tpu.memory_space<semaphore_mem>>) src(%arg12 : memref<25x80xf32, #tpu.memory_space<vmem>>) dst(%dma_wait3A_389 : memref<25x80xf32, #tpu.memory_space<vmem_shared>>)
    %dma_wait3A_390 = arith.constant 1 : i32
    %dma_wait3A_391 = arith.constant 0 : i32
    %dma_wait3A_392 = tpu.memref_slice %arg13[%add3A_149, %dma_wait3A_391] : memref<10000x80xf32, #tpu.memory_space<vmem_shared>> -> memref<25x80xf32, #tpu.memory_space<vmem_shared>>
    %dma_wait3A_393 = tpu.memref_slice %arg14[%dma_wait3A_390] : memref<2x!tpu.dma_semaphore, #tpu.memory_space<semaphore_mem>> -> memref<1x!tpu.dma_semaphore, #tpu.memory_space<semaphore_mem>>
    %dma_wait3A_394 = tpu.memref_squeeze %dma_wait3A_393 : memref<1x!tpu.dma_semaphore, #tpu.memory_space<semaphore_mem>> -> memref<!tpu.dma_semaphore, #tpu.memory_space<semaphore_mem>>
    %dma_wait3A_395 = arith.constant 0 : i32
    %dma_wait3A_396 = tpu.memref_slice %arg13[%add3A_149, %dma_wait3A_395] : memref<10000x80xf32, #tpu.memory_space<vmem_shared>> -> memref<25x80xf32, #tpu.memory_space<vmem_shared>>
    tpu.wait_dma2 semaphore(%dma_wait3A_394 : memref<!tpu.dma_semaphore, #tpu.memory_space<semaphore_mem>>) src(%arg12 : memref<25x80xf32, #tpu.memory_space<vmem>>) dst(%dma_wait3A_396 : memref<25x80xf32, #tpu.memory_space<vmem_shared>>)
    %dma_wait3A_397 = arith.constant 1 : i32
    %dma_wait3A_398 = arith.constant 0 : i32
    %dma_wait3A_399 = tpu.memref_slice %arg13[%add3A_160, %dma_wait3A_398] : memref<10000x80xf32, #tpu.memory_space<vmem_shared>> -> memref<25x80xf32, #tpu.memory_space<vmem_shared>>
    %dma_wait3A_400 = tpu.memref_slice %arg14[%dma_wait3A_397] : memref<2x!tpu.dma_semaphore, #tpu.memory_space<semaphore_mem>> -> memref<1x!tpu.dma_semaphore, #tpu.memory_space<semaphore_mem>>
    %dma_wait3A_401 = tpu.memref_squeeze %dma_wait3A_400 : memref<1x!tpu.dma_semaphore, #tpu.memory_space<semaphore_mem>> -> memref<!tpu.dma_semaphore, #tpu.memory_space<semaphore_mem>>
    %dma_wait3A_402 = arith.constant 0 : i32
    %dma_wait3A_403 = tpu.memref_slice %arg13[%add3A_160, %dma_wait3A_402] : memref<10000x80xf32, #tpu.memory_space<vmem_shared>> -> memref<25x80xf32, #tpu.memory_space<vmem_shared>>
    tpu.wait_dma2 semaphore(%dma_wait3A_401 : memref<!tpu.dma_semaphore, #tpu.memory_space<semaphore_mem>>) src(%arg12 : memref<25x80xf32, #tpu.memory_space<vmem>>) dst(%dma_wait3A_403 : memref<25x80xf32, #tpu.memory_space<vmem_shared>>)
    %dma_wait3A_404 = arith.constant 1 : i32
    %dma_wait3A_405 = arith.constant 0 : i32
    %dma_wait3A_406 = tpu.memref_slice %arg13[%add3A_171, %dma_wait3A_405] : memref<10000x80xf32, #tpu.memory_space<vmem_shared>> -> memref<25x80xf32, #tpu.memory_space<vmem_shared>>
    %dma_wait3A_407 = tpu.memref_slice %arg14[%dma_wait3A_404] : memref<2x!tpu.dma_semaphore, #tpu.memory_space<semaphore_mem>> -> memref<1x!tpu.dma_semaphore, #tpu.memory_space<semaphore_mem>>
    %dma_wait3A_408 = tpu.memref_squeeze %dma_wait3A_407 : memref<1x!tpu.dma_semaphore, #tpu.memory_space<semaphore_mem>> -> memref<!tpu.dma_semaphore, #tpu.memory_space<semaphore_mem>>
    %dma_wait3A_409 = arith.constant 0 : i32
    %dma_wait3A_410 = tpu.memref_slice %arg13[%add3A_171, %dma_wait3A_409] : memref<10000x80xf32, #tpu.memory_space<vmem_shared>> -> memref<25x80xf32, #tpu.memory_space<vmem_shared>>
    tpu.wait_dma2 semaphore(%dma_wait3A_408 : memref<!tpu.dma_semaphore, #tpu.memory_space<semaphore_mem>>) src(%arg12 : memref<25x80xf32, #tpu.memory_space<vmem>>) dst(%dma_wait3A_410 : memref<25x80xf32, #tpu.memory_space<vmem_shared>>)
    %dma_wait3A_411 = arith.constant 1 : i32
    %dma_wait3A_412 = arith.constant 0 : i32
    %dma_wait3A_413 = tpu.memref_slice %arg13[%add3A_182, %dma_wait3A_412] : memref<10000x80xf32, #tpu.memory_space<vmem_shared>> -> memref<25x80xf32, #tpu.memory_space<vmem_shared>>
    %dma_wait3A_414 = tpu.memref_slice %arg14[%dma_wait3A_411] : memref<2x!tpu.dma_semaphore, #tpu.memory_space<semaphore_mem>> -> memref<1x!tpu.dma_semaphore, #tpu.memory_space<semaphore_mem>>
    %dma_wait3A_415 = tpu.memref_squeeze %dma_wait3A_414 : memref<1x!tpu.dma_semaphore, #tpu.memory_space<semaphore_mem>> -> memref<!tpu.dma_semaphore, #tpu.memory_space<semaphore_mem>>
    %dma_wait3A_416 = arith.constant 0 : i32
    %dma_wait3A_417 = tpu.memref_slice %arg13[%add3A_182, %dma_wait3A_416] : memref<10000x80xf32, #tpu.memory_space<vmem_shared>> -> memref<25x80xf32, #tpu.memory_space<vmem_shared>>
    tpu.wait_dma2 semaphore(%dma_wait3A_415 : memref<!tpu.dma_semaphore, #tpu.memory_space<semaphore_mem>>) src(%arg12 : memref<25x80xf32, #tpu.memory_space<vmem>>) dst(%dma_wait3A_417 : memref<25x80xf32, #tpu.memory_space<vmem_shared>>)
    %dma_wait3A_418 = arith.constant 1 : i32
    %dma_wait3A_419 = arith.constant 0 : i32
    %dma_wait3A_420 = tpu.memref_slice %arg13[%add3A_193, %dma_wait3A_419] : memref<10000x80xf32, #tpu.memory_space<vmem_shared>> -> memref<25x80xf32, #tpu.memory_space<vmem_shared>>
    %dma_wait3A_421 = tpu.memref_slice %arg14[%dma_wait3A_418] : memref<2x!tpu.dma_semaphore, #tpu.memory_space<semaphore_mem>> -> memref<1x!tpu.dma_semaphore, #tpu.memory_space<semaphore_mem>>
    %dma_wait3A_422 = tpu.memref_squeeze %dma_wait3A_421 : memref<1x!tpu.dma_semaphore, #tpu.memory_space<semaphore_mem>> -> memref<!tpu.dma_semaphore, #tpu.memory_space<semaphore_mem>>
    %dma_wait3A_423 = arith.constant 0 : i32
    %dma_wait3A_424 = tpu.memref_slice %arg13[%add3A_193, %dma_wait3A_423] : memref<10000x80xf32, #tpu.memory_space<vmem_shared>> -> memref<25x80xf32, #tpu.memory_space<vmem_shared>>
    tpu.wait_dma2 semaphore(%dma_wait3A_422 : memref<!tpu.dma_semaphore, #tpu.memory_space<semaphore_mem>>) src(%arg12 : memref<25x80xf32, #tpu.memory_space<vmem>>) dst(%dma_wait3A_424 : memref<25x80xf32, #tpu.memory_space<vmem_shared>>)
    %dma_wait3A_425 = arith.constant 1 : i32
    %dma_wait3A_426 = arith.constant 0 : i32
    %dma_wait3A_427 = tpu.memref_slice %arg13[%add3A_204, %dma_wait3A_426] : memref<10000x80xf32, #tpu.memory_space<vmem_shared>> -> memref<25x80xf32, #tpu.memory_space<vmem_shared>>
    %dma_wait3A_428 = tpu.memref_slice %arg14[%dma_wait3A_425] : memref<2x!tpu.dma_semaphore, #tpu.memory_space<semaphore_mem>> -> memref<1x!tpu.dma_semaphore, #tpu.memory_space<semaphore_mem>>
    %dma_wait3A_429 = tpu.memref_squeeze %dma_wait3A_428 : memref<1x!tpu.dma_semaphore, #tpu.memory_space<semaphore_mem>> -> memref<!tpu.dma_semaphore, #tpu.memory_space<semaphore_mem>>
    %dma_wait3A_430 = arith.constant 0 : i32
    %dma_wait3A_431 = tpu.memref_slice %arg13[%add3A_204, %dma_wait3A_430] : memref<10000x80xf32, #tpu.memory_space<vmem_shared>> -> memref<25x80xf32, #tpu.memory_space<vmem_shared>>
    tpu.wait_dma2 semaphore(%dma_wait3A_429 : memref<!tpu.dma_semaphore, #tpu.memory_space<semaphore_mem>>) src(%arg12 : memref<25x80xf32, #tpu.memory_space<vmem>>) dst(%dma_wait3A_431 : memref<25x80xf32, #tpu.memory_space<vmem_shared>>)
    %dma_wait3A_432 = arith.constant 1 : i32
    %dma_wait3A_433 = arith.constant 0 : i32
    %dma_wait3A_434 = tpu.memref_slice %arg13[%add3A_215, %dma_wait3A_433] : memref<10000x80xf32, #tpu.memory_space<vmem_shared>> -> memref<25x80xf32, #tpu.memory_space<vmem_shared>>
    %dma_wait3A_435 = tpu.memref_slice %arg14[%dma_wait3A_432] : memref<2x!tpu.dma_semaphore, #tpu.memory_space<semaphore_mem>> -> memref<1x!tpu.dma_semaphore, #tpu.memory_space<semaphore_mem>>
    %dma_wait3A_436 = tpu.memref_squeeze %dma_wait3A_435 : memref<1x!tpu.dma_semaphore, #tpu.memory_space<semaphore_mem>> -> memref<!tpu.dma_semaphore, #tpu.memory_space<semaphore_mem>>
    %dma_wait3A_437 = arith.constant 0 : i32
    %dma_wait3A_438 = tpu.memref_slice %arg13[%add3A_215, %dma_wait3A_437] : memref<10000x80xf32, #tpu.memory_space<vmem_shared>> -> memref<25x80xf32, #tpu.memory_space<vmem_shared>>
    tpu.wait_dma2 semaphore(%dma_wait3A_436 : memref<!tpu.dma_semaphore, #tpu.memory_space<semaphore_mem>>) src(%arg12 : memref<25x80xf32, #tpu.memory_space<vmem>>) dst(%dma_wait3A_438 : memref<25x80xf32, #tpu.memory_space<vmem_shared>>)
    %dma_wait3A_439 = arith.constant 1 : i32
    %dma_wait3A_440 = arith.constant 0 : i32
    %dma_wait3A_441 = tpu.memref_slice %arg13[%add3A_226, %dma_wait3A_440] : memref<10000x80xf32, #tpu.memory_space<vmem_shared>> -> memref<25x80xf32, #tpu.memory_space<vmem_shared>>
    %dma_wait3A_442 = tpu.memref_slice %arg14[%dma_wait3A_439] : memref<2x!tpu.dma_semaphore, #tpu.memory_space<semaphore_mem>> -> memref<1x!tpu.dma_semaphore, #tpu.memory_space<semaphore_mem>>
    %dma_wait3A_443 = tpu.memref_squeeze %dma_wait3A_442 : memref<1x!tpu.dma_semaphore, #tpu.memory_space<semaphore_mem>> -> memref<!tpu.dma_semaphore, #tpu.memory_space<semaphore_mem>>
    %dma_wait3A_444 = arith.constant 0 : i32
    %dma_wait3A_445 = tpu.memref_slice %arg13[%add3A_226, %dma_wait3A_444] : memref<10000x80xf32, #tpu.memory_space<vmem_shared>> -> memref<25x80xf32, #tpu.memory_space<vmem_shared>>
    tpu.wait_dma2 semaphore(%dma_wait3A_443 : memref<!tpu.dma_semaphore, #tpu.memory_space<semaphore_mem>>) src(%arg12 : memref<25x80xf32, #tpu.memory_space<vmem>>) dst(%dma_wait3A_445 : memref<25x80xf32, #tpu.memory_space<vmem_shared>>)
    %dma_wait3A_446 = arith.constant 1 : i32
    %dma_wait3A_447 = arith.constant 0 : i32
    %dma_wait3A_448 = tpu.memref_slice %arg13[%add3A_237, %dma_wait3A_447] : memref<10000x80xf32, #tpu.memory_space<vmem_shared>> -> memref<25x80xf32, #tpu.memory_space<vmem_shared>>
    %dma_wait3A_449 = tpu.memref_slice %arg14[%dma_wait3A_446] : memref<2x!tpu.dma_semaphore, #tpu.memory_space<semaphore_mem>> -> memref<1x!tpu.dma_semaphore, #tpu.memory_space<semaphore_mem>>
    %dma_wait3A_450 = tpu.memref_squeeze %dma_wait3A_449 : memref<1x!tpu.dma_semaphore, #tpu.memory_space<semaphore_mem>> -> memref<!tpu.dma_semaphore, #tpu.memory_space<semaphore_mem>>
    %dma_wait3A_451 = arith.constant 0 : i32
    %dma_wait3A_452 = tpu.memref_slice %arg13[%add3A_237, %dma_wait3A_451] : memref<10000x80xf32, #tpu.memory_space<vmem_shared>> -> memref<25x80xf32, #tpu.memory_space<vmem_shared>>
    tpu.wait_dma2 semaphore(%dma_wait3A_450 : memref<!tpu.dma_semaphore, #tpu.memory_space<semaphore_mem>>) src(%arg12 : memref<25x80xf32, #tpu.memory_space<vmem>>) dst(%dma_wait3A_452 : memref<25x80xf32, #tpu.memory_space<vmem_shared>>)
    %dma_wait3A_453 = arith.constant 1 : i32
    %dma_wait3A_454 = arith.constant 0 : i32
    %dma_wait3A_455 = tpu.memref_slice %arg13[%add3A_248, %dma_wait3A_454] : memref<10000x80xf32, #tpu.memory_space<vmem_shared>> -> memref<25x80xf32, #tpu.memory_space<vmem_shared>>
    %dma_wait3A_456 = tpu.memref_slice %arg14[%dma_wait3A_453] : memref<2x!tpu.dma_semaphore, #tpu.memory_space<semaphore_mem>> -> memref<1x!tpu.dma_semaphore, #tpu.memory_space<semaphore_mem>>
    %dma_wait3A_457 = tpu.memref_squeeze %dma_wait3A_456 : memref<1x!tpu.dma_semaphore, #tpu.memory_space<semaphore_mem>> -> memref<!tpu.dma_semaphore, #tpu.memory_space<semaphore_mem>>
    %dma_wait3A_458 = arith.constant 0 : i32
    %dma_wait3A_459 = tpu.memref_slice %arg13[%add3A_248, %dma_wait3A_458] : memref<10000x80xf32, #tpu.memory_space<vmem_shared>> -> memref<25x80xf32, #tpu.memory_space<vmem_shared>>
    tpu.wait_dma2 semaphore(%dma_wait3A_457 : memref<!tpu.dma_semaphore, #tpu.memory_space<semaphore_mem>>) src(%arg12 : memref<25x80xf32, #tpu.memory_space<vmem>>) dst(%dma_wait3A_459 : memref<25x80xf32, #tpu.memory_space<vmem_shared>>)
    %dma_wait3A_460 = arith.constant 1 : i32
    %dma_wait3A_461 = arith.constant 0 : i32
    %dma_wait3A_462 = tpu.memref_slice %arg13[%add3A_259, %dma_wait3A_461] : memref<10000x80xf32, #tpu.memory_space<vmem_shared>> -> memref<25x80xf32, #tpu.memory_space<vmem_shared>>
    %dma_wait3A_463 = tpu.memref_slice %arg14[%dma_wait3A_460] : memref<2x!tpu.dma_semaphore, #tpu.memory_space<semaphore_mem>> -> memref<1x!tpu.dma_semaphore, #tpu.memory_space<semaphore_mem>>
    %dma_wait3A_464 = tpu.memref_squeeze %dma_wait3A_463 : memref<1x!tpu.dma_semaphore, #tpu.memory_space<semaphore_mem>> -> memref<!tpu.dma_semaphore, #tpu.memory_space<semaphore_mem>>
    %dma_wait3A_465 = arith.constant 0 : i32
    %dma_wait3A_466 = tpu.memref_slice %arg13[%add3A_259, %dma_wait3A_465] : memref<10000x80xf32, #tpu.memory_space<vmem_shared>> -> memref<25x80xf32, #tpu.memory_space<vmem_shared>>
    tpu.wait_dma2 semaphore(%dma_wait3A_464 : memref<!tpu.dma_semaphore, #tpu.memory_space<semaphore_mem>>) src(%arg12 : memref<25x80xf32, #tpu.memory_space<vmem>>) dst(%dma_wait3A_466 : memref<25x80xf32, #tpu.memory_space<vmem_shared>>)
    %dma_wait3A_467 = arith.constant 1 : i32
    %dma_wait3A_468 = arith.constant 0 : i32
    %dma_wait3A_469 = tpu.memref_slice %arg13[%add3A_270, %dma_wait3A_468] : memref<10000x80xf32, #tpu.memory_space<vmem_shared>> -> memref<25x80xf32, #tpu.memory_space<vmem_shared>>
    %dma_wait3A_470 = tpu.memref_slice %arg14[%dma_wait3A_467] : memref<2x!tpu.dma_semaphore, #tpu.memory_space<semaphore_mem>> -> memref<1x!tpu.dma_semaphore, #tpu.memory_space<semaphore_mem>>
    %dma_wait3A_471 = tpu.memref_squeeze %dma_wait3A_470 : memref<1x!tpu.dma_semaphore, #tpu.memory_space<semaphore_mem>> -> memref<!tpu.dma_semaphore, #tpu.memory_space<semaphore_mem>>
    %dma_wait3A_472 = arith.constant 0 : i32
    %dma_wait3A_473 = tpu.memref_slice %arg13[%add3A_270, %dma_wait3A_472] : memref<10000x80xf32, #tpu.memory_space<vmem_shared>> -> memref<25x80xf32, #tpu.memory_space<vmem_shared>>
    tpu.wait_dma2 semaphore(%dma_wait3A_471 : memref<!tpu.dma_semaphore, #tpu.memory_space<semaphore_mem>>) src(%arg12 : memref<25x80xf32, #tpu.memory_space<vmem>>) dst(%dma_wait3A_473 : memref<25x80xf32, #tpu.memory_space<vmem_shared>>)
    %dma_wait3A_474 = arith.constant 1 : i32
    %dma_wait3A_475 = arith.constant 0 : i32
    %dma_wait3A_476 = tpu.memref_slice %arg13[%add3A_281, %dma_wait3A_475] : memref<10000x80xf32, #tpu.memory_space<vmem_shared>> -> memref<25x80xf32, #tpu.memory_space<vmem_shared>>
    %dma_wait3A_477 = tpu.memref_slice %arg14[%dma_wait3A_474] : memref<2x!tpu.dma_semaphore, #tpu.memory_space<semaphore_mem>> -> memref<1x!tpu.dma_semaphore, #tpu.memory_space<semaphore_mem>>
    %dma_wait3A_478 = tpu.memref_squeeze %dma_wait3A_477 : memref<1x!tpu.dma_semaphore, #tpu.memory_space<semaphore_mem>> -> memref<!tpu.dma_semaphore, #tpu.memory_space<semaphore_mem>>
    %dma_wait3A_479 = arith.constant 0 : i32
    %dma_wait3A_480 = tpu.memref_slice %arg13[%add3A_281, %dma_wait3A_479] : memref<10000x80xf32, #tpu.memory_space<vmem_shared>> -> memref<25x80xf32, #tpu.memory_space<vmem_shared>>
    tpu.wait_dma2 semaphore(%dma_wait3A_478 : memref<!tpu.dma_semaphore, #tpu.memory_space<semaphore_mem>>) src(%arg12 : memref<25x80xf32, #tpu.memory_space<vmem>>) dst(%dma_wait3A_480 : memref<25x80xf32, #tpu.memory_space<vmem_shared>>)
    %dma_wait3A_481 = arith.constant 1 : i32
    %dma_wait3A_482 = arith.constant 0 : i32
    %dma_wait3A_483 = tpu.memref_slice %arg13[%add3A_292, %dma_wait3A_482] : memref<10000x80xf32, #tpu.memory_space<vmem_shared>> -> memref<25x80xf32, #tpu.memory_space<vmem_shared>>
    %dma_wait3A_484 = tpu.memref_slice %arg14[%dma_wait3A_481] : memref<2x!tpu.dma_semaphore, #tpu.memory_space<semaphore_mem>> -> memref<1x!tpu.dma_semaphore, #tpu.memory_space<semaphore_mem>>
    %dma_wait3A_485 = tpu.memref_squeeze %dma_wait3A_484 : memref<1x!tpu.dma_semaphore, #tpu.memory_space<semaphore_mem>> -> memref<!tpu.dma_semaphore, #tpu.memory_space<semaphore_mem>>
    %dma_wait3A_486 = arith.constant 0 : i32
    %dma_wait3A_487 = tpu.memref_slice %arg13[%add3A_292, %dma_wait3A_486] : memref<10000x80xf32, #tpu.memory_space<vmem_shared>> -> memref<25x80xf32, #tpu.memory_space<vmem_shared>>
    tpu.wait_dma2 semaphore(%dma_wait3A_485 : memref<!tpu.dma_semaphore, #tpu.memory_space<semaphore_mem>>) src(%arg12 : memref<25x80xf32, #tpu.memory_space<vmem>>) dst(%dma_wait3A_487 : memref<25x80xf32, #tpu.memory_space<vmem_shared>>)
    %barrier3A = arith.constant 0 : index
    tpu.barrier barrier_id(%barrier3A)
    %add3A_488 = arith.constant 0 : i32
    %add3A_489 = arith.addi %mul3A_2, %add3A_488 : i32
    %lt3A = arith.constant 2500 : i32
    %lt3A_490 = arith.cmpi slt, %add3A_489, %lt3A : i32
    %and3A_491 = arith.constant true
    %and3A_492 = arith.andi %and3A_491, %lt3A_490 : i1
    %convert_element_type3A = arith.extui %and3A_492 : i1 to i32
    %cond3A = arith.constant 0 : i32
    %cond3A_493 = arith.cmpi ne, %convert_element_type3A, %cond3A : i32
    scf.if %cond3A_493 {
      %dma_start3A_527 = arith.constant 0 : i32
      %dma_start3A_528 = arith.constant 0 : i32
      %dma_start3A_529 = arith.constant 0 : i32
      %dma_start3A_530 = arith.constant 0 : i32
      %dma_start3A_531 = arith.constant 0 : i32
      %dma_start3A_532 = tpu.memref_slice %arg9[%dma_start3A_528, %dma_start3A_530, %dma_start3A_531] : memref<2x128x80xf32, #tpu.memory_space<vmem>> -> memref<1x128x80xf32, #tpu.memory_space<vmem>>
      %dma_start3A_533 = tpu.memref_squeeze %dma_start3A_532 : memref<1x128x80xf32, #tpu.memory_space<vmem>> -> memref<128x80xf32, #tpu.memory_space<vmem>>
      %dma_start3A_534 = arith.constant 0 : i32
      %dma_start3A_535 = tpu.memref_slice %arg7[%dma_start3A_527, %dma_start3A_534] : memref<79x128xi32, #tpu.memory_space<vmem>> -> memref<1x128xi32, #tpu.memory_space<vmem>>
      %dma_start3A_536 = tpu.memref_squeeze %dma_start3A_535 : memref<1x128xi32, #tpu.memory_space<vmem>> -> memref<128xi32, #tpu.memory_space<vmem>>
      %dma_start3A_537 = arith.constant 0 : i32
      %dma_start3A_538 = arith.constant 0 : i32
      %dma_start3A_539 = tpu.memref_slice %arg2[%dma_start3A_537, %dma_start3A_538] : memref<10000x80xf32, #tpu.memory_space<hbm>> -> memref<10000x80xf32, #tpu.memory_space<hbm>>
      %dma_start3A_540 = tpu.memref_slice %arg14[%dma_start3A_529] : memref<2x!tpu.dma_semaphore, #tpu.memory_space<semaphore_mem>> -> memref<1x!tpu.dma_semaphore, #tpu.memory_space<semaphore_mem>>
      %dma_start3A_541 = tpu.memref_squeeze %dma_start3A_540 : memref<1x!tpu.dma_semaphore, #tpu.memory_space<semaphore_mem>> -> memref<!tpu.dma_semaphore, #tpu.memory_space<semaphore_mem>>
      tpu.enqueue_indirect_dma source(%dma_start3A_539 : memref<10000x80xf32, #tpu.memory_space<hbm>>) target(%dma_start3A_533 : memref<128x80xf32, #tpu.memory_space<vmem>>) offsets(%dma_start3A_536 : memref<128xi32, #tpu.memory_space<vmem>>) semaphore(%dma_start3A_541 : memref<!tpu.dma_semaphore, #tpu.memory_space<semaphore_mem>>)
      %dma_start3A_542 = arith.constant 0 : i32
      %dma_start3A_543 = arith.constant 0 : i32
      %dma_start3A_544 = arith.constant 0 : i32
      %dma_start3A_545 = arith.constant 0 : i32
      %dma_start3A_546 = arith.constant 0 : i32
      %dma_start3A_547 = tpu.memref_slice %arg10[%dma_start3A_543, %dma_start3A_545, %dma_start3A_546] : memref<2x128x16xf32, #tpu.memory_space<vmem>> -> memref<1x128x16xf32, #tpu.memory_space<vmem>>
      %dma_start3A_548 = tpu.memref_squeeze %dma_start3A_547 : memref<1x128x16xf32, #tpu.memory_space<vmem>> -> memref<128x16xf32, #tpu.memory_space<vmem>>
      %dma_start3A_549 = arith.constant 0 : i32
      %dma_start3A_550 = tpu.memref_slice %arg8[%dma_start3A_542, %dma_start3A_549] : memref<79x128xi32, #tpu.memory_space<vmem>> -> memref<1x128xi32, #tpu.memory_space<vmem>>
      %dma_start3A_551 = tpu.memref_squeeze %dma_start3A_550 : memref<1x128xi32, #tpu.memory_space<vmem>> -> memref<128xi32, #tpu.memory_space<vmem>>
      %dma_start3A_552 = arith.constant 0 : i32
      %dma_start3A_553 = arith.constant 0 : i32
      %dma_start3A_554 = tpu.memref_slice %arg3[%dma_start3A_552, %dma_start3A_553] : memref<10000x16xf32, #tpu.memory_space<hbm>> -> memref<10000x16xf32, #tpu.memory_space<hbm>>
      %dma_start3A_555 = tpu.memref_slice %arg14[%dma_start3A_544] : memref<2x!tpu.dma_semaphore, #tpu.memory_space<semaphore_mem>> -> memref<1x!tpu.dma_semaphore, #tpu.memory_space<semaphore_mem>>
      %dma_start3A_556 = tpu.memref_squeeze %dma_start3A_555 : memref<1x!tpu.dma_semaphore, #tpu.memory_space<semaphore_mem>> -> memref<!tpu.dma_semaphore, #tpu.memory_space<semaphore_mem>>
      tpu.enqueue_indirect_dma source(%dma_start3A_554 : memref<10000x16xf32, #tpu.memory_space<hbm>>) target(%dma_start3A_548 : memref<128x16xf32, #tpu.memory_space<vmem>>) offsets(%dma_start3A_551 : memref<128xi32, #tpu.memory_space<vmem>>) semaphore(%dma_start3A_556 : memref<!tpu.dma_semaphore, #tpu.memory_space<semaphore_mem>>)
    } else {
    }
    %scan3A_494 = arith.constant 0 : i32
    %scan3A_495 = arith.constant 0 : i32
    %scan3A_496 = arith.constant 79 : i32
    %scan3A_497 = arith.addi %scan3A_495, %scan3A_496 : i32
    %scan3A_498 = arith.constant 1 : i32
    %scan3A_499 = scf.for %scan3A_527 = %scan3A_495 to %scan3A_497 step %scan3A_498 iter_args(%scan3A_528 = %scan3A_494) -> (i32)  : i32 {
      %and3A_529 = arith.constant 1 : i32
      %and3A_530 = arith.andi %scan3A_527, %and3A_529 : i32
      %add3A_531 = arith.addi %mul3A_2, %scan3A_527 : i32
      %lt3A_532 = arith.constant 2500 : i32
      %lt3A_533 = arith.cmpi slt, %add3A_531, %lt3A_532 : i32
      %add3A_534 = arith.constant 1 : i32
      %add3A_535 = arith.addi %scan3A_527, %add3A_534 : i32
      %sub3A = arith.constant 1 : i32
      %sub3A_536 = arith.subi %sub3A, %and3A_530 : i32
      %lt3A_537 = arith.constant 79 : i32
      %lt3A_538 = arith.cmpi slt, %add3A_535, %lt3A_537 : i32
      %add3A_539 = arith.addi %mul3A_2, %add3A_535 : i32
      %lt3A_540 = arith.constant 2500 : i32
      %lt3A_541 = arith.cmpi slt, %add3A_539, %lt3A_540 : i32
      %and3A_542 = arith.andi %lt3A_538, %lt3A_541 : i1
      %convert_element_type3A_543 = arith.extui %and3A_542 : i1 to i32
      %cond3A_544 = arith.constant 0 : i32
      %cond3A_545 = arith.cmpi ne, %convert_element_type3A_543, %cond3A_544 : i32
      scf.if %cond3A_545 {
        %dma_start3A_560 = arith.constant 0 : i32
        %dma_start3A_561 = arith.constant 0 : i32
        %dma_start3A_562 = tpu.memref_slice %arg9[%sub3A_536, %dma_start3A_560, %dma_start3A_561] : memref<2x128x80xf32, #tpu.memory_space<vmem>> -> memref<1x128x80xf32, #tpu.memory_space<vmem>>
        %dma_start3A_563 = tpu.memref_squeeze %dma_start3A_562 : memref<1x128x80xf32, #tpu.memory_space<vmem>> -> memref<128x80xf32, #tpu.memory_space<vmem>>
        %dma_start3A_564 = arith.constant 0 : i32
        %dma_start3A_565 = tpu.memref_slice %arg7[%add3A_535, %dma_start3A_564] : memref<79x128xi32, #tpu.memory_space<vmem>> -> memref<1x128xi32, #tpu.memory_space<vmem>>
        %dma_start3A_566 = tpu.memref_squeeze %dma_start3A_565 : memref<1x128xi32, #tpu.memory_space<vmem>> -> memref<128xi32, #tpu.memory_space<vmem>>
        %dma_start3A_567 = arith.constant 0 : i32
        %dma_start3A_568 = arith.constant 0 : i32
        %dma_start3A_569 = tpu.memref_slice %arg2[%dma_start3A_567, %dma_start3A_568] : memref<10000x80xf32, #tpu.memory_space<hbm>> -> memref<10000x80xf32, #tpu.memory_space<hbm>>
        %dma_start3A_570 = tpu.memref_slice %arg14[%sub3A_536] : memref<2x!tpu.dma_semaphore, #tpu.memory_space<semaphore_mem>> -> memref<1x!tpu.dma_semaphore, #tpu.memory_space<semaphore_mem>>
        %dma_start3A_571 = tpu.memref_squeeze %dma_start3A_570 : memref<1x!tpu.dma_semaphore, #tpu.memory_space<semaphore_mem>> -> memref<!tpu.dma_semaphore, #tpu.memory_space<semaphore_mem>>
        tpu.enqueue_indirect_dma source(%dma_start3A_569 : memref<10000x80xf32, #tpu.memory_space<hbm>>) target(%dma_start3A_563 : memref<128x80xf32, #tpu.memory_space<vmem>>) offsets(%dma_start3A_566 : memref<128xi32, #tpu.memory_space<vmem>>) semaphore(%dma_start3A_571 : memref<!tpu.dma_semaphore, #tpu.memory_space<semaphore_mem>>)
        %dma_start3A_572 = arith.constant 0 : i32
        %dma_start3A_573 = arith.constant 0 : i32
        %dma_start3A_574 = tpu.memref_slice %arg10[%sub3A_536, %dma_start3A_572, %dma_start3A_573] : memref<2x128x16xf32, #tpu.memory_space<vmem>> -> memref<1x128x16xf32, #tpu.memory_space<vmem>>
        %dma_start3A_575 = tpu.memref_squeeze %dma_start3A_574 : memref<1x128x16xf32, #tpu.memory_space<vmem>> -> memref<128x16xf32, #tpu.memory_space<vmem>>
        %dma_start3A_576 = arith.constant 0 : i32
        %dma_start3A_577 = tpu.memref_slice %arg8[%add3A_535, %dma_start3A_576] : memref<79x128xi32, #tpu.memory_space<vmem>> -> memref<1x128xi32, #tpu.memory_space<vmem>>
        %dma_start3A_578 = tpu.memref_squeeze %dma_start3A_577 : memref<1x128xi32, #tpu.memory_space<vmem>> -> memref<128xi32, #tpu.memory_space<vmem>>
        %dma_start3A_579 = arith.constant 0 : i32
        %dma_start3A_580 = arith.constant 0 : i32
        %dma_start3A_581 = tpu.memref_slice %arg3[%dma_start3A_579, %dma_start3A_580] : memref<10000x16xf32, #tpu.memory_space<hbm>> -> memref<10000x16xf32, #tpu.memory_space<hbm>>
        %dma_start3A_582 = tpu.memref_slice %arg14[%sub3A_536] : memref<2x!tpu.dma_semaphore, #tpu.memory_space<semaphore_mem>> -> memref<1x!tpu.dma_semaphore, #tpu.memory_space<semaphore_mem>>
        %dma_start3A_583 = tpu.memref_squeeze %dma_start3A_582 : memref<1x!tpu.dma_semaphore, #tpu.memory_space<semaphore_mem>> -> memref<!tpu.dma_semaphore, #tpu.memory_space<semaphore_mem>>
        tpu.enqueue_indirect_dma source(%dma_start3A_581 : memref<10000x16xf32, #tpu.memory_space<hbm>>) target(%dma_start3A_575 : memref<128x16xf32, #tpu.memory_space<vmem>>) offsets(%dma_start3A_578 : memref<128xi32, #tpu.memory_space<vmem>>) semaphore(%dma_start3A_583 : memref<!tpu.dma_semaphore, #tpu.memory_space<semaphore_mem>>)
      } else {
      }
      %ge3A = arith.constant 2 : i32
      %ge3A_546 = arith.cmpi sge, %scan3A_527, %ge3A : i32
      %add3A_547 = arith.addi %mul3A_2, %scan3A_527 : i32
      %sub3A_548 = arith.constant 2 : i32
      %sub3A_549 = arith.subi %add3A_547, %sub3A_548 : i32
      %lt3A_550 = arith.constant 2500 : i32
      %lt3A_551 = arith.cmpi slt, %sub3A_549, %lt3A_550 : i32
      %and3A_552 = arith.andi %ge3A_546, %lt3A_551 : i1
      %convert_element_type3A_553 = arith.extui %and3A_552 : i1 to i32
      %cond3A_554 = arith.constant 0 : i32
      %cond3A_555 = arith.cmpi ne, %convert_element_type3A_553, %cond3A_554 : i32
      scf.if %cond3A_555 {
        %sub3A_560 = arith.constant 2 : i32
        %sub3A_561 = arith.subi %scan3A_527, %sub3A_560 : i32
        %dma_wait3A_562 = arith.constant 0 : i32
        %dma_wait3A_563 = arith.constant 0 : i32
        %dma_wait3A_564 = tpu.memref_slice %arg11[%and3A_530, %dma_wait3A_562, %dma_wait3A_563] : memref<2x128x80xf32, #tpu.memory_space<vmem>> -> memref<1x128x80xf32, #tpu.memory_space<vmem>>
        %dma_wait3A_565 = tpu.memref_squeeze %dma_wait3A_564 : memref<1x128x80xf32, #tpu.memory_space<vmem>> -> memref<128x80xf32, #tpu.memory_space<vmem>>
        %dma_wait3A_566 = arith.constant 0 : i32
        %dma_wait3A_567 = tpu.memref_slice %arg8[%sub3A_561, %dma_wait3A_566] : memref<79x128xi32, #tpu.memory_space<vmem>> -> memref<1x128xi32, #tpu.memory_space<vmem>>
        %dma_wait3A_568 = tpu.memref_squeeze %dma_wait3A_567 : memref<1x128xi32, #tpu.memory_space<vmem>> -> memref<128xi32, #tpu.memory_space<vmem>>
        %dma_wait3A_569 = arith.constant 0 : i32
        %dma_wait3A_570 = arith.constant 0 : i32
        %dma_wait3A_571 = tpu.memref_slice %arg13[%dma_wait3A_569, %dma_wait3A_570] : memref<10000x80xf32, #tpu.memory_space<vmem_shared>> -> memref<10000x80xf32, #tpu.memory_space<vmem_shared>>
        %dma_wait3A_572 = tpu.memref_slice %arg15[%and3A_530] : memref<2x!tpu.dma_semaphore, #tpu.memory_space<semaphore_mem>> -> memref<1x!tpu.dma_semaphore, #tpu.memory_space<semaphore_mem>>
        %dma_wait3A_573 = tpu.memref_squeeze %dma_wait3A_572 : memref<1x!tpu.dma_semaphore, #tpu.memory_space<semaphore_mem>> -> memref<!tpu.dma_semaphore, #tpu.memory_space<semaphore_mem>>
        tpu.wait_indirect_dma semaphore(%dma_wait3A_573 : memref<!tpu.dma_semaphore, #tpu.memory_space<semaphore_mem>>) src(%dma_wait3A_565 : memref<128x80xf32, #tpu.memory_space<vmem>>) dst(%dma_wait3A_571 : memref<10000x80xf32, #tpu.memory_space<vmem_shared>>)
      } else {
      }
      %convert_element_type3A_556 = arith.extui %lt3A_533 : i1 to i32
      %cond3A_557 = arith.constant 0 : i32
      %cond3A_558 = arith.cmpi ne, %convert_element_type3A_556, %cond3A_557 : i32
      scf.if %cond3A_558 {
        %dma_wait3A_560 = arith.constant 0 : i32
        %dma_wait3A_561 = arith.constant 0 : i32
        %dma_wait3A_562 = tpu.memref_slice %arg9[%and3A_530, %dma_wait3A_560, %dma_wait3A_561] : memref<2x128x80xf32, #tpu.memory_space<vmem>> -> memref<1x128x80xf32, #tpu.memory_space<vmem>>
        %dma_wait3A_563 = tpu.memref_squeeze %dma_wait3A_562 : memref<1x128x80xf32, #tpu.memory_space<vmem>> -> memref<128x80xf32, #tpu.memory_space<vmem>>
        %dma_wait3A_564 = arith.constant 0 : i32
        %dma_wait3A_565 = tpu.memref_slice %arg7[%scan3A_527, %dma_wait3A_564] : memref<79x128xi32, #tpu.memory_space<vmem>> -> memref<1x128xi32, #tpu.memory_space<vmem>>
        %dma_wait3A_566 = tpu.memref_squeeze %dma_wait3A_565 : memref<1x128xi32, #tpu.memory_space<vmem>> -> memref<128xi32, #tpu.memory_space<vmem>>
        %dma_wait3A_567 = arith.constant 0 : i32
        %dma_wait3A_568 = arith.constant 0 : i32
        %dma_wait3A_569 = tpu.memref_slice %arg2[%dma_wait3A_567, %dma_wait3A_568] : memref<10000x80xf32, #tpu.memory_space<hbm>> -> memref<10000x80xf32, #tpu.memory_space<hbm>>
        %dma_wait3A_570 = tpu.memref_slice %arg14[%and3A_530] : memref<2x!tpu.dma_semaphore, #tpu.memory_space<semaphore_mem>> -> memref<1x!tpu.dma_semaphore, #tpu.memory_space<semaphore_mem>>
        %dma_wait3A_571 = tpu.memref_squeeze %dma_wait3A_570 : memref<1x!tpu.dma_semaphore, #tpu.memory_space<semaphore_mem>> -> memref<!tpu.dma_semaphore, #tpu.memory_space<semaphore_mem>>
        tpu.wait_indirect_dma semaphore(%dma_wait3A_571 : memref<!tpu.dma_semaphore, #tpu.memory_space<semaphore_mem>>) src(%dma_wait3A_569 : memref<10000x80xf32, #tpu.memory_space<hbm>>) dst(%dma_wait3A_563 : memref<128x80xf32, #tpu.memory_space<vmem>>)
        %dma_wait3A_572 = arith.constant 0 : i32
        %dma_wait3A_573 = arith.constant 0 : i32
        %dma_wait3A_574 = tpu.memref_slice %arg10[%and3A_530, %dma_wait3A_572, %dma_wait3A_573] : memref<2x128x16xf32, #tpu.memory_space<vmem>> -> memref<1x128x16xf32, #tpu.memory_space<vmem>>
        %dma_wait3A_575 = tpu.memref_squeeze %dma_wait3A_574 : memref<1x128x16xf32, #tpu.memory_space<vmem>> -> memref<128x16xf32, #tpu.memory_space<vmem>>
        %dma_wait3A_576 = arith.constant 0 : i32
        %dma_wait3A_577 = tpu.memref_slice %arg8[%scan3A_527, %dma_wait3A_576] : memref<79x128xi32, #tpu.memory_space<vmem>> -> memref<1x128xi32, #tpu.memory_space<vmem>>
        %dma_wait3A_578 = tpu.memref_squeeze %dma_wait3A_577 : memref<1x128xi32, #tpu.memory_space<vmem>> -> memref<128xi32, #tpu.memory_space<vmem>>
        %dma_wait3A_579 = arith.constant 0 : i32
        %dma_wait3A_580 = arith.constant 0 : i32
        %dma_wait3A_581 = tpu.memref_slice %arg3[%dma_wait3A_579, %dma_wait3A_580] : memref<10000x16xf32, #tpu.memory_space<hbm>> -> memref<10000x16xf32, #tpu.memory_space<hbm>>
        %dma_wait3A_582 = tpu.memref_slice %arg14[%and3A_530] : memref<2x!tpu.dma_semaphore, #tpu.memory_space<semaphore_mem>> -> memref<1x!tpu.dma_semaphore, #tpu.memory_space<semaphore_mem>>
        %dma_wait3A_583 = tpu.memref_squeeze %dma_wait3A_582 : memref<1x!tpu.dma_semaphore, #tpu.memory_space<semaphore_mem>> -> memref<!tpu.dma_semaphore, #tpu.memory_space<semaphore_mem>>
        tpu.wait_indirect_dma semaphore(%dma_wait3A_583 : memref<!tpu.dma_semaphore, #tpu.memory_space<semaphore_mem>>) src(%dma_wait3A_581 : memref<10000x16xf32, #tpu.memory_space<hbm>>) dst(%dma_wait3A_575 : memref<128x16xf32, #tpu.memory_space<vmem>>)
        %parallel_loop3A = arith.constant 0 : i32
        %parallel_loop3A_584 = arith.constant 128 : i32
        %parallel_loop3A_585 = arith.constant 1 : i32
        scf.for %parallel_loop3A_598 = %parallel_loop3A to %parallel_loop3A_584 step %parallel_loop3A_585  : i32 {
          %parallel_loop3A_599 = arith.index_cast %and3A_530 : i32 to index
          %parallel_loop3A_600 = arith.index_cast %parallel_loop3A_598 : i32 to index
          %parallel_loop3A_601 = arith.constant 64 : index
          %parallel_loop3A_602 = tpu.vector_load %arg9[%parallel_loop3A_599, %parallel_loop3A_600, %parallel_loop3A_601] {strides = array<i32>} : memref<2x128x80xf32, #tpu.memory_space<vmem>>, vector<1x1x16xf32>,
          %parallel_loop3A_603 = vector.shape_cast %parallel_loop3A_602 : vector<1x1x16xf32> to vector<16xf32>
          %parallel_loop3A_604 = arith.index_cast %and3A_530 : i32 to index
          %parallel_loop3A_605 = arith.index_cast %parallel_loop3A_598 : i32 to index
          %parallel_loop3A_606 = arith.constant 0 : index
          %parallel_loop3A_607 = tpu.vector_load %arg10[%parallel_loop3A_604, %parallel_loop3A_605, %parallel_loop3A_606] {strides = array<i32>} : memref<2x128x16xf32, #tpu.memory_space<vmem>>, vector<1x1x16xf32>,
          %parallel_loop3A_608 = vector.shape_cast %parallel_loop3A_607 : vector<1x1x16xf32> to vector<16xf32>
          %parallel_loop3A_609 = arith.addf %parallel_loop3A_603, %parallel_loop3A_608 : vector<16xf32>
          %parallel_loop3A_610 = arith.constant 2.000000e-01 : f32
          %parallel_loop3A_611 = vector.broadcast %parallel_loop3A_610 : f32 to vector<16xf32>
          %parallel_loop3A_612 = arith.mulf %parallel_loop3A_611, %parallel_loop3A_609 : vector<16xf32>
          %parallel_loop3A_613 = arith.maximumf %parallel_loop3A_609, %parallel_loop3A_612 : vector<16xf32>
          %parallel_loop3A_614 = math.exp %parallel_loop3A_613 : vector<16xf32>
          %parallel_loop3A_615 = arith.index_cast %and3A_530 : i32 to index
          %parallel_loop3A_616 = arith.index_cast %parallel_loop3A_598 : i32 to index
          %parallel_loop3A_617 = arith.constant 0 : index
          %parallel_loop3A_618 = tpu.vector_load %arg11[%parallel_loop3A_615, %parallel_loop3A_616, %parallel_loop3A_617] {strides = array<i32>} : memref<2x128x80xf32, #tpu.memory_space<vmem>>, vector<1x1x16xf32>,
          %parallel_loop3A_619 = vector.shape_cast %parallel_loop3A_618 : vector<1x1x16xf32> to vector<16xf32>
          %parallel_loop3A_620 = vector.shape_cast %parallel_loop3A_614 : vector<16xf32> to vector<1x1x16xf32>
          tpu.vector_store %arg11[%parallel_loop3A_615, %parallel_loop3A_616, %parallel_loop3A_617], %parallel_loop3A_620 {strides = array<i32>} : memref<2x128x80xf32, #tpu.memory_space<vmem>>, vector<1x1x16xf32>,
          %parallel_loop3A_621 = arith.constant 0 : i32
          %parallel_loop3A_622 = vector.broadcast %parallel_loop3A_621 : i32 to vector<16xi32>
          %parallel_loop3A_623 = arith.cmpi slt, %and3A_4, %parallel_loop3A_622 : vector<16xi32>
          %parallel_loop3A_624 = arith.constant 16 : i32
          %parallel_loop3A_625 = vector.broadcast %parallel_loop3A_624 : i32 to vector<16xi32>
          %parallel_loop3A_626 = arith.addi %and3A_4, %parallel_loop3A_625 : vector<16xi32>
          %parallel_loop3A_627 = arith.select %parallel_loop3A_623, %parallel_loop3A_626, %and3A_4 : vector<16xi1>, vector<16xi32>
          %parallel_loop3A_628 = vector.shape_cast %parallel_loop3A_627 : vector<16xi32> to vector<16x1xi32>
          %parallel_loop3A_629 = vector.shape_cast %parallel_loop3A_628 : vector<16x1xi32> to vector<16xi32>
          %parallel_loop3A_630 = tpu.dynamic_gather %parallel_loop3A_614[%parallel_loop3A_629] in [0] : vector<16xf32>, vector<16xi32> -> vector<16xf32>
          %parallel_loop3A_631 = arith.index_cast %and3A_530 : i32 to index
          %parallel_loop3A_632 = arith.index_cast %parallel_loop3A_598 : i32 to index
          %parallel_loop3A_633 = arith.constant 0 : index
          %parallel_loop3A_634 = tpu.vector_load %arg9[%parallel_loop3A_631, %parallel_loop3A_632, %parallel_loop3A_633] {strides = array<i32>} : memref<2x128x80xf32, #tpu.memory_space<vmem>>, vector<1x1x16xf32>,
          %parallel_loop3A_635 = vector.shape_cast %parallel_loop3A_634 : vector<1x1x16xf32> to vector<16xf32>
          %parallel_loop3A_636 = arith.mulf %parallel_loop3A_635, %parallel_loop3A_630 : vector<16xf32>
          %parallel_loop3A_637 = arith.index_cast %and3A_530 : i32 to index
          %parallel_loop3A_638 = arith.index_cast %parallel_loop3A_598 : i32 to index
          %parallel_loop3A_639 = arith.constant 16 : index
          %parallel_loop3A_640 = tpu.vector_load %arg11[%parallel_loop3A_637, %parallel_loop3A_638, %parallel_loop3A_639] {strides = array<i32>} : memref<2x128x80xf32, #tpu.memory_space<vmem>>, vector<1x1x16xf32>,
          %parallel_loop3A_641 = vector.shape_cast %parallel_loop3A_640 : vector<1x1x16xf32> to vector<16xf32>
          %parallel_loop3A_642 = vector.shape_cast %parallel_loop3A_636 : vector<16xf32> to vector<1x1x16xf32>
          tpu.vector_store %arg11[%parallel_loop3A_637, %parallel_loop3A_638, %parallel_loop3A_639], %parallel_loop3A_642 {strides = array<i32>} : memref<2x128x80xf32, #tpu.memory_space<vmem>>, vector<1x1x16xf32>,
          %parallel_loop3A_643 = arith.index_cast %and3A_530 : i32 to index
          %parallel_loop3A_644 = arith.index_cast %parallel_loop3A_598 : i32 to index
          %parallel_loop3A_645 = arith.constant 16 : index
          %parallel_loop3A_646 = tpu.vector_load %arg9[%parallel_loop3A_643, %parallel_loop3A_644, %parallel_loop3A_645] {strides = array<i32>} : memref<2x128x80xf32, #tpu.memory_space<vmem>>, vector<1x1x16xf32>,
          %parallel_loop3A_647 = vector.shape_cast %parallel_loop3A_646 : vector<1x1x16xf32> to vector<16xf32>
          %parallel_loop3A_648 = arith.mulf %parallel_loop3A_647, %parallel_loop3A_630 : vector<16xf32>
          %parallel_loop3A_649 = arith.index_cast %and3A_530 : i32 to index
          %parallel_loop3A_650 = arith.index_cast %parallel_loop3A_598 : i32 to index
          %parallel_loop3A_651 = arith.constant 32 : index
          %parallel_loop3A_652 = tpu.vector_load %arg11[%parallel_loop3A_649, %parallel_loop3A_650, %parallel_loop3A_651] {strides = array<i32>} : memref<2x128x80xf32, #tpu.memory_space<vmem>>, vector<1x1x16xf32>,
          %parallel_loop3A_653 = vector.shape_cast %parallel_loop3A_652 : vector<1x1x16xf32> to vector<16xf32>
          %parallel_loop3A_654 = vector.shape_cast %parallel_loop3A_648 : vector<16xf32> to vector<1x1x16xf32>
          tpu.vector_store %arg11[%parallel_loop3A_649, %parallel_loop3A_650, %parallel_loop3A_651], %parallel_loop3A_654 {strides = array<i32>} : memref<2x128x80xf32, #tpu.memory_space<vmem>>, vector<1x1x16xf32>,
          %parallel_loop3A_655 = arith.index_cast %and3A_530 : i32 to index
          %parallel_loop3A_656 = arith.index_cast %parallel_loop3A_598 : i32 to index
          %parallel_loop3A_657 = arith.constant 32 : index
          %parallel_loop3A_658 = tpu.vector_load %arg9[%parallel_loop3A_655, %parallel_loop3A_656, %parallel_loop3A_657] {strides = array<i32>} : memref<2x128x80xf32, #tpu.memory_space<vmem>>, vector<1x1x16xf32>,
          %parallel_loop3A_659 = vector.shape_cast %parallel_loop3A_658 : vector<1x1x16xf32> to vector<16xf32>
          %parallel_loop3A_660 = arith.mulf %parallel_loop3A_659, %parallel_loop3A_630 : vector<16xf32>
          %parallel_loop3A_661 = arith.index_cast %and3A_530 : i32 to index
          %parallel_loop3A_662 = arith.index_cast %parallel_loop3A_598 : i32 to index
          %parallel_loop3A_663 = arith.constant 48 : index
          %parallel_loop3A_664 = tpu.vector_load %arg11[%parallel_loop3A_661, %parallel_loop3A_662, %parallel_loop3A_663] {strides = array<i32>} : memref<2x128x80xf32, #tpu.memory_space<vmem>>, vector<1x1x16xf32>,
          %parallel_loop3A_665 = vector.shape_cast %parallel_loop3A_664 : vector<1x1x16xf32> to vector<16xf32>
          %parallel_loop3A_666 = vector.shape_cast %parallel_loop3A_660 : vector<16xf32> to vector<1x1x16xf32>
          tpu.vector_store %arg11[%parallel_loop3A_661, %parallel_loop3A_662, %parallel_loop3A_663], %parallel_loop3A_666 {strides = array<i32>} : memref<2x128x80xf32, #tpu.memory_space<vmem>>, vector<1x1x16xf32>,
          %parallel_loop3A_667 = arith.index_cast %and3A_530 : i32 to index
          %parallel_loop3A_668 = arith.index_cast %parallel_loop3A_598 : i32 to index
          %parallel_loop3A_669 = arith.constant 48 : index
          %parallel_loop3A_670 = tpu.vector_load %arg9[%parallel_loop3A_667, %parallel_loop3A_668, %parallel_loop3A_669] {strides = array<i32>} : memref<2x128x80xf32, #tpu.memory_space<vmem>>, vector<1x1x16xf32>,
          %parallel_loop3A_671 = vector.shape_cast %parallel_loop3A_670 : vector<1x1x16xf32> to vector<16xf32>
          %parallel_loop3A_672 = arith.mulf %parallel_loop3A_671, %parallel_loop3A_630 : vector<16xf32>
          %parallel_loop3A_673 = arith.index_cast %and3A_530 : i32 to index
          %parallel_loop3A_674 = arith.index_cast %parallel_loop3A_598 : i32 to index
          %parallel_loop3A_675 = arith.constant 64 : index
          %parallel_loop3A_676 = tpu.vector_load %arg11[%parallel_loop3A_673, %parallel_loop3A_674, %parallel_loop3A_675] {strides = array<i32>} : memref<2x128x80xf32, #tpu.memory_space<vmem>>, vector<1x1x16xf32>,
          %parallel_loop3A_677 = vector.shape_cast %parallel_loop3A_676 : vector<1x1x16xf32> to vector<16xf32>
          %parallel_loop3A_678 = vector.shape_cast %parallel_loop3A_672 : vector<16xf32> to vector<1x1x16xf32>
          tpu.vector_store %arg11[%parallel_loop3A_673, %parallel_loop3A_674, %parallel_loop3A_675], %parallel_loop3A_678 {strides = array<i32>} : memref<2x128x80xf32, #tpu.memory_space<vmem>>, vector<1x1x16xf32>,
        } {sc.loop_unroll_factor = 4 : i64, sc.parallel_access}
        %dma_start3A_586 = arith.constant 0 : i32
        %dma_start3A_587 = arith.constant 0 : i32
        %dma_start3A_588 = tpu.memref_slice %arg11[%and3A_530, %dma_start3A_586, %dma_start3A_587] : memref<2x128x80xf32, #tpu.memory_space<vmem>> -> memref<1x128x80xf32, #tpu.memory_space<vmem>>
        %dma_start3A_589 = tpu.memref_squeeze %dma_start3A_588 : memref<1x128x80xf32, #tpu.memory_space<vmem>> -> memref<128x80xf32, #tpu.memory_space<vmem>>
        %dma_start3A_590 = arith.constant 0 : i32
        %dma_start3A_591 = tpu.memref_slice %arg8[%scan3A_527, %dma_start3A_590] : memref<79x128xi32, #tpu.memory_space<vmem>> -> memref<1x128xi32, #tpu.memory_space<vmem>>
        %dma_start3A_592 = tpu.memref_squeeze %dma_start3A_591 : memref<1x128xi32, #tpu.memory_space<vmem>> -> memref<128xi32, #tpu.memory_space<vmem>>
        %dma_start3A_593 = arith.constant 0 : i32
        %dma_start3A_594 = arith.constant 0 : i32
        %dma_start3A_595 = tpu.memref_slice %arg13[%dma_start3A_593, %dma_start3A_594] : memref<10000x80xf32, #tpu.memory_space<vmem_shared>> -> memref<10000x80xf32, #tpu.memory_space<vmem_shared>>
        %dma_start3A_596 = tpu.memref_slice %arg15[%and3A_530] : memref<2x!tpu.dma_semaphore, #tpu.memory_space<semaphore_mem>> -> memref<1x!tpu.dma_semaphore, #tpu.memory_space<semaphore_mem>>
        %dma_start3A_597 = tpu.memref_squeeze %dma_start3A_596 : memref<1x!tpu.dma_semaphore, #tpu.memory_space<semaphore_mem>> -> memref<!tpu.dma_semaphore, #tpu.memory_space<semaphore_mem>>
        tpu.enqueue_indirect_dma source(%dma_start3A_589 : memref<128x80xf32, #tpu.memory_space<vmem>>) target(%dma_start3A_595 : memref<10000x80xf32, #tpu.memory_space<vmem_shared>>) offsets(%dma_start3A_592 : memref<128xi32, #tpu.memory_space<vmem>>) semaphore(%dma_start3A_597 : memref<!tpu.dma_semaphore, #tpu.memory_space<semaphore_mem>>) {add = true}
      } else {
      }
      %scan3A_559 = arith.constant 0 : i32
      scf.yield %scan3A_559 : i32
    }
    %scan3A_500 = arith.constant 79 : i32
    %add3A_501 = arith.constant 77 : i32
    %add3A_502 = arith.addi %mul3A_2, %add3A_501 : i32
    %lt3A_503 = arith.constant 2500 : i32
    %lt3A_504 = arith.cmpi slt, %add3A_502, %lt3A_503 : i32
    %convert_element_type3A_505 = arith.extui %lt3A_504 : i1 to i32
    %cond3A_506 = arith.constant 0 : i32
    %cond3A_507 = arith.cmpi ne, %convert_element_type3A_505, %cond3A_506 : i32
    scf.if %cond3A_507 {
      %dma_wait3A_527 = arith.constant 1 : i32
      %dma_wait3A_528 = arith.constant 77 : i32
      %dma_wait3A_529 = arith.constant 1 : i32
      %dma_wait3A_530 = arith.constant 0 : i32
      %dma_wait3A_531 = arith.constant 0 : i32
      %dma_wait3A_532 = tpu.memref_slice %arg11[%dma_wait3A_527, %dma_wait3A_530, %dma_wait3A_531] : memref<2x128x80xf32, #tpu.memory_space<vmem>> -> memref<1x128x80xf32, #tpu.memory_space<vmem>>
      %dma_wait3A_533 = tpu.memref_squeeze %dma_wait3A_532 : memref<1x128x80xf32, #tpu.memory_space<vmem>> -> memref<128x80xf32, #tpu.memory_space<vmem>>
      %dma_wait3A_534 = arith.constant 0 : i32
      %dma_wait3A_535 = tpu.memref_slice %arg8[%dma_wait3A_528, %dma_wait3A_534] : memref<79x128xi32, #tpu.memory_space<vmem>> -> memref<1x128xi32, #tpu.memory_space<vmem>>
      %dma_wait3A_536 = tpu.memref_squeeze %dma_wait3A_535 : memref<1x128xi32, #tpu.memory_space<vmem>> -> memref<128xi32, #tpu.memory_space<vmem>>
      %dma_wait3A_537 = arith.constant 0 : i32
      %dma_wait3A_538 = arith.constant 0 : i32
      %dma_wait3A_539 = tpu.memref_slice %arg13[%dma_wait3A_537, %dma_wait3A_538] : memref<10000x80xf32, #tpu.memory_space<vmem_shared>> -> memref<10000x80xf32, #tpu.memory_space<vmem_shared>>
      %dma_wait3A_540 = tpu.memref_slice %arg15[%dma_wait3A_529] : memref<2x!tpu.dma_semaphore, #tpu.memory_space<semaphore_mem>> -> memref<1x!tpu.dma_semaphore, #tpu.memory_space<semaphore_mem>>
      %dma_wait3A_541 = tpu.memref_squeeze %dma_wait3A_540 : memref<1x!tpu.dma_semaphore, #tpu.memory_space<semaphore_mem>> -> memref<!tpu.dma_semaphore, #tpu.memory_space<semaphore_mem>>
      tpu.wait_indirect_dma semaphore(%dma_wait3A_541 : memref<!tpu.dma_semaphore, #tpu.memory_space<semaphore_mem>>) src(%dma_wait3A_533 : memref<128x80xf32, #tpu.memory_space<vmem>>) dst(%dma_wait3A_539 : memref<10000x80xf32, #tpu.memory_space<vmem_shared>>)
    } else {
    }
    %add3A_508 = arith.constant 78 : i32
    %add3A_509 = arith.addi %mul3A_2, %add3A_508 : i32
    %lt3A_510 = arith.constant 2500 : i32
    %lt3A_511 = arith.cmpi slt, %add3A_509, %lt3A_510 : i32
    %convert_element_type3A_512 = arith.extui %lt3A_511 : i1 to i32
    %cond3A_513 = arith.constant 0 : i32
    %cond3A_514 = arith.cmpi ne, %convert_element_type3A_512, %cond3A_513 : i32
    scf.if %cond3A_514 {
      %dma_wait3A_527 = arith.constant 0 : i32
      %dma_wait3A_528 = arith.constant 78 : i32
      %dma_wait3A_529 = arith.constant 0 : i32
      %dma_wait3A_530 = arith.constant 0 : i32
      %dma_wait3A_531 = arith.constant 0 : i32
      %dma_wait3A_532 = tpu.memref_slice %arg11[%dma_wait3A_527, %dma_wait3A_530, %dma_wait3A_531] : memref<2x128x80xf32, #tpu.memory_space<vmem>> -> memref<1x128x80xf32, #tpu.memory_space<vmem>>
      %dma_wait3A_533 = tpu.memref_squeeze %dma_wait3A_532 : memref<1x128x80xf32, #tpu.memory_space<vmem>> -> memref<128x80xf32, #tpu.memory_space<vmem>>
      %dma_wait3A_534 = arith.constant 0 : i32
      %dma_wait3A_535 = tpu.memref_slice %arg8[%dma_wait3A_528, %dma_wait3A_534] : memref<79x128xi32, #tpu.memory_space<vmem>> -> memref<1x128xi32, #tpu.memory_space<vmem>>
      %dma_wait3A_536 = tpu.memref_squeeze %dma_wait3A_535 : memref<1x128xi32, #tpu.memory_space<vmem>> -> memref<128xi32, #tpu.memory_space<vmem>>
      %dma_wait3A_537 = arith.constant 0 : i32
      %dma_wait3A_538 = arith.constant 0 : i32
      %dma_wait3A_539 = tpu.memref_slice %arg13[%dma_wait3A_537, %dma_wait3A_538] : memref<10000x80xf32, #tpu.memory_space<vmem_shared>> -> memref<10000x80xf32, #tpu.memory_space<vmem_shared>>
      %dma_wait3A_540 = tpu.memref_slice %arg15[%dma_wait3A_529] : memref<2x!tpu.dma_semaphore, #tpu.memory_space<semaphore_mem>> -> memref<1x!tpu.dma_semaphore, #tpu.memory_space<semaphore_mem>>
      %dma_wait3A_541 = tpu.memref_squeeze %dma_wait3A_540 : memref<1x!tpu.dma_semaphore, #tpu.memory_space<semaphore_mem>> -> memref<!tpu.dma_semaphore, #tpu.memory_space<semaphore_mem>>
      tpu.wait_indirect_dma semaphore(%dma_wait3A_541 : memref<!tpu.dma_semaphore, #tpu.memory_space<semaphore_mem>>) src(%dma_wait3A_533 : memref<128x80xf32, #tpu.memory_space<vmem>>) dst(%dma_wait3A_539 : memref<10000x80xf32, #tpu.memory_space<vmem_shared>>)
    } else {
    }
    %barrier3A_515 = arith.constant 0 : index
    tpu.barrier barrier_id(%barrier3A_515)
    %mul3A_516 = arith.constant 624 : i32
    %mul3A_517 = arith.muli %arg1, %mul3A_516 : i32
    %lt3A_518 = arith.constant 15 : i32
    %lt3A_519 = arith.cmpi slt, %arg1, %lt3A_518 : i32
    %convert_element_type3A_520 = arith.extui %lt3A_519 : i1 to i32
    %cond3A_521 = arith.constant 0 : i32
    %cond3A_522 = arith.cmpi ne, %convert_element_type3A_520, %cond3A_521 : i32
    scf.if %cond3A_522 {
      "tpu.region"() ({
        %run_scoped3A = tpu.sem_alloc : memref<!tpu.dma_semaphore, #tpu.memory_space<semaphore_mem>>
        %dma_start3A_527 = arith.constant 0 : i32
        %dma_start3A_528 = tpu.memref_slice %arg6[%arg0, %mul3A_517, %dma_start3A_527] : memref<2x10000x128xf32, #tpu.memory_space<hbm>> -> memref<1x624x80xf32, #tpu.memory_space<hbm>>
        %dma_start3A_529 = tpu.memref_squeeze %dma_start3A_528 : memref<1x624x80xf32, #tpu.memory_space<hbm>> -> memref<624x80xf32, #tpu.memory_space<hbm>>
        %dma_start3A_530 = arith.constant 0 : i32
        %dma_start3A_531 = tpu.memref_slice %arg13[%mul3A_517, %dma_start3A_530] : memref<10000x80xf32, #tpu.memory_space<vmem_shared>> -> memref<624x80xf32, #tpu.memory_space<vmem_shared>>
        tpu.enqueue_dma source(%dma_start3A_531 : memref<624x80xf32, #tpu.memory_space<vmem_shared>>) target(%dma_start3A_529 : memref<624x80xf32, #tpu.memory_space<hbm>>) target_semaphore(%run_scoped3A : memref<!tpu.dma_semaphore, #tpu.memory_space<semaphore_mem>>)
        %dma_wait3A_532 = arith.constant 0 : i32
        %dma_wait3A_533 = tpu.memref_slice %arg6[%arg0, %mul3A_517, %dma_wait3A_532] : memref<2x10000x128xf32, #tpu.memory_space<hbm>> -> memref<1x624x80xf32, #tpu.memory_space<hbm>>
        %dma_wait3A_534 = tpu.memref_squeeze %dma_wait3A_533 : memref<1x624x80xf32, #tpu.memory_space<hbm>> -> memref<624x80xf32, #tpu.memory_space<hbm>>
        %dma_wait3A_535 = arith.constant 0 : i32
        %dma_wait3A_536 = tpu.memref_slice %arg13[%mul3A_517, %dma_wait3A_535] : memref<10000x80xf32, #tpu.memory_space<vmem_shared>> -> memref<624x80xf32, #tpu.memory_space<vmem_shared>>
        tpu.wait_dma2 semaphore(%run_scoped3A : memref<!tpu.dma_semaphore, #tpu.memory_space<semaphore_mem>>) src(%dma_wait3A_536 : memref<624x80xf32, #tpu.memory_space<vmem_shared>>) dst(%dma_wait3A_534 : memref<624x80xf32, #tpu.memory_space<hbm>>)
        tpu.yield
      }) : () -> ()
    } else {
    }
    %eq3A = arith.constant 15 : i32
    %eq3A_523 = arith.cmpi eq, %arg1, %eq3A : i32
    %convert_element_type3A_524 = arith.extui %eq3A_523 : i1 to i32
    %cond3A_525 = arith.constant 0 : i32
    %cond3A_526 = arith.cmpi ne, %convert_element_type3A_524, %cond3A_525 : i32
    scf.if %cond3A_526 {
      "tpu.region"() ({
        %run_scoped3A = tpu.sem_alloc : memref<!tpu.dma_semaphore, #tpu.memory_space<semaphore_mem>>
        %dma_start3A_527 = arith.constant 9360 : i32
        %dma_start3A_528 = arith.constant 0 : i32
        %dma_start3A_529 = tpu.memref_slice %arg6[%arg0, %dma_start3A_527, %dma_start3A_528] : memref<2x10000x128xf32, #tpu.memory_space<hbm>> -> memref<1x640x80xf32, #tpu.memory_space<hbm>>
        %dma_start3A_530 = tpu.memref_squeeze %dma_start3A_529 : memref<1x640x80xf32, #tpu.memory_space<hbm>> -> memref<640x80xf32, #tpu.memory_space<hbm>>
        %dma_start3A_531 = arith.constant 9360 : i32
        %dma_start3A_532 = arith.constant 0 : i32
        %dma_start3A_533 = tpu.memref_slice %arg13[%dma_start3A_531, %dma_start3A_532] : memref<10000x80xf32, #tpu.memory_space<vmem_shared>> -> memref<640x80xf32, #tpu.memory_space<vmem_shared>>
        tpu.enqueue_dma source(%dma_start3A_533 : memref<640x80xf32, #tpu.memory_space<vmem_shared>>) target(%dma_start3A_530 : memref<640x80xf32, #tpu.memory_space<hbm>>) target_semaphore(%run_scoped3A : memref<!tpu.dma_semaphore, #tpu.memory_space<semaphore_mem>>)
        %dma_wait3A_534 = arith.constant 9360 : i32
        %dma_wait3A_535 = arith.constant 0 : i32
        %dma_wait3A_536 = tpu.memref_slice %arg6[%arg0, %dma_wait3A_534, %dma_wait3A_535] : memref<2x10000x128xf32, #tpu.memory_space<hbm>> -> memref<1x640x80xf32, #tpu.memory_space<hbm>>
        %dma_wait3A_537 = tpu.memref_squeeze %dma_wait3A_536 : memref<1x640x80xf32, #tpu.memory_space<hbm>> -> memref<640x80xf32, #tpu.memory_space<hbm>>
        %dma_wait3A_538 = arith.constant 9360 : i32
        %dma_wait3A_539 = arith.constant 0 : i32
        %dma_wait3A_540 = tpu.memref_slice %arg13[%dma_wait3A_538, %dma_wait3A_539] : memref<10000x80xf32, #tpu.memory_space<vmem_shared>> -> memref<640x80xf32, #tpu.memory_space<vmem_shared>>
        tpu.wait_dma2 semaphore(%run_scoped3A : memref<!tpu.dma_semaphore, #tpu.memory_space<semaphore_mem>>) src(%dma_wait3A_540 : memref<640x80xf32, #tpu.memory_space<vmem_shared>>) dst(%dma_wait3A_537 : memref<640x80xf32, #tpu.memory_space<hbm>>)
        tpu.yield
      }) : () -> ()
    } else {
    }
    return
  }
}

module attributes {stable_mosaic.version = 14 : i64} {
  func.func @_tc1_body(%arg0: i32, %arg1: memref<1000x128xf32, #tpu.memory_space<vmem>>, %arg2: memref<128x64xf32, #tpu.memory_space<vmem>>, %arg3: memref<64x8xf32, #tpu.memory_space<vmem>>, %arg4: memref<64x8xf32, #tpu.memory_space<vmem>>, %arg5: memref<1000x80xf32, #tpu.memory_space<vmem>>, %arg6: memref<1000x16xf32, #tpu.memory_space<vmem>>) attributes {dimension_semantics = [#tpu.dimension_semantics<arbitrary>], iteration_bounds = array<i64: 10>, scalar_prefetch = 0 : i64, scratch_operands = 0 : i64, tpu.core_type = #tpu.core_type<tc>, window_params = [{transform_indices = @transform_0, window_bounds = array<i64: 1000, 128>}, {pipeline_mode = #tpu.pipeline_mode<synchronous>, transform_indices = @transform_1, window_bounds = array<i64: 128, 64>}, {pipeline_mode = #tpu.pipeline_mode<synchronous>, transform_indices = @transform_2, window_bounds = array<i64: 64, 8>}, {pipeline_mode = #tpu.pipeline_mode<synchronous>, transform_indices = @transform_3, window_bounds = array<i64: 64, 8>}, {transform_indices = @transform_4, window_bounds = array<i64: 1000, 80>}, {transform_indices = @transform_5, window_bounds = array<i64: 1000, 16>}]} {
    %get3A = arith.constant 0 : index
    %get3A_0 = arith.constant 0 : index
    %get3A_1 = vector.load %arg1[%get3A, %get3A_0] : memref<1000x128xf32, #tpu.memory_space<vmem>>, vector<1000x128xf32>
    %get3A_2 = arith.constant 0 : index
    %get3A_3 = arith.constant 0 : index
    %get3A_4 = vector.load %arg2[%get3A_2, %get3A_3] : memref<128x64xf32, #tpu.memory_space<vmem>>, vector<128x64xf32>
    %dot_general3A = arith.constant dense<0.000000e+00> : vector<1000x64xf32>
    %dot_general3A_5 = tpu.matmul %get3A_1, %get3A_4, %dot_general3A {dimension_numbers = #tpu.dot_dimension_numbers<[1], [0], [0], [1], [0, 0, 1, 1], [], []>, transpose_lhs_hint = false} : vector<1000x128xf32>, vector<128x64xf32>, vector<1000x64xf32> -> vector<1000x64xf32>
    %get3A_6 = arith.constant 0 : index
    %get3A_7 = arith.constant 0 : index
    %get3A_8 = vector.load %arg3[%get3A_6, %get3A_7] : memref<64x8xf32, #tpu.memory_space<vmem>>, vector<64x8xf32>
    %dot_general3A_9 = arith.constant dense<0.000000e+00> : vector<1000x8xf32>
    %dot_general3A_10 = tpu.matmul %dot_general3A_5, %get3A_8, %dot_general3A_9 {dimension_numbers = #tpu.dot_dimension_numbers<[1], [0], [0], [1], [0, 0, 1, 1], [], []>, transpose_lhs_hint = false} : vector<1000x64xf32>, vector<64x8xf32>, vector<1000x8xf32> -> vector<1000x8xf32>
    %get3A_11 = arith.constant 0 : index
    %get3A_12 = arith.constant 0 : index
    %get3A_13 = vector.load %arg4[%get3A_11, %get3A_12] : memref<64x8xf32, #tpu.memory_space<vmem>>, vector<64x8xf32>
    %dot_general3A_14 = arith.constant dense<0.000000e+00> : vector<1000x8xf32>
    %dot_general3A_15 = tpu.matmul %dot_general3A_5, %get3A_13, %dot_general3A_14 {dimension_numbers = #tpu.dot_dimension_numbers<[1], [0], [0], [1], [0, 0, 1, 1], [], []>, transpose_lhs_hint = false} : vector<1000x64xf32>, vector<64x8xf32>, vector<1000x8xf32> -> vector<1000x8xf32>
    %concatenate3A = tpu.concatenate %dot_general3A_5, %dot_general3A_10, %dot_general3A_15 in 1 : vector<1000x64xf32>, vector<1000x8xf32>, vector<1000x8xf32> -> vector<1000x80xf32>
    %swap3A = arith.constant 0 : index
    %swap3A_16 = arith.constant 0 : index
    %swap3A_17 = vector.load %arg5[%swap3A, %swap3A_16] : memref<1000x80xf32, #tpu.memory_space<vmem>>, vector<1000x80xf32>
    tpu.vector_store %arg5[%swap3A, %swap3A_16], %concatenate3A {strides = array<i32>} : memref<1000x80xf32, #tpu.memory_space<vmem>>, vector<1000x80xf32>,
    %broadcast_in_dim3A = arith.constant 0.000000e+00 : f32
    %broadcast_in_dim3A_18 = vector.broadcast %broadcast_in_dim3A : f32 to vector<1000x8xf32>
    %concatenate3A_19 = tpu.concatenate %dot_general3A_15, %broadcast_in_dim3A_18 in 1 : vector<1000x8xf32>, vector<1000x8xf32> -> vector<1000x16xf32>
    %swap3A_20 = arith.constant 0 : index
    %swap3A_21 = arith.constant 0 : index
    %swap3A_22 = vector.load %arg6[%swap3A_20, %swap3A_21] : memref<1000x16xf32, #tpu.memory_space<vmem>>, vector<1000x16xf32>
    tpu.vector_store %arg6[%swap3A_20, %swap3A_21], %concatenate3A_19 {strides = array<i32>} : memref<1000x16xf32, #tpu.memory_space<vmem>>, vector<1000x16xf32>,
    return
  }
  func.func @transform_0(%arg0: i32) -> (i32, i32) {
    %c0_i32 = arith.constant 0 : i32
    %c0_i32_0 = arith.constant 0 : i32
    return %arg0, %c0_i32 : i32, i32
  }
  func.func @transform_1(%arg0: i32) -> (i32, i32) {
    %c0_i32 = arith.constant 0 : i32
    %c0_i32_0 = arith.constant 0 : i32
    %c0_i32_1 = arith.constant 0 : i32
    return %c0_i32, %c0_i32_0 : i32, i32
  }
  func.func @transform_2(%arg0: i32) -> (i32, i32) {
    %c0_i32 = arith.constant 0 : i32
    %c0_i32_0 = arith.constant 0 : i32
    %c0_i32_1 = arith.constant 0 : i32
    return %c0_i32, %c0_i32_0 : i32, i32
  }
  func.func @transform_3(%arg0: i32) -> (i32, i32) {
    %c0_i32 = arith.constant 0 : i32
    %c0_i32_0 = arith.constant 0 : i32
    %c0_i32_1 = arith.constant 0 : i32
    return %c0_i32, %c0_i32_0 : i32, i32
  }
  func.func @transform_4(%arg0: i32) -> (i32, i32) {
    %c0_i32 = arith.constant 0 : i32
    %c0_i32_0 = arith.constant 0 : i32
    return %arg0, %c0_i32 : i32, i32
  }
  func.func @transform_5(%arg0: i32) -> (i32, i32) {
    %c0_i32 = arith.constant 0 : i32
    %c0_i32_0 = arith.constant 0 : i32
    return %arg0, %c0_i32 : i32, i32
  }
}

module attributes {stable_mosaic.version = 14 : i64} {
  func.func @_tc2_body(%arg0: i32, %arg1: memref<2x1000x128xf32, #tpu.memory_space<vmem>>, %arg2: memref<64x1xf32, #tpu.memory_space<vmem>>, %arg3: memref<1x64xf32, #tpu.memory_space<vmem>>, %arg4: memref<8x64xf32, #tpu.memory_space<vmem>>, %arg5: memref<1x1xf32, #tpu.memory_space<vmem>>, %arg6: memref<1x1xf32, #tpu.memory_space<vmem>>, %arg7: memref<1000x3xf32, #tpu.memory_space<vmem>>) attributes {dimension_semantics = [#tpu.dimension_semantics<arbitrary>], iteration_bounds = array<i64: 10>, scalar_prefetch = 0 : i64, scratch_operands = 0 : i64, tpu.core_type = #tpu.core_type<tc>, window_params = [{transform_indices = @transform_0, window_bounds = array<i64: 2, 1000, 128>}, {pipeline_mode = #tpu.pipeline_mode<synchronous>, transform_indices = @transform_1, window_bounds = array<i64: 64, 1>}, {pipeline_mode = #tpu.pipeline_mode<synchronous>, transform_indices = @transform_2, window_bounds = array<i64: 1, 64>}, {pipeline_mode = #tpu.pipeline_mode<synchronous>, transform_indices = @transform_3, window_bounds = array<i64: 8, 64>}, {pipeline_mode = #tpu.pipeline_mode<synchronous>, transform_indices = @transform_4, window_bounds = array<i64: 1, 1>}, {pipeline_mode = #tpu.pipeline_mode<synchronous>, transform_indices = @transform_5, window_bounds = array<i64: 1, 1>}, {transform_indices = @transform_6, window_bounds = array<i64: 1000, 3>}]} {
    %get3A = arith.constant 0 : index
    %get3A_0 = arith.constant 0 : index
    %get3A_1 = arith.constant 0 : index
    %get3A_2 = vector.load %arg1[%get3A, %get3A_0, %get3A_1] : memref<2x1000x128xf32, #tpu.memory_space<vmem>>, vector<1x1000x128xf32>
    %get3A_3 = vector.shape_cast %get3A_2 : vector<1x1000x128xf32> to vector<1000x128xf32>
    %get3A_4 = arith.constant 1 : index
    %get3A_5 = arith.constant 0 : index
    %get3A_6 = arith.constant 0 : index
    %get3A_7 = vector.load %arg1[%get3A_4, %get3A_5, %get3A_6] : memref<2x1000x128xf32, #tpu.memory_space<vmem>>, vector<1x1000x128xf32>
    %get3A_8 = vector.shape_cast %get3A_7 : vector<1x1000x128xf32> to vector<1000x128xf32>
    %add3A = arith.addf %get3A_3, %get3A_8 : vector<1000x128xf32>
    %slice3A = vector.extract_strided_slice %add3A {offsets = [0, 0], sizes = [1000, 8], strides = [1, 1]} : vector<1000x128xf32> to vector<1000x8xf32>
    %slice3A_9 = vector.extract_strided_slice %add3A {offsets = [0, 16], sizes = [1000, 64], strides = [1, 1]} : vector<1000x128xf32> to vector<1000x64xf32>
    %get3A_10 = arith.constant 0 : index
    %get3A_11 = arith.constant 0 : index
    %get3A_12 = vector.load %arg4[%get3A_10, %get3A_11] : memref<8x64xf32, #tpu.memory_space<vmem>>, vector<8x64xf32>
    %dot_general3A = arith.constant dense<0.000000e+00> : vector<1000x64xf32>
    %dot_general3A_13 = tpu.matmul %slice3A, %get3A_12, %dot_general3A {dimension_numbers = #tpu.dot_dimension_numbers<[1], [0], [0], [1], [0, 0, 1, 1], [], []>, transpose_lhs_hint = false} : vector<1000x8xf32>, vector<8x64xf32>, vector<1000x64xf32> -> vector<1000x64xf32>
    %add3A_14 = arith.constant 1.000000e-16 : f32
    %add3A_15 = vector.broadcast %add3A_14 : f32 to vector<1000x64xf32>
    %add3A_16 = arith.addf %dot_general3A_13, %add3A_15 : vector<1000x64xf32>
    %div3A = arith.divf %slice3A_9, %add3A_16 : vector<1000x64xf32>
    %get3A_17 = arith.constant 0 : index
    %get3A_18 = arith.constant 0 : index
    %get3A_19 = vector.load %arg3[%get3A_17, %get3A_18] : memref<1x64xf32, #tpu.memory_space<vmem>>, vector<1x64xf32>
    %add3A_20 = vector.broadcast %get3A_19 : vector<1x64xf32> to vector<1000x64xf32>
    %add3A_21 = arith.addf %div3A, %add3A_20 : vector<1000x64xf32>
    %max3A = arith.constant 0.000000e+00 : f32
    %max3A_22 = vector.broadcast %max3A : f32 to vector<1000x64xf32>
    %max3A_23 = arith.maximumf %add3A_21, %max3A_22 : vector<1000x64xf32>
    %get3A_24 = arith.constant 0 : index
    %get3A_25 = arith.constant 0 : index
    %get3A_26 = vector.load %arg2[%get3A_24, %get3A_25] : memref<64x1xf32, #tpu.memory_space<vmem>>, vector<64x1xf32>
    %dot_general3A_27 = arith.constant dense<0.000000e+00> : vector<1000x1xf32>
    %dot_general3A_28 = tpu.matmul %max3A_23, %get3A_26, %dot_general3A_27 {dimension_numbers = #tpu.dot_dimension_numbers<[1], [0], [0], [1], [0, 0, 1, 1], [], []>, transpose_lhs_hint = false} : vector<1000x64xf32>, vector<64x1xf32>, vector<1000x1xf32> -> vector<1000x1xf32>
    %get3A_29 = arith.constant 0 : index
    %get3A_30 = arith.constant 0 : index
    %get3A_31 = vector.load %arg5[%get3A_29, %get3A_30] : memref<1x1xf32, #tpu.memory_space<vmem>>, vector<1x1xf32>
    %mul3A = vector.broadcast %get3A_31 : vector<1x1xf32> to vector<1000x1xf32>
    %mul3A_32 = arith.mulf %dot_general3A_28, %mul3A : vector<1000x1xf32>
    %get3A_33 = arith.constant 0 : index
    %get3A_34 = arith.constant 0 : index
    %get3A_35 = vector.load %arg6[%get3A_33, %get3A_34] : memref<1x1xf32, #tpu.memory_space<vmem>>, vector<1x1xf32>
    %mul3A_36 = vector.broadcast %get3A_35 : vector<1x1xf32> to vector<1000x1xf32>
    %mul3A_37 = arith.mulf %dot_general3A_28, %mul3A_36 : vector<1000x1xf32>
    %concatenate3A = tpu.concatenate %dot_general3A_28, %mul3A_32, %mul3A_37 in 1 : vector<1000x1xf32>, vector<1000x1xf32>, vector<1000x1xf32> -> vector<1000x3xf32>
    %swap3A = arith.constant 0 : index
    %swap3A_38 = arith.constant 0 : index
    %swap3A_39 = vector.load %arg7[%swap3A, %swap3A_38] : memref<1000x3xf32, #tpu.memory_space<vmem>>, vector<1000x3xf32>
    tpu.vector_store %arg7[%swap3A, %swap3A_38], %concatenate3A {strides = array<i32>} : memref<1000x3xf32, #tpu.memory_space<vmem>>, vector<1000x3xf32>,
    return
  }
  func.func @transform_0(%arg0: i32) -> (i32, i32, i32) {
    %c0_i32 = arith.constant 0 : i32
    %c0_i32_0 = arith.constant 0 : i32
    %c0_i32_1 = arith.constant 0 : i32
    return %c0_i32, %arg0, %c0_i32_0 : i32, i32, i32
  }
  func.func @transform_1(%arg0: i32) -> (i32, i32) {
    %c0_i32 = arith.constant 0 : i32
    %c0_i32_0 = arith.constant 0 : i32
    %c0_i32_1 = arith.constant 0 : i32
    return %c0_i32, %c0_i32_0 : i32, i32
  }
  func.func @transform_2(%arg0: i32) -> (i32, i32) {
    %c0_i32 = arith.constant 0 : i32
    %c0_i32_0 = arith.constant 0 : i32
    %c0_i32_1 = arith.constant 0 : i32
    return %c0_i32, %c0_i32_0 : i32, i32
  }
  func.func @transform_3(%arg0: i32) -> (i32, i32) {
    %c0_i32 = arith.constant 0 : i32
    %c0_i32_0 = arith.constant 0 : i32
    %c0_i32_1 = arith.constant 0 : i32
    return %c0_i32, %c0_i32_0 : i32, i32
  }
  func.func @transform_4(%arg0: i32) -> (i32, i32) {
    %c0_i32 = arith.constant 0 : i32
    %c0_i32_0 = arith.constant 0 : i32
    %c0_i32_1 = arith.constant 0 : i32
    return %c0_i32, %c0_i32_0 : i32, i32
  }
  func.func @transform_5(%arg0: i32) -> (i32, i32) {
    %c0_i32 = arith.constant 0 : i32
    %c0_i32_0 = arith.constant 0 : i32
    %c0_i32_1 = arith.constant 0 : i32
    return %c0_i32, %c0_i32_0 : i32, i32
  }
  func.func @transform_6(%arg0: i32) -> (i32, i32) {
    %c0_i32 = arith.constant 0 : i32
    %c0_i32_0 = arith.constant 0 : i32
    return %arg0, %c0_i32 : i32, i32
  }
}

module attributes {stable_mosaic.version = 14 : i64} {
  func.func @_tc3_body(%arg0: i32, %arg1: memref<2x2x10000xf32, #tpu.memory_space<vmem>>, %arg2: memref<1x1xf32, #tpu.memory_space<vmem>>, %arg3: memref<1x10000xf32, #tpu.memory_space<vmem>>) attributes {dimension_semantics = [#tpu.dimension_semantics<arbitrary>], iteration_bounds = array<i64: 1>, scalar_prefetch = 0 : i64, scratch_operands = 0 : i64, tpu.core_type = #tpu.core_type<tc>, window_params = [{pipeline_mode = #tpu.pipeline_mode<synchronous>, transform_indices = @transform_0, window_bounds = array<i64: 2, 2, 10000>}, {pipeline_mode = #tpu.pipeline_mode<synchronous>, transform_indices = @transform_1, window_bounds = array<i64: 1, 1>}, {pipeline_mode = #tpu.pipeline_mode<synchronous>, transform_indices = @transform_2, window_bounds = array<i64: 1, 10000>}]} {
    %get3A = arith.constant 0 : index
    %get3A_0 = arith.constant 0 : index
    %get3A_1 = arith.constant 0 : index
    %get3A_2 = vector.load %arg1[%get3A, %get3A_0, %get3A_1] : memref<2x2x10000xf32, #tpu.memory_space<vmem>>, vector<1x2x10000xf32>
    %get3A_3 = vector.shape_cast %get3A_2 : vector<1x2x10000xf32> to vector<2x10000xf32>
    %get3A_4 = arith.constant 1 : index
    %get3A_5 = arith.constant 0 : index
    %get3A_6 = arith.constant 0 : index
    %get3A_7 = vector.load %arg1[%get3A_4, %get3A_5, %get3A_6] : memref<2x2x10000xf32, #tpu.memory_space<vmem>>, vector<1x2x10000xf32>
    %get3A_8 = vector.shape_cast %get3A_7 : vector<1x2x10000xf32> to vector<2x10000xf32>
    %add3A = arith.addf %get3A_3, %get3A_8 : vector<2x10000xf32>
    %slice3A = vector.extract_strided_slice %add3A {offsets = [0, 0], sizes = [1, 10000], strides = [1, 1]} : vector<2x10000xf32> to vector<1x10000xf32>
    %slice3A_9 = vector.extract_strided_slice %add3A {offsets = [1, 0], sizes = [1, 10000], strides = [1, 1]} : vector<2x10000xf32> to vector<1x10000xf32>
    %add3A_10 = arith.constant 1.000000e-16 : f32
    %add3A_11 = vector.broadcast %add3A_10 : f32 to vector<1x10000xf32>
    %add3A_12 = arith.addf %slice3A_9, %add3A_11 : vector<1x10000xf32>
    %div3A = arith.divf %slice3A, %add3A_12 : vector<1x10000xf32>
    %get3A_13 = arith.constant 0 : index
    %get3A_14 = arith.constant 0 : index
    %get3A_15 = vector.load %arg2[%get3A_13, %get3A_14] : memref<1x1xf32, #tpu.memory_space<vmem>>, vector<1x1xf32>
    %add3A_16 = vector.broadcast %get3A_15 : vector<1x1xf32> to vector<1x10000xf32>
    %add3A_17 = arith.addf %div3A, %add3A_16 : vector<1x10000xf32>
    %swap3A = arith.constant 0 : index
    %swap3A_18 = arith.constant 0 : index
    %swap3A_19 = vector.load %arg3[%swap3A, %swap3A_18] : memref<1x10000xf32, #tpu.memory_space<vmem>>, vector<1x10000xf32>
    tpu.vector_store %arg3[%swap3A, %swap3A_18], %add3A_17 {strides = array<i32>} : memref<1x10000xf32, #tpu.memory_space<vmem>>, vector<1x10000xf32>,
    return
  }
  func.func @transform_0(%arg0: i32) -> (i32, i32, i32) {
    %c0_i32 = arith.constant 0 : i32
    %c0_i32_0 = arith.constant 0 : i32
    %c0_i32_1 = arith.constant 0 : i32
    %c0_i32_2 = arith.constant 0 : i32
    return %c0_i32, %c0_i32_0, %c0_i32_1 : i32, i32, i32
  }
  func.func @transform_1(%arg0: i32) -> (i32, i32) {
    %c0_i32 = arith.constant 0 : i32
    %c0_i32_0 = arith.constant 0 : i32
    %c0_i32_1 = arith.constant 0 : i32
    return %c0_i32, %c0_i32_0 : i32, i32
  }
  func.func @transform_2(%arg0: i32) -> (i32, i32) {
    %c0_i32 = arith.constant 0 : i32
    %c0_i32_0 = arith.constant 0 : i32
    %c0_i32_1 = arith.constant 0 : i32
    return %c0_i32, %c0_i32_0 : i32, i32
  }
}

</mosaic_0001>

<sc_bundles>
// kernel: kernel.10.cloned.1.call-start
scs
__scs_entry_jumppad:
0x0: {  	(pc) =	sbr.rel $0x88, $3  }
0x1: {  	(tag) =	ssettag $0x0;
	lr =	simm.s32 $0x1  }
0x2: {  	[smem:$0x3F97] =	sst lr;
	_ =	strace $0xD0000000  }
0x3: {  	_ = 	snop  }
0x4: {  	_ = 	snop  }
0x5: {  	_ = 	snop  }
0x6: {  	_ = 	snop  }
0x7: {  	_ = 	snop  }
__scs_overlays_trampoline_lowered:
0x8: {  	[smem:$0x3FA6] =	sst s0  }
0x9: {  	[smem:$0x3FA7] =	sst s1  }
0xa: {  	[smem:$0x3FA8] =	sst s2  }
0xb: {  	[smem:$0x3FA9] =	sst s3  }
0xc: {  	[smem:$0x3FAA] =	sst s4  }
0xd: {  	[smem:$0x3FAB] =	sst s5  }
0xe: {  	[smem:$0x3FAC] =	sst s6  }
0xf: {  	[smem:$0x3FAD] =	sst s7  }
0x10: {  	[smem:$0x3FAE] =	sst s8  }
0x11: {  	[smem:$0x3FAF] =	sst s9;
	s0 =	simm.s32 @!p0 $0x0  }
0x12: {  	s1 =	sld [smem:$0x3F95];
	s0 =	simm.s32 @p0 $0x1  }
0x13: {  	[smem:$0x3FB0] =	sst s0;
	s0 =	simm.s32 @!p1 $0x0  }
0x14: {  	s2 =	sld [smem:$0x3F94];
	s0 =	simm.s32 @p1 $0x1  }
0x15: {  	[smem:$0x3FB1] =	sst s0;
	s0 =	simm.s32 @!p2 $0x0  }
0x16: {  	s3 =	sld [smem:$0x3FDB];
	s0 =	simm.s32 @p2 $0x1  }
0x17: {  	s4 =	simm.s32 $0x1BF5;
	[smem:$0x3FB3] =	sst s0  }
0x18: {  	s0 =	sld [smem:$0x3F96];
	_ =	swait.ge [sflag:s4], $0x0  }
0x19: {  	s7 =	sld [smem:$0x3F97]  }
0x1a: {  	s8 =	sadd.s32 $0xFFFFE003, lr  }
0x1b: {  	s9 =	sadd.s32 $0xFFFFFEF7, lr;
	s5 =	simm.s32 $0xFFFFFFFF;
	p2 =	slt.u32 s8, $0xFFFFF086  }
0x1c: {  	p1 =	slt.u32 s9, $0xF7A;
	s5 =	simm.s32 @!p2 $0x0  }
0x1d: {  	s5 =	simm.s32 @p1 $0x1;
	p0 =	seq.s32 s7, s2  }
0x1e: {  	s7 =	smul.u32 @!p0 $0xF7A, s2;
	p2 =	seq.s32 @!p0 s5, $0x0  }
0x1f: {  	s9 =	smul.u32 $0xF7A, s1;
	s8 =	simm.s32 @!p0 $0x1BF5;
	p2 =	por !p2, p0  }
0x20: {  	[sflag:s8] =	ssyncset.s32 @!p0 $0xFFFFF086;
	s6 =	sadd.s32 @!p0 s3, s7;
	s7 =	simm.s32 @!p0 $0x108  }
0x21: {  	s3 =	sadd.s32 s3, s9;
	s6 =	sadd.s32 @!p0 $0x88, s6;
	s7 =	simm.s32 @p2 $0x1082  }
0x22: {  	[simem:s7], [sflag:s8] =	dma.local @!p0 [hbm:s6], $0xF7A  }
0x23: {  	s9 =	sor.u32 $0xD0000000, s2;
	s6 =	simm.s32 $0x108;
	_ =	swait.ge @!p0 [sflag:s8], $0x0  }
0x24: {  	s3 =	sadd.s32 $0x88, s3;
	s6 =	simm.s32 @!p1 $0x1082;
	[sflag:s4] =	ssyncset.s32 $0xFFFFF086  }
0x25: {  	[simem:s6], [sflag:s4] =	dma.local [hbm:s3], $0xF7A  }
0x26: {  	[smem:$0x3F97] =	sst s1;
	(tag) =	ssettag s2;
	_ =	strace s9  }
0x27: {  	s1 =	sld [smem:$0x3FA7]  }
0x28: {  	s2 =	sld [smem:$0x3FA8]  }
0x29: {  	s4 =	sld [smem:$0x3FAA]  }
0x2a: {  	p0 =	seq.s32 s5, $0x0;
	s5 =	sld [smem:$0x3FAB]  }
0x2b: {  	s6 =	sld [smem:$0x3FAC]  }
0x2c: {  	s7 =	sld [smem:$0x3FAD]  }
0x2d: {  	s3 =	simm.s32 $0x108;
	s8 =	sld [smem:$0x3FAE]  }
0x2e: {  	s3 =	simm.s32 @!p0 $0x1082;
	s9 =	sld [smem:$0x3FAF]  }
0x2f: {  	lr =	sadd.s32 s0, s3;
	s0 =	sld [smem:$0x3FA6]  }
0x30: {  	s3 =	sld [smem:$0x3FA9]  }
0x31: {  	[smem:$0x3FB2] =	sst s10  }
0x32: {  	s10 =	sld [smem:$0x3FB0];
	_ =	sdelay $0x3  }
0x33: {  	p0 =	seq.s32 s10, $0x1;
	s10 =	sld [smem:$0x3FB2];
	_ =	sdelay $0x3  }
0x34: {  	[smem:$0x3FB2] =	sst s10  }
0x35: {  	s10 =	sld [smem:$0x3FB1];
	_ =	sdelay $0x3  }
0x36: {  	p1 =	seq.s32 s10, $0x1;
	s10 =	sld [smem:$0x3FB2];
	_ =	sdelay $0x3  }
0x37: {  	[smem:$0x3FB2] =	sst s10  }
0x38: {  	s10 =	sld [smem:$0x3FB3]  }
0x39: {  	_ = 	snop;
	(pc) =	sbr.ind lr, $3  }
0x3a: {  	_ = 	snop  }
0x3b: {  	_ = 	snop  }
0x3c: {  	p2 =	seq.s32 s10, $0x1;
	s10 =	sld [smem:$0x3FB2]  }
0x3d: {  	_ =	shalt  }
0x3e: {  	_ =	shalt  }
0x3f: {  	_ =	shalt  }
0x40: {  	_ =	shalt  }
0x41: {  	_ =	shalt  }
0x42: {  	_ =	shalt  }
0x43: {  	_ =	shalt  }
0x44: {  	_ =	shalt  }
0x45: {  	_ =	shalt  }
0x46: {  	_ =	shalt  }
0x47: {  	_ =	shalt  }
0x48: {  	_ =	shalt  }
0x49: {  	_ =	shalt  }
0x4a: {  	_ =	shalt  }
0x4b: {  	_ =	shalt  }
0x4c: {  	_ =	shalt  }
0x4d: {  	_ =	shalt  }
0x4e: {  	_ =	shalt  }
0x4f: {  	_ =	shalt  }
0x50: {  	_ =	shalt  }
0x51: {  	_ =	shalt  }
0x52: {  	_ =	shalt  }
0x53: {  	_ =	shalt  }
0x54: {  	_ =	shalt  }
0x55: {  	_ =	shalt  }
0x56: {  	_ =	shalt  }
0x57: {  	_ =	shalt  }
0x58: {  	_ =	shalt  }
0x59: {  	_ =	shalt  }
0x5a: {  	_ =	shalt  }
0x5b: {  	_ =	shalt  }
0x5c: {  	_ =	shalt  }
0x5d: {  	_ =	shalt  }
0x5e: {  	_ =	shalt  }
0x5f: {  	_ =	shalt  }
0x60: {  	_ =	shalt  }
0x61: {  	_ =	shalt  }
0x62: {  	_ =	shalt  }
0x63: {  	_ =	shalt  }
0x64: {  	_ =	shalt  }
0x65: {  	_ =	shalt  }
0x66: {  	_ =	shalt  }
0x67: {  	_ =	shalt  }
0x68: {  	_ =	shalt  }
0x69: {  	_ =	shalt  }
0x6a: {  	_ =	shalt  }
0x6b: {  	_ =	shalt  }
0x6c: {  	_ =	shalt  }
0x6d: {  	_ =	shalt  }
0x6e: {  	_ =	shalt  }
0x6f: {  	_ =	shalt  }
0x70: {  	_ =	shalt  }
0x71: {  	_ =	shalt  }
0x72: {  	_ =	shalt  }
0x73: {  	_ =	shalt  }
0x74: {  	_ =	shalt  }
0x75: {  	_ =	shalt  }
0x76: {  	_ =	shalt  }
0x77: {  	_ =	shalt  }
0x78: {  	_ =	shalt  }
0x79: {  	_ =	shalt  }
0x7a: {  	_ =	shalt  }
0x7b: {  	_ =	shalt  }
0x7c: {  	_ =	shalt  }
0x7d: {  	_ =	shalt  }
0x7e: {  	_ =	shalt  }
0x7f: {  	_ =	shalt  }
0x80: {  	_ =	shalt  }
0x81: {  	_ =	shalt  }
0x82: {  	_ =	shalt  }
0x83: {  	_ =	shalt  }
0x84: {  	_ =	shalt  }
0x85: {  	_ =	shalt  }
0x86: {  	_ =	shalt  }
0x87: {  	_ =	shalt  }
.Lfunc_end0:
.L_simem_size_0:
called_computation.1_lowered:
.L_overlay_start_0:
0x88: {  	s2 =	sld [smem:$0x3FD9]  }
0x89: {  	s3 =	sld [smem:$0x3FFE];
	_ =	sdelay $0x1  }
0x8a: {  	s1 =	srdreg.scid  }
0x8b: {  	s0 =	sand.u32 $0x1, s1  }
0x8c: {  	s16 =	sshll.u32 s0, $0xA;
	s2 =	sadd.s32 s3, s2  }
0x8d: {  	s2 =	sadd.s32 s2, s16  }
0x8e: {  	[smem:$0x3FBE] =	sst s2  }
0x8f: {  	_ = 	snop  }
0x90: {  	(tm) =	ssettm $0x1  }
0x91: {  	s17 =	sld [smem:$0x3FFB];
	_ =	sdelay $0x3  }
0x92: {  	_ =	strace s17  }
0x93: {  	s2 =	sld [smem:$0x3FFC];
	_ =	sdelay $0x3  }
0x94: {  	_ =	strace s2  }
0x95: {  	s2 =	sld [smem:$0x3FFD];
	_ =	sdelay $0x3  }
0x96: {  	_ =	strace s2  }
0x97: {  	_ =	strace $0x8FFFFFFF  }
0x98: {  	s18 =	sld [smem:$0x3FDB];
	_ =	sdelay $0x1  }
0x99: {  	s19 =	simm.s32 $_scs_section_size  }
0x9a: {  	s4 =	simm.s32 $_size__tile_overlayer_lowered;
	s5 =	simm.s32 $_tile_overlayer_lowered  }
0x9b: {  	s22 =	simm.s32 $0x1BFF;
	s21 =	sshll.u32 s5, $0x1;
	s2 =	sadd.s32 s19, s18  }
0x9c: {  	s6 =	simm.s32 $0x0;
	s20 =	sshll.u32 s4, $0x1;
	s4 =	sadd.s32 s21, s2  }
0x9d: {  	[timem:s6], [sflag:s22] =	dma.local [hbm:s4], s20  }
0x9e: {  	_ =	swait.ge [sflag:s22], s20  }
0x9f: {  	s3 =	ssub.s32 $0x0, s20;
	[sflag:s22] =	ssyncset.done $0x0  }
0xa0: {  	[sflag:s22] =	ssyncadd.s32 s3;
	_ =	sdelay $0x1  }
0xa1: {  	s23 =	simm.s32 $0x1B8B  }
0xa2: {  	_ =	swait.ge [sflag:s23], $0x1  }
0xa3: {  	[sflag:s23] =	ssyncset.done $0x0  }
0xa4: {  	s25 =	simm.s32 $0x1B8E;
	s24 =	sld [smem:$0x3FFE];
	[sflag:s23] =	ssyncadd.s32 $0xFFFFFFFF  }
0xa5: {  	s26 =	simm.s32 $execute0_lowered;
	[smem:$0x3FD2] =	sst s25  }
0xa6: {  	s4 =	sshll.u32 s26, $0x1;
	_ =	strace $0x80000049;
	[dreg:$0x1] =	wrdreg $0xFFFFFFFF  }
0xa7: {  	s28 =	simm.s32 $_size_execute0_lowered;
	s2 =	sadd.s32 s2, s4;
	[dreg:$0x0] =	wrdreg $0x0  }
0xa8: {  	s4 =	sshll.u32 s28, $0x1;
	[dreg:$0x2] =	wrdreg s2  }
0xa9: {  	[dreg:$0x3] =	wrdreg s4  }
0xaa: {  	[dreg:$0x4] =	wrdreg $0xC0  }
0xab: {  	_ =	task [dreg:s6], $0x5FFFF  }
0xac: {  	[dreg:$0x1] =	wrdreg $0xFFFFFFFF  }
0xad: {  	[dreg:$0x0] =	wrdreg $0x60  }
0xae: {  	[dreg:$0x2] =	wrdreg s24  }
0xaf: {  	[dreg:$0x3] =	wrdreg $0x164800  }
0xb0: {  	[dreg:$0x4] =	wrdreg $0x9  }
0xb1: {  	_ =	task.clear_ibuf [dreg:s6], $0x5FFFF;
	_ =	strace $0x90000049  }
0xb2: {  	s29 =	simm.s32 $0x9;
	_ =	strace $0x8000004B  }
0xb3: {  	_ =	swait.ge [sflag:s29], $0x1  }
0xb4: {  	[sflag:s29] =	ssyncadd.s32 $0xFFFFFFFF  }
0xb5: {  	_ =	strace $0x9000004B  }
0xb6: {  	_ =	sfence  }
0xb7: {  	s30 =	sld [smem:$0x0];
	_ =	sdelay $0x2  }
0xb8: {  	s31 =	sshll.u32 s1, $0xD;
	s1 =	sshrl.u32 s1, $0x2  }
0xb9: {  	s3 =	sand.u32 $0x4000, s31;
	s1 =	sadd.s32 s1, s30  }
0xba: {  	s0 =	sor.u32 s3, s0;
	s1 =	sshll.u32 s1, $0x11  }
0xbb: {  	s0 =	sor.u32 s1, s0  }
0xbc: {  	s0 =	sadd.s32 $0x8F2B, s0  }
0xbd: {  	[sflag:s0] =	ssyncadd.remote.s32 $0x1  }
0xbe: {  	_ =	sfence.sel $0xFFFF  }
0xbf: {  	[dreg:$0x0] =	wrdreg $0xFFFFFFFF;
	(pc) =	sbr.abs _section_cstart, $3  }
0xc0: {  	[dreg:$0x1] =	wrdreg $0xFFFFFFFF  }
0xc1: {  	_ =	task.clear_ibuf [dreg:s6], $0x2FFFF;
	_ =	strace $0x9FFFFFFF  }
0xc2: {  	(tm) =	ssettm $0x7FFFFFFF  }
0xc3: {  	_ =	shalt  }
tec
execute0_lowered:
.L_overlay_start_1:
0x0: {  	(tag) =	ssettag $0x1  }
0x1: {  	s0 =	rddreg [dreg:$0x0]  }
0x2: {  	s1 =	rddreg [dreg:$0x1];
	s2 =	srdreg.scid  }
0x3: {  	s9 =	stileid.u32;
	s28 =	simm.s32 $0xED00;
	s29 =	simm.s32 $0x3  }
0x4: {  	s3 =	sand.u32 $0x1, s2;
	s2 =	simm.s32 $0x0;
	s7 =	smul.u32 $0x13880, s9  }
0x5: {  	s6 =	sadd.s32 $0xBC00, s0;
	s8 =	sadd.s32 $0xCC00, s0;
	s21 =	smul.u32 $0x270, s9  }
0x6: {  	s22 =	sadd.s32 $0xC0E2, s0;
	s14 =	smul.u32 $0x4F, s9;
	[smem:$0x7FF] =	sst s2  }
0x7: {  	_ =	strace $0x8000004A;
	[dreg:$0x3] =	wrdreg s6;
	s20 =	sshrl.u32 s7, $0x2  }
0x8: {  	[dreg:$0x6] =	wrdreg s22;
	s10 =	sadd.s32 s21, s1;
	s23 =	sadd.s32 s20, s1  }
0x9: {  	p0 =	seq.s32 s9, $0xF;
	s25 =	sadd.s32 $0x2710, s10;
	[dreg:$0x7] =	wrdreg s23  }
0xa: {  	s4 =	sshll.u32 s3, $0x4;
	s26 =	sadd.s32 $0x4E20, s10;
	[dreg:$0xa] =	wrdreg s25  }
0xb: {  	s5 =	ssub.s32 $0x2, s3;
	s30 =	sadd.s32 $0x7530, s10;
	[dreg:$0xb] =	wrdreg s26  }
0xc: {  	s4 =	sor.u32 s9, s4;
	s31 =	sadd.s32 $0x9C40, s10;
	[dreg:$0xc] =	wrdreg s30  }
0xd: {  	s18 =	sshrl.u32 s5, $0x1;
	s1 =	sadd.s32 $0xC350, s10;
	[dreg:$0xd] =	wrdreg s31  }
0xe: {  	s7 =	simm.s32 $0x7680;
	s6 =	sadd.s32 $0x11170, s10;
	[dreg:$0xe] =	wrdreg s1  }
0xf: {  	s4 =	smul.u32 $0x4F0, s4;
	s11 =	sadd.s32 $0x13880, s10;
	[dreg:$0x10] =	wrdreg s6  }
0x10: {  	s5 =	ssub.s32 s5, s18;
	s12 =	sadd.s32 $0x15F90, s10;
	[dreg:$0x11] =	wrdreg s11  }
0x11: {  	s15 =	sadd.s32 $0x186A0, s10;
	s22 =	sadd.s32 $0x1FBD0, s10;
	[dreg:$0x12] =	wrdreg s12  }
0x12: {  	s9 =	sadd.s32 $0x38270, s10;
	s24 =	sadd.s32 $0x2710, s23;
	[dreg:$0x13] =	wrdreg s15  }
0x13: {  	s1 =	sadd.s32 $0xEA60, s10;
	s18 =	smax.u32 s5, $0x1;
	[dreg:$0x1a] =	wrdreg s22  }
0x14: {  	s23 =	sadd.s32 $0x222E0, s10;
	s25 =	sadd.s32 $0x27100, s10;
	[dreg:$0x9] =	wrdreg s24  }
0x15: {  	s26 =	sadd.s32 $0x29810, s10;
	s30 =	sadd.s32 $0x2BF20, s10;
	[dreg:$0xf] =	wrdreg s1  }
0x16: {  	s31 =	sadd.s32 $0x2E630, s10;
	s5 =	sadd.s32 $0x30D40, s10;
	[dreg:$0x17] =	wrdreg s18  }
0x17: {  	s6 =	sadd.s32 $0x33450, s10;
	s11 =	sadd.s32 $0x3A980, s10;
	[dreg:$0x1b] =	wrdreg s23  }
0x18: {  	s12 =	sadd.s32 $0x3D090, s10;
	s15 =	sadd.s32 $0x445C0, s10;
	[dreg:$0x1d] =	wrdreg s25  }
0x19: {  	s22 =	simm.s32 $0x0;
	s4 =	sadd.s32 s4, s0;
	[dreg:$0x1e] =	wrdreg s26  }
0x1a: {  	s0 =	sadd.s32 $0xC5C4, s0;
	s24 =	sadd.s32 $0x249F0, s10;
	[dreg:$0x1f] =	wrdreg s30  }
0x1b: {  	[smem:$0x7FD] =	sst s31;
	s18 =	sadd.s32 $0x4BAF0, s10;
	s23 =	simm.s32 $0x9E00  }
0x1c: {  	s25 =	simm.s32 $0x2;
	s26 =	simm.s32 $0xC580;
	[dreg:$0x8] =	wrdreg s0  }
0x1d: {  	s19 =	sadd.s32 $0x1E00, s4;
	s4 =	sadd.s32 $0x29400, s4;
	[dreg:$0x1c] =	wrdreg s24  }
0x1e: {  	s24 =	simm.s32 $0x1;
	[dreg:$0x5] =	wrdreg s4;
	s4 =	smul.u32 $0x4E20, s3  }
0x1f: {  	[dreg:$0x4] =	wrdreg s19;
	s3 =	smul.u32 $0x4F0, s3;
	s19 =	sadd.s32 $0x1ADB0, s10  }
0x20: {  	[dreg:$0x18] =	wrdreg s19;
	s13 =	sadd.s32 s21, s4;
	s0 =	sshrl.u32 s4, $0x3  }
0x21: {  	s16 =	sadd.s32 s14, s3;
	s21 =	sadd.s32 $0x1D4C0, s10;
	s14 =	sadd.s32 $0x41EB0, s10  }
0x22: {  	s1 =	sshrl.u32 s13, $0x3;
	s0 =	sadd.s32 s8, s0;
	[dreg:$0x14] =	wrdreg s16  }
0x23: {  	[dreg:$0x19] =	wrdreg s21;
	s13 =	sadd.s32 $0x3F7A0, s10;
	s16 =	sadd.s32 $0x46CD0, s10  }
0x24: {  	s21 =	simm.s32 $0x4F00;
	s20 =	sadd.s32 s8, s1;
	s17 =	sadd.s32 $0x492, s0  }
0x25: {  	s0 =	sadd.s32 $0x974, s0;
	s8 =	sadd.s32 $0x35B60, s10;
	[dreg:$0x15] =	wrdreg s17  }
0x26: {  	v0 =	vimm.f32 $0.0e+00;
	[dreg:$0x16] =	wrdreg s0;
	s17 =	sadd.s32 $0x493E0, s10;
	s19 =	sadd.s32 $0x4E2, s20  }
.LBB2_1:
0x27: {  	s0 =	rddreg [dreg:$0x4]  }
0x28: {  	[tilespmem:s2], [sflag:$0x1] =	stream.linear.gather [hbm4b:s0+s2], $0x2780, $0x38;
	[tilespmem:$0x1B2A0] =	vst v63  }
0x29: {  	s3 =	rddreg [dreg:$0x5];
	s1 =	simm.s32 $0x2780  }
0x2a: {  	[tilespmem:s1], [sflag:$0x1] =	stream.linear.gather [hbm4b:s3+s2], $0x2780, $0x38;
	[tilespmem:$0x1B2A0] =	vst v63  }
0x2b: {  	s4 =	rddreg [dreg:$0x3]  }
0x2c: {  	[tilespmem:s21], [sflag:$0x2] =	stream.linear.gather [hbm4b:s4+s2], $0x2710, $0x38;
	[tilespmem:$0x1B2A0] =	vst v63  }
0x2d: {  	s30 =	rddreg [dreg:$0x6]  }
0x2e: {  	[tilespmem:s7], [sflag:$0x2] =	stream.linear.gather [hbm4b:s30+s2], $0x2710, $0x38;
	[tilespmem:$0x1B2A0] =	vst v63  }
0x2f: {  	s31 =	rddreg [dreg:$0x8];
	s0 =	simm.s32 $0x40;
	s1 =	simm.s32 $0x0  }
0x30: {  	[tilespmem:s23], [sflag:$0x2] =	stream.linear.gather [hbm4b:s31+s2], $0x2710, $0x38;
	[tilespmem:$0x1B2A0] =	vst v63  }
.LBB2_2:
0x31: {  	p1 =	sne.s32 s0, $0x9DC0;
	[tilespmem:s1+$0xC580] =	vst v0;
	s3 =	smov.u32 s0;
	s0 =	sadd.s32 $0x40, s0  }
.Ltmp0:
0x32: {  	[tilespmem:s1+$0xED00] =	vst v0;
	(pc) =	sbr.rel @p1 .LBB2_2-.Ltmp0, $2  }
0x33: {  	_ =	sdelay $0x2  }
0x34: {  	s1 =	sshra.s32 s3, $0x2  }
0x35: {  	[tilespmem:s1+$0xC580] =	vst v0  }
0x36: {  	[tilespmem:s1+$0xED00] =	vst v0  }
0x37: {  	_ =	swait.ge [sflag:s24], $0x2780  }
0x38: {  	[sflag:s24] =	ssyncset.done $0x0  }
0x39: {  	[sflag:s24] =	ssyncadd.s32 $0xFFFFD880  }
0x3a: {  	_ =	swait.ge [sflag:s24], $0x2780  }
0x3b: {  	[sflag:s24] =	ssyncset.done $0x0  }
0x3c: {  	[sflag:s24] =	ssyncadd.s32 $0xFFFFD880  }
0x3d: {  	_ =	swait.ge [sflag:s25], $0x2710  }
0x3e: {  	[sflag:s25] =	ssyncset.done $0x0  }
0x3f: {  	[sflag:s25] =	ssyncadd.s32 $0xFFFFD8F0  }
0x40: {  	_ =	swait.ge [sflag:s25], $0x2710  }
.Ltmp1:
0x41: {  	[sflag:s25] =	ssyncset.done $0x0;
	(pc) =	sbr.rel .LBB2_4-.Ltmp1, $4  }
0x42: {  	[sflag:s25] =	ssyncadd.s32 $0xFFFFD8F0  }
0x43: {  	_ =	swait.ge [sflag:s25], $0x2710  }
0x44: {  	[sflag:s25] =	ssyncset.done $0x0  }
0x45: {  	s30 =	simm.s32 $0x0;
	s31 =	rddreg [dreg:$0x14];
	[sflag:s25] =	ssyncadd.s32 $0xFFFFD8F0  }
.LBB2_6:
0x46: {  	s30 =	sadd.s32 $0x200, s30  }
0x47: {  	p1 =	sne.s32 s30, $0x9E00  }
.Ltmp2:
0x48: {  	_ = 	snop;
	(pc) =	sbr.rel @!p1 .LBB2_7-.Ltmp2, $2  }
0x49: {  	_ =	sdelay $0x2  }
0x4a: {  	s31 =	sadd.s32 $0x1, s31  }
.LBB2_4:
0x4b: {  	p1 =	sgt.u32 s31, $0x9C3  }
.Ltmp3:
0x4c: {  	_ = 	snop;
	(pc) =	sbr.rel @p1 .LBB2_6-.Ltmp3, $1  }
0x4d: {  	_ =	sdelay $0x3  }
0x4e: {  	s0 =	sshra.s32 s30, $0x2  }
0x4f: {  	v1 =	vld [tilespmem:s0+$0x0]  }
0x50: {  	v2 =	vld [tilespmem:s0+$0x2780];
	_ =	sdelay $0x6  }
0x51: {  	v3 =	vld.idx.msk [tilespmem:v1+s7+$0x0], $0xffff  }
0x52: {  	v4 =	vld.idx.msk [tilespmem:v2+s23+$0x0], $0xffff;
	_ =	sdelay $0x4  }
0x53: {  	v3 =	vadd.f32 v4, v3;
	_ =	sdelay $0x1  }
0x54: {  	v4 =	vmul.f32 $2.000000030e-01, v3;
	_ =	sdelay $0x1  }
0x55: {  	v3 =	vmax.f32 v3, v4  }
0x56: {  	v3 =	vmul.f32 $1.442695020e+00, v3;
	_ =	sdelay $0x1  }
0x57: {  	(erf) = vpow2.f32 v3;
	_ =	sdelay $0x4  }
0x58: {  	v1 =	vld.idx.msk [tilespmem:v1+s21+$0x0], $0xffff;
	_ =	sdelay $0x3  }
0x59: {  	v3 =	vpop (erf)  }
0x5a: {  	v1 =	vmul.f32 v3, v1;
	_ =	sdelay $0x1  }
0x5b: {  	[tilespmem:v2+s26+$0x0] =	vst.idx.add.f32.msk $0xffff, v1  }
0x5c: {  	[tilespmem:v2+s28+$0x0] =	vst.idx.add.f32.msk $0xffff, v3  }
0x5d: {  	v1 =	vld [tilespmem:s0+$0x10]  }
0x5e: {  	v2 =	vld [tilespmem:s0+$0x2790];
	_ =	sdelay $0x6  }
0x5f: {  	v3 =	vld.idx.msk [tilespmem:v1+s7+$0x0], $0xffff  }
0x60: {  	v57 =	vld.idx.msk [tilespmem:v2+s23+$0x0], $0xffff;
	_ =	sdelay $0x4  }
0x61: {  	v3 =	vadd.f32 v57, v3;
	_ =	sdelay $0x1  }
0x62: {  	v4 =	vmul.f32 $2.000000030e-01, v3;
	_ =	sdelay $0x1  }
0x63: {  	v3 =	vmax.f32 v3, v4  }
0x64: {  	v3 =	vmul.f32 $1.442695020e+00, v3;
	_ =	sdelay $0x1  }
0x65: {  	(erf) = vpow2.f32 v3;
	_ =	sdelay $0x4  }
0x66: {  	v1 =	vld.idx.msk [tilespmem:v1+s21+$0x0], $0xffff;
	_ =	sdelay $0x3  }
0x67: {  	v3 =	vpop (erf)  }
0x68: {  	v1 =	vmul.f32 v3, v1;
	_ =	sdelay $0x1  }
0x69: {  	[tilespmem:v2+s26+$0x0] =	vst.idx.add.f32.msk $0xffff, v1  }
0x6a: {  	[tilespmem:v2+s28+$0x0] =	vst.idx.add.f32.msk $0xffff, v3  }
0x6b: {  	v1 =	vld [tilespmem:s0+$0x20]  }
0x6c: {  	v2 =	vld [tilespmem:s0+$0x27A0];
	_ =	sdelay $0x6  }
0x6d: {  	v3 =	vld.idx.msk [tilespmem:v1+s7+$0x0], $0xffff  }
0x6e: {  	v58 =	vld.idx.msk [tilespmem:v2+s23+$0x0], $0xffff;
	_ =	sdelay $0x4  }
0x6f: {  	v3 =	vadd.f32 v58, v3;
	_ =	sdelay $0x1  }
0x70: {  	v4 =	vmul.f32 $2.000000030e-01, v3;
	_ =	sdelay $0x1  }
0x71: {  	v3 =	vmax.f32 v3, v4  }
0x72: {  	v3 =	vmul.f32 $1.442695020e+00, v3;
	_ =	sdelay $0x1  }
0x73: {  	(erf) = vpow2.f32 v3;
	_ =	sdelay $0x4  }
0x74: {  	v1 =	vld.idx.msk [tilespmem:v1+s21+$0x0], $0xffff;
	_ =	sdelay $0x3  }
0x75: {  	v3 =	vpop (erf)  }
0x76: {  	v1 =	vmul.f32 v3, v1;
	_ =	sdelay $0x1  }
0x77: {  	[tilespmem:v2+s26+$0x0] =	vst.idx.add.f32.msk $0xffff, v1  }
0x78: {  	[tilespmem:v2+s28+$0x0] =	vst.idx.add.f32.msk $0xffff, v3  }
0x79: {  	v1 =	vld [tilespmem:s0+$0x30]  }
0x7a: {  	v2 =	vld [tilespmem:s0+$0x27B0];
	_ =	sdelay $0x6  }
0x7b: {  	v3 =	vld.idx.msk [tilespmem:v1+s7+$0x0], $0xffff  }
0x7c: {  	v59 =	vld.idx.msk [tilespmem:v2+s23+$0x0], $0xffff;
	_ =	sdelay $0x4  }
0x7d: {  	v3 =	vadd.f32 v59, v3;
	_ =	sdelay $0x1  }
0x7e: {  	v4 =	vmul.f32 $2.000000030e-01, v3;
	_ =	sdelay $0x1  }
0x7f: {  	v3 =	vmax.f32 v3, v4  }
0x80: {  	v3 =	vmul.f32 $1.442695020e+00, v3;
	_ =	sdelay $0x1  }
0x81: {  	(erf) = vpow2.f32 v3;
	_ =	sdelay $0x4  }
0x82: {  	v1 =	vld.idx.msk [tilespmem:v1+s21+$0x0], $0xffff;
	_ =	sdelay $0x3  }
0x83: {  	v3 =	vpop (erf)  }
0x84: {  	v1 =	vmul.f32 v3, v1;
	_ =	sdelay $0x1  }
0x85: {  	[tilespmem:v2+s26+$0x0] =	vst.idx.add.f32.msk $0xffff, v1  }
0x86: {  	[tilespmem:v2+s28+$0x0] =	vst.idx.add.f32.msk $0xffff, v3  }
0x87: {  	v1 =	vld [tilespmem:s0+$0x40]  }
0x88: {  	v2 =	vld [tilespmem:s0+$0x27C0];
	_ =	sdelay $0x6  }
0x89: {  	v3 =	vld.idx.msk [tilespmem:v1+s7+$0x0], $0xffff  }
0x8a: {  	v60 =	vld.idx.msk [tilespmem:v2+s23+$0x0], $0xffff;
	_ =	sdelay $0x4  }
0x8b: {  	v3 =	vadd.f32 v60, v3;
	_ =	sdelay $0x1  }
0x8c: {  	v4 =	vmul.f32 $2.000000030e-01, v3;
	_ =	sdelay $0x1  }
0x8d: {  	v3 =	vmax.f32 v3, v4  }
0x8e: {  	v3 =	vmul.f32 $1.442695020e+00, v3;
	_ =	sdelay $0x1  }
0x8f: {  	(erf) = vpow2.f32 v3;
	_ =	sdelay $0x4  }
0x90: {  	v1 =	vld.idx.msk [tilespmem:v1+s21+$0x0], $0xffff;
	_ =	sdelay $0x3  }
0x91: {  	v3 =	vpop (erf)  }
0x92: {  	v1 =	vmul.f32 v3, v1;
	_ =	sdelay $0x1  }
0x93: {  	[tilespmem:v2+s26+$0x0] =	vst.idx.add.f32.msk $0xffff, v1  }
0x94: {  	[tilespmem:v2+s28+$0x0] =	vst.idx.add.f32.msk $0xffff, v3  }
0x95: {  	v1 =	vld [tilespmem:s0+$0x50]  }
0x96: {  	v2 =	vld [tilespmem:s0+$0x27D0];
	_ =	sdelay $0x6  }
0x97: {  	v3 =	vld.idx.msk [tilespmem:v1+s7+$0x0], $0xffff  }
0x98: {  	v61 =	vld.idx.msk [tilespmem:v2+s23+$0x0], $0xffff;
	_ =	sdelay $0x4  }
0x99: {  	v3 =	vadd.f32 v61, v3;
	_ =	sdelay $0x1  }
0x9a: {  	v4 =	vmul.f32 $2.000000030e-01, v3;
	_ =	sdelay $0x1  }
0x9b: {  	v3 =	vmax.f32 v3, v4  }
0x9c: {  	v3 =	vmul.f32 $1.442695020e+00, v3;
	_ =	sdelay $0x1  }
0x9d: {  	(erf) = vpow2.f32 v3;
	_ =	sdelay $0x4  }
0x9e: {  	v1 =	vld.idx.msk [tilespmem:v1+s21+$0x0], $0xffff;
	_ =	sdelay $0x3  }
0x9f: {  	v3 =	vpop (erf)  }
0xa0: {  	v1 =	vmul.f32 v3, v1;
	_ =	sdelay $0x1  }
0xa1: {  	[tilespmem:v2+s26+$0x0] =	vst.idx.add.f32.msk $0xffff, v1  }
0xa2: {  	[tilespmem:v2+s28+$0x0] =	vst.idx.add.f32.msk $0xffff, v3  }
0xa3: {  	v1 =	vld [tilespmem:s0+$0x60]  }
0xa4: {  	v2 =	vld [tilespmem:s0+$0x27E0];
	_ =	sdelay $0x6  }
0xa5: {  	v3 =	vld.idx.msk [tilespmem:v1+s7+$0x0], $0xffff  }
0xa6: {  	v62 =	vld.idx.msk [tilespmem:v2+s23+$0x0], $0xffff;
	_ =	sdelay $0x4  }
0xa7: {  	v3 =	vadd.f32 v62, v3;
	_ =	sdelay $0x1  }
0xa8: {  	v4 =	vmul.f32 $2.000000030e-01, v3;
	_ =	sdelay $0x1  }
0xa9: {  	v3 =	vmax.f32 v3, v4  }
0xaa: {  	v3 =	vmul.f32 $1.442695020e+00, v3;
	_ =	sdelay $0x1  }
0xab: {  	(erf) = vpow2.f32 v3;
	_ =	sdelay $0x4  }
0xac: {  	v1 =	vld.idx.msk [tilespmem:v1+s21+$0x0], $0xffff;
	_ =	sdelay $0x3  }
0xad: {  	v3 =	vpop (erf)  }
0xae: {  	v1 =	vmul.f32 v3, v1;
	_ =	sdelay $0x1  }
0xaf: {  	[tilespmem:v2+s26+$0x0] =	vst.idx.add.f32.msk $0xffff, v1  }
0xb0: {  	[tilespmem:v2+s28+$0x0] =	vst.idx.add.f32.msk $0xffff, v3  }
0xb1: {  	v1 =	vld [tilespmem:s0+$0x70]  }
0xb2: {  	v2 =	vld [tilespmem:s0+$0x27F0];
	_ =	sdelay $0x6  }
0xb3: {  	v3 =	vld.idx.msk [tilespmem:v1+s7+$0x0], $0xffff  }
0xb4: {  	v63 =	vld.idx.msk [tilespmem:v2+s23+$0x0], $0xffff;
	_ =	sdelay $0x4  }
0xb5: {  	v3 =	vadd.f32 v63, v3;
	_ =	sdelay $0x1  }
0xb6: {  	v4 =	vmul.f32 $2.000000030e-01, v3;
	_ =	sdelay $0x1  }
0xb7: {  	v3 =	vmax.f32 v3, v4  }
0xb8: {  	v3 =	vmul.f32 $1.442695020e+00, v3;
	_ =	sdelay $0x1  }
0xb9: {  	(erf) = vpow2.f32 v3;
	_ =	sdelay $0x4  }
0xba: {  	v1 =	vld.idx.msk [tilespmem:v1+s21+$0x0], $0xffff;
	_ =	sdelay $0x3  }
.Ltmp4:
0xbb: {  	v3 =	vpop (erf);
	(pc) =	sbr.rel .LBB2_6-.Ltmp4, $3  }
0xbc: {  	v1 =	vmul.f32 v3, v1;
	_ =	sdelay $0x1  }
0xbd: {  	[tilespmem:v2+s26+$0x0] =	vst.idx.add.f32.msk $0xffff, v1  }
0xbe: {  	[tilespmem:v2+s28+$0x0] =	vst.idx.add.f32.msk $0xffff, v3  }
.LBB2_7:
0xbf: {  	s0 =	rddreg [dreg:$0x7]  }
0xc0: {  	[spmem:s0] =	stream.linear.scatter [tilespmem:s26], [sflag:$0x3], $0x2710, $0x38;
	[tilespmem:$0x1B2A0] =	vst v63  }
0xc1: {  	_ =	swait.ge [sflag:s29], $0x2710  }
0xc2: {  	[sflag:s29] =	ssyncset.done $0x0  }
0xc3: {  	s1 =	rddreg [dreg:$0x9];
	[sflag:s29] =	ssyncadd.s32 $0xFFFFD8F0  }
0xc4: {  	[spmem:s1] =	stream.linear.scatter [tilespmem:s28], [sflag:$0x3], $0x2710, $0x38;
	[tilespmem:$0x1B2A0] =	vst v63  }
0xc5: {  	_ =	swait.ge [sflag:s29], $0x2710  }
0xc6: {  	[sflag:s29] =	ssyncset.done $0x0  }
0xc7: {  	[sflag:s29] =	ssyncadd.s32 $0xFFFFD8F0  }
0xc8: {  	s3 =	simm.s32 $0x11480;
	[bflag:$0x0] =	sbarrier.arrive $0xFFFF  }
0xc9: {  	[tilespmem:s3], [sflag:$0x1] =	stream.linear.gather [spmem:s10], $0x280, $0x38;
	[tilespmem:$0x1B2A0] =	vst v63  }
0xca: {  	s1 =	simm.s32 $0x11700;
	s4 =	rddreg [dreg:$0xa]  }
0xcb: {  	[tilespmem:s1], [sflag:$0x1] =	stream.linear.gather [spmem:s4], $0x280, $0x38;
	[tilespmem:$0x1B2A0] =	vst v63  }
0xcc: {  	s3 =	rddreg [dreg:$0xb];
	s4 =	simm.s32 $0x11980  }
0xcd: {  	[tilespmem:s4], [sflag:$0x1] =	stream.linear.gather [spmem:s3], $0x280, $0x38;
	[tilespmem:$0x1B2A0] =	vst v63  }
0xce: {  	s3 =	rddreg [dreg:$0xc];
	s4 =	simm.s32 $0x11C00  }
0xcf: {  	[tilespmem:s4], [sflag:$0x1] =	stream.linear.gather [spmem:s3], $0x280, $0x38;
	[tilespmem:$0x1B2A0] =	vst v63  }
0xd0: {  	s3 =	rddreg [dreg:$0xd];
	s4 =	simm.s32 $0x11E80  }
0xd1: {  	[tilespmem:s4], [sflag:$0x1] =	stream.linear.gather [spmem:s3], $0x280, $0x38;
	[tilespmem:$0x1B2A0] =	vst v63  }
0xd2: {  	s3 =	rddreg [dreg:$0xe];
	s4 =	simm.s32 $0x12100  }
0xd3: {  	[tilespmem:s4], [sflag:$0x1] =	stream.linear.gather [spmem:s3], $0x280, $0x38;
	[tilespmem:$0x1B2A0] =	vst v63  }
0xd4: {  	s3 =	rddreg [dreg:$0xf];
	s4 =	simm.s32 $0x12380  }
0xd5: {  	[tilespmem:s4], [sflag:$0x1] =	stream.linear.gather [spmem:s3], $0x280, $0x38;
	[tilespmem:$0x1B2A0] =	vst v63  }
0xd6: {  	s3 =	rddreg [dreg:$0x10];
	s4 =	simm.s32 $0x12600  }
0xd7: {  	[tilespmem:s4], [sflag:$0x1] =	stream.linear.gather [spmem:s3], $0x280, $0x38;
	[tilespmem:$0x1B2A0] =	vst v63  }
0xd8: {  	s3 =	rddreg [dreg:$0x11];
	s4 =	simm.s32 $0x12880  }
0xd9: {  	[tilespmem:s4], [sflag:$0x1] =	stream.linear.gather [spmem:s3], $0x280, $0x38;
	[tilespmem:$0x1B2A0] =	vst v63  }
0xda: {  	s3 =	rddreg [dreg:$0x12];
	s4 =	simm.s32 $0x12B00  }
0xdb: {  	[tilespmem:s4], [sflag:$0x1] =	stream.linear.gather [spmem:s3], $0x280, $0x38;
	[tilespmem:$0x1B2A0] =	vst v63  }
0xdc: {  	s3 =	rddreg [dreg:$0x13];
	s4 =	simm.s32 $0x12D80  }
0xdd: {  	[tilespmem:s4], [sflag:$0x1] =	stream.linear.gather [spmem:s3], $0x280, $0x38;
	[tilespmem:$0x1B2A0] =	vst v63  }
0xde: {  	s3 =	rddreg [dreg:$0x18];
	s4 =	simm.s32 $0x13000  }
0xdf: {  	[tilespmem:s4], [sflag:$0x1] =	stream.linear.gather [spmem:s3], $0x280, $0x38;
	[tilespmem:$0x1B2A0] =	vst v63  }
0xe0: {  	s3 =	rddreg [dreg:$0x19];
	s4 =	simm.s32 $0x13280  }
0xe1: {  	[tilespmem:s4], [sflag:$0x1] =	stream.linear.gather [spmem:s3], $0x280, $0x38;
	[tilespmem:$0x1B2A0] =	vst v63  }
0xe2: {  	s3 =	rddreg [dreg:$0x1a];
	s4 =	simm.s32 $0x13500  }
0xe3: {  	[tilespmem:s4], [sflag:$0x1] =	stream.linear.gather [spmem:s3], $0x280, $0x38;
	[tilespmem:$0x1B2A0] =	vst v63  }
0xe4: {  	s3 =	rddreg [dreg:$0x1b];
	s4 =	simm.s32 $0x13780  }
0xe5: {  	[tilespmem:s4], [sflag:$0x1] =	stream.linear.gather [spmem:s3], $0x280, $0x38;
	[tilespmem:$0x1B2A0] =	vst v63  }
0xe6: {  	s3 =	rddreg [dreg:$0x1c];
	s4 =	simm.s32 $0x13A00  }
0xe7: {  	[tilespmem:s4], [sflag:$0x1] =	stream.linear.gather [spmem:s3], $0x280, $0x38;
	[tilespmem:$0x1B2A0] =	vst v63  }
0xe8: {  	s3 =	rddreg [dreg:$0x1d];
	s4 =	simm.s32 $0x13C80  }
0xe9: {  	[tilespmem:s4], [sflag:$0x1] =	stream.linear.gather [spmem:s3], $0x280, $0x38;
	[tilespmem:$0x1B2A0] =	vst v63  }
0xea: {  	s3 =	rddreg [dreg:$0x1e];
	s4 =	simm.s32 $0x13F00  }
0xeb: {  	[tilespmem:s4], [sflag:$0x1] =	stream.linear.gather [spmem:s3], $0x280, $0x38;
	[tilespmem:$0x1B2A0] =	vst v63  }
0xec: {  	s3 =	rddreg [dreg:$0x1f];
	s4 =	simm.s32 $0x14180  }
0xed: {  	[tilespmem:s4], [sflag:$0x1] =	stream.linear.gather [spmem:s3], $0x280, $0x38;
	[tilespmem:$0x1B2A0] =	vst v63  }
0xee: {  	s3 =	sld [smem:$0x7FD];
	_ =	sdelay $0x1  }
0xef: {  	s4 =	simm.s32 $0x14400  }
0xf0: {  	[tilespmem:s4], [sflag:$0x1] =	stream.linear.gather [spmem:s3], $0x280, $0x38;
	[tilespmem:$0x1B2A0] =	vst v63  }
0xf1: {  	s1 =	simm.s32 $0x14680  }
0xf2: {  	[tilespmem:s1], [sflag:$0x1] =	stream.linear.gather [spmem:s5], $0x280, $0x38;
	[tilespmem:$0x1B2A0] =	vst v63  }
0xf3: {  	s3 =	simm.s32 $0x14900  }
0xf4: {  	[tilespmem:s3], [sflag:$0x1] =	stream.linear.gather [spmem:s6], $0x280, $0x38;
	[tilespmem:$0x1B2A0] =	vst v63  }
0xf5: {  	s4 =	simm.s32 $0x14B80  }
0xf6: {  	[tilespmem:s4], [sflag:$0x1] =	stream.linear.gather [spmem:s8], $0x280, $0x38;
	[tilespmem:$0x1B2A0] =	vst v63  }
0xf7: {  	s1 =	simm.s32 $0x14E00  }
0xf8: {  	[tilespmem:s1], [sflag:$0x1] =	stream.linear.gather [spmem:s9], $0x280, $0x38;
	[tilespmem:$0x1B2A0] =	vst v63  }
0xf9: {  	s3 =	simm.s32 $0x15080  }
0xfa: {  	[tilespmem:s3], [sflag:$0x1] =	stream.linear.gather [spmem:s11], $0x280, $0x38;
	[tilespmem:$0x1B2A0] =	vst v63  }
0xfb: {  	s4 =	simm.s32 $0x15300  }
0xfc: {  	[tilespmem:s4], [sflag:$0x1] =	stream.linear.gather [spmem:s12], $0x280, $0x38;
	[tilespmem:$0x1B2A0] =	vst v63  }
0xfd: {  	s1 =	simm.s32 $0x15580  }
0xfe: {  	[tilespmem:s1], [sflag:$0x1] =	stream.linear.gather [spmem:s13], $0x280, $0x38;
	[tilespmem:$0x1B2A0] =	vst v63  }
0xff: {  	s3 =	simm.s32 $0x15800  }
0x100: {  	[tilespmem:s3], [sflag:$0x1] =	stream.linear.gather [spmem:s14], $0x280, $0x38;
	[tilespmem:$0x1B2A0] =	vst v63  }
0x101: {  	s4 =	simm.s32 $0x15A80  }
0x102: {  	[tilespmem:s4], [sflag:$0x1] =	stream.linear.gather [spmem:s15], $0x280, $0x38;
	[tilespmem:$0x1B2A0] =	vst v63  }
0x103: {  	s1 =	simm.s32 $0x15D00  }
0x104: {  	[tilespmem:s1], [sflag:$0x1] =	stream.linear.gather [spmem:s16], $0x280, $0x38;
	[tilespmem:$0x1B2A0] =	vst v63  }
0x105: {  	s3 =	simm.s32 $0x15F80  }
0x106: {  	[tilespmem:s3], [sflag:$0x1] =	stream.linear.gather [spmem:s17], $0x280, $0x38;
	[tilespmem:$0x1B2A0] =	vst v63  }
0x107: {  	s4 =	simm.s32 $0x16200  }
0x108: {  	[tilespmem:s4], [sflag:$0x1] =	stream.linear.gather [spmem:s18], $0x280, $0x38;
	[tilespmem:$0x1B2A0] =	vst v63  }
0x109: {  	_ =	swait.ge [sflag:s24], $0x280  }
0x10a: {  	[sflag:s24] =	ssyncset.done $0x0  }
0x10b: {  	[sflag:s24] =	ssyncadd.s32 $0xFFFFFD80  }
0x10c: {  	_ =	swait.ge [sflag:s24], $0x280  }
0x10d: {  	[sflag:s24] =	ssyncset.done $0x0  }
0x10e: {  	[sflag:s24] =	ssyncadd.s32 $0xFFFFFD80  }
0x10f: {  	_ =	swait.ge [sflag:s24], $0x280  }
0x110: {  	[sflag:s24] =	ssyncset.done $0x0  }
0x111: {  	[sflag:s24] =	ssyncadd.s32 $0xFFFFFD80  }
0x112: {  	_ =	swait.ge [sflag:s24], $0x280  }
0x113: {  	[sflag:s24] =	ssyncset.done $0x0  }
0x114: {  	[sflag:s24] =	ssyncadd.s32 $0xFFFFFD80  }
0x115: {  	_ =	swait.ge [sflag:s24], $0x280  }
0x116: {  	[sflag:s24] =	ssyncset.done $0x0  }
0x117: {  	[sflag:s24] =	ssyncadd.s32 $0xFFFFFD80  }
0x118: {  	_ =	swait.ge [sflag:s24], $0x280  }
0x119: {  	[sflag:s24] =	ssyncset.done $0x0  }
0x11a: {  	[sflag:s24] =	ssyncadd.s32 $0xFFFFFD80  }
0x11b: {  	_ =	swait.ge [sflag:s24], $0x280  }
0x11c: {  	[sflag:s24] =	ssyncset.done $0x0  }
0x11d: {  	[sflag:s24] =	ssyncadd.s32 $0xFFFFFD80  }
0x11e: {  	_ =	swait.ge [sflag:s24], $0x280  }
0x11f: {  	[sflag:s24] =	ssyncset.done $0x0  }
0x120: {  	[sflag:s24] =	ssyncadd.s32 $0xFFFFFD80  }
0x121: {  	_ =	swait.ge [sflag:s24], $0x280  }
0x122: {  	[sflag:s24] =	ssyncset.done $0x0  }
0x123: {  	[sflag:s24] =	ssyncadd.s32 $0xFFFFFD80  }
0x124: {  	_ =	swait.ge [sflag:s24], $0x280  }
0x125: {  	[sflag:s24] =	ssyncset.done $0x0  }
0x126: {  	[sflag:s24] =	ssyncadd.s32 $0xFFFFFD80  }
0x127: {  	_ =	swait.ge [sflag:s24], $0x280  }
0x128: {  	[sflag:s24] =	ssyncset.done $0x0  }
0x129: {  	[sflag:s24] =	ssyncadd.s32 $0xFFFFFD80  }
0x12a: {  	_ =	swait.ge [sflag:s24], $0x280  }
0x12b: {  	[sflag:s24] =	ssyncset.done $0x0  }
0x12c: {  	[sflag:s24] =	ssyncadd.s32 $0xFFFFFD80  }
0x12d: {  	_ =	swait.ge [sflag:s24], $0x280  }
0x12e: {  	[sflag:s24] =	ssyncset.done $0x0  }
0x12f: {  	[sflag:s24] =	ssyncadd.s32 $0xFFFFFD80  }
0x130: {  	_ =	swait.ge [sflag:s24], $0x280  }
0x131: {  	[sflag:s24] =	ssyncset.done $0x0  }
0x132: {  	[sflag:s24] =	ssyncadd.s32 $0xFFFFFD80  }
0x133: {  	_ =	swait.ge [sflag:s24], $0x280  }
0x134: {  	[sflag:s24] =	ssyncset.done $0x0  }
0x135: {  	[sflag:s24] =	ssyncadd.s32 $0xFFFFFD80  }
0x136: {  	_ =	swait.ge [sflag:s24], $0x280  }
0x137: {  	[sflag:s24] =	ssyncset.done $0x0  }
0x138: {  	[sflag:s24] =	ssyncadd.s32 $0xFFFFFD80  }
0x139: {  	_ =	swait.ge [sflag:s24], $0x280  }
0x13a: {  	[sflag:s24] =	ssyncset.done $0x0  }
0x13b: {  	[sflag:s24] =	ssyncadd.s32 $0xFFFFFD80  }
0x13c: {  	_ =	swait.ge [sflag:s24], $0x280  }
0x13d: {  	[sflag:s24] =	ssyncset.done $0x0  }
0x13e: {  	[sflag:s24] =	ssyncadd.s32 $0xFFFFFD80  }
0x13f: {  	_ =	swait.ge [sflag:s24], $0x280  }
0x140: {  	[sflag:s24] =	ssyncset.done $0x0  }
0x141: {  	[sflag:s24] =	ssyncadd.s32 $0xFFFFFD80  }
0x142: {  	_ =	swait.ge [sflag:s24], $0x280  }
0x143: {  	[sflag:s24] =	ssyncset.done $0x0  }
0x144: {  	[sflag:s24] =	ssyncadd.s32 $0xFFFFFD80  }
0x145: {  	_ =	swait.ge [sflag:s24], $0x280  }
0x146: {  	[sflag:s24] =	ssyncset.done $0x0  }
0x147: {  	[sflag:s24] =	ssyncadd.s32 $0xFFFFFD80  }
0x148: {  	_ =	swait.ge [sflag:s24], $0x280  }
0x149: {  	[sflag:s24] =	ssyncset.done $0x0  }
0x14a: {  	[sflag:s24] =	ssyncadd.s32 $0xFFFFFD80  }
0x14b: {  	_ =	swait.ge [sflag:s24], $0x280  }
0x14c: {  	[sflag:s24] =	ssyncset.done $0x0  }
0x14d: {  	[sflag:s24] =	ssyncadd.s32 $0xFFFFFD80  }
0x14e: {  	_ =	swait.ge [sflag:s24], $0x280  }
0x14f: {  	[sflag:s24] =	ssyncset.done $0x0  }
0x150: {  	[sflag:s24] =	ssyncadd.s32 $0xFFFFFD80  }
0x151: {  	_ =	swait.ge [sflag:s24], $0x280  }
0x152: {  	[sflag:s24] =	ssyncset.done $0x0  }
0x153: {  	[sflag:s24] =	ssyncadd.s32 $0xFFFFFD80  }
0x154: {  	_ =	swait.ge [sflag:s24], $0x280  }
0x155: {  	[sflag:s24] =	ssyncset.done $0x0  }
0x156: {  	[sflag:s24] =	ssyncadd.s32 $0xFFFFFD80  }
0x157: {  	_ =	swait.ge [sflag:s24], $0x280  }
0x158: {  	[sflag:s24] =	ssyncset.done $0x0  }
0x159: {  	[sflag:s24] =	ssyncadd.s32 $0xFFFFFD80  }
0x15a: {  	_ =	swait.ge [sflag:s24], $0x280  }
0x15b: {  	[sflag:s24] =	ssyncset.done $0x0  }
0x15c: {  	[sflag:s24] =	ssyncadd.s32 $0xFFFFFD80  }
0x15d: {  	_ =	swait.ge [sflag:s24], $0x280  }
0x15e: {  	[sflag:s24] =	ssyncset.done $0x0  }
0x15f: {  	[sflag:s24] =	ssyncadd.s32 $0xFFFFFD80  }
0x160: {  	_ =	swait.ge [sflag:s24], $0x280  }
0x161: {  	[sflag:s24] =	ssyncset.done $0x0  }
0x162: {  	[sflag:s24] =	ssyncadd.s32 $0xFFFFFD80  }
0x163: {  	_ =	swait.ge [sflag:s24], $0x280  }
0x164: {  	[sflag:s24] =	ssyncset.done $0x0  }
0x165: {  	[sflag:s24] =	ssyncadd.s32 $0xFFFFFD80  }
0x166: {  	_ =	swait.ge [sflag:s24], $0x280  }
0x167: {  	[sflag:s24] =	ssyncset.done $0x0  }
0x168: {  	s31 =	simm.s32 $0x0;
	[sflag:s24] =	ssyncadd.s32 $0xFFFFFD80  }
0x169: {  	v1 =	vld [tilespmem:s31+$0x11480]  }
0x16a: {  	v2 =	vld [tilespmem:s31+$0x11980];
	_ =	sdelay $0x1  }
0x16b: {  	v3 =	vld [tilespmem:s31+$0x11E80];
	_ =	sdelay $0x1  }
0x16c: {  	v4 =	vld [tilespmem:s31+$0x12380]  }
0x16d: {  	v1 =	vadd.f32 v2, v1  }
0x16e: {  	v2 =	vld [tilespmem:s31+$0x12880]  }
0x16f: {  	v1 =	vadd.f32 v3, v1  }
0x170: {  	v3 =	vld [tilespmem:s31+$0x12D80]  }
0x171: {  	v1 =	vadd.f32 v4, v1  }
0x172: {  	v4 =	vld [tilespmem:s31+$0x13280]  }
0x173: {  	v1 =	vadd.f32 v2, v1  }
0x174: {  	v2 =	vld [tilespmem:s31+$0x13780]  }
0x175: {  	s30 =	simm.s32 $0x10;
	v5 =	vld [tilespmem:s31+$0x13C80];
	v1 =	vadd.f32 v3, v1  }
0x176: {  	v6 =	vld [tilespmem:s30+$0x11480]  }
0x177: {  	v3 =	vld [tilespmem:s31+$0x14180];
	v1 =	vadd.f32 v4, v1  }
0x178: {  	v4 =	vld [tilespmem:s30+$0x11980]  }
0x179: {  	v7 =	vld [tilespmem:s30+$0x11E80];
	v1 =	vadd.f32 v2, v1  }
0x17a: {  	v2 =	vld [tilespmem:s31+$0x14680]  }
0x17b: {  	v8 =	vld [tilespmem:s30+$0x12380];
	v1 =	vadd.f32 v5, v1  }
0x17c: {  	v5 =	vld [tilespmem:s31+$0x14B80]  }
0x17d: {  	v4 =	vadd.f32 v4, v6;
	v6 =	vld [tilespmem:s30+$0x12880];
	v1 =	vadd.f32 v3, v1  }
0x17e: {  	v3 =	vld [tilespmem:s31+$0x15080]  }
0x17f: {  	v4 =	vadd.f32 v7, v4;
	v7 =	vld [tilespmem:s30+$0x12D80];
	v1 =	vadd.f32 v2, v1  }
0x180: {  	v2 =	vld [tilespmem:s31+$0x15580]  }
0x181: {  	v9 =	vld [tilespmem:s30+$0x13280];
	v4 =	vadd.f32 v8, v4;
	v1 =	vadd.f32 v5, v1  }
0x182: {  	v8 =	vld [tilespmem:s31+$0x15A80]  }
0x183: {  	v5 =	vadd.f32 v6, v4;
	v4 =	vld [tilespmem:s30+$0x13780];
	v6 =	vadd.f32 v3, v1  }
0x184: {  	v3 =	vld [tilespmem:s31+$0x15F80]  }
0x185: {  	v1 =	vld [tilespmem:s30+$0x14180];
	v7 =	vadd.f32 v7, v5;
	v10 =	vadd.f32 v2, v6  }
0x186: {  	s1 =	simm.s32 $0x20;
	v5 =	vld [tilespmem:s30+$0x13C80]  }
0x187: {  	s0 =	simm.s32 $0x10;
	s3 =	simm.s32 $0x0;
	s4 =	simm.s32 $0xC0;
	v2 =	vld [tilespmem:s1+$0x11480];
	v6 =	vadd.f32 v9, v7;
	v7 =	vadd.f32 v8, v10  }
.LBB2_8:
0x188: {  	p1 =	sne.s32 s4, $0x9C0;
	v8 =	vld [tilespmem:s1+$0x11980]  }
0x189: {  	v4 =	vadd.f32 v4, v6;
	v6 =	vld [tilespmem:s0+$0x14680];
	v3 =	vadd.f32 v3, v7  }
0x18a: {  	v7 =	vld [tilespmem:s1+$0x11E80]  }
0x18b: {  	v4 =	vadd.f32 v5, v4;
	v5 =	vld [tilespmem:s0+$0x14B80];
	[tilespmem:s3+$0xC580] =	vst v3;
	s3 =	smov.u32 s0;
	s0 =	smov.u32 s1  }
0x18c: {  	v3 =	vld [tilespmem:s0+$0x12380]  }
0x18d: {  	v2 =	vadd.f32 v8, v2;
	v1 =	vadd.f32 v1, v4;
	v4 =	vld [tilespmem:s3+$0x15080]  }
0x18e: {  	v8 =	vld [tilespmem:s0+$0x12880]  }
0x18f: {  	v2 =	vadd.f32 v7, v2;
	v1 =	vadd.f32 v6, v1;
	v6 =	vld [tilespmem:s3+$0x15580]  }
0x190: {  	v7 =	vld [tilespmem:s0+$0x12D80]  }
0x191: {  	v2 =	vadd.f32 v3, v2;
	v1 =	vadd.f32 v5, v1;
	v9 =	vld [tilespmem:s3+$0x15A80]  }
0x192: {  	v10 =	vld [tilespmem:s0+$0x13280]  }
.Ltmp5:
0x193: {  	v2 =	vadd.f32 v8, v2;
	v5 =	vadd.f32 v4, v1;
	v3 =	vld [tilespmem:s3+$0x15F80];
	(pc) =	sbr.rel @p1 .LBB2_8-.Ltmp5, $4  }
0x194: {  	v4 =	vld [tilespmem:s0+$0x13780]  }
0x195: {  	v7 =	vadd.f32 v7, v2;
	v1 =	vld [tilespmem:s0+$0x14180];
	v8 =	vadd.f32 v6, v5  }
0x196: {  	s1 =	sshra.s32 s4, $0x2;
	v5 =	vld [tilespmem:s0+$0x13C80]  }
0x197: {  	s4 =	sadd.s32 $0x40, s4;
	v2 =	vld [tilespmem:s1+$0x11480];
	v6 =	vadd.f32 v10, v7;
	v7 =	vadd.f32 v9, v8  }
0x198: {  	v8 =	vld [tilespmem:s1+$0x11980]  }
0x199: {  	v9 =	vld [tilespmem:s0+$0x14680];
	v3 =	vadd.f32 v3, v7  }
0x19a: {  	v7 =	vld [tilespmem:s1+$0x11E80]  }
0x19b: {  	v10 =	vld [tilespmem:s0+$0x14B80];
	v4 =	vadd.f32 v4, v6;
	[tilespmem:s3+$0xC580] =	vst v3  }
0x19c: {  	v3 =	vld [tilespmem:s1+$0x12380]  }
0x19d: {  	v4 =	vadd.f32 v5, v4;
	v2 =	vadd.f32 v8, v2  }
0x19e: {  	v5 =	vld [tilespmem:s1+$0x12880]  }
0x19f: {  	v6 =	vld [tilespmem:s1+$0x12D80];
	v1 =	vadd.f32 v1, v4;
	v2 =	vadd.f32 v7, v2  }
0x1a0: {  	v4 =	vld [tilespmem:s0+$0x15080]  }
0x1a1: {  	v1 =	vadd.f32 v9, v1;
	v7 =	vld [tilespmem:s0+$0x15580];
	v2 =	vadd.f32 v3, v2  }
0x1a2: {  	v3 =	vld [tilespmem:s1+$0x13280]  }
0x1a3: {  	v8 =	vld [tilespmem:s0+$0x15A80];
	v1 =	vadd.f32 v10, v1;
	v2 =	vadd.f32 v5, v2  }
0x1a4: {  	v5 =	vld [tilespmem:s1+$0x13780]  }
0x1a5: {  	v1 =	vadd.f32 v4, v1;
	v4 =	vld [tilespmem:s0+$0x15F80];
	v2 =	vadd.f32 v6, v2  }
0x1a6: {  	v6 =	vld [tilespmem:s1+$0x13C80]  }
0x1a7: {  	v1 =	vadd.f32 v7, v1;
	v2 =	vadd.f32 v3, v2  }
0x1a8: {  	v3 =	vld [tilespmem:s1+$0x14180]  }
0x1a9: {  	v1 =	vadd.f32 v8, v1;
	v2 =	vadd.f32 v5, v2  }
0x1aa: {  	v5 =	vld [tilespmem:s1+$0x14680]  }
0x1ab: {  	v1 =	vadd.f32 v4, v1;
	v2 =	vadd.f32 v6, v2  }
0x1ac: {  	v4 =	vld [tilespmem:s1+$0x14B80]  }
0x1ad: {  	[tilespmem:s0+$0xC580] =	vst v1;
	v1 =	vadd.f32 v3, v2  }
0x1ae: {  	v2 =	vld [tilespmem:s1+$0x15080]  }
0x1af: {  	v1 =	vadd.f32 v5, v1  }
0x1b0: {  	v3 =	vld [tilespmem:s1+$0x15580]  }
0x1b1: {  	v1 =	vadd.f32 v4, v1  }
0x1b2: {  	v4 =	vld [tilespmem:s1+$0x15A80]  }
0x1b3: {  	v1 =	vadd.f32 v2, v1  }
0x1b4: {  	v2 =	vld [tilespmem:s1+$0x15F80]  }
0x1b5: {  	v1 =	vadd.f32 v3, v1;
	_ =	sdelay $0x1  }
0x1b6: {  	v1 =	vadd.f32 v4, v1;
	_ =	sdelay $0x1  }
0x1b7: {  	v1 =	vadd.f32 v2, v1;
	_ =	sdelay $0x1  }
0x1b8: {  	[tilespmem:s1+$0xC580] =	vst v1  }
0x1b9: {  	v1 =	vld [tilespmem:s31+$0x11700]  }
0x1ba: {  	v2 =	vld [tilespmem:s31+$0x11C00];
	_ =	sdelay $0x1  }
0x1bb: {  	v3 =	vld [tilespmem:s31+$0x12100];
	_ =	sdelay $0x1  }
0x1bc: {  	v4 =	vld [tilespmem:s31+$0x12600]  }
0x1bd: {  	v1 =	vadd.f32 v2, v1  }
0x1be: {  	v2 =	vld [tilespmem:s31+$0x12B00]  }
0x1bf: {  	v1 =	vadd.f32 v3, v1  }
0x1c0: {  	v3 =	vld [tilespmem:s31+$0x13000]  }
0x1c1: {  	v1 =	vadd.f32 v4, v1  }
0x1c2: {  	v4 =	vld [tilespmem:s31+$0x13500]  }
0x1c3: {  	v1 =	vadd.f32 v2, v1  }
0x1c4: {  	v2 =	vld [tilespmem:s31+$0x13A00]  }
0x1c5: {  	v5 =	vld [tilespmem:s31+$0x13F00];
	v1 =	vadd.f32 v3, v1  }
0x1c6: {  	v6 =	vld [tilespmem:s30+$0x11700]  }
0x1c7: {  	v3 =	vld [tilespmem:s31+$0x14400];
	v1 =	vadd.f32 v4, v1  }
0x1c8: {  	v4 =	vld [tilespmem:s30+$0x11C00]  }
0x1c9: {  	v7 =	vld [tilespmem:s30+$0x12100];
	v1 =	vadd.f32 v2, v1  }
0x1ca: {  	v2 =	vld [tilespmem:s31+$0x14900]  }
0x1cb: {  	v8 =	vld [tilespmem:s30+$0x12600];
	v1 =	vadd.f32 v5, v1  }
0x1cc: {  	v5 =	vld [tilespmem:s31+$0x14E00]  }
0x1cd: {  	v4 =	vadd.f32 v4, v6;
	v6 =	vld [tilespmem:s30+$0x12B00];
	v1 =	vadd.f32 v3, v1  }
0x1ce: {  	v3 =	vld [tilespmem:s31+$0x15300]  }
0x1cf: {  	v4 =	vadd.f32 v7, v4;
	v7 =	vld [tilespmem:s30+$0x13000];
	v1 =	vadd.f32 v2, v1  }
0x1d0: {  	v2 =	vld [tilespmem:s31+$0x15800]  }
0x1d1: {  	v62 =	vld [tilespmem:s30+$0x13500];
	v4 =	vadd.f32 v8, v4;
	v1 =	vadd.f32 v5, v1  }
0x1d2: {  	v8 =	vld [tilespmem:s31+$0x15D00]  }
0x1d3: {  	v5 =	vadd.f32 v6, v4;
	v4 =	vld [tilespmem:s30+$0x13A00];
	v6 =	vadd.f32 v3, v1  }
0x1d4: {  	v3 =	vld [tilespmem:s31+$0x16200]  }
0x1d5: {  	v1 =	vld [tilespmem:s30+$0x14400];
	v7 =	vadd.f32 v7, v5;
	v63 =	vadd.f32 v2, v6  }
0x1d6: {  	s0 =	simm.s32 $0x20;
	v5 =	vld [tilespmem:s30+$0x13F00]  }
0x1d7: {  	s1 =	simm.s32 $0xC0;
	v2 =	vld [tilespmem:s0+$0x11700];
	v6 =	vadd.f32 v62, v7;
	v7 =	vadd.f32 v8, v63  }
.LBB2_10:
0x1d8: {  	p1 =	sne.s32 s1, $0x9C0;
	v8 =	vld [tilespmem:s0+$0x11C00]  }
0x1d9: {  	v4 =	vadd.f32 v4, v6;
	v6 =	vld [tilespmem:s30+$0x14900];
	v3 =	vadd.f32 v3, v7  }
0x1da: {  	v7 =	vld [tilespmem:s0+$0x12100]  }
0x1db: {  	v4 =	vadd.f32 v5, v4;
	v5 =	vld [tilespmem:s30+$0x14E00];
	[tilespmem:s31+$0xED00] =	vst v3;
	s31 =	smov.u32 s30;
	s30 =	smov.u32 s0  }
0x1dc: {  	v3 =	vld [tilespmem:s30+$0x12600]  }
0x1dd: {  	v2 =	vadd.f32 v8, v2;
	v1 =	vadd.f32 v1, v4;
	v4 =	vld [tilespmem:s31+$0x15300]  }
0x1de: {  	v8 =	vld [tilespmem:s30+$0x12B00]  }
0x1df: {  	v2 =	vadd.f32 v7, v2;
	v1 =	vadd.f32 v6, v1;
	v6 =	vld [tilespmem:s31+$0x15800]  }
0x1e0: {  	v7 =	vld [tilespmem:s30+$0x13000]  }
0x1e1: {  	v2 =	vadd.f32 v3, v2;
	v1 =	vadd.f32 v5, v1;
	v9 =	vld [tilespmem:s31+$0x15D00]  }
0x1e2: {  	v10 =	vld [tilespmem:s30+$0x13500]  }
.Ltmp6:
0x1e3: {  	v2 =	vadd.f32 v8, v2;
	v5 =	vadd.f32 v4, v1;
	v3 =	vld [tilespmem:s31+$0x16200];
	(pc) =	sbr.rel @p1 .LBB2_10-.Ltmp6, $4  }
0x1e4: {  	v4 =	vld [tilespmem:s30+$0x13A00]  }
0x1e5: {  	v7 =	vadd.f32 v7, v2;
	v1 =	vld [tilespmem:s30+$0x14400];
	v8 =	vadd.f32 v6, v5  }
0x1e6: {  	s0 =	sshra.s32 s1, $0x2;
	v5 =	vld [tilespmem:s30+$0x13F00]  }
0x1e7: {  	s1 =	sadd.s32 $0x40, s1;
	v2 =	vld [tilespmem:s0+$0x11700];
	v6 =	vadd.f32 v10, v7;
	v7 =	vadd.f32 v9, v8  }
0x1e8: {  	v8 =	vld [tilespmem:s0+$0x11C00]  }
0x1e9: {  	v9 =	vld [tilespmem:s30+$0x14900];
	v3 =	vadd.f32 v3, v7  }
0x1ea: {  	v52 =	vld [tilespmem:s0+$0x12100]  }
0x1eb: {  	v10 =	vld [tilespmem:s30+$0x14E00];
	v4 =	vadd.f32 v4, v6;
	[tilespmem:s31+$0xED00] =	vst v3  }
0x1ec: {  	v3 =	vld [tilespmem:s0+$0x12600]  }
0x1ed: {  	v4 =	vadd.f32 v5, v4;
	v2 =	vadd.f32 v8, v2  }
0x1ee: {  	v53 =	vld [tilespmem:s0+$0x12B00]  }
0x1ef: {  	v54 =	vld [tilespmem:s30+$0x15300];
	v1 =	vadd.f32 v1, v4;
	v2 =	vadd.f32 v52, v2  }
0x1f0: {  	v55 =	vld [tilespmem:s0+$0x13000]  }
0x1f1: {  	v56 =	vld [tilespmem:s30+$0x15800];
	v1 =	vadd.f32 v9, v1;
	v2 =	vadd.f32 v3, v2  }
0x1f2: {  	v3 =	vld [tilespmem:s0+$0x13500]  }
0x1f3: {  	v57 =	vld [tilespmem:s30+$0x15D00];
	v1 =	vadd.f32 v10, v1;
	v2 =	vadd.f32 v53, v2  }
0x1f4: {  	v58 =	vld [tilespmem:s0+$0x13A00]  }
0x1f5: {  	v59 =	vld [tilespmem:s30+$0x16200];
	v1 =	vadd.f32 v54, v1;
	v2 =	vadd.f32 v55, v2  }
0x1f6: {  	v60 =	vld [tilespmem:s0+$0x13F00]  }
0x1f7: {  	v1 =	vadd.f32 v56, v1;
	v2 =	vadd.f32 v3, v2  }
0x1f8: {  	v3 =	vld [tilespmem:s0+$0x14400]  }
0x1f9: {  	v1 =	vadd.f32 v57, v1;
	v2 =	vadd.f32 v58, v2  }
0x1fa: {  	v61 =	vld [tilespmem:s0+$0x14900]  }
0x1fb: {  	v1 =	vadd.f32 v59, v1;
	v2 =	vadd.f32 v60, v2  }
0x1fc: {  	v62 =	vld [tilespmem:s0+$0x14E00]  }
0x1fd: {  	[tilespmem:s30+$0xED00] =	vst v1;
	v1 =	vadd.f32 v3, v2  }
0x1fe: {  	v2 =	vld [tilespmem:s0+$0x15300]  }
0x1ff: {  	v1 =	vadd.f32 v61, v1  }
0x200: {  	v3 =	vld [tilespmem:s0+$0x15800]  }
0x201: {  	v1 =	vadd.f32 v62, v1  }
0x202: {  	v63 =	vld [tilespmem:s0+$0x15D00]  }
0x203: {  	v1 =	vadd.f32 v2, v1  }
0x204: {  	v2 =	vld [tilespmem:s0+$0x16200]  }
0x205: {  	v1 =	vadd.f32 v3, v1;
	_ =	sdelay $0x1  }
0x206: {  	v1 =	vadd.f32 v63, v1;
	_ =	sdelay $0x1  }
0x207: {  	v1 =	vadd.f32 v2, v1;
	_ =	sdelay $0x1  }
0x208: {  	s1 =	simm.s32 @p0 $0xC580;
	s3 =	rddreg [dreg:$0x15];
	[tilespmem:s0+$0xED00] =	vst v1;
	s0 =	simm.s32 @p0 $0x0  }
0x209: {  	[hbm4b:s3+s0] =	stream.linear.scatter @p0 [tilespmem:s1], [sflag:$0x3], $0x280, $0x38;
	[tilespmem:$0x1B2A0] =	vst v63  }
0x20a: {  	s1 =	simm.s32 @p0 $0x3  }
0x20b: {  	_ =	swait.ge @p0 [sflag:s1], $0x280  }
0x20c: {  	[sflag:s1] =	ssyncset.done @p0 $0x0  }
0x20d: {  	s3 =	simm.s32 @p0 $0xED00;
	s4 =	rddreg [dreg:$0x16];
	[sflag:s1] =	ssyncadd.s32 @p0 $0xFFFFFD80  }
0x20e: {  	[hbm4b:s4+s0] =	stream.linear.scatter @p0 [tilespmem:s3], [sflag:$0x3], $0x280, $0x38;
	[tilespmem:$0x1B2A0] =	vst v63  }
0x20f: {  	_ =	swait.ge @p0 [sflag:s1], $0x280  }
0x210: {  	[sflag:s1] =	ssyncset.done @p0 $0x0  }
0x211: {  	s0 =	simm.s32 @!p0 $0x0;
	[sflag:s1] =	ssyncadd.s32 @p0 $0xFFFFFD80;
	s1 =	simm.s32 @!p0 $0xC580  }
0x212: {  	[hbm4b:s20+s0] =	stream.linear.scatter @!p0 [tilespmem:s1], [sflag:$0x3], $0x270, $0x38;
	[tilespmem:$0x1B2A0] =	vst v63  }
0x213: {  	s1 =	simm.s32 @!p0 $0x3  }
0x214: {  	_ =	swait.ge @!p0 [sflag:s1], $0x270  }
0x215: {  	[sflag:s1] =	ssyncset.done @!p0 $0x0  }
0x216: {  	s3 =	simm.s32 @!p0 $0xED00;
	[sflag:s1] =	ssyncadd.s32 @!p0 $0xFFFFFD90  }
0x217: {  	[hbm4b:s19+s0] =	stream.linear.scatter @!p0 [tilespmem:s3], [sflag:$0x3], $0x270, $0x38;
	[tilespmem:$0x1B2A0] =	vst v63  }
0x218: {  	_ =	swait.ge @!p0 [sflag:s1], $0x270  }
0x219: {  	s22 =	sadd.s32 $0x1, s22;
	s31 =	rddreg [dreg:$0x17]  }
0x21a: {  	p1 =	sne.s32 s22, s31  }
.Ltmp7:
0x21b: {  	_ = 	snop;
	(pc) =	sbr.rel @p1 .LBB2_1-.Ltmp7, $3  }
0x21c: {  	_ =	sdelay $0x1  }
0x21d: {  	[sflag:s1] =	ssyncset.done @!p0 $0x0  }
0x21e: {  	[sflag:s1] =	ssyncadd.s32 @!p0 $0xFFFFFD90  }
0x21f: {  	_ =	sfence.sel $0x180000  }
0x220: {  	[bflag:$0x0] =	sbarrier.arrive $0xFFFF  }
0x221: {  	_ =	strace $0x9000004A  }
0x222: {  	s0 =	stileid.u32;
	[bflag:$0x2] =	sbarrier.arrive $0xFFFF  }
0x223: {  	p0 =	sne.s32 s0, $0x0;
	s0 =	rddreg [dreg:$0x2]  }
0x224: {  	s0 =	sadd.s32 @!p0 $0x100000, s0  }
0x225: {  	[sflag:s0] =	ssyncadd.tile.s32 @!p0 $0x1;
	_ =	shalt  }
.Lfunc_end2:
_tile_overlayer_lowered:
.L_overlay_start_2:
0x226: {  	(tag) =	ssettag $0x2  }
0x227: {  	s0 =	rddreg [dreg:$0x0];
	s2 =	stileid.u32  }
0x228: {  	s1 =	rddreg [dreg:$0x1];
	p0 =	sne.s32 s2, $0x0  }
0x229: {  	s3 =	rddreg [dreg:$0x2];
	[bflag:$0x3] =	sbarrier.arrive $0xFFFF;
	s2 =	simm.s32 @!p0 $0x1C03  }
0x22a: {  	[timem:s3], [sflag:s2] =	dma.local @!p0 [hbm:s0], s1  }
0x22b: {  	s0 =	simm.s32 @!p0 $0x3  }
0x22c: {  	_ =	swait.ge @!p0 [sflag:s0], s1  }
0x22d: {  	s1 =	ssub.s32 @!p0 $0x0, s1;
	[sflag:s0] =	ssyncset.done @!p0 $0x0  }
0x22e: {  	[sflag:s0] =	ssyncadd.s32 @!p0 s1  }
0x22f: {  	[bflag:$0x3] =	sbarrier.arrive $0xFFFF  }
0x230: {  	_ =	shalt  }

// kernel: kernel.7.cloned.1.call-start
scs
__scs_entry_jumppad:
0x0: {  	(pc) =	sbr.rel $0x88, $3  }
0x1: {  	(tag) =	ssettag $0x0;
	lr =	simm.s32 $0x1  }
0x2: {  	[smem:$0x3F97] =	sst lr;
	_ =	strace $0xD0000000  }
0x3: {  	_ = 	snop  }
0x4: {  	_ = 	snop  }
0x5: {  	_ = 	snop  }
0x6: {  	_ = 	snop  }
0x7: {  	_ = 	snop  }
__scs_overlays_trampoline_lowered:
0x8: {  	[smem:$0x3FA6] =	sst s0  }
0x9: {  	[smem:$0x3FA7] =	sst s1  }
0xa: {  	[smem:$0x3FA8] =	sst s2  }
0xb: {  	[smem:$0x3FA9] =	sst s3  }
0xc: {  	[smem:$0x3FAA] =	sst s4  }
0xd: {  	[smem:$0x3FAB] =	sst s5  }
0xe: {  	[smem:$0x3FAC] =	sst s6  }
0xf: {  	[smem:$0x3FAD] =	sst s7  }
0x10: {  	[smem:$0x3FAE] =	sst s8  }
0x11: {  	[smem:$0x3FAF] =	sst s9;
	s0 =	simm.s32 @!p0 $0x0  }
0x12: {  	s1 =	sld [smem:$0x3F95];
	s0 =	simm.s32 @p0 $0x1  }
0x13: {  	[smem:$0x3FB0] =	sst s0;
	s0 =	simm.s32 @!p1 $0x0  }
0x14: {  	s2 =	sld [smem:$0x3F94];
	s0 =	simm.s32 @p1 $0x1  }
0x15: {  	[smem:$0x3FB1] =	sst s0;
	s0 =	simm.s32 @!p2 $0x0  }
0x16: {  	s3 =	sld [smem:$0x3FDB];
	s0 =	simm.s32 @p2 $0x1  }
0x17: {  	s4 =	simm.s32 $0x1BF5;
	[smem:$0x3FB3] =	sst s0  }
0x18: {  	s0 =	sld [smem:$0x3F96];
	_ =	swait.ge [sflag:s4], $0x0  }
0x19: {  	s7 =	sld [smem:$0x3F97]  }
0x1a: {  	s8 =	sadd.s32 $0xFFFFE003, lr  }
0x1b: {  	s9 =	sadd.s32 $0xFFFFFEF7, lr;
	s5 =	simm.s32 $0xFFFFFFFF;
	p2 =	slt.u32 s8, $0xFFFFF086  }
0x1c: {  	p1 =	slt.u32 s9, $0xF7A;
	s5 =	simm.s32 @!p2 $0x0  }
0x1d: {  	s5 =	simm.s32 @p1 $0x1;
	p0 =	seq.s32 s7, s2  }
0x1e: {  	s7 =	smul.u32 @!p0 $0xF7A, s2;
	p2 =	seq.s32 @!p0 s5, $0x0  }
0x1f: {  	s9 =	smul.u32 $0xF7A, s1;
	s8 =	simm.s32 @!p0 $0x1BF5;
	p2 =	por !p2, p0  }
0x20: {  	[sflag:s8] =	ssyncset.s32 @!p0 $0xFFFFF086;
	s6 =	sadd.s32 @!p0 s3, s7;
	s7 =	simm.s32 @!p0 $0x108  }
0x21: {  	s3 =	sadd.s32 s3, s9;
	s6 =	sadd.s32 @!p0 $0x88, s6;
	s7 =	simm.s32 @p2 $0x1082  }
0x22: {  	[simem:s7], [sflag:s8] =	dma.local @!p0 [hbm:s6], $0xF7A  }
0x23: {  	s9 =	sor.u32 $0xD0000000, s2;
	s6 =	simm.s32 $0x108;
	_ =	swait.ge @!p0 [sflag:s8], $0x0  }
0x24: {  	s3 =	sadd.s32 $0x88, s3;
	s6 =	simm.s32 @!p1 $0x1082;
	[sflag:s4] =	ssyncset.s32 $0xFFFFF086  }
0x25: {  	[simem:s6], [sflag:s4] =	dma.local [hbm:s3], $0xF7A  }
0x26: {  	[smem:$0x3F97] =	sst s1;
	(tag) =	ssettag s2;
	_ =	strace s9  }
0x27: {  	s1 =	sld [smem:$0x3FA7]  }
0x28: {  	s2 =	sld [smem:$0x3FA8]  }
0x29: {  	s4 =	sld [smem:$0x3FAA]  }
0x2a: {  	p0 =	seq.s32 s5, $0x0;
	s5 =	sld [smem:$0x3FAB]  }
0x2b: {  	s6 =	sld [smem:$0x3FAC]  }
0x2c: {  	s7 =	sld [smem:$0x3FAD]  }
0x2d: {  	s3 =	simm.s32 $0x108;
	s8 =	sld [smem:$0x3FAE]  }
0x2e: {  	s3 =	simm.s32 @!p0 $0x1082;
	s9 =	sld [smem:$0x3FAF]  }
0x2f: {  	lr =	sadd.s32 s0, s3;
	s0 =	sld [smem:$0x3FA6]  }
0x30: {  	s3 =	sld [smem:$0x3FA9]  }
0x31: {  	[smem:$0x3FB2] =	sst s10  }
0x32: {  	s10 =	sld [smem:$0x3FB0];
	_ =	sdelay $0x3  }
0x33: {  	p0 =	seq.s32 s10, $0x1;
	s10 =	sld [smem:$0x3FB2];
	_ =	sdelay $0x3  }
0x34: {  	[smem:$0x3FB2] =	sst s10  }
0x35: {  	s10 =	sld [smem:$0x3FB1];
	_ =	sdelay $0x3  }
0x36: {  	p1 =	seq.s32 s10, $0x1;
	s10 =	sld [smem:$0x3FB2];
	_ =	sdelay $0x3  }
0x37: {  	[smem:$0x3FB2] =	sst s10  }
0x38: {  	s10 =	sld [smem:$0x3FB3]  }
0x39: {  	_ = 	snop;
	(pc) =	sbr.ind lr, $3  }
0x3a: {  	_ = 	snop  }
0x3b: {  	_ = 	snop  }
0x3c: {  	p2 =	seq.s32 s10, $0x1;
	s10 =	sld [smem:$0x3FB2]  }
0x3d: {  	_ =	shalt  }
0x3e: {  	_ =	shalt  }
0x3f: {  	_ =	shalt  }
0x40: {  	_ =	shalt  }
0x41: {  	_ =	shalt  }
0x42: {  	_ =	shalt  }
0x43: {  	_ =	shalt  }
0x44: {  	_ =	shalt  }
0x45: {  	_ =	shalt  }
0x46: {  	_ =	shalt  }
0x47: {  	_ =	shalt  }
0x48: {  	_ =	shalt  }
0x49: {  	_ =	shalt  }
0x4a: {  	_ =	shalt  }
0x4b: {  	_ =	shalt  }
0x4c: {  	_ =	shalt  }
0x4d: {  	_ =	shalt  }
0x4e: {  	_ =	shalt  }
0x4f: {  	_ =	shalt  }
0x50: {  	_ =	shalt  }
0x51: {  	_ =	shalt  }
0x52: {  	_ =	shalt  }
0x53: {  	_ =	shalt  }
0x54: {  	_ =	shalt  }
0x55: {  	_ =	shalt  }
0x56: {  	_ =	shalt  }
0x57: {  	_ =	shalt  }
0x58: {  	_ =	shalt  }
0x59: {  	_ =	shalt  }
0x5a: {  	_ =	shalt  }
0x5b: {  	_ =	shalt  }
0x5c: {  	_ =	shalt  }
0x5d: {  	_ =	shalt  }
0x5e: {  	_ =	shalt  }
0x5f: {  	_ =	shalt  }
0x60: {  	_ =	shalt  }
0x61: {  	_ =	shalt  }
0x62: {  	_ =	shalt  }
0x63: {  	_ =	shalt  }
0x64: {  	_ =	shalt  }
0x65: {  	_ =	shalt  }
0x66: {  	_ =	shalt  }
0x67: {  	_ =	shalt  }
0x68: {  	_ =	shalt  }
0x69: {  	_ =	shalt  }
0x6a: {  	_ =	shalt  }
0x6b: {  	_ =	shalt  }
0x6c: {  	_ =	shalt  }
0x6d: {  	_ =	shalt  }
0x6e: {  	_ =	shalt  }
0x6f: {  	_ =	shalt  }
0x70: {  	_ =	shalt  }
0x71: {  	_ =	shalt  }
0x72: {  	_ =	shalt  }
0x73: {  	_ =	shalt  }
0x74: {  	_ =	shalt  }
0x75: {  	_ =	shalt  }
0x76: {  	_ =	shalt  }
0x77: {  	_ =	shalt  }
0x78: {  	_ =	shalt  }
0x79: {  	_ =	shalt  }
0x7a: {  	_ =	shalt  }
0x7b: {  	_ =	shalt  }
0x7c: {  	_ =	shalt  }
0x7d: {  	_ =	shalt  }
0x7e: {  	_ =	shalt  }
0x7f: {  	_ =	shalt  }
0x80: {  	_ =	shalt  }
0x81: {  	_ =	shalt  }
0x82: {  	_ =	shalt  }
0x83: {  	_ =	shalt  }
0x84: {  	_ =	shalt  }
0x85: {  	_ =	shalt  }
0x86: {  	_ =	shalt  }
0x87: {  	_ =	shalt  }
.Lfunc_end0:
.L_simem_size_0:
called_computation_lowered:
.L_overlay_start_0:
0x88: {  	s2 =	sld [smem:$0x3FD9]  }
0x89: {  	s3 =	sld [smem:$0x3FFE];
	_ =	sdelay $0x1  }
0x8a: {  	s1 =	srdreg.scid  }
0x8b: {  	s0 =	sand.u32 $0x1, s1  }
0x8c: {  	s16 =	sshll.u32 s0, $0xA;
	s2 =	sadd.s32 s3, s2  }
0x8d: {  	s2 =	sadd.s32 s2, s16  }
0x8e: {  	[smem:$0x3FBE] =	sst s2  }
0x8f: {  	_ = 	snop  }
0x90: {  	(tm) =	ssettm $0x1  }
0x91: {  	s17 =	sld [smem:$0x3FFB];
	_ =	sdelay $0x3  }
0x92: {  	_ =	strace s17  }
0x93: {  	s2 =	sld [smem:$0x3FFC];
	_ =	sdelay $0x3  }
0x94: {  	_ =	strace s2  }
0x95: {  	s2 =	sld [smem:$0x3FFD];
	_ =	sdelay $0x3  }
0x96: {  	_ =	strace s2  }
0x97: {  	_ =	strace $0x8FFFFFFF  }
0x98: {  	s18 =	sld [smem:$0x3FDB];
	_ =	sdelay $0x1  }
0x99: {  	s19 =	simm.s32 $_scs_section_size  }
0x9a: {  	s4 =	simm.s32 $_size__tile_overlayer_lowered;
	s5 =	simm.s32 $_tile_overlayer_lowered  }
0x9b: {  	s22 =	simm.s32 $0x1BFF;
	s21 =	sshll.u32 s5, $0x1;
	s2 =	sadd.s32 s19, s18  }
0x9c: {  	s6 =	simm.s32 $0x0;
	s20 =	sshll.u32 s4, $0x1;
	s4 =	sadd.s32 s21, s2  }
0x9d: {  	[timem:s6], [sflag:s22] =	dma.local [hbm:s4], s20  }
0x9e: {  	_ =	swait.ge [sflag:s22], s20  }
0x9f: {  	s3 =	ssub.s32 $0x0, s20;
	[sflag:s22] =	ssyncset.done $0x0  }
0xa0: {  	[sflag:s22] =	ssyncadd.s32 s3;
	_ =	sdelay $0x1  }
0xa1: {  	s23 =	simm.s32 $0x1B8B  }
0xa2: {  	_ =	swait.ge [sflag:s23], $0x1  }
0xa3: {  	[sflag:s23] =	ssyncset.done $0x0  }
0xa4: {  	s25 =	simm.s32 $0x1B8E;
	s24 =	sld [smem:$0x3FFE];
	[sflag:s23] =	ssyncadd.s32 $0xFFFFFFFF  }
0xa5: {  	s26 =	simm.s32 $execute0_lowered;
	[smem:$0x3FD2] =	sst s25  }
0xa6: {  	s4 =	sshll.u32 s26, $0x1;
	_ =	strace $0x80000046;
	[dreg:$0x1] =	wrdreg $0xFFFFFFFF  }
0xa7: {  	s28 =	simm.s32 $_size_execute0_lowered;
	s2 =	sadd.s32 s2, s4;
	[dreg:$0x0] =	wrdreg $0x0  }
0xa8: {  	s4 =	sshll.u32 s28, $0x1;
	[dreg:$0x2] =	wrdreg s2  }
0xa9: {  	[dreg:$0x3] =	wrdreg s4  }
0xaa: {  	[dreg:$0x4] =	wrdreg $0xC0  }
0xab: {  	_ =	task [dreg:s6], $0x5FFFF  }
0xac: {  	[dreg:$0x1] =	wrdreg $0xFFFFFFFF  }
0xad: {  	[dreg:$0x0] =	wrdreg $0x60  }
0xae: {  	[dreg:$0x2] =	wrdreg s24  }
0xaf: {  	[dreg:$0x3] =	wrdreg $0x106D00  }
0xb0: {  	[dreg:$0x4] =	wrdreg $0x9  }
0xb1: {  	_ =	task.clear_ibuf [dreg:s6], $0x5FFFF;
	_ =	strace $0x90000046  }
0xb2: {  	s29 =	simm.s32 $0x9;
	_ =	strace $0x80000048  }
0xb3: {  	_ =	swait.ge [sflag:s29], $0x1  }
0xb4: {  	[sflag:s29] =	ssyncadd.s32 $0xFFFFFFFF  }
0xb5: {  	_ =	strace $0x90000048  }
0xb6: {  	_ =	sfence  }
0xb7: {  	s30 =	sld [smem:$0x0];
	_ =	sdelay $0x2  }
0xb8: {  	s31 =	sshll.u32 s1, $0xD;
	s1 =	sshrl.u32 s1, $0x2  }
0xb9: {  	s3 =	sand.u32 $0x4000, s31;
	s1 =	sadd.s32 s1, s30  }
0xba: {  	s0 =	sor.u32 s3, s0;
	s1 =	sshll.u32 s1, $0x11  }
0xbb: {  	s0 =	sor.u32 s1, s0  }
0xbc: {  	s0 =	sadd.s32 $0x8F2B, s0  }
0xbd: {  	[sflag:s0] =	ssyncadd.remote.s32 $0x1  }
0xbe: {  	_ =	sfence.sel $0xFFFF  }
0xbf: {  	[dreg:$0x0] =	wrdreg $0xFFFFFFFF;
	(pc) =	sbr.abs _section_cstart, $3  }
0xc0: {  	[dreg:$0x1] =	wrdreg $0xFFFFFFFF  }
0xc1: {  	_ =	task.clear_ibuf [dreg:s6], $0x2FFFF;
	_ =	strace $0x9FFFFFFF  }
0xc2: {  	(tm) =	ssettm $0x7FFFFFFF  }
0xc3: {  	_ =	shalt  }
tec
execute0_lowered:
.L_overlay_start_1:
0x0: {  	(tag) =	ssettag $0x1  }
0x1: {  	s0 =	rddreg [dreg:$0x0]  }
0x2: {  	s1 =	rddreg [dreg:$0x1];
	s12 =	stileid.u32  }
0x3: {  	s2 =	srdreg.scid;
	s3 =	simm.s32 $0x0;
	s9 =	smul.u32 $0x30D40, s12  }
0x4: {  	s2 =	sand.u32 $0x1, s2;
	[smem:$0x7FF] =	sst s3;
	s16 =	smul.u32 $0x13800, s12  }
0x5: {  	s5 =	sadd.s32 $0x24400, s0;
	s21 =	smul.u32 $0x30C00, s12;
	s9 =	sshrl.u32 s9, $0x2  }
0x6: {  	p1 =	seq.s32 s12, $0xF;
	s4 =	sshll.u32 s2, $0x4;
	s9 =	sadd.s32 s9, s1  }
0x7: {  	_ =	strace $0x80000047;
	s8 =	ssub.s32 $0x2, s2;
	s13 =	sadd.s32 $0xFA0, s9  }
0x8: {  	s2 =	smul.u32 $0x138800, s2;
	s14 =	sadd.s32 $0x1770, s9;
	[dreg:$0x6] =	wrdreg s13  }
0x9: {  	s7 =	sor.u32 s12, s4;
	s15 =	sadd.s32 $0x1F40, s9;
	[dreg:$0x7] =	wrdreg s14  }
0xa: {  	s4 =	sadd.s32 $0xBC00, s0;
	s17 =	sadd.s32 $0x2710, s9;
	[dreg:$0x8] =	wrdreg s15  }
0xb: {  	s31 =	sshrl.u32 s8, $0x1;
	s18 =	sadd.s32 $0x2EE0, s9;
	[dreg:$0x9] =	wrdreg s17  }
0xc: {  	s23 =	sshrl.u32 s21, $0x2;
	s19 =	sadd.s32 $0x36B0, s9;
	[dreg:$0xa] =	wrdreg s18  }
0xd: {  	s6 =	smul.u32 $0x4F0, s7;
	s20 =	sadd.s32 $0x3E80, s9;
	[dreg:$0xb] =	wrdreg s19  }
0xe: {  	s8 =	ssub.s32 s8, s31;
	s22 =	sadd.s32 $0x4E20, s9;
	[dreg:$0xc] =	wrdreg s20  }
0xf: {  	p0 =	seq.s32 s7, $0x1F;
	s24 =	sadd.s32 $0x55F0, s9;
	[dreg:$0xe] =	wrdreg s22  }
0x10: {  	s25 =	smax.u32 s8, $0x1;
	s26 =	sadd.s32 $0x5DC0, s9;
	[dreg:$0x10] =	wrdreg s24  }
0x11: {  	s28 =	sadd.s32 $0x6590, s9;
	s29 =	sadd.s32 $0x6D60, s9;
	[dreg:$0x12] =	wrdreg s25  }
0x12: {  	s30 =	sadd.s32 $0x7530, s9;
	s31 =	sadd.s32 $0x7D00, s9;
	[dreg:$0x15] =	wrdreg s26  }
0x13: {  	s8 =	sadd.s32 $0x9C40, s9;
	s12 =	sadd.s32 $0xB3B0, s9;
	[dreg:$0x16] =	wrdreg s28  }
0x14: {  	s10 =	sadd.s32 s6, s0;
	s0 =	sadd.s32 $0x33200, s0;
	[dreg:$0x17] =	wrdreg s29  }
0x15: {  	s6 =	smul.u32 $0x4F, s7;
	s13 =	sadd.s32 $0x4650, s9;
	[dreg:$0x18] =	wrdreg s30  }
0x16: {  	s7 =	sadd.s32 $0xB6D00, s1;
	[dreg:$0x19] =	wrdreg s31;
	s15 =	simm.s32 $0xFF00  }
0x17: {  	s17 =	simm.s32 $0x2;
	s11 =	sadd.s32 $0x1E00, s10;
	[dreg:$0xd] =	wrdreg s13  }
0x18: {  	s18 =	simm.s32 $0x80;
	s10 =	sadd.s32 $0x29400, s10;
	[dreg:$0x3] =	wrdreg s11  }
0x19: {  	s13 =	sadd.s32 $0xBB80, s9;
	[dreg:$0x4] =	wrdreg s10;
	s11 =	sadd.s32 $0x7D0, s9  }
0x1a: {  	s10 =	sadd.s32 s16, s2;
	s2 =	sshrl.u32 s2, $0x3;
	s16 =	simm.s32 $0x1  }
0x1b: {  	[dreg:$0x5] =	wrdreg s11;
	s10 =	sshrl.u32 s10, $0x3;
	s11 =	sadd.s32 $0xABE0, s9  }
.Ltmp0:
0x1c: {  	s10 =	sadd.s32 s0, s10;
	s0 =	sadd.s32 s0, s2;
	(pc) =	sbr.rel .LBB2_1-.Ltmp0, $4  }
0x1d: {  	s2 =	sadd.s32 s23, s1;
	[dreg:$0xf] =	wrdreg s10;
	s0 =	sadd.s32 $0x24900, s0  }
0x1e: {  	s10 =	sadd.s32 $0xA410, s9;
	[dreg:$0x11] =	wrdreg s0;
	s0 =	sshrl.u32 @p1 s7, $0x3  }
0x1f: {  	v1 =	vlaneseq.u32;
	s7 =	sadd.s32 $0x9470, s9;
	[dreg:$0x13] =	wrdreg s0;
	s0 =	sshrl.u32 @!p1 s2, $0x3  }
0x20: {  	v0 =	vimm.f32 $0.0e+00;
	v1 =	vand.u32 $0x7, v1;
	s2 =	sadd.s32 $0x8CA0, s9;
	[dreg:$0x14] =	wrdreg s0;
	s0 =	sadd.s32 $0x84D0, s9  }
.LBB2_9:
0x21: {  	s14 =	simm.s32 @!p0 $0x4  }
0x22: {  	_ =	swait.ge @!p0 [sflag:s14], $0x2800  }
0x23: {  	[sflag:s14] =	ssyncset.done @!p0 $0x0  }
0x24: {  	[sflag:s14] =	ssyncadd.s32 @!p0 $0xFFFFD800;
	s14 =	simm.s32 @!p0 $0x3  }
0x25: {  	_ =	swait.ge @!p0 [sflag:s14], $0x2800  }
0x26: {  	[sflag:s14] =	ssyncset.done @!p0 $0x0  }
0x27: {  	[sflag:s14] =	ssyncadd.s32 @!p0 $0xFFFFD800  }
0x28: {  	[bflag:$0x0] =	sbarrier.arrive $0xFFFF  }
0x29: {  	s19 =	simm.s32 @p1 $0x10;
	s20 =	simm.s32 @p1 $0xA;
	s22 =	rddreg [dreg:$0x11]  }
0x2a: {  	s21 =	simm.s32 @p1 $0x1FC5;
	s14 =	simm.s32 @p1 $0x1;
	s23 =	rddreg [dreg:$0x13]  }
0x2b: {  	[hbm:s22@s19], [sflag:s21] =	dma.strided @p1 [spmem:s23@s20], $0x1900, s14, $0xa   }
0x2c: {  	s14 =	simm.s32 @p1 $0x5  }
0x2d: {  	s19 =	stileid.u32;
	_ =	swait.ge @p1 [sflag:s14], $0x1900  }
0x2e: {  	s20 =	simm.s32 @!p1 $0x10;
	s21 =	simm.s32 @!p1 $0xA;
	s22 =	rddreg [dreg:$0xf]  }
0x2f: {  	s19 =	sshll.u32 @!p1 s19, $0x6;
	[sflag:s14] =	ssyncset.done @p1 $0x0;
	s23 =	rddreg [dreg:$0x14]  }
0x30: {  	[sflag:s14] =	ssyncadd.s32 @p1 $0xFFFFE700;
	s14 =	sor.u32 @!p1 $0x1C05, s19;
	s19 =	simm.s32 @!p1 $0x1  }
0x31: {  	[hbm:s22@s20], [sflag:s14] =	dma.strided @!p1 [spmem:s23@s21], $0x1860, s19, $0xa   }
0x32: {  	s14 =	simm.s32 @!p1 $0x5  }
0x33: {  	_ =	swait.ge @!p1 [sflag:s14], $0x1860  }
0x34: {  	s3 =	sadd.s32 $0x1, s3;
	s31 =	rddreg [dreg:$0x12]  }
0x35: {  	p2 =	sne.s32 s3, s31  }
.Ltmp1:
0x36: {  	_ = 	snop;
	(pc) =	sbr.rel @!p2 .LBB2_10-.Ltmp1, $3  }
0x37: {  	_ =	sdelay $0x1  }
0x38: {  	[sflag:s14] =	ssyncset.done @!p1 $0x0  }
0x39: {  	[sflag:s14] =	ssyncadd.s32 @!p1 $0xFFFFE7A0  }
.LBB2_1:
0x3a: {  	s19 =	simm.s32 $0x140;
	s14 =	simm.s32 $0x0  }
.LBB2_2:
0x3b: {  	p2 =	sne.s32 s19, $0x1E00;
	[tilespmem:s14+$0xFF40] =	vst v0;
	s20 =	smov.u32 s19;
	s19 =	sadd.s32 $0x140, s19  }
.Ltmp2:
0x3c: {  	[tilespmem:s14+$0xFF30] =	vst v0;
	(pc) =	sbr.rel @p2 .LBB2_2-.Ltmp2, $4  }
0x3d: {  	[tilespmem:s14+$0xFF20] =	vst v0  }
0x3e: {  	[tilespmem:s14+$0xFF00] =	vst v0  }
0x3f: {  	[tilespmem:s14+$0xFF10] =	vst v0  }
0x40: {  	s14 =	sshra.s32 s20, $0x2  }
0x41: {  	[tilespmem:s14+$0xFF40] =	vst v0  }
0x42: {  	[tilespmem:s14+$0xFF30] =	vst v0  }
0x43: {  	[tilespmem:s14+$0xFF20] =	vst v0  }
0x44: {  	[tilespmem:s14+$0xFF00] =	vst v0  }
0x45: {  	[tilespmem:s14+$0xFF10] =	vst v0;
	s19 =	simm.s32 $0x0;
	s21 =	rddreg [dreg:$0x3]  }
0x46: {  	[tilespmem:s19], [sflag:$0x1] =	stream.linear.gather [hbm4b:s21+s19], $0x2780, $0x38;
	[tilespmem:$0x1CA20] =	vst v63  }
0x47: {  	s22 =	rddreg [dreg:$0x4];
	s20 =	simm.s32 $0x2780  }
0x48: {  	[tilespmem:s20], [sflag:$0x1] =	stream.linear.gather [hbm4b:s22+s19], $0x2780, $0x38;
	[tilespmem:$0x1CA20] =	vst v63  }
0x49: {  	_ = 	snop  }
0x4a: {  	[spmem:s9] =	stream.linear.scatter [tilespmem:s15], [sflag:$0x2], $0x7D0, $0x38;
	[tilespmem:$0x1CA20] =	vst v63  }
0x4b: {  	s23 =	rddreg [dreg:$0x5]  }
0x4c: {  	[spmem:s23] =	stream.linear.scatter [tilespmem:s15], [sflag:$0x2], $0x7D0, $0x38;
	[tilespmem:$0x1CA20] =	vst v63  }
0x4d: {  	s24 =	rddreg [dreg:$0x6]  }
0x4e: {  	[spmem:s24] =	stream.linear.scatter [tilespmem:s15], [sflag:$0x2], $0x7D0, $0x38;
	[tilespmem:$0x1CA20] =	vst v63  }
0x4f: {  	s25 =	rddreg [dreg:$0x7]  }
0x50: {  	[spmem:s25] =	stream.linear.scatter [tilespmem:s15], [sflag:$0x2], $0x7D0, $0x38;
	[tilespmem:$0x1CA20] =	vst v63  }
0x51: {  	s26 =	rddreg [dreg:$0x8]  }
0x52: {  	[spmem:s26] =	stream.linear.scatter [tilespmem:s15], [sflag:$0x2], $0x7D0, $0x38;
	[tilespmem:$0x1CA20] =	vst v63  }
0x53: {  	s28 =	rddreg [dreg:$0x9]  }
0x54: {  	[spmem:s28] =	stream.linear.scatter [tilespmem:s15], [sflag:$0x2], $0x7D0, $0x38;
	[tilespmem:$0x1CA20] =	vst v63  }
0x55: {  	s29 =	rddreg [dreg:$0xa]  }
0x56: {  	[spmem:s29] =	stream.linear.scatter [tilespmem:s15], [sflag:$0x2], $0x7D0, $0x38;
	[tilespmem:$0x1CA20] =	vst v63  }
0x57: {  	s30 =	rddreg [dreg:$0xb]  }
0x58: {  	[spmem:s30] =	stream.linear.scatter [tilespmem:s15], [sflag:$0x2], $0x7D0, $0x38;
	[tilespmem:$0x1CA20] =	vst v63  }
0x59: {  	s31 =	rddreg [dreg:$0xc]  }
0x5a: {  	[spmem:s31] =	stream.linear.scatter [tilespmem:s15], [sflag:$0x2], $0x7D0, $0x38;
	[tilespmem:$0x1CA20] =	vst v63  }
0x5b: {  	s21 =	rddreg [dreg:$0xd]  }
0x5c: {  	[spmem:s21] =	stream.linear.scatter [tilespmem:s15], [sflag:$0x2], $0x7D0, $0x38;
	[tilespmem:$0x1CA20] =	vst v63  }
0x5d: {  	s22 =	rddreg [dreg:$0xe]  }
0x5e: {  	[spmem:s22] =	stream.linear.scatter [tilespmem:s15], [sflag:$0x2], $0x7D0, $0x38;
	[tilespmem:$0x1CA20] =	vst v63  }
0x5f: {  	s23 =	rddreg [dreg:$0x10]  }
0x60: {  	[spmem:s23] =	stream.linear.scatter [tilespmem:s15], [sflag:$0x2], $0x7D0, $0x38;
	[tilespmem:$0x1CA20] =	vst v63  }
0x61: {  	s24 =	rddreg [dreg:$0x15]  }
0x62: {  	[spmem:s24] =	stream.linear.scatter [tilespmem:s15], [sflag:$0x2], $0x7D0, $0x38;
	[tilespmem:$0x1CA20] =	vst v63  }
0x63: {  	s25 =	rddreg [dreg:$0x16]  }
0x64: {  	[spmem:s25] =	stream.linear.scatter [tilespmem:s15], [sflag:$0x2], $0x7D0, $0x38;
	[tilespmem:$0x1CA20] =	vst v63  }
0x65: {  	s26 =	rddreg [dreg:$0x17]  }
0x66: {  	[spmem:s26] =	stream.linear.scatter [tilespmem:s15], [sflag:$0x2], $0x7D0, $0x38;
	[tilespmem:$0x1CA20] =	vst v63  }
0x67: {  	s28 =	rddreg [dreg:$0x18]  }
0x68: {  	[spmem:s28] =	stream.linear.scatter [tilespmem:s15], [sflag:$0x2], $0x7D0, $0x38;
	[tilespmem:$0x1CA20] =	vst v63  }
0x69: {  	s29 =	rddreg [dreg:$0x19]  }
0x6a: {  	[spmem:s29] =	stream.linear.scatter [tilespmem:s15], [sflag:$0x2], $0x7D0, $0x38;
	[tilespmem:$0x1CA20] =	vst v63  }
0x6b: {  	_ = 	snop  }
0x6c: {  	[spmem:s0] =	stream.linear.scatter [tilespmem:s15], [sflag:$0x2], $0x7D0, $0x38;
	[tilespmem:$0x1CA20] =	vst v63  }
0x6d: {  	_ = 	snop  }
0x6e: {  	[spmem:s2] =	stream.linear.scatter [tilespmem:s15], [sflag:$0x2], $0x7D0, $0x38;
	[tilespmem:$0x1CA20] =	vst v63  }
0x6f: {  	_ = 	snop  }
0x70: {  	[spmem:s7] =	stream.linear.scatter [tilespmem:s15], [sflag:$0x2], $0x7D0, $0x38;
	[tilespmem:$0x1CA20] =	vst v63  }
0x71: {  	_ = 	snop  }
0x72: {  	[spmem:s8] =	stream.linear.scatter [tilespmem:s15], [sflag:$0x2], $0x7D0, $0x38;
	[tilespmem:$0x1CA20] =	vst v63  }
0x73: {  	_ = 	snop  }
0x74: {  	[spmem:s10] =	stream.linear.scatter [tilespmem:s15], [sflag:$0x2], $0x7D0, $0x38;
	[tilespmem:$0x1CA20] =	vst v63  }
0x75: {  	_ = 	snop  }
0x76: {  	[spmem:s11] =	stream.linear.scatter [tilespmem:s15], [sflag:$0x2], $0x7D0, $0x38;
	[tilespmem:$0x1CA20] =	vst v63  }
0x77: {  	_ = 	snop  }
0x78: {  	[spmem:s12] =	stream.linear.scatter [tilespmem:s15], [sflag:$0x2], $0x7D0, $0x38;
	[tilespmem:$0x1CA20] =	vst v63  }
0x79: {  	_ = 	snop  }
0x7a: {  	[spmem:s13] =	stream.linear.scatter [tilespmem:s15], [sflag:$0x2], $0x7D0, $0x38;
	[tilespmem:$0x1CA20] =	vst v63  }
0x7b: {  	_ =	swait.ge [sflag:s16], $0x2780  }
0x7c: {  	[sflag:s16] =	ssyncset.done $0x0  }
0x7d: {  	[sflag:s16] =	ssyncadd.s32 $0xFFFFD880  }
0x7e: {  	_ =	swait.ge [sflag:s16], $0x2780  }
0x7f: {  	[sflag:s16] =	ssyncset.done $0x0  }
0x80: {  	[sflag:s16] =	ssyncadd.s32 $0xFFFFD880  }
0x81: {  	_ =	swait.ge [sflag:s17], $0x7D0  }
0x82: {  	[sflag:s17] =	ssyncset.done $0x0  }
0x83: {  	[sflag:s17] =	ssyncadd.s32 $0xFFFFF830  }
0x84: {  	_ =	swait.ge [sflag:s17], $0x7D0  }
0x85: {  	[sflag:s17] =	ssyncset.done $0x0  }
0x86: {  	[sflag:s17] =	ssyncadd.s32 $0xFFFFF830  }
0x87: {  	_ =	swait.ge [sflag:s17], $0x7D0  }
0x88: {  	[sflag:s17] =	ssyncset.done $0x0  }
0x89: {  	[sflag:s17] =	ssyncadd.s32 $0xFFFFF830  }
0x8a: {  	_ =	swait.ge [sflag:s17], $0x7D0  }
0x8b: {  	[sflag:s17] =	ssyncset.done $0x0  }
0x8c: {  	[sflag:s17] =	ssyncadd.s32 $0xFFFFF830  }
0x8d: {  	_ =	swait.ge [sflag:s17], $0x7D0  }
0x8e: {  	[sflag:s17] =	ssyncset.done $0x0  }
0x8f: {  	[sflag:s17] =	ssyncadd.s32 $0xFFFFF830  }
0x90: {  	_ =	swait.ge [sflag:s17], $0x7D0  }
0x91: {  	[sflag:s17] =	ssyncset.done $0x0  }
0x92: {  	[sflag:s17] =	ssyncadd.s32 $0xFFFFF830  }
0x93: {  	_ =	swait.ge [sflag:s17], $0x7D0  }
0x94: {  	[sflag:s17] =	ssyncset.done $0x0  }
0x95: {  	[sflag:s17] =	ssyncadd.s32 $0xFFFFF830  }
0x96: {  	_ =	swait.ge [sflag:s17], $0x7D0  }
0x97: {  	[sflag:s17] =	ssyncset.done $0x0  }
0x98: {  	[sflag:s17] =	ssyncadd.s32 $0xFFFFF830  }
0x99: {  	_ =	swait.ge [sflag:s17], $0x7D0  }
0x9a: {  	[sflag:s17] =	ssyncset.done $0x0  }
0x9b: {  	[sflag:s17] =	ssyncadd.s32 $0xFFFFF830  }
0x9c: {  	_ =	swait.ge [sflag:s17], $0x7D0  }
0x9d: {  	[sflag:s17] =	ssyncset.done $0x0  }
0x9e: {  	[sflag:s17] =	ssyncadd.s32 $0xFFFFF830  }
0x9f: {  	_ =	swait.ge [sflag:s17], $0x7D0  }
0xa0: {  	[sflag:s17] =	ssyncset.done $0x0  }
0xa1: {  	[sflag:s17] =	ssyncadd.s32 $0xFFFFF830  }
0xa2: {  	_ =	swait.ge [sflag:s17], $0x7D0  }
0xa3: {  	[sflag:s17] =	ssyncset.done $0x0  }
0xa4: {  	[sflag:s17] =	ssyncadd.s32 $0xFFFFF830  }
0xa5: {  	_ =	swait.ge [sflag:s17], $0x7D0  }
0xa6: {  	[sflag:s17] =	ssyncset.done $0x0  }
0xa7: {  	[sflag:s17] =	ssyncadd.s32 $0xFFFFF830  }
0xa8: {  	_ =	swait.ge [sflag:s17], $0x7D0  }
0xa9: {  	[sflag:s17] =	ssyncset.done $0x0  }
0xaa: {  	[sflag:s17] =	ssyncadd.s32 $0xFFFFF830  }
0xab: {  	_ =	swait.ge [sflag:s17], $0x7D0  }
0xac: {  	[sflag:s17] =	ssyncset.done $0x0  }
0xad: {  	[sflag:s17] =	ssyncadd.s32 $0xFFFFF830  }
0xae: {  	_ =	swait.ge [sflag:s17], $0x7D0  }
0xaf: {  	[sflag:s17] =	ssyncset.done $0x0  }
0xb0: {  	[sflag:s17] =	ssyncadd.s32 $0xFFFFF830  }
0xb1: {  	_ =	swait.ge [sflag:s17], $0x7D0  }
0xb2: {  	[sflag:s17] =	ssyncset.done $0x0  }
0xb3: {  	[sflag:s17] =	ssyncadd.s32 $0xFFFFF830  }
0xb4: {  	_ =	swait.ge [sflag:s17], $0x7D0  }
0xb5: {  	[sflag:s17] =	ssyncset.done $0x0  }
0xb6: {  	[sflag:s17] =	ssyncadd.s32 $0xFFFFF830  }
0xb7: {  	_ =	swait.ge [sflag:s17], $0x7D0  }
0xb8: {  	[sflag:s17] =	ssyncset.done $0x0  }
0xb9: {  	[sflag:s17] =	ssyncadd.s32 $0xFFFFF830  }
0xba: {  	_ =	swait.ge [sflag:s17], $0x7D0  }
0xbb: {  	[sflag:s17] =	ssyncset.done $0x0  }
0xbc: {  	[sflag:s17] =	ssyncadd.s32 $0xFFFFF830  }
0xbd: {  	_ =	swait.ge [sflag:s17], $0x7D0  }
0xbe: {  	[sflag:s17] =	ssyncset.done $0x0  }
0xbf: {  	[sflag:s17] =	ssyncadd.s32 $0xFFFFF830  }
0xc0: {  	_ =	swait.ge [sflag:s17], $0x7D0  }
0xc1: {  	[sflag:s17] =	ssyncset.done $0x0  }
0xc2: {  	[sflag:s17] =	ssyncadd.s32 $0xFFFFF830  }
0xc3: {  	_ =	swait.ge [sflag:s17], $0x7D0  }
0xc4: {  	[sflag:s17] =	ssyncset.done $0x0  }
0xc5: {  	[sflag:s17] =	ssyncadd.s32 $0xFFFFF830  }
0xc6: {  	_ =	swait.ge [sflag:s17], $0x7D0  }
0xc7: {  	[sflag:s17] =	ssyncset.done $0x0  }
0xc8: {  	[sflag:s17] =	ssyncadd.s32 $0xFFFFF830  }
0xc9: {  	_ =	swait.ge [sflag:s17], $0x7D0  }
0xca: {  	[sflag:s17] =	ssyncset.done $0x0  }
.Ltmp3:
0xcb: {  	[sflag:s17] =	ssyncadd.s32 $0xFFFFF830;
	(pc) =	sbr.rel .LBB2_4-.Ltmp3, $4  }
0xcc: {  	s30 =	simm.s32 $0x4F00;
	[bflag:$0x0] =	sbarrier.arrive $0xFFFF  }
0xcd: {  	[tilespmem:s30], [sflag:$0x1] =	stream.indirect.gather [hbm4b:s4+s18], $0x50, s19, s18, $0xb8;
	[tilespmem:$0x1CA20] =	vst v63  }
0xce: {  	p2 =	por $0x0, $0x0;
	s31 =	simm.s32 $0x9F00  }
0xcf: {  	[tilespmem:s31], [sflag:$0x1] =	stream.indirect.gather [hbm4b:s5+s18], $0x10, s20, s18, $0xb8;
	[tilespmem:$0x1CA20] =	vst v63  }
.LBB2_8:
0xd0: {  	p3 =	sne.s32 s20, $0x4F  }
.Ltmp4:
0xd1: {  	_ = 	snop;
	(pc) =	sbr.rel @!p3 .LBB2_9-.Ltmp4, $2  }
0xd2: {  	_ =	sdelay $0x2  }
0xd3: {  	p2 =	por !p2, !p2;
	s19 =	smov.u32 s20  }
.LBB2_4:
0xd4: {  	s20 =	sadd.s32 $0x1, s19  }
0xd5: {  	p3 =	seq.s32 s19, $0x4E;
	s14 =	sadd.s32 s6, s20  }
0xd6: {  	p4 =	sgt.u32 @!p3 s14, $0x9C3  }
0xd7: {  	s21 =	sand.u32 $0x1, s19;
	p3 =	por p4, p3  }
0xd8: {  	s14 =	sxor.u32 @!p3 $0x1, s21  }
0xd9: {  	s22 =	smul.u32 @!p3 $0xA000, s14;
	_ =	sdelay $0x1  }
0xda: {  	s23 =	sshll.u32 @!p3 s20, $0x7;
	s25 =	simm.s32 @!p3 $0x80;
	s22 =	sshrl.u32 @!p3 s22, $0x2  }
0xdb: {  	s24 =	sadd.s32 @!p3 $0x1, s14;
	s14 =	sshll.u32 @!p3 s14, $0xB;
	s22 =	sadd.s32 @!p3 $0x4F00, s22  }
0xdc: {  	[tilespmem:s22], [sflag:s24] =	stream.indirect.gather @!p3 [hbm4b:s4+s25], $0x50, s23, s25, $0xb8;
	[tilespmem:$0x1CA20] =	vst v63  }
0xdd: {  	s14 =	sadd.s32 @!p3 $0x9F00, s14;
	s22 =	sadd.s32 @!p3 $0x2780, s23  }
0xde: {  	[tilespmem:s14], [sflag:s24] =	stream.indirect.gather @!p3 [hbm4b:s5+s25], $0x10, s22, s25, $0xb8;
	[tilespmem:$0x1CA20] =	vst v63  }
0xdf: {  	s14 =	sadd.s32 s6, s19;
	p3 =	slt.u32 s19, $0x2  }
0xe0: {  	p4 =	sgt.u32 @!p3 s14, $0x9C5  }
0xe1: {  	p3 =	por p4, p3;
	p4 =	sgt.u32 s14, $0x9C3  }
.Ltmp5:
0xe2: {  	_ = 	snop;
	(pc) =	sbr.rel @p4 .LBB2_8-.Ltmp5, $4  }
0xe3: {  	s22 =	sadd.s32 @!p3 $0x3, s21  }
0xe4: {  	_ =	swait.ge @!p3 [sflag:s22], $0x2800  }
0xe5: {  	[sflag:s22] =	ssyncset.done @!p3 $0x0  }
0xe6: {  	[sflag:s22] =	ssyncadd.s32 @!p3 $0xFFFFD800  }
0xe7: {  	s14 =	sadd.s32 $0x1, s21  }
0xe8: {  	s22 =	simm.s32 $0x1;
	_ =	swait.ge [sflag:s14], $0x2800  }
0xe9: {  	s22 =	simm.s32 @!p2 $0x0;
	[sflag:s14] =	ssyncset.done $0x0  }
0xea: {  	s23 =	smul.u32 $0xA000, s22;
	[sflag:s14] =	ssyncadd.s32 $0xFFFFD800  }
0xeb: {  	_ =	swait.ge [sflag:s14], $0x800  }
0xec: {  	s23 =	sshrl.u32 s23, $0x2;
	[sflag:s14] =	ssyncset.done $0x0  }
0xed: {  	s22 =	sshll.u32 s22, $0xB;
	s29 =	sadd.s32 $0x4FA0, s23;
	[sflag:s14] =	ssyncadd.s32 $0xFFFFF800  }
0xee: {  	s26 =	sadd.s32 $0x9F20, s22;
	v2 =	vld [tilespmem:s29+$0x90]  }
0xef: {  	v3 =	vld [tilespmem:s26+$0x10];
	_ =	sdelay $0x2  }
0xf0: {  	v4 =	vld [tilespmem:s26+$0xFFFFFFE0]  }
0xf1: {  	v5 =	vld [tilespmem:s29+$0xFFFFFFF0]  }
0xf2: {  	v6 =	vld [tilespmem:s29+$0x40];
	v2 =	vadd.f32 v3, v2  }
0xf3: {  	v3 =	vld [tilespmem:s26+$0xFFFFFFF0]  }
0xf4: {  	v8 =	vld [tilespmem:s26+$0x0];
	v7 =	vmul.f32 $2.000000030e-01, v2  }
0xf5: {  	v9 =	vld [tilespmem:s29+$0xFFFFFFA0]  }
0xf6: {  	v2 =	vmax.f32 v2, v7  }
0xf7: {  	v2 =	vmul.f32 $1.442695020e+00, v2  }
0xf8: {  	v3 =	vadd.f32 v3, v5  }
0xf9: {  	(erf) = vpow2.f32 v2;
	v2 =	vadd.f32 v8, v6  }
0xfa: {  	v4 =	vadd.f32 v4, v9;
	v5 =	vmul.f32 $2.000000030e-01, v3  }
0xfb: {  	v6 =	vmul.f32 $2.000000030e-01, v2  }
0xfc: {  	v3 =	vmax.f32 v3, v5;
	v5 =	vmul.f32 $2.000000030e-01, v4  }
0xfd: {  	v3 =	vmul.f32 $1.442695020e+00, v3;
	v2 =	vmax.f32 v2, v6  }
0xfe: {  	v4 =	vmax.f32 v4, v5;
	v2 =	vmul.f32 $1.442695020e+00, v2  }
0xff: {  	s22 =	sadd.s32 $0x140, s29;
	v4 =	vmul.f32 $1.442695020e+00, v4;
	(erf) = vpow2.f32 v3  }
0x100: {  	s14 =	sadd.s32 $0x40, s26;
	(erf) = vpow2.f32 v2;
	v2 =	vld [tilespmem:s22+$0x90]  }
0x101: {  	(erf) = vpow2.f32 v4;
	v4 =	vld [tilespmem:s14+$0x10]  }
0x102: {  	s23 =	sadd.s32 $0xAFA0, s23;
	v3 =	vpop (erf)  }
0x103: {  	[tilespmem:s23+$0x50] =	vst v3  }
0x104: {  	v5 =	vld [tilespmem:s29+$0x50];
	_ =	sdelay $0x1  }
0x105: {  	v13 =	vld [tilespmem:s14+$0x0];
	v2 =	vadd.f32 v4, v2  }
0x106: {  	v14 =	vld [tilespmem:s22+$0xFFFFFFA0];
	v6 =	vperm.xlane v3, v1  }
0x107: {  	v8 =	vld [tilespmem:s22+$0xFFFFFFF0];
	v10 =	vmul.f32 $2.000000030e-01, v2  }
0x108: {  	v3 =	vld [tilespmem:s14+$0xFFFFFFF0];
	v5 =	vmul.f32 v5, v6  }
0x109: {  	v9 =	vld [tilespmem:s22+$0x40];
	v2 =	vmax.f32 v2, v10  }
0x10a: {  	v7 =	vld [tilespmem:s14+$0xFFFFFFE0];
	v4 =	vpop (erf);
	[tilespmem:s23+$0x60] =	vst v5;
	v2 =	vmul.f32 $1.442695020e+00, v2  }
0x10b: {  	v12 =	vpop (erf);
	v5 =	vld [tilespmem:s29+$0x60]  }
0x10c: {  	[tilespmem:s23+$0xFFFFFFB0] =	vst v4;
	v11 =	vpop (erf);
	(erf) = vpow2.f32 v2  }
0x10d: {  	v16 =	vld [tilespmem:s29+$0xFFFFFFB0];
	v2 =	vadd.f32 v3, v8  }
0x10e: {  	v3 =	vadd.f32 v13, v9  }
0x10f: {  	v7 =	vadd.f32 v7, v14;
	v10 =	vperm.xlane v4, v1;
	[tilespmem:s23+$0x0] =	vst v12;
	v4 =	vmul.f32 $2.000000030e-01, v2  }
0x110: {  	[tilespmem:s23+$0xFFFFFF60] =	vst v11;
	v8 =	vld [tilespmem:s29+$0x0];
	v9 =	vmul.f32 $2.000000030e-01, v3;
	v5 =	vmul.f32 v5, v6  }
0x111: {  	s25 =	sadd.s32 $0x140, s22;
	v11 =	vperm.xlane v11, v1;
	v15 =	vld [tilespmem:s29+$0xFFFFFF60];
	v2 =	vmax.f32 v2, v4;
	v4 =	vmul.f32 $2.000000030e-01, v7  }
0x112: {  	v17 =	vld [tilespmem:s25+$0x40];
	v14 =	vmul.f32 v16, v10;
	v3 =	vmax.f32 v3, v9;
	[tilespmem:s23+$0x70] =	vst v5;
	v5 =	vmul.f32 $1.442695020e+00, v2  }
0x113: {  	v20 =	vld [tilespmem:s25+$0xFFFFFFA0];
	s14 =	sadd.s32 $0x40, s14;
	v3 =	vmul.f32 $1.442695020e+00, v3;
	v2 =	vperm.xlane v12, v1;
	v4 =	vmax.f32 v7, v4  }
0x114: {  	[tilespmem:s23+$0xFFFFFFC0] =	vst v14;
	v14 =	vld [tilespmem:s14+$0xFFFFFFE0];
	v4 =	vmul.f32 $1.442695020e+00, v4;
	(erf) = vpow2.f32 v5  }
0x115: {  	s24 =	sadd.s32 $0x140, s23;
	(erf) = vpow2.f32 v3;
	v3 =	vmul.f32 v8, v2;
	v8 =	vld [tilespmem:s25+$0x90];
	v12 =	vpop (erf)  }
0x116: {  	v13 =	vmul.f32 v15, v11;
	(erf) = vpow2.f32 v4;
	v4 =	vld [tilespmem:s14+$0x10];
	[tilespmem:s24+$0x50] =	vst v12  }
0x117: {  	[tilespmem:s23+$0x10] =	vst v3;
	v3 =	vld [tilespmem:s22+$0x50]  }
0x118: {  	[tilespmem:s23+$0xFFFFFF70] =	vst v13;
	v9 =	vld [tilespmem:s29+$0x70]  }
0x119: {  	s26 =	sadd.s32 $0x140, s25;
	v7 =	vld [tilespmem:s29+$0xFFFFFF70]  }
0x11a: {  	v26 =	vld [tilespmem:s26+$0x40];
	v12 =	vperm.xlane v12, v1  }
0x11b: {  	v18 =	vld [tilespmem:s14+$0x0]  }
0x11c: {  	v16 =	vld [tilespmem:s14+$0xFFFFFFF0];
	v4 =	vadd.f32 v4, v8;
	v3 =	vmul.f32 v3, v12  }
0x11d: {  	v15 =	vld [tilespmem:s25+$0xFFFFFFF0];
	v14 =	vadd.f32 v14, v20;
	v9 =	vmul.f32 v9, v6  }
0x11e: {  	v5 =	vld [tilespmem:s29+$0xFFFFFFC0];
	v7 =	vmul.f32 v7, v11;
	[tilespmem:s24+$0x60] =	vst v3;
	v3 =	vmul.f32 $2.000000030e-01, v4  }
0x11f: {  	v52 =	vmul.f32 $2.000000030e-01, v14;
	s14 =	sadd.s32 $0x40, s14;
	v13 =	vld [tilespmem:s29+$0x10];
	[tilespmem:s23+$0x80] =	vst v9;
	v8 =	vpop (erf)  }
0x120: {  	v55 =	vld [tilespmem:s14+$0xFFFFFFE0];
	[tilespmem:s23+$0xFFFFFF80] =	vst v7;
	v19 =	vpop (erf);
	v3 =	vmax.f32 v4, v3  }
0x121: {  	v14 =	vmax.f32 v14, v52;
	v7 =	vld [tilespmem:s29+$0x80];
	[tilespmem:s24+$0xFFFFFFB0] =	vst v8;
	v21 =	vpop (erf);
	v24 =	vmul.f32 $1.442695020e+00, v3  }
0x122: {  	v14 =	vmul.f32 $1.442695020e+00, v14;
	v9 =	vadd.f32 v18, v17;
	v22 =	vld [tilespmem:s22+$0x60];
	[tilespmem:s24+$0xFFFFFF60] =	vst v21  }
0x123: {  	[tilespmem:s24+$0x0] =	vst v19;
	v23 =	vld [tilespmem:s22+$0xFFFFFF60];
	v3 =	vperm.xlane v8, v1;
	v8 =	vadd.f32 v16, v15;
	(erf) = vpow2.f32 v24  }
0x124: {  	v20 =	vmul.f32 $2.000000030e-01, v9;
	v13 =	vmul.f32 v13, v2;
	v16 =	vld [tilespmem:s22+$0x0]  }
0x125: {  	v4 =	vmul.f32 v5, v10;
	v15 =	vld [tilespmem:s22+$0xFFFFFFB0];
	v17 =	vmul.f32 $2.000000030e-01, v8  }
0x126: {  	v57 =	vld [tilespmem:s14+$0xFFFFFFF0];
	v5 =	vperm.xlane v21, v1;
	v6 =	vmul.f32 v7, v6  }
0x127: {  	v7 =	vld [tilespmem:s26+$0xFFFFFFF0];
	[tilespmem:s23+$0xFFFFFFD0] =	vst v4;
	v4 =	vperm.xlane v19, v1;
	v18 =	vmul.f32 v22, v12;
	v8 =	vmax.f32 v8, v17  }
0x128: {  	v9 =	vmax.f32 v9, v20;
	[tilespmem:s23+$0x20] =	vst v13;
	v19 =	vld [tilespmem:s29+$0xFFFFFF80];
	v53 =	vmul.f32 v23, v5;
	v8 =	vmul.f32 $1.442695020e+00, v8  }
0x129: {  	v9 =	vmul.f32 $1.442695020e+00, v9;
	v17 =	vld [tilespmem:s29+$0xFFFFFFD0];
	[tilespmem:s24+$0x70] =	vst v18;
	v16 =	vmul.f32 v16, v4  }
0x12a: {  	v13 =	vmul.f32 v15, v3;
	v15 =	vld [tilespmem:s22+$0x70];
	[tilespmem:s24+$0xFFFFFF70] =	vst v53;
	(erf) = vpow2.f32 v8  }
0x12b: {  	[tilespmem:s24+$0x10] =	vst v16;
	v16 =	vld [tilespmem:s14+$0x10];
	(erf) = vpow2.f32 v9  }
0x12c: {  	s28 =	sadd.s32 $0x140, s24;
	v20 =	vld [tilespmem:s22+$0xFFFFFF70];
	(erf) = vpow2.f32 v14;
	v8 =	vpop (erf)  }
0x12d: {  	v14 =	vld [tilespmem:s26+$0x90];
	[tilespmem:s28+$0x50] =	vst v8  }
0x12e: {  	v54 =	vld [tilespmem:s25+$0x50]  }
0x12f: {  	v18 =	vld [tilespmem:s29+$0x20];
	[tilespmem:s24+$0xFFFFFFC0] =	vst v13  }
0x130: {  	v9 =	vld [tilespmem:s22+$0xFFFFFFC0];
	v15 =	vmul.f32 v15, v12  }
0x131: {  	[tilespmem:s23+$0x90] =	vst v6;
	v19 =	vmul.f32 v19, v11;
	v13 =	vld [tilespmem:s22+$0x10];
	v8 =	vperm.xlane v8, v1  }
0x132: {  	v58 =	vld [tilespmem:s14+$0x0];
	[tilespmem:s24+$0x80] =	vst v15;
	v20 =	vmul.f32 v20, v5  }
0x133: {  	[tilespmem:s23+$0xFFFFFF90] =	vst v19;
	v15 =	vld [tilespmem:s22+$0x80];
	v14 =	vadd.f32 v16, v14;
	v56 =	vpop (erf);
	v6 =	vmul.f32 v54, v8  }
0x134: {  	v16 =	vmul.f32 v17, v10;
	v17 =	vld [tilespmem:s26+$0xFFFFFFA0];
	[tilespmem:s24+$0xFFFFFF80] =	vst v20;
	v25 =	vpop (erf)  }
0x135: {  	v18 =	vmul.f32 v18, v2;
	v27 =	vmul.f32 $2.000000030e-01, v14;
	v60 =	vld [tilespmem:s22+$0xFFFFFF80];
	v19 =	vpop (erf);
	[tilespmem:s28+$0x60] =	vst v6  }
0x136: {  	v24 =	vadd.f32 v57, v7;
	v29 =	vmul.f32 v9, v3;
	v13 =	vmul.f32 v13, v4;
	[tilespmem:s28+$0xFFFFFF60] =	vst v19;
	v30 =	vld [tilespmem:s25+$0x60]  }
0x137: {  	[tilespmem:s28+$0xFFFFFFB0] =	vst v56;
	v7 =	vperm.xlane v25, v1;
	v14 =	vmax.f32 v14, v27;
	v9 =	vperm.xlane v19, v1;
	v28 =	vld [tilespmem:s25+$0xFFFFFF60]  }
0x138: {  	[tilespmem:s24+$0xFFFFFFD0] =	vst v29;
	v59 =	vld [tilespmem:s25+$0xFFFFFFB0];
	v19 =	vadd.f32 v58, v26;
	v14 =	vmul.f32 $1.442695020e+00, v14;
	v12 =	vmul.f32 v15, v12  }
0x139: {  	v61 =	vld [tilespmem:s22+$0xFFFFFFD0];
	[tilespmem:s28+$0x0] =	vst v25;
	v15 =	vmul.f32 $2.000000030e-01, v24;
	v17 =	vadd.f32 v55, v17;
	v6 =	vperm.xlane v56, v1  }
0x13a: {  	[tilespmem:s24+$0x20] =	vst v13;
	v20 =	vld [tilespmem:s25+$0x0];
	v13 =	vmul.f32 $2.000000030e-01, v19;
	(erf) = vpow2.f32 v14  }
0x13b: {  	[tilespmem:s23+$0xFFFFFFE0] =	vst v16;
	v62 =	vld [tilespmem:s22+$0x20];
	v14 =	vmax.f32 v24, v15;
	v15 =	vmul.f32 $2.000000030e-01, v17;
	v16 =	vmul.f32 v30, v8  }
0x13c: {  	v63 =	vld [tilespmem:s29+$0xFFFFFFE0];
	[tilespmem:s24+$0x90] =	vst v12;
	v12 =	vmul.f32 $1.442695020e+00, v14;
	v13 =	vmax.f32 v19, v13;
	v14 =	vmul.f32 v28, v9  }
0x13d: {  	v19 =	vld [tilespmem:s29+$0xFFFFFF90];
	v15 =	vmax.f32 v17, v15;
	v23 =	vmul.f32 v59, v6;
	v13 =	vmul.f32 $1.442695020e+00, v13;
	[tilespmem:s28+$0x70] =	vst v16  }
0x13e: {  	v15 =	vmul.f32 $1.442695020e+00, v15;
	(erf) = vpow2.f32 v12;
	[tilespmem:s28+$0xFFFFFF70] =	vst v14;
	v17 =	vld [tilespmem:s25+$0x70]  }
0x13f: {  	v12 =	vmul.f32 v20, v7;
	[tilespmem:s28+$0xFFFFFFC0] =	vst v23;
	(erf) = vpow2.f32 v13;
	v14 =	vld [tilespmem:s25+$0xFFFFFF70]  }
0x140: {  	[tilespmem:s23+$0x30] =	vst v18;
	v20 =	vmul.f32 v60, v5;
	(erf) = vpow2.f32 v15;
	v15 =	vld [tilespmem:s25+$0xFFFFFFC0]  }
0x141: {  	v18 =	vmul.f32 v61, v3;
	v10 =	vmul.f32 v63, v10;
	[tilespmem:s28+$0x10] =	vst v12;
	v13 =	vld [tilespmem:s29+$0x30]  }
0x142: {  	s30 =	simm.s32 $0xC;
	s31 =	sadd.s32 $0x140, s26;
	v12 =	vmul.f32 v62, v4;
	[tilespmem:s24+$0xFFFFFF90] =	vst v20;
	s29 =	smov.u32 s28;
	v16 =	vld [tilespmem:s25+$0x10];
	v11 =	vmul.f32 v19, v11  }
.LBB2_6:
0x143: {  	v19 =	vld [tilespmem:s31+$0x90];
	s14 =	sadd.s32 $0x40, s14;
	v20 =	vpop (erf);
	v17 =	vmul.f32 v17, v8;
	s28 =	sadd.s32 $0x140, s28;
	[tilespmem:s24+$0xFFFFFFE0] =	vst v18;
	v21 =	vmov v5;
	v5 =	vmov v9  }
0x144: {  	v18 =	vld [tilespmem:s14+$0x10];
	[tilespmem:s28+$0x50] =	vst v20;
	v9 =	vmul.f32 v14, v5  }
0x145: {  	v14 =	vld [tilespmem:s26+$0x50];
	v15 =	vmul.f32 v15, v6;
	[tilespmem:s29+$0x80] =	vst v17  }
0x146: {  	[tilespmem:s29+$0xFFFFFF80] =	vst v9;
	v17 =	vld [tilespmem:s25+$0x80];
	v13 =	vmul.f32 v13, v2;
	v2 =	vmov v4;
	v4 =	vmov v7  }
0x147: {  	s30 =	sadd.s32 $0x4, s30;
	v22 =	vld [tilespmem:s14+$0xFFFFFFE0];
	v7 =	vpop (erf);
	[tilespmem:s29+$0xFFFFFFD0] =	vst v15;
	v15 =	vmul.f32 v16, v4  }
0x148: {  	p3 =	slt.u32 s30, $0x7C;
	v20 =	vperm.xlane v20, v1;
	v16 =	vld [tilespmem:s31+$0xFFFFFFF0];
	[tilespmem:s28+$0xFFFFFFB0] =	vst v7;
	v23 =	vperm.xlane v7, v1;
	v7 =	vpop (erf)  }
0x149: {  	v24 =	vld [tilespmem:s14+$0xFFFFFFF0];
	[tilespmem:s28+$0x0] =	vst v7;
	v7 =	vperm.xlane v7, v1;
	v9 =	vpop (erf)  }
0x14a: {  	v25 =	vld [tilespmem:s31+$0x40];
	[tilespmem:s28+$0xFFFFFF60] =	vst v9;
	v9 =	vperm.xlane v9, v1;
	v14 =	vmul.f32 v14, v20  }
0x14b: {  	v18 =	vadd.f32 v18, v19;
	v26 =	vld [tilespmem:s14+$0x0];
	[tilespmem:s29+$0x20] =	vst v15;
	v15 =	vmul.f32 v17, v8;
	v8 =	vmov v20  }
0x14c: {  	v17 =	vld [tilespmem:s31+$0xFFFFFFA0];
	[tilespmem:s28+$0x60] =	vst v14  }
0x14d: {  	v14 =	vmul.f32 $2.000000030e-01, v18;
	v19 =	vld [tilespmem:s26+$0xFFFFFF60];
	[tilespmem:s29+$0x90] =	vst v15  }
0x14e: {  	v15 =	vadd.f32 v24, v16;
	v16 =	vld [tilespmem:s26+$0x60];
	[tilespmem:s24+$0x30] =	vst v12  }
0x14f: {  	v12 =	vmax.f32 v18, v14;
	v14 =	vld [tilespmem:s26+$0xFFFFFFB0];
	[tilespmem:s23+$0xFFFFFFA0] =	vst v11  }
0x150: {  	v12 =	vmul.f32 $1.442695020e+00, v12;
	v11 =	vmul.f32 $2.000000030e-01, v15;
	v18 =	vadd.f32 v26, v25;
	v20 =	vld [tilespmem:s26+$0x0];
	[tilespmem:s23+$0xFFFFFFF0] =	vst v10  }
0x151: {  	v10 =	vadd.f32 v22, v17;
	v22 =	vld [tilespmem:s25+$0xFFFFFF80];
	[tilespmem:s23+$0x40] =	vst v13;
	s23 =	smov.u32 s24;
	s24 =	smov.u32 s29;
	s29 =	smov.u32 s28  }
0x152: {  	v11 =	vmax.f32 v15, v11;
	v13 =	vmul.f32 $2.000000030e-01, v18;
	(erf) = vpow2.f32 v12;
	v12 =	vld [tilespmem:s25+$0xFFFFFFD0]  }
0x153: {  	v15 =	vmul.f32 $2.000000030e-01, v10;
	v16 =	vmul.f32 v16, v8;
	v24 =	vld [tilespmem:s25+$0x20]  }
0x154: {  	v17 =	vmul.f32 v19, v9;
	v11 =	vmul.f32 $1.442695020e+00, v11;
	v13 =	vmax.f32 v18, v13;
	v19 =	vld [tilespmem:s22+$0xFFFFFF90]  }
0x155: {  	v10 =	vmax.f32 v10, v15;
	v13 =	vmul.f32 $1.442695020e+00, v13;
	v15 =	vmul.f32 v14, v23;
	[tilespmem:s28+$0x70] =	vst v16;
	v25 =	vld [tilespmem:s22+$0xFFFFFFE0]  }
.Ltmp6:
0x156: {  	v10 =	vmul.f32 $1.442695020e+00, v10;
	(erf) = vpow2.f32 v11;
	[tilespmem:s28+$0xFFFFFF70] =	vst v17;
	v17 =	vld [tilespmem:s26+$0x70];
	(pc) =	sbr.rel @p3 .LBB2_6-.Ltmp6, $4  }
0x157: {  	v11 =	vmul.f32 v20, v7;
	(erf) = vpow2.f32 v13;
	v14 =	vld [tilespmem:s26+$0xFFFFFF70];
	[tilespmem:s28+$0xFFFFFFC0] =	vst v15  }
0x158: {  	(erf) = vpow2.f32 v10;
	v15 =	vld [tilespmem:s26+$0xFFFFFFC0];
	v10 =	vmul.f32 v22, v5  }
0x159: {  	v18 =	vmul.f32 v12, v6;
	v12 =	vmul.f32 v24, v4;
	[tilespmem:s28+$0x10] =	vst v11;
	v13 =	vld [tilespmem:s22+$0x30];
	s22 =	smov.u32 s25;
	s25 =	smov.u32 s26;
	s26 =	smov.u32 s31  }
0x15a: {  	s31 =	sadd.s32 $0x140, s31;
	v11 =	vmul.f32 v19, v21;
	v16 =	vld [tilespmem:s25+$0x10];
	[tilespmem:s24+$0xFFFFFF90] =	vst v10;
	v10 =	vmul.f32 v25, v3;
	v3 =	vmovc v6;
	v6 =	vmov v23  }
0x15b: {  	_ = 	snop  }
0x15c: {  	[tilespmem:s24+$0xFFFFFFE0] =	vst v18  }
0x15d: {  	v19 =	vpop (erf);
	s14 =	sadd.s32 $0x140, s28;
	[tilespmem:s24+$0x30] =	vst v12  }
0x15e: {  	[tilespmem:s14+$0x50] =	vst v19  }
0x15f: {  	[tilespmem:s23+$0xFFFFFFA0] =	vst v11;
	v21 =	vpop (erf)  }
0x160: {  	v20 =	vld [tilespmem:s26+$0x50];
	v35 =	vpop (erf);
	[tilespmem:s14+$0xFFFFFFB0] =	vst v21  }
0x161: {  	v17 =	vmul.f32 v17, v8;
	v36 =	vpop (erf);
	[tilespmem:s14+$0x0] =	vst v35;
	v24 =	vld [tilespmem:s26+$0xFFFFFFB0]  }
0x162: {  	[tilespmem:s14+$0xFFFFFF60] =	vst v36;
	v37 =	vld [tilespmem:s26+$0x0]  }
0x163: {  	v19 =	vperm.xlane v19, v1;
	v14 =	vmul.f32 v14, v9;
	[tilespmem:s29+$0x80] =	vst v17;
	v23 =	vld [tilespmem:s26+$0xFFFFFF60]  }
0x164: {  	[tilespmem:s23+$0xFFFFFFF0] =	vst v10;
	v15 =	vmul.f32 v15, v6;
	v22 =	vld [tilespmem:s25+$0x80];
	v41 =	vperm.xlane v21, v1  }
0x165: {  	[tilespmem:s29+$0xFFFFFF80] =	vst v14;
	v18 =	vperm.xlane v35, v1;
	v20 =	vmul.f32 v20, v19  }
0x166: {  	v49 =	vld [tilespmem:s22+$0xFFFFFF90];
	[tilespmem:s29+$0xFFFFFFD0] =	vst v15;
	v39 =	vperm.xlane v36, v1;
	v43 =	vmul.f32 v24, v41  }
0x167: {  	v56 =	vld [tilespmem:s22+$0xFFFFFFE0];
	[tilespmem:s14+$0x60] =	vst v20;
	v14 =	vmul.f32 v37, v18  }
0x168: {  	v20 =	vld [tilespmem:s26+$0x60];
	v42 =	vmul.f32 v23, v39;
	[tilespmem:s14+$0xFFFFFFC0] =	vst v43  }
0x169: {  	v2 =	vmul.f32 v13, v2;
	v40 =	vmul.f32 v22, v8;
	v8 =	vld [tilespmem:s26+$0xFFFFFFC0];
	[tilespmem:s14+$0x10] =	vst v14  }
0x16a: {  	v38 =	vmul.f32 v16, v7;
	[tilespmem:s14+$0xFFFFFF70] =	vst v42;
	v44 =	vld [tilespmem:s26+$0x10]  }
0x16b: {  	[tilespmem:s23+$0x40] =	vst v2;
	v5 =	vmul.f32 v49, v5;
	v15 =	vld [tilespmem:s26+$0xFFFFFF70]  }
0x16c: {  	v57 =	vld [tilespmem:s22+$0x30];
	[tilespmem:s29+$0x20] =	vst v38;
	v3 =	vmul.f32 v56, v3  }
0x16d: {  	v47 =	vld [tilespmem:s25+$0xFFFFFFD0];
	[tilespmem:s24+$0xFFFFFFA0] =	vst v5;
	v20 =	vmul.f32 v20, v19  }
0x16e: {  	v46 =	vld [tilespmem:s25+$0xFFFFFF80];
	[tilespmem:s24+$0xFFFFFFF0] =	vst v3;
	v8 =	vmul.f32 v8, v41  }
0x16f: {  	v2 =	vld [tilespmem:s25+$0x20];
	[tilespmem:s14+$0x70] =	vst v20;
	v50 =	vmul.f32 v44, v18  }
0x170: {  	v20 =	vld [tilespmem:s26+$0x70];
	v48 =	vmul.f32 v15, v39;
	[tilespmem:s14+$0xFFFFFFD0] =	vst v8  }
0x171: {  	v4 =	vmul.f32 v57, v4;
	[tilespmem:s14+$0x20] =	vst v50;
	v53 =	vld [tilespmem:s26+$0xFFFFFFD0]  }
0x172: {  	v52 =	vmul.f32 v47, v6;
	[tilespmem:s14+$0xFFFFFF80] =	vst v48;
	v55 =	vld [tilespmem:s26+$0x20]  }
0x173: {  	[tilespmem:s24+$0x40] =	vst v4;
	v11 =	vmul.f32 v46, v9;
	v51 =	vld [tilespmem:s26+$0xFFFFFF80]  }
0x174: {  	v2 =	vmul.f32 v2, v7;
	[tilespmem:s29+$0xFFFFFFE0] =	vst v52  }
0x175: {  	[tilespmem:s29+$0xFFFFFF90] =	vst v11;
	v58 =	vld [tilespmem:s25+$0xFFFFFFE0];
	v45 =	vmul.f32 v20, v19  }
0x176: {  	[tilespmem:s29+$0x30] =	vst v2;
	v2 =	vld [tilespmem:s25+$0xFFFFFF90];
	v10 =	vmul.f32 v53, v41  }
0x177: {  	v60 =	vld [tilespmem:s25+$0x30];
	[tilespmem:s14+$0x80] =	vst v45;
	v59 =	vmul.f32 v55, v18  }
0x178: {  	v14 =	vld [tilespmem:s26+$0x80];
	v8 =	vmul.f32 v51, v39;
	[tilespmem:s14+$0xFFFFFFE0] =	vst v10  }
0x179: {  	[tilespmem:s14+$0x30] =	vst v59;
	v10 =	vld [tilespmem:s26+$0xFFFFFFE0]  }
0x17a: {  	v61 =	vmul.f32 v58, v6;
	[tilespmem:s14+$0xFFFFFF90] =	vst v8;
	v3 =	vld [tilespmem:s26+$0x30]  }
0x17b: {  	[tilespmem:s29+$0x90] =	vst v40;
	v2 =	vmul.f32 v2, v9;
	v8 =	vld [tilespmem:s26+$0xFFFFFF90]  }
0x17c: {  	v62 =	vmul.f32 v60, v7;
	[tilespmem:s29+$0xFFFFFFF0] =	vst v61  }
0x17d: {  	[tilespmem:s29+$0xFFFFFFA0] =	vst v2;
	v54 =	vmul.f32 v14, v19  }
0x17e: {  	[tilespmem:s29+$0x40] =	vst v62;
	s29 =	smul.u32 $0xA000, s21;
	v63 =	vmul.f32 v10, v41  }
.Ltmp7:
0x17f: {  	[tilespmem:s14+$0x90] =	vst v54;
	v3 =	vmul.f32 v3, v18;
	(pc) =	sbr.rel .LBB2_8-.Ltmp7, $4  }
0x180: {  	s19 =	sshll.u32 s19, $0x7;
	v2 =	vmul.f32 v8, v39;
	[tilespmem:s14+$0xFFFFFFF0] =	vst v63  }
0x181: {  	s19 =	sand.u32 $0x3FFFFF80, s19;
	s22 =	sshrl.u32 s29, $0x2;
	[tilespmem:s14+$0x40] =	vst v3  }
0x182: {  	s31 =	sadd.s32 $0x3, s21;
	s19 =	sadd.s32 $0x2780, s19;
	s30 =	sadd.s32 $0xAF00, s22;
	[tilespmem:s14+$0xFFFFFFA0] =	vst v2  }
0x183: {  	[spmem:s1] =	stream.indirect.scatter.add.f32 [tilespmem:s30], [sflag:s31], $0x50, s19, s18, $0xb8;
	[tilespmem:$0x1CA20] =	vst v63  }
.LBB2_10:
0x184: {  	_ =	sfence.sel $0x180000  }
0x185: {  	[bflag:$0x0] =	sbarrier.arrive $0xFFFF  }
0x186: {  	_ =	strace $0x90000047  }
0x187: {  	s0 =	stileid.u32;
	[bflag:$0x2] =	sbarrier.arrive $0xFFFF  }
0x188: {  	p0 =	sne.s32 s0, $0x0;
	s0 =	rddreg [dreg:$0x2]  }
0x189: {  	s0 =	sadd.s32 @!p0 $0x100000, s0  }
0x18a: {  	[sflag:s0] =	ssyncadd.tile.s32 @!p0 $0x1;
	_ =	shalt  }
.Lfunc_end2:
_tile_overlayer_lowered:
.L_overlay_start_2:
0x18b: {  	(tag) =	ssettag $0x2  }
0x18c: {  	s0 =	rddreg [dreg:$0x0];
	s2 =	stileid.u32  }
0x18d: {  	s1 =	rddreg [dreg:$0x1];
	p0 =	sne.s32 s2, $0x0  }
0x18e: {  	s3 =	rddreg [dreg:$0x2];
	[bflag:$0x3] =	sbarrier.arrive $0xFFFF;
	s2 =	simm.s32 @!p0 $0x1C05  }
0x18f: {  	[timem:s3], [sflag:s2] =	dma.local @!p0 [hbm:s0], s1  }
0x190: {  	s0 =	simm.s32 @!p0 $0x5  }
0x191: {  	_ =	swait.ge @!p0 [sflag:s0], s1  }
0x192: {  	s1 =	ssub.s32 @!p0 $0x0, s1;
	[sflag:s0] =	ssyncset.done @!p0 $0x0  }
0x193: {  	[sflag:s0] =	ssyncadd.s32 @!p0 s1  }
0x194: {  	[bflag:$0x3] =	sbarrier.arrive $0xFFFF  }
0x195: {  	_ =	shalt  }

</sc_bundles>
